<compile_context>
chip_gen: v7x
topology: tpu7x:2x2x1
jax: 0.10.2.dev20260603
libtpu: 0.0.44.dev20260713+nightly
codegen_flags: <defaults>
</compile_context>

<pallas_src>
import jax
import jax.numpy as jnp
from jax import lax
from jax.experimental import pallas as pl
from jax.experimental.pallas import tpu as pltpu
from jax.experimental.pallas import tpu_sc as plsc

L = 200
N = 1024
D = 64
R = L * N
NUM_CORES = 2
NUM_SUBCORES = 16
NW = NUM_CORES * NUM_SUBCORES
ROWS_PER_W = R // NW
CHUNK = 128
CHUNKS = ROWS_PER_W // CHUNK
PAIRS = CHUNKS // 2
LANES = 16
KG = D // LANES


def _sc_body(xt_hbm, st_hbm, tok_hbm, seg_hbm, pos_hbm, out_hbm,
             idx_all, segt_b, d_b, tok0, tok1, ob0, ob1, pos0, pos1,
             c00, c01, seg0, seg1, semg0, semg1, semo0, semo1):
    toks = (tok0, tok1)
    outs = (ob0, ob1)
    poss = (pos0, pos1)
    c0s = (c00, c01)
    segs = (seg0, seg1)
    semgs = (semg0, semg1)
    semos = (semo0, semo1)

    wid = lax.axis_index("s") * NUM_CORES + lax.axis_index("c")
    wbase = wid * ROWS_PER_W
    pltpu.sync_copy(xt_hbm.at[pl.ds(wbase, ROWS_PER_W)], idx_all)
    pltpu.sync_copy(seg_hbm, segt_b)
    for k in range(KG):
        ksl = pl.ds(k * LANES, LANES)
        d_b[0, ksl] = segt_b[1, ksl] - segt_b[0, ksl]

    def issue(g, s):
        base = wbase + g * CHUNK
        pos_row = base // N
        pltpu.async_copy(tok_hbm.at[idx_all.at[pl.ds(g * CHUNK, CHUNK)]],
                         toks[s], semgs[s])
        pltpu.async_copy(pos_hbm.at[pl.ds(pos_row, 1)], poss[s], semgs[s])
        pltpu.async_copy(st_hbm.at[pl.ds(base, CHUNK)], segs[s], semgs[s])

    def wait_gather(s):
        pltpu.make_async_copy(tok_hbm.at[idx_all.at[pl.ds(0, CHUNK)]],
                              toks[s], semgs[s]).wait()
        pltpu.make_async_copy(pos_hbm.at[pl.ds(0, 1)], poss[s],
                              semgs[s]).wait()
        pltpu.make_async_copy(st_hbm.at[pl.ds(0, CHUNK)], segs[s],
                              semgs[s]).wait()

    def wait_out(s):
        pltpu.make_async_copy(outs[s], out_hbm.at[pl.ds(0, CHUNK)],
                              semos[s]).wait()

    def compute(s):
        tok = toks[s]
        ob = outs[s]
        c0 = c0s[s]
        for k in range(KG):
            ksl = pl.ds(k * LANES, LANES)
            c0[0, ksl] = poss[s][0, ksl] + segt_b[0, ksl]

        def grp_body(gi, carry):
            rbase = gi * LANES
            svf = segs[s][pl.ds(rbase, LANES)].astype(jnp.float32)
            for j in range(LANES):
                spl = jnp.full((LANES,), svf[j], dtype=jnp.float32)
                r = rbase + j
                for k in range(KG):
                    ksl = pl.ds(k * LANES, LANES)
                    ob[r, ksl] = tok[r, ksl] + c0[0, ksl] + spl * d_b[0, ksl]
            return carry

        lax.fori_loop(0, CHUNK // LANES, grp_body, 0)

    issue(0, 0)
    issue(1, 1)

    def pair_body(go, carry):
        a = 2 * go
        for s in (0, 1):
            g = a + s
            wait_gather(s)

            @pl.when(go > 0)
            def _():
                wait_out(s)

            compute(s)
            pltpu.async_copy(outs[s],
                             out_hbm.at[pl.ds(wbase + g * CHUNK, CHUNK)],
                             semos[s])

            @pl.when(go < PAIRS - 1)
            def _():
                issue(g + 2, s)

        return carry

    lax.fori_loop(0, PAIRS, pair_body, 0)
    wait_out(0)
    wait_out(1)


def kernel(x, segments, token_table, segment_table, pos_embedding):
    xt = jnp.transpose(x, (1, 0)).reshape(R).astype(jnp.int32)
    st = jnp.transpose(segments, (1, 0)).reshape(R).astype(jnp.int32)
    pos = pos_embedding[:, 0, :]
    mesh = plsc.VectorSubcoreMesh(core_axis_name="c", subcore_axis_name="s")
    out = pl.kernel(
        _sc_body,
        out_type=jax.ShapeDtypeStruct((R, D), jnp.float32),
        mesh=mesh,
        scratch_types=[
            pltpu.VMEM((ROWS_PER_W,), jnp.int32),
            pltpu.VMEM((2, D), jnp.float32),
            pltpu.VMEM((1, D), jnp.float32),
            pltpu.VMEM((CHUNK, D), jnp.float32),
            pltpu.VMEM((CHUNK, D), jnp.float32),
            pltpu.VMEM((CHUNK, D), jnp.float32),
            pltpu.VMEM((CHUNK, D), jnp.float32),
            pltpu.VMEM((1, D), jnp.float32),
            pltpu.VMEM((1, D), jnp.float32),
            pltpu.VMEM((1, D), jnp.float32),
            pltpu.VMEM((1, D), jnp.float32),
            pltpu.VMEM((CHUNK,), jnp.int32),
            pltpu.VMEM((CHUNK,), jnp.int32),
            pltpu.SemaphoreType.DMA,
            pltpu.SemaphoreType.DMA,
            pltpu.SemaphoreType.DMA,
            pltpu.SemaphoreType.DMA,
        ],
        compiler_params=pltpu.CompilerParams(use_tc_tiling_on_sc=False),
    )(xt, st, token_table, segment_table, pos)
    return out.reshape(L, N, D)

# --- scband reference (transcript-rebuilt; emitter-appended) ---
"""Pipeline reference for scband-bert-embedding-9534827397609 (READ-ONLY COPY).

The authoritative reference and input builder live on the scoring server;
editing this copy changes nothing except your own understanding.
"""

import jax, jax.numpy as jnp
import numpy as np

VOCAB = 1000000
D_MODEL = 64
MAX_LEN = 512
BATCH = 1024
SEQ = 200

def _xavier(key, shape):
    fan_in, fan_out = shape[-2], shape[-1]
    if len(shape) == 3:
        fan_in, fan_out = shape[0] * shape[1], shape[2]
    a = float(np.sqrt(6.0 / (fan_in + fan_out)))
    return jax.random.uniform(key, shape, dtype=jnp.float32, minval=-a, maxval=a)

def setup_inputs(seed: int = 0) -> dict:
    key = jax.random.key(seed)
    k1, k2, k3, k4, k5 = jax.random.split(key, 5)
    x = jax.random.randint(k1, (BATCH, SEQ), 0, VOCAB, dtype=jnp.int64 if jax.config.jax_enable_x64 else jnp.int32)
    segments = jax.random.randint(k2, (BATCH, SEQ), 0, 2, dtype=jnp.int64 if jax.config.jax_enable_x64 else jnp.int32)
    token_table = _xavier(k3, (VOCAB, D_MODEL))
    segment_table = _xavier(k4, (2, D_MODEL))
    pos_embedding = _xavier(k5, (MAX_LEN, 1, D_MODEL))
    return {"x": x, "segments": segments, "token_table": token_table,
            "segment_table": segment_table, "pos_embedding": pos_embedding}

def reference(x, segments, token_table, segment_table, pos_embedding):
    # transpose (N, L) -> (L, N)
    xt = jnp.transpose(x, (1, 0))
    st = jnp.transpose(segments, (1, 0))
    token_embedding = jnp.take(token_table, xt, axis=0)      # (L, N, D)
    segment_embedding = jnp.take(segment_table, st, axis=0)  # (L, N, D)
    pos = pos_embedding[: xt.shape[0]]                        # (L, 1, D)
    bert_embedding = token_embedding + segment_embedding + pos
    return bert_embedding

if __name__ == "__main__":
    import jax
    _d = setup_inputs()
    print(jax.jit(kernel)(*tuple(_d.values())))

</pallas_src>

<mosaic_0001>
#map = affine_map<(d0, d1) -> (0)>
#map1 = affine_map<(d0, d1) -> (0, 0)>
module attributes {stable_mosaic.version = 14 : i64} {
  func.func @_sc_body(%arg0: i32, %arg1: i32, %arg2: memref<204800xi32, #tpu.memory_space<hbm>>, %arg3: memref<204800xi32, #tpu.memory_space<hbm>>, %arg4: memref<1000000x64xf32, #tpu.memory_space<hbm>>, %arg5: memref<2x64xf32, #tpu.memory_space<hbm>>, %arg6: memref<512x64xf32, #tpu.memory_space<hbm>>, %arg7: memref<204800x64xf32, #tpu.memory_space<hbm>>, %arg8: memref<6400xi32, #tpu.memory_space<vmem>>, %arg9: memref<2x64xf32, #tpu.memory_space<vmem>>, %arg10: memref<1x64xf32, #tpu.memory_space<vmem>>, %arg11: memref<128x64xf32, #tpu.memory_space<vmem>>, %arg12: memref<128x64xf32, #tpu.memory_space<vmem>>, %arg13: memref<128x64xf32, #tpu.memory_space<vmem>>, %arg14: memref<128x64xf32, #tpu.memory_space<vmem>>, %arg15: memref<1x64xf32, #tpu.memory_space<vmem>>, %arg16: memref<1x64xf32, #tpu.memory_space<vmem>>, %arg17: memref<1x64xf32, #tpu.memory_space<vmem>>, %arg18: memref<1x64xf32, #tpu.memory_space<vmem>>, %arg19: memref<128xi32, #tpu.memory_space<vmem>>, %arg20: memref<128xi32, #tpu.memory_space<vmem>>, %arg21: memref<!tpu.dma_semaphore, #tpu.memory_space<semaphore_mem>>, %arg22: memref<!tpu.dma_semaphore, #tpu.memory_space<semaphore_mem>>, %arg23: memref<!tpu.dma_semaphore, #tpu.memory_space<semaphore_mem>>, %arg24: memref<!tpu.dma_semaphore, #tpu.memory_space<semaphore_mem>>) attributes {dimension_semantics = [#tpu.dimension_semantics<core_parallel>, #tpu.dimension_semantics<subcore_parallel>], iteration_bounds = array<i64: 2, 16>, scalar_prefetch = 0 : i64, scratch_operands = 17 : i64, tpu.core_type = #tpu.core_type<sc_vector_subcore>, window_params = [{transform_indices = #map}, {transform_indices = #map}, {transform_indices = #map1}, {transform_indices = #map1}, {transform_indices = #map1}, {transform_indices = #map1}]} {
    %mul3A = arith.constant 2 : i32
    %mul3A_0 = arith.muli %arg1, %mul3A : i32
    %add3A = arith.addi %mul3A_0, %arg0 : i32
    %mul3A_1 = arith.constant 6400 : i32
    %mul3A_2 = arith.muli %add3A, %mul3A_1 : i32
    "tpu.region"() ({
      %run_scoped3A = tpu.sem_alloc : memref<!tpu.dma_semaphore, #tpu.memory_space<semaphore_mem>>
      %dma_start3A_150 = tpu.memref_slice %arg2[%mul3A_2] : memref<204800xi32, #tpu.memory_space<hbm>> -> memref<6400xi32, #tpu.memory_space<hbm>>
      %dma_start3A_151 = tpu.memref_slice %arg2[%mul3A_2] : memref<204800xi32, #tpu.memory_space<hbm>> -> memref<6400xi32, #tpu.memory_space<hbm>>
      tpu.enqueue_dma source(%dma_start3A_151 : memref<6400xi32, #tpu.memory_space<hbm>>) target(%arg8 : memref<6400xi32, #tpu.memory_space<vmem>>) target_semaphore(%run_scoped3A : memref<!tpu.dma_semaphore, #tpu.memory_space<semaphore_mem>>)
      %dma_wait3A_152 = tpu.memref_slice %arg2[%mul3A_2] : memref<204800xi32, #tpu.memory_space<hbm>> -> memref<6400xi32, #tpu.memory_space<hbm>>
      %dma_wait3A_153 = tpu.memref_slice %arg2[%mul3A_2] : memref<204800xi32, #tpu.memory_space<hbm>> -> memref<6400xi32, #tpu.memory_space<hbm>>
      tpu.wait_dma2 semaphore(%run_scoped3A : memref<!tpu.dma_semaphore, #tpu.memory_space<semaphore_mem>>) src(%dma_wait3A_153 : memref<6400xi32, #tpu.memory_space<hbm>>) dst(%arg8 : memref<6400xi32, #tpu.memory_space<vmem>>)
      tpu.yield
    }) : () -> ()
    "tpu.region"() ({
      %run_scoped3A = tpu.sem_alloc : memref<!tpu.dma_semaphore, #tpu.memory_space<semaphore_mem>>
      tpu.enqueue_dma source(%arg5 : memref<2x64xf32, #tpu.memory_space<hbm>>) target(%arg9 : memref<2x64xf32, #tpu.memory_space<vmem>>) target_semaphore(%run_scoped3A : memref<!tpu.dma_semaphore, #tpu.memory_space<semaphore_mem>>)
      tpu.wait_dma2 semaphore(%run_scoped3A : memref<!tpu.dma_semaphore, #tpu.memory_space<semaphore_mem>>) src(%arg5 : memref<2x64xf32, #tpu.memory_space<hbm>>) dst(%arg9 : memref<2x64xf32, #tpu.memory_space<vmem>>)
      tpu.yield
    }) : () -> ()
    %get3A = arith.constant 1 : i32
    %get3A_3 = arith.index_cast %get3A : i32 to index
    %get3A_4 = arith.constant 0 : index
    %get3A_5 = tpu.vector_load %arg9[%get3A_3, %get3A_4] {strides = array<i32>} : memref<2x64xf32, #tpu.memory_space<vmem>>, vector<1x16xf32>,
    %get3A_6 = vector.shape_cast %get3A_5 : vector<1x16xf32> to vector<16xf32>
    %get3A_7 = arith.constant 0 : i32
    %get3A_8 = arith.index_cast %get3A_7 : i32 to index
    %get3A_9 = arith.constant 0 : index
    %get3A_10 = tpu.vector_load %arg9[%get3A_8, %get3A_9] {strides = array<i32>} : memref<2x64xf32, #tpu.memory_space<vmem>>, vector<1x16xf32>,
    %get3A_11 = vector.shape_cast %get3A_10 : vector<1x16xf32> to vector<16xf32>
    %sub3A = arith.subf %get3A_6, %get3A_11 : vector<16xf32>
    %swap3A = arith.constant 0 : i32
    %swap3A_12 = arith.index_cast %swap3A : i32 to index
    %swap3A_13 = arith.constant 0 : index
    %swap3A_14 = tpu.vector_load %arg10[%swap3A_12, %swap3A_13] {strides = array<i32>} : memref<1x64xf32, #tpu.memory_space<vmem>>, vector<1x16xf32>,
    %swap3A_15 = vector.shape_cast %swap3A_14 : vector<1x16xf32> to vector<16xf32>
    %swap3A_16 = vector.shape_cast %sub3A : vector<16xf32> to vector<1x16xf32>
    tpu.vector_store %arg10[%swap3A_12, %swap3A_13], %swap3A_16 {strides = array<i32>} : memref<1x64xf32, #tpu.memory_space<vmem>>, vector<1x16xf32>,
    %get3A_17 = arith.constant 1 : i32
    %get3A_18 = arith.index_cast %get3A_17 : i32 to index
    %get3A_19 = arith.constant 16 : index
    %get3A_20 = tpu.vector_load %arg9[%get3A_18, %get3A_19] {strides = array<i32>} : memref<2x64xf32, #tpu.memory_space<vmem>>, vector<1x16xf32>,
    %get3A_21 = vector.shape_cast %get3A_20 : vector<1x16xf32> to vector<16xf32>
    %get3A_22 = arith.constant 0 : i32
    %get3A_23 = arith.index_cast %get3A_22 : i32 to index
    %get3A_24 = arith.constant 16 : index
    %get3A_25 = tpu.vector_load %arg9[%get3A_23, %get3A_24] {strides = array<i32>} : memref<2x64xf32, #tpu.memory_space<vmem>>, vector<1x16xf32>,
    %get3A_26 = vector.shape_cast %get3A_25 : vector<1x16xf32> to vector<16xf32>
    %sub3A_27 = arith.subf %get3A_21, %get3A_26 : vector<16xf32>
    %swap3A_28 = arith.constant 0 : i32
    %swap3A_29 = arith.index_cast %swap3A_28 : i32 to index
    %swap3A_30 = arith.constant 16 : index
    %swap3A_31 = tpu.vector_load %arg10[%swap3A_29, %swap3A_30] {strides = array<i32>} : memref<1x64xf32, #tpu.memory_space<vmem>>, vector<1x16xf32>,
    %swap3A_32 = vector.shape_cast %swap3A_31 : vector<1x16xf32> to vector<16xf32>
    %swap3A_33 = vector.shape_cast %sub3A_27 : vector<16xf32> to vector<1x16xf32>
    tpu.vector_store %arg10[%swap3A_29, %swap3A_30], %swap3A_33 {strides = array<i32>} : memref<1x64xf32, #tpu.memory_space<vmem>>, vector<1x16xf32>,
    %get3A_34 = arith.constant 1 : i32
    %get3A_35 = arith.index_cast %get3A_34 : i32 to index
    %get3A_36 = arith.constant 32 : index
    %get3A_37 = tpu.vector_load %arg9[%get3A_35, %get3A_36] {strides = array<i32>} : memref<2x64xf32, #tpu.memory_space<vmem>>, vector<1x16xf32>,
    %get3A_38 = vector.shape_cast %get3A_37 : vector<1x16xf32> to vector<16xf32>
    %get3A_39 = arith.constant 0 : i32
    %get3A_40 = arith.index_cast %get3A_39 : i32 to index
    %get3A_41 = arith.constant 32 : index
    %get3A_42 = tpu.vector_load %arg9[%get3A_40, %get3A_41] {strides = array<i32>} : memref<2x64xf32, #tpu.memory_space<vmem>>, vector<1x16xf32>,
    %get3A_43 = vector.shape_cast %get3A_42 : vector<1x16xf32> to vector<16xf32>
    %sub3A_44 = arith.subf %get3A_38, %get3A_43 : vector<16xf32>
    %swap3A_45 = arith.constant 0 : i32
    %swap3A_46 = arith.index_cast %swap3A_45 : i32 to index
    %swap3A_47 = arith.constant 32 : index
    %swap3A_48 = tpu.vector_load %arg10[%swap3A_46, %swap3A_47] {strides = array<i32>} : memref<1x64xf32, #tpu.memory_space<vmem>>, vector<1x16xf32>,
    %swap3A_49 = vector.shape_cast %swap3A_48 : vector<1x16xf32> to vector<16xf32>
    %swap3A_50 = vector.shape_cast %sub3A_44 : vector<16xf32> to vector<1x16xf32>
    tpu.vector_store %arg10[%swap3A_46, %swap3A_47], %swap3A_50 {strides = array<i32>} : memref<1x64xf32, #tpu.memory_space<vmem>>, vector<1x16xf32>,
    %get3A_51 = arith.constant 1 : i32
    %get3A_52 = arith.index_cast %get3A_51 : i32 to index
    %get3A_53 = arith.constant 48 : index
    %get3A_54 = tpu.vector_load %arg9[%get3A_52, %get3A_53] {strides = array<i32>} : memref<2x64xf32, #tpu.memory_space<vmem>>, vector<1x16xf32>,
    %get3A_55 = vector.shape_cast %get3A_54 : vector<1x16xf32> to vector<16xf32>
    %get3A_56 = arith.constant 0 : i32
    %get3A_57 = arith.index_cast %get3A_56 : i32 to index
    %get3A_58 = arith.constant 48 : index
    %get3A_59 = tpu.vector_load %arg9[%get3A_57, %get3A_58] {strides = array<i32>} : memref<2x64xf32, #tpu.memory_space<vmem>>, vector<1x16xf32>,
    %get3A_60 = vector.shape_cast %get3A_59 : vector<1x16xf32> to vector<16xf32>
    %sub3A_61 = arith.subf %get3A_55, %get3A_60 : vector<16xf32>
    %swap3A_62 = arith.constant 0 : i32
    %swap3A_63 = arith.index_cast %swap3A_62 : i32 to index
    %swap3A_64 = arith.constant 48 : index
    %swap3A_65 = tpu.vector_load %arg10[%swap3A_63, %swap3A_64] {strides = array<i32>} : memref<1x64xf32, #tpu.memory_space<vmem>>, vector<1x16xf32>,
    %swap3A_66 = vector.shape_cast %swap3A_65 : vector<1x16xf32> to vector<16xf32>
    %swap3A_67 = vector.shape_cast %sub3A_61 : vector<16xf32> to vector<1x16xf32>
    tpu.vector_store %arg10[%swap3A_63, %swap3A_64], %swap3A_67 {strides = array<i32>} : memref<1x64xf32, #tpu.memory_space<vmem>>, vector<1x16xf32>,
    %add3A_68 = arith.constant 0 : i32
    %add3A_69 = arith.addi %mul3A_2, %add3A_68 : i32
    %jit3A = arith.constant 1024 : i32
    %div3A = arith.divsi %add3A_69, %jit3A : i32
    %sign3A = arith.constant 0 : i32
    %sign3A_70 = arith.cmpi sgt, %add3A_69, %sign3A : i32
    %sign3A_71 = arith.extui %sign3A_70 : i1 to i32
    %sign3A_72 = arith.constant 0 : i32
    %sign3A_73 = arith.cmpi slt, %add3A_69, %sign3A_72 : i32
    %sign3A_74 = arith.extui %sign3A_73 : i1 to i32
    %sign3A_75 = arith.subi %sign3A_71, %sign3A_74 : i32
    %sign3A_76 = arith.constant 0 : i32
    %sign3A_77 = arith.cmpi sgt, %jit3A, %sign3A_76 : i32
    %sign3A_78 = arith.extui %sign3A_77 : i1 to i32
    %sign3A_79 = arith.constant 0 : i32
    %sign3A_80 = arith.cmpi slt, %jit3A, %sign3A_79 : i32
    %sign3A_81 = arith.extui %sign3A_80 : i1 to i32
    %sign3A_82 = arith.subi %sign3A_78, %sign3A_81 : i32
    %ne3A = arith.cmpi ne, %sign3A_75, %sign3A_82 : i32
    %rem3A = arith.remsi %add3A_69, %jit3A : i32
    %ne3A_83 = arith.constant 0 : i32
    %ne3A_84 = arith.cmpi ne, %rem3A, %ne3A_83 : i32
    %and3A = arith.andi %ne3A, %ne3A_84 : i1
    %sub3A_85 = arith.constant 1 : i32
    %sub3A_86 = arith.subi %div3A, %sub3A_85 : i32
    %select_n3A = arith.select %and3A, %sub3A_86, %div3A : i32
    %dma_start3A = arith.constant 0 : i32
    %dma_start3A_87 = tpu.memref_slice %arg8[%dma_start3A] : memref<6400xi32, #tpu.memory_space<vmem>> -> memref<128xi32, #tpu.memory_space<vmem>>
    %dma_start3A_88 = arith.constant 0 : i32
    %dma_start3A_89 = arith.constant 0 : i32
    %dma_start3A_90 = tpu.memref_slice %arg4[%dma_start3A_88, %dma_start3A_89] : memref<1000000x64xf32, #tpu.memory_space<hbm>> -> memref<1000000x64xf32, #tpu.memory_space<hbm>>
    tpu.enqueue_indirect_dma source(%dma_start3A_90 : memref<1000000x64xf32, #tpu.memory_space<hbm>>) target(%arg11 : memref<128x64xf32, #tpu.memory_space<vmem>>) offsets(%dma_start3A_87 : memref<128xi32, #tpu.memory_space<vmem>>) semaphore(%arg21 : memref<!tpu.dma_semaphore, #tpu.memory_space<semaphore_mem>>)
    %dma_start3A_91 = arith.constant 0 : i32
    %dma_start3A_92 = tpu.memref_slice %arg6[%select_n3A, %dma_start3A_91] : memref<512x64xf32, #tpu.memory_space<hbm>> -> memref<1x64xf32, #tpu.memory_space<hbm>>
    %dma_start3A_93 = arith.constant 0 : i32
    %dma_start3A_94 = tpu.memref_slice %arg6[%select_n3A, %dma_start3A_93] : memref<512x64xf32, #tpu.memory_space<hbm>> -> memref<1x64xf32, #tpu.memory_space<hbm>>
    tpu.enqueue_dma source(%dma_start3A_94 : memref<1x64xf32, #tpu.memory_space<hbm>>) target(%arg15 : memref<1x64xf32, #tpu.memory_space<vmem>>) target_semaphore(%arg21 : memref<!tpu.dma_semaphore, #tpu.memory_space<semaphore_mem>>)
    %dma_start3A_95 = tpu.memref_slice %arg3[%add3A_69] : memref<204800xi32, #tpu.memory_space<hbm>> -> memref<128xi32, #tpu.memory_space<hbm>>
    %dma_start3A_96 = tpu.memref_slice %arg3[%add3A_69] : memref<204800xi32, #tpu.memory_space<hbm>> -> memref<128xi32, #tpu.memory_space<hbm>>
    tpu.enqueue_dma source(%dma_start3A_96 : memref<128xi32, #tpu.memory_space<hbm>>) target(%arg19 : memref<128xi32, #tpu.memory_space<vmem>>) target_semaphore(%arg21 : memref<!tpu.dma_semaphore, #tpu.memory_space<semaphore_mem>>)
    %add3A_97 = arith.constant 128 : i32
    %add3A_98 = arith.addi %mul3A_2, %add3A_97 : i32
    %jit3A_99 = arith.constant 1024 : i32
    %div3A_100 = arith.divsi %add3A_98, %jit3A_99 : i32
    %sign3A_101 = arith.constant 0 : i32
    %sign3A_102 = arith.cmpi sgt, %add3A_98, %sign3A_101 : i32
    %sign3A_103 = arith.extui %sign3A_102 : i1 to i32
    %sign3A_104 = arith.constant 0 : i32
    %sign3A_105 = arith.cmpi slt, %add3A_98, %sign3A_104 : i32
    %sign3A_106 = arith.extui %sign3A_105 : i1 to i32
    %sign3A_107 = arith.subi %sign3A_103, %sign3A_106 : i32
    %sign3A_108 = arith.constant 0 : i32
    %sign3A_109 = arith.cmpi sgt, %jit3A_99, %sign3A_108 : i32
    %sign3A_110 = arith.extui %sign3A_109 : i1 to i32
    %sign3A_111 = arith.constant 0 : i32
    %sign3A_112 = arith.cmpi slt, %jit3A_99, %sign3A_111 : i32
    %sign3A_113 = arith.extui %sign3A_112 : i1 to i32
    %sign3A_114 = arith.subi %sign3A_110, %sign3A_113 : i32
    %ne3A_115 = arith.cmpi ne, %sign3A_107, %sign3A_114 : i32
    %rem3A_116 = arith.remsi %add3A_98, %jit3A_99 : i32
    %ne3A_117 = arith.constant 0 : i32
    %ne3A_118 = arith.cmpi ne, %rem3A_116, %ne3A_117 : i32
    %and3A_119 = arith.andi %ne3A_115, %ne3A_118 : i1
    %sub3A_120 = arith.constant 1 : i32
    %sub3A_121 = arith.subi %div3A_100, %sub3A_120 : i32
    %select_n3A_122 = arith.select %and3A_119, %sub3A_121, %div3A_100 : i32
    %dma_start3A_123 = arith.constant 128 : i32
    %dma_start3A_124 = tpu.memref_slice %arg8[%dma_start3A_123] : memref<6400xi32, #tpu.memory_space<vmem>> -> memref<128xi32, #tpu.memory_space<vmem>>
    %dma_start3A_125 = arith.constant 0 : i32
    %dma_start3A_126 = arith.constant 0 : i32
    %dma_start3A_127 = tpu.memref_slice %arg4[%dma_start3A_125, %dma_start3A_126] : memref<1000000x64xf32, #tpu.memory_space<hbm>> -> memref<1000000x64xf32, #tpu.memory_space<hbm>>
    tpu.enqueue_indirect_dma source(%dma_start3A_127 : memref<1000000x64xf32, #tpu.memory_space<hbm>>) target(%arg12 : memref<128x64xf32, #tpu.memory_space<vmem>>) offsets(%dma_start3A_124 : memref<128xi32, #tpu.memory_space<vmem>>) semaphore(%arg22 : memref<!tpu.dma_semaphore, #tpu.memory_space<semaphore_mem>>)
    %dma_start3A_128 = arith.constant 0 : i32
    %dma_start3A_129 = tpu.memref_slice %arg6[%select_n3A_122, %dma_start3A_128] : memref<512x64xf32, #tpu.memory_space<hbm>> -> memref<1x64xf32, #tpu.memory_space<hbm>>
    %dma_start3A_130 = arith.constant 0 : i32
    %dma_start3A_131 = tpu.memref_slice %arg6[%select_n3A_122, %dma_start3A_130] : memref<512x64xf32, #tpu.memory_space<hbm>> -> memref<1x64xf32, #tpu.memory_space<hbm>>
    tpu.enqueue_dma source(%dma_start3A_131 : memref<1x64xf32, #tpu.memory_space<hbm>>) target(%arg16 : memref<1x64xf32, #tpu.memory_space<vmem>>) target_semaphore(%arg22 : memref<!tpu.dma_semaphore, #tpu.memory_space<semaphore_mem>>)
    %dma_start3A_132 = tpu.memref_slice %arg3[%add3A_98] : memref<204800xi32, #tpu.memory_space<hbm>> -> memref<128xi32, #tpu.memory_space<hbm>>
    %dma_start3A_133 = tpu.memref_slice %arg3[%add3A_98] : memref<204800xi32, #tpu.memory_space<hbm>> -> memref<128xi32, #tpu.memory_space<hbm>>
    tpu.enqueue_dma source(%dma_start3A_133 : memref<128xi32, #tpu.memory_space<hbm>>) target(%arg20 : memref<128xi32, #tpu.memory_space<vmem>>) target_semaphore(%arg22 : memref<!tpu.dma_semaphore, #tpu.memory_space<semaphore_mem>>)
    %scan3A = arith.constant 0 : i32
    %scan3A_134 = arith.constant 0 : i32
    %scan3A_135 = arith.constant 25 : i32
    %scan3A_136 = arith.addi %scan3A_134, %scan3A_135 : i32
    %scan3A_137 = arith.constant 1 : i32
    scf.for %scan3A_150 = %scan3A_134 to %scan3A_136 step %scan3A_137  : i32 {
      %mul3A_151 = arith.constant 2 : i32
      %mul3A_152 = arith.muli %mul3A_151, %scan3A_150 : i32
      %add3A_153 = arith.constant 0 : i32
      %add3A_154 = arith.addi %mul3A_152, %add3A_153 : i32
      %dma_wait3A_155 = arith.constant 0 : i32
      %dma_wait3A_156 = tpu.memref_slice %arg8[%dma_wait3A_155] : memref<6400xi32, #tpu.memory_space<vmem>> -> memref<128xi32, #tpu.memory_space<vmem>>
      %dma_wait3A_157 = arith.constant 0 : i32
      %dma_wait3A_158 = arith.constant 0 : i32
      %dma_wait3A_159 = tpu.memref_slice %arg4[%dma_wait3A_157, %dma_wait3A_158] : memref<1000000x64xf32, #tpu.memory_space<hbm>> -> memref<1000000x64xf32, #tpu.memory_space<hbm>>
      tpu.wait_indirect_dma semaphore(%arg21 : memref<!tpu.dma_semaphore, #tpu.memory_space<semaphore_mem>>) src(%dma_wait3A_159 : memref<1000000x64xf32, #tpu.memory_space<hbm>>) dst(%arg11 : memref<128x64xf32, #tpu.memory_space<vmem>>)
      %dma_wait3A_160 = arith.constant 0 : i32
      %dma_wait3A_161 = arith.constant 0 : i32
      %dma_wait3A_162 = tpu.memref_slice %arg6[%dma_wait3A_160, %dma_wait3A_161] : memref<512x64xf32, #tpu.memory_space<hbm>> -> memref<1x64xf32, #tpu.memory_space<hbm>>
      %dma_wait3A_163 = arith.constant 0 : i32
      %dma_wait3A_164 = arith.constant 0 : i32
      %dma_wait3A_165 = tpu.memref_slice %arg6[%dma_wait3A_163, %dma_wait3A_164] : memref<512x64xf32, #tpu.memory_space<hbm>> -> memref<1x64xf32, #tpu.memory_space<hbm>>
      tpu.wait_dma2 semaphore(%arg21 : memref<!tpu.dma_semaphore, #tpu.memory_space<semaphore_mem>>) src(%dma_wait3A_165 : memref<1x64xf32, #tpu.memory_space<hbm>>) dst(%arg15 : memref<1x64xf32, #tpu.memory_space<vmem>>)
      %dma_wait3A_166 = arith.constant 0 : i32
      %dma_wait3A_167 = tpu.memref_slice %arg3[%dma_wait3A_166] : memref<204800xi32, #tpu.memory_space<hbm>> -> memref<128xi32, #tpu.memory_space<hbm>>
      %dma_wait3A_168 = arith.constant 0 : i32
      %dma_wait3A_169 = tpu.memref_slice %arg3[%dma_wait3A_168] : memref<204800xi32, #tpu.memory_space<hbm>> -> memref<128xi32, #tpu.memory_space<hbm>>
      tpu.wait_dma2 semaphore(%arg21 : memref<!tpu.dma_semaphore, #tpu.memory_space<semaphore_mem>>) src(%dma_wait3A_169 : memref<128xi32, #tpu.memory_space<hbm>>) dst(%arg19 : memref<128xi32, #tpu.memory_space<vmem>>)
      %gt3A = arith.constant 0 : i32
      %gt3A_170 = arith.cmpi sgt, %scan3A_150, %gt3A : i32
      %convert_element_type3A = arith.extui %gt3A_170 : i1 to i32
      %cond3A = arith.constant 0 : i32
      %cond3A_171 = arith.cmpi ne, %convert_element_type3A, %cond3A : i32
      scf.if %cond3A_171 {
        %dma_wait3A_365 = arith.constant 0 : i32
        %dma_wait3A_366 = arith.constant 0 : i32
        %dma_wait3A_367 = tpu.memref_slice %arg7[%dma_wait3A_365, %dma_wait3A_366] : memref<204800x64xf32, #tpu.memory_space<hbm>> -> memref<128x64xf32, #tpu.memory_space<hbm>>
        %dma_wait3A_368 = arith.constant 0 : i32
        %dma_wait3A_369 = arith.constant 0 : i32
        %dma_wait3A_370 = tpu.memref_slice %arg7[%dma_wait3A_368, %dma_wait3A_369] : memref<204800x64xf32, #tpu.memory_space<hbm>> -> memref<128x64xf32, #tpu.memory_space<hbm>>
        tpu.wait_dma2 semaphore(%arg23 : memref<!tpu.dma_semaphore, #tpu.memory_space<semaphore_mem>>) src(%arg13 : memref<128x64xf32, #tpu.memory_space<vmem>>) dst(%dma_wait3A_370 : memref<128x64xf32, #tpu.memory_space<hbm>>)
      } else {
      }
      %get3A_172 = arith.constant 0 : i32
      %get3A_173 = arith.index_cast %get3A_172 : i32 to index
      %get3A_174 = arith.constant 0 : index
      %get3A_175 = tpu.vector_load %arg15[%get3A_173, %get3A_174] {strides = array<i32>} : memref<1x64xf32, #tpu.memory_space<vmem>>, vector<1x16xf32>,
      %get3A_176 = vector.shape_cast %get3A_175 : vector<1x16xf32> to vector<16xf32>
      %get3A_177 = arith.constant 0 : i32
      %get3A_178 = arith.index_cast %get3A_177 : i32 to index
      %get3A_179 = arith.constant 0 : index
      %get3A_180 = tpu.vector_load %arg9[%get3A_178, %get3A_179] {strides = array<i32>} : memref<2x64xf32, #tpu.memory_space<vmem>>, vector<1x16xf32>,
      %get3A_181 = vector.shape_cast %get3A_180 : vector<1x16xf32> to vector<16xf32>
      %add3A_182 = arith.addf %get3A_176, %get3A_181 : vector<16xf32>
      %swap3A_183 = arith.constant 0 : i32
      %swap3A_184 = arith.index_cast %swap3A_183 : i32 to index
      %swap3A_185 = arith.constant 0 : index
      %swap3A_186 = tpu.vector_load %arg17[%swap3A_184, %swap3A_185] {strides = array<i32>} : memref<1x64xf32, #tpu.memory_space<vmem>>, vector<1x16xf32>,
      %swap3A_187 = vector.shape_cast %swap3A_186 : vector<1x16xf32> to vector<16xf32>
      %swap3A_188 = vector.shape_cast %add3A_182 : vector<16xf32> to vector<1x16xf32>
      tpu.vector_store %arg17[%swap3A_184, %swap3A_185], %swap3A_188 {strides = array<i32>} : memref<1x64xf32, #tpu.memory_space<vmem>>, vector<1x16xf32>,
      %get3A_189 = arith.constant 0 : i32
      %get3A_190 = arith.index_cast %get3A_189 : i32 to index
      %get3A_191 = arith.constant 16 : index
      %get3A_192 = tpu.vector_load %arg15[%get3A_190, %get3A_191] {strides = array<i32>} : memref<1x64xf32, #tpu.memory_space<vmem>>, vector<1x16xf32>,
      %get3A_193 = vector.shape_cast %get3A_192 : vector<1x16xf32> to vector<16xf32>
      %get3A_194 = arith.constant 0 : i32
      %get3A_195 = arith.index_cast %get3A_194 : i32 to index
      %get3A_196 = arith.constant 16 : index
      %get3A_197 = tpu.vector_load %arg9[%get3A_195, %get3A_196] {strides = array<i32>} : memref<2x64xf32, #tpu.memory_space<vmem>>, vector<1x16xf32>,
      %get3A_198 = vector.shape_cast %get3A_197 : vector<1x16xf32> to vector<16xf32>
      %add3A_199 = arith.addf %get3A_193, %get3A_198 : vector<16xf32>
      %swap3A_200 = arith.constant 0 : i32
      %swap3A_201 = arith.index_cast %swap3A_200 : i32 to index
      %swap3A_202 = arith.constant 16 : index
      %swap3A_203 = tpu.vector_load %arg17[%swap3A_201, %swap3A_202] {strides = array<i32>} : memref<1x64xf32, #tpu.memory_space<vmem>>, vector<1x16xf32>,
      %swap3A_204 = vector.shape_cast %swap3A_203 : vector<1x16xf32> to vector<16xf32>
      %swap3A_205 = vector.shape_cast %add3A_199 : vector<16xf32> to vector<1x16xf32>
      tpu.vector_store %arg17[%swap3A_201, %swap3A_202], %swap3A_205 {strides = array<i32>} : memref<1x64xf32, #tpu.memory_space<vmem>>, vector<1x16xf32>,
      %get3A_206 = arith.constant 0 : i32
      %get3A_207 = arith.index_cast %get3A_206 : i32 to index
      %get3A_208 = arith.constant 32 : index
      %get3A_209 = tpu.vector_load %arg15[%get3A_207, %get3A_208] {strides = array<i32>} : memref<1x64xf32, #tpu.memory_space<vmem>>, vector<1x16xf32>,
      %get3A_210 = vector.shape_cast %get3A_209 : vector<1x16xf32> to vector<16xf32>
      %get3A_211 = arith.constant 0 : i32
      %get3A_212 = arith.index_cast %get3A_211 : i32 to index
      %get3A_213 = arith.constant 32 : index
      %get3A_214 = tpu.vector_load %arg9[%get3A_212, %get3A_213] {strides = array<i32>} : memref<2x64xf32, #tpu.memory_space<vmem>>, vector<1x16xf32>,
      %get3A_215 = vector.shape_cast %get3A_214 : vector<1x16xf32> to vector<16xf32>
      %add3A_216 = arith.addf %get3A_210, %get3A_215 : vector<16xf32>
      %swap3A_217 = arith.constant 0 : i32
      %swap3A_218 = arith.index_cast %swap3A_217 : i32 to index
      %swap3A_219 = arith.constant 32 : index
      %swap3A_220 = tpu.vector_load %arg17[%swap3A_218, %swap3A_219] {strides = array<i32>} : memref<1x64xf32, #tpu.memory_space<vmem>>, vector<1x16xf32>,
      %swap3A_221 = vector.shape_cast %swap3A_220 : vector<1x16xf32> to vector<16xf32>
      %swap3A_222 = vector.shape_cast %add3A_216 : vector<16xf32> to vector<1x16xf32>
      tpu.vector_store %arg17[%swap3A_218, %swap3A_219], %swap3A_222 {strides = array<i32>} : memref<1x64xf32, #tpu.memory_space<vmem>>, vector<1x16xf32>,
      %get3A_223 = arith.constant 0 : i32
      %get3A_224 = arith.index_cast %get3A_223 : i32 to index
      %get3A_225 = arith.constant 48 : index
      %get3A_226 = tpu.vector_load %arg15[%get3A_224, %get3A_225] {strides = array<i32>} : memref<1x64xf32, #tpu.memory_space<vmem>>, vector<1x16xf32>,
      %get3A_227 = vector.shape_cast %get3A_226 : vector<1x16xf32> to vector<16xf32>
      %get3A_228 = arith.constant 0 : i32
      %get3A_229 = arith.index_cast %get3A_228 : i32 to index
      %get3A_230 = arith.constant 48 : index
      %get3A_231 = tpu.vector_load %arg9[%get3A_229, %get3A_230] {strides = array<i32>} : memref<2x64xf32, #tpu.memory_space<vmem>>, vector<1x16xf32>,
      %get3A_232 = vector.shape_cast %get3A_231 : vector<1x16xf32> to vector<16xf32>
      %add3A_233 = arith.addf %get3A_227, %get3A_232 : vector<16xf32>
      %swap3A_234 = arith.constant 0 : i32
      %swap3A_235 = arith.index_cast %swap3A_234 : i32 to index
      %swap3A_236 = arith.constant 48 : index
      %swap3A_237 = tpu.vector_load %arg17[%swap3A_235, %swap3A_236] {strides = array<i32>} : memref<1x64xf32, #tpu.memory_space<vmem>>, vector<1x16xf32>,
      %swap3A_238 = vector.shape_cast %swap3A_237 : vector<1x16xf32> to vector<16xf32>
      %swap3A_239 = vector.shape_cast %add3A_233 : vector<16xf32> to vector<1x16xf32>
      tpu.vector_store %arg17[%swap3A_235, %swap3A_236], %swap3A_239 {strides = array<i32>} : memref<1x64xf32, #tpu.memory_space<vmem>>, vector<1x16xf32>,
      %scan3A_240 = arith.constant 0 : i32
      %scan3A_241 = arith.constant 0 : i32
      %scan3A_242 = arith.constant 8 : i32
      %scan3A_243 = arith.addi %scan3A_241, %scan3A_242 : i32
      %scan3A_244 = arith.constant 1 : i32
      scf.for %scan3A_365 = %scan3A_241 to %scan3A_243 step %scan3A_244  : i32 {
        %mul3A_366 = arith.constant 16 : i32
        %mul3A_367 = arith.muli %scan3A_365, %mul3A_366 : i32
        %get3A_368 = arith.index_cast %mul3A_367 : i32 to index
        %get3A_369 = tpu.vector_load %arg19[%get3A_368] {strides = array<i32>} : memref<128xi32, #tpu.memory_space<vmem>>, vector<16xi32>,
        %get3A_370 = vector.shape_cast %get3A_369 : vector<16xi32> to vector<16xi32>
        %convert_element_type3A_371 = arith.sitofp %get3A_370 : vector<16xi32> to vector<16xf32>
        %slice3A = vector.extract_strided_slice %convert_element_type3A_371 {offsets = [0], sizes = [1], strides = [1]} : vector<16xf32> to vector<1xf32>
        %squeeze3A = vector.extract %slice3A[0] : f32 from vector<1xf32>
        %broadcast_in_dim3A = vector.broadcast %squeeze3A : f32 to vector<16xf32>
        %add3A_372 = arith.constant 0 : i32
        %add3A_373 = arith.addi %mul3A_367, %add3A_372 : i32
        %get3A_374 = arith.index_cast %add3A_373 : i32 to index
        %get3A_375 = arith.constant 0 : index
        %get3A_376 = tpu.vector_load %arg11[%get3A_374, %get3A_375] {strides = array<i32>} : memref<128x64xf32, #tpu.memory_space<vmem>>, vector<1x16xf32>,
        %get3A_377 = vector.shape_cast %get3A_376 : vector<1x16xf32> to vector<16xf32>
        %get3A_378 = arith.constant 0 : i32
        %get3A_379 = arith.index_cast %get3A_378 : i32 to index
        %get3A_380 = arith.constant 0 : index
        %get3A_381 = tpu.vector_load %arg17[%get3A_379, %get3A_380] {strides = array<i32>} : memref<1x64xf32, #tpu.memory_space<vmem>>, vector<1x16xf32>,
        %get3A_382 = vector.shape_cast %get3A_381 : vector<1x16xf32> to vector<16xf32>
        %add3A_383 = arith.addf %get3A_377, %get3A_382 : vector<16xf32>
        %get3A_384 = arith.constant 0 : i32
        %get3A_385 = arith.index_cast %get3A_384 : i32 to index
        %get3A_386 = arith.constant 0 : index
        %get3A_387 = tpu.vector_load %arg10[%get3A_385, %get3A_386] {strides = array<i32>} : memref<1x64xf32, #tpu.memory_space<vmem>>, vector<1x16xf32>,
        %get3A_388 = vector.shape_cast %get3A_387 : vector<1x16xf32> to vector<16xf32>
        %mul3A_389 = arith.mulf %broadcast_in_dim3A, %get3A_388 : vector<16xf32>
        %add3A_390 = arith.addf %add3A_383, %mul3A_389 : vector<16xf32>
        %swap3A_391 = arith.index_cast %add3A_373 : i32 to index
        %swap3A_392 = arith.constant 0 : index
        %swap3A_393 = tpu.vector_load %arg13[%swap3A_391, %swap3A_392] {strides = array<i32>} : memref<128x64xf32, #tpu.memory_space<vmem>>, vector<1x16xf32>,
        %swap3A_394 = vector.shape_cast %swap3A_393 : vector<1x16xf32> to vector<16xf32>
        %swap3A_395 = vector.shape_cast %add3A_390 : vector<16xf32> to vector<1x16xf32>
        tpu.vector_store %arg13[%swap3A_391, %swap3A_392], %swap3A_395 {strides = array<i32>} : memref<128x64xf32, #tpu.memory_space<vmem>>, vector<1x16xf32>,
        %get3A_396 = arith.index_cast %add3A_373 : i32 to index
        %get3A_397 = arith.constant 16 : index
        %get3A_398 = tpu.vector_load %arg11[%get3A_396, %get3A_397] {strides = array<i32>} : memref<128x64xf32, #tpu.memory_space<vmem>>, vector<1x16xf32>,
        %get3A_399 = vector.shape_cast %get3A_398 : vector<1x16xf32> to vector<16xf32>
        %get3A_400 = arith.constant 0 : i32
        %get3A_401 = arith.index_cast %get3A_400 : i32 to index
        %get3A_402 = arith.constant 16 : index
        %get3A_403 = tpu.vector_load %arg17[%get3A_401, %get3A_402] {strides = array<i32>} : memref<1x64xf32, #tpu.memory_space<vmem>>, vector<1x16xf32>,
        %get3A_404 = vector.shape_cast %get3A_403 : vector<1x16xf32> to vector<16xf32>
        %add3A_405 = arith.addf %get3A_399, %get3A_404 : vector<16xf32>
        %get3A_406 = arith.constant 0 : i32
        %get3A_407 = arith.index_cast %get3A_406 : i32 to index
        %get3A_408 = arith.constant 16 : index
        %get3A_409 = tpu.vector_load %arg10[%get3A_407, %get3A_408] {strides = array<i32>} : memref<1x64xf32, #tpu.memory_space<vmem>>, vector<1x16xf32>,
        %get3A_410 = vector.shape_cast %get3A_409 : vector<1x16xf32> to vector<16xf32>
        %mul3A_411 = arith.mulf %broadcast_in_dim3A, %get3A_410 : vector<16xf32>
        %add3A_412 = arith.addf %add3A_405, %mul3A_411 : vector<16xf32>
        %swap3A_413 = arith.index_cast %add3A_373 : i32 to index
        %swap3A_414 = arith.constant 16 : index
        %swap3A_415 = tpu.vector_load %arg13[%swap3A_413, %swap3A_414] {strides = array<i32>} : memref<128x64xf32, #tpu.memory_space<vmem>>, vector<1x16xf32>,
        %swap3A_416 = vector.shape_cast %swap3A_415 : vector<1x16xf32> to vector<16xf32>
        %swap3A_417 = vector.shape_cast %add3A_412 : vector<16xf32> to vector<1x16xf32>
        tpu.vector_store %arg13[%swap3A_413, %swap3A_414], %swap3A_417 {strides = array<i32>} : memref<128x64xf32, #tpu.memory_space<vmem>>, vector<1x16xf32>,
        %get3A_418 = arith.index_cast %add3A_373 : i32 to index
        %get3A_419 = arith.constant 32 : index
        %get3A_420 = tpu.vector_load %arg11[%get3A_418, %get3A_419] {strides = array<i32>} : memref<128x64xf32, #tpu.memory_space<vmem>>, vector<1x16xf32>,
        %get3A_421 = vector.shape_cast %get3A_420 : vector<1x16xf32> to vector<16xf32>
        %get3A_422 = arith.constant 0 : i32
        %get3A_423 = arith.index_cast %get3A_422 : i32 to index
        %get3A_424 = arith.constant 32 : index
        %get3A_425 = tpu.vector_load %arg17[%get3A_423, %get3A_424] {strides = array<i32>} : memref<1x64xf32, #tpu.memory_space<vmem>>, vector<1x16xf32>,
        %get3A_426 = vector.shape_cast %get3A_425 : vector<1x16xf32> to vector<16xf32>
        %add3A_427 = arith.addf %get3A_421, %get3A_426 : vector<16xf32>
        %get3A_428 = arith.constant 0 : i32
        %get3A_429 = arith.index_cast %get3A_428 : i32 to index
        %get3A_430 = arith.constant 32 : index
        %get3A_431 = tpu.vector_load %arg10[%get3A_429, %get3A_430] {strides = array<i32>} : memref<1x64xf32, #tpu.memory_space<vmem>>, vector<1x16xf32>,
        %get3A_432 = vector.shape_cast %get3A_431 : vector<1x16xf32> to vector<16xf32>
        %mul3A_433 = arith.mulf %broadcast_in_dim3A, %get3A_432 : vector<16xf32>
        %add3A_434 = arith.addf %add3A_427, %mul3A_433 : vector<16xf32>
        %swap3A_435 = arith.index_cast %add3A_373 : i32 to index
        %swap3A_436 = arith.constant 32 : index
        %swap3A_437 = tpu.vector_load %arg13[%swap3A_435, %swap3A_436] {strides = array<i32>} : memref<128x64xf32, #tpu.memory_space<vmem>>, vector<1x16xf32>,
        %swap3A_438 = vector.shape_cast %swap3A_437 : vector<1x16xf32> to vector<16xf32>
        %swap3A_439 = vector.shape_cast %add3A_434 : vector<16xf32> to vector<1x16xf32>
        tpu.vector_store %arg13[%swap3A_435, %swap3A_436], %swap3A_439 {strides = array<i32>} : memref<128x64xf32, #tpu.memory_space<vmem>>, vector<1x16xf32>,
        %get3A_440 = arith.index_cast %add3A_373 : i32 to index
        %get3A_441 = arith.constant 48 : index
        %get3A_442 = tpu.vector_load %arg11[%get3A_440, %get3A_441] {strides = array<i32>} : memref<128x64xf32, #tpu.memory_space<vmem>>, vector<1x16xf32>,
        %get3A_443 = vector.shape_cast %get3A_442 : vector<1x16xf32> to vector<16xf32>
        %get3A_444 = arith.constant 0 : i32
        %get3A_445 = arith.index_cast %get3A_444 : i32 to index
        %get3A_446 = arith.constant 48 : index
        %get3A_447 = tpu.vector_load %arg17[%get3A_445, %get3A_446] {strides = array<i32>} : memref<1x64xf32, #tpu.memory_space<vmem>>, vector<1x16xf32>,
        %get3A_448 = vector.shape_cast %get3A_447 : vector<1x16xf32> to vector<16xf32>
        %add3A_449 = arith.addf %get3A_443, %get3A_448 : vector<16xf32>
        %get3A_450 = arith.constant 0 : i32
        %get3A_451 = arith.index_cast %get3A_450 : i32 to index
        %get3A_452 = arith.constant 48 : index
        %get3A_453 = tpu.vector_load %arg10[%get3A_451, %get3A_452] {strides = array<i32>} : memref<1x64xf32, #tpu.memory_space<vmem>>, vector<1x16xf32>,
        %get3A_454 = vector.shape_cast %get3A_453 : vector<1x16xf32> to vector<16xf32>
        %mul3A_455 = arith.mulf %broadcast_in_dim3A, %get3A_454 : vector<16xf32>
        %add3A_456 = arith.addf %add3A_449, %mul3A_455 : vector<16xf32>
        %swap3A_457 = arith.index_cast %add3A_373 : i32 to index
        %swap3A_458 = arith.constant 48 : index
        %swap3A_459 = tpu.vector_load %arg13[%swap3A_457, %swap3A_458] {strides = array<i32>} : memref<128x64xf32, #tpu.memory_space<vmem>>, vector<1x16xf32>,
        %swap3A_460 = vector.shape_cast %swap3A_459 : vector<1x16xf32> to vector<16xf32>
        %swap3A_461 = vector.shape_cast %add3A_456 : vector<16xf32> to vector<1x16xf32>
        tpu.vector_store %arg13[%swap3A_457, %swap3A_458], %swap3A_461 {strides = array<i32>} : memref<128x64xf32, #tpu.memory_space<vmem>>, vector<1x16xf32>,
        %slice3A_462 = vector.extract_strided_slice %convert_element_type3A_371 {offsets = [1], sizes = [1], strides = [1]} : vector<16xf32> to vector<1xf32>
        %squeeze3A_463 = vector.extract %slice3A_462[0] : f32 from vector<1xf32>
        %broadcast_in_dim3A_464 = vector.broadcast %squeeze3A_463 : f32 to vector<16xf32>
        %add3A_465 = arith.constant 1 : i32
        %add3A_466 = arith.addi %mul3A_367, %add3A_465 : i32
        %get3A_467 = arith.index_cast %add3A_466 : i32 to index
        %get3A_468 = arith.constant 0 : index
        %get3A_469 = tpu.vector_load %arg11[%get3A_467, %get3A_468] {strides = array<i32>} : memref<128x64xf32, #tpu.memory_space<vmem>>, vector<1x16xf32>,
        %get3A_470 = vector.shape_cast %get3A_469 : vector<1x16xf32> to vector<16xf32>
        %get3A_471 = arith.constant 0 : i32
        %get3A_472 = arith.index_cast %get3A_471 : i32 to index
        %get3A_473 = arith.constant 0 : index
        %get3A_474 = tpu.vector_load %arg17[%get3A_472, %get3A_473] {strides = array<i32>} : memref<1x64xf32, #tpu.memory_space<vmem>>, vector<1x16xf32>,
        %get3A_475 = vector.shape_cast %get3A_474 : vector<1x16xf32> to vector<16xf32>
        %add3A_476 = arith.addf %get3A_470, %get3A_475 : vector<16xf32>
        %get3A_477 = arith.constant 0 : i32
        %get3A_478 = arith.index_cast %get3A_477 : i32 to index
        %get3A_479 = arith.constant 0 : index
        %get3A_480 = tpu.vector_load %arg10[%get3A_478, %get3A_479] {strides = array<i32>} : memref<1x64xf32, #tpu.memory_space<vmem>>, vector<1x16xf32>,
        %get3A_481 = vector.shape_cast %get3A_480 : vector<1x16xf32> to vector<16xf32>
        %mul3A_482 = arith.mulf %broadcast_in_dim3A_464, %get3A_481 : vector<16xf32>
        %add3A_483 = arith.addf %add3A_476, %mul3A_482 : vector<16xf32>
        %swap3A_484 = arith.index_cast %add3A_466 : i32 to index
        %swap3A_485 = arith.constant 0 : index
        %swap3A_486 = tpu.vector_load %arg13[%swap3A_484, %swap3A_485] {strides = array<i32>} : memref<128x64xf32, #tpu.memory_space<vmem>>, vector<1x16xf32>,
        %swap3A_487 = vector.shape_cast %swap3A_486 : vector<1x16xf32> to vector<16xf32>
        %swap3A_488 = vector.shape_cast %add3A_483 : vector<16xf32> to vector<1x16xf32>
        tpu.vector_store %arg13[%swap3A_484, %swap3A_485], %swap3A_488 {strides = array<i32>} : memref<128x64xf32, #tpu.memory_space<vmem>>, vector<1x16xf32>,
        %get3A_489 = arith.index_cast %add3A_466 : i32 to index
        %get3A_490 = arith.constant 16 : index
        %get3A_491 = tpu.vector_load %arg11[%get3A_489, %get3A_490] {strides = array<i32>} : memref<128x64xf32, #tpu.memory_space<vmem>>, vector<1x16xf32>,
        %get3A_492 = vector.shape_cast %get3A_491 : vector<1x16xf32> to vector<16xf32>
        %get3A_493 = arith.constant 0 : i32
        %get3A_494 = arith.index_cast %get3A_493 : i32 to index
        %get3A_495 = arith.constant 16 : index
        %get3A_496 = tpu.vector_load %arg17[%get3A_494, %get3A_495] {strides = array<i32>} : memref<1x64xf32, #tpu.memory_space<vmem>>, vector<1x16xf32>,
        %get3A_497 = vector.shape_cast %get3A_496 : vector<1x16xf32> to vector<16xf32>
        %add3A_498 = arith.addf %get3A_492, %get3A_497 : vector<16xf32>
        %get3A_499 = arith.constant 0 : i32
        %get3A_500 = arith.index_cast %get3A_499 : i32 to index
        %get3A_501 = arith.constant 16 : index
        %get3A_502 = tpu.vector_load %arg10[%get3A_500, %get3A_501] {strides = array<i32>} : memref<1x64xf32, #tpu.memory_space<vmem>>, vector<1x16xf32>,
        %get3A_503 = vector.shape_cast %get3A_502 : vector<1x16xf32> to vector<16xf32>
        %mul3A_504 = arith.mulf %broadcast_in_dim3A_464, %get3A_503 : vector<16xf32>
        %add3A_505 = arith.addf %add3A_498, %mul3A_504 : vector<16xf32>
        %swap3A_506 = arith.index_cast %add3A_466 : i32 to index
        %swap3A_507 = arith.constant 16 : index
        %swap3A_508 = tpu.vector_load %arg13[%swap3A_506, %swap3A_507] {strides = array<i32>} : memref<128x64xf32, #tpu.memory_space<vmem>>, vector<1x16xf32>,
        %swap3A_509 = vector.shape_cast %swap3A_508 : vector<1x16xf32> to vector<16xf32>
        %swap3A_510 = vector.shape_cast %add3A_505 : vector<16xf32> to vector<1x16xf32>
        tpu.vector_store %arg13[%swap3A_506, %swap3A_507], %swap3A_510 {strides = array<i32>} : memref<128x64xf32, #tpu.memory_space<vmem>>, vector<1x16xf32>,
        %get3A_511 = arith.index_cast %add3A_466 : i32 to index
        %get3A_512 = arith.constant 32 : index
        %get3A_513 = tpu.vector_load %arg11[%get3A_511, %get3A_512] {strides = array<i32>} : memref<128x64xf32, #tpu.memory_space<vmem>>, vector<1x16xf32>,
        %get3A_514 = vector.shape_cast %get3A_513 : vector<1x16xf32> to vector<16xf32>
        %get3A_515 = arith.constant 0 : i32
        %get3A_516 = arith.index_cast %get3A_515 : i32 to index
        %get3A_517 = arith.constant 32 : index
        %get3A_518 = tpu.vector_load %arg17[%get3A_516, %get3A_517] {strides = array<i32>} : memref<1x64xf32, #tpu.memory_space<vmem>>, vector<1x16xf32>,
        %get3A_519 = vector.shape_cast %get3A_518 : vector<1x16xf32> to vector<16xf32>
        %add3A_520 = arith.addf %get3A_514, %get3A_519 : vector<16xf32>
        %get3A_521 = arith.constant 0 : i32
        %get3A_522 = arith.index_cast %get3A_521 : i32 to index
        %get3A_523 = arith.constant 32 : index
        %get3A_524 = tpu.vector_load %arg10[%get3A_522, %get3A_523] {strides = array<i32>} : memref<1x64xf32, #tpu.memory_space<vmem>>, vector<1x16xf32>,
        %get3A_525 = vector.shape_cast %get3A_524 : vector<1x16xf32> to vector<16xf32>
        %mul3A_526 = arith.mulf %broadcast_in_dim3A_464, %get3A_525 : vector<16xf32>
        %add3A_527 = arith.addf %add3A_520, %mul3A_526 : vector<16xf32>
        %swap3A_528 = arith.index_cast %add3A_466 : i32 to index
        %swap3A_529 = arith.constant 32 : index
        %swap3A_530 = tpu.vector_load %arg13[%swap3A_528, %swap3A_529] {strides = array<i32>} : memref<128x64xf32, #tpu.memory_space<vmem>>, vector<1x16xf32>,
        %swap3A_531 = vector.shape_cast %swap3A_530 : vector<1x16xf32> to vector<16xf32>
        %swap3A_532 = vector.shape_cast %add3A_527 : vector<16xf32> to vector<1x16xf32>
        tpu.vector_store %arg13[%swap3A_528, %swap3A_529], %swap3A_532 {strides = array<i32>} : memref<128x64xf32, #tpu.memory_space<vmem>>, vector<1x16xf32>,
        %get3A_533 = arith.index_cast %add3A_466 : i32 to index
        %get3A_534 = arith.constant 48 : index
        %get3A_535 = tpu.vector_load %arg11[%get3A_533, %get3A_534] {strides = array<i32>} : memref<128x64xf32, #tpu.memory_space<vmem>>, vector<1x16xf32>,
        %get3A_536 = vector.shape_cast %get3A_535 : vector<1x16xf32> to vector<16xf32>
        %get3A_537 = arith.constant 0 : i32
        %get3A_538 = arith.index_cast %get3A_537 : i32 to index
        %get3A_539 = arith.constant 48 : index
        %get3A_540 = tpu.vector_load %arg17[%get3A_538, %get3A_539] {strides = array<i32>} : memref<1x64xf32, #tpu.memory_space<vmem>>, vector<1x16xf32>,
        %get3A_541 = vector.shape_cast %get3A_540 : vector<1x16xf32> to vector<16xf32>
        %add3A_542 = arith.addf %get3A_536, %get3A_541 : vector<16xf32>
        %get3A_543 = arith.constant 0 : i32
        %get3A_544 = arith.index_cast %get3A_543 : i32 to index
        %get3A_545 = arith.constant 48 : index
        %get3A_546 = tpu.vector_load %arg10[%get3A_544, %get3A_545] {strides = array<i32>} : memref<1x64xf32, #tpu.memory_space<vmem>>, vector<1x16xf32>,
        %get3A_547 = vector.shape_cast %get3A_546 : vector<1x16xf32> to vector<16xf32>
        %mul3A_548 = arith.mulf %broadcast_in_dim3A_464, %get3A_547 : vector<16xf32>
        %add3A_549 = arith.addf %add3A_542, %mul3A_548 : vector<16xf32>
        %swap3A_550 = arith.index_cast %add3A_466 : i32 to index
        %swap3A_551 = arith.constant 48 : index
        %swap3A_552 = tpu.vector_load %arg13[%swap3A_550, %swap3A_551] {strides = array<i32>} : memref<128x64xf32, #tpu.memory_space<vmem>>, vector<1x16xf32>,
        %swap3A_553 = vector.shape_cast %swap3A_552 : vector<1x16xf32> to vector<16xf32>
        %swap3A_554 = vector.shape_cast %add3A_549 : vector<16xf32> to vector<1x16xf32>
        tpu.vector_store %arg13[%swap3A_550, %swap3A_551], %swap3A_554 {strides = array<i32>} : memref<128x64xf32, #tpu.memory_space<vmem>>, vector<1x16xf32>,
        %slice3A_555 = vector.extract_strided_slice %convert_element_type3A_371 {offsets = [2], sizes = [1], strides = [1]} : vector<16xf32> to vector<1xf32>
        %squeeze3A_556 = vector.extract %slice3A_555[0] : f32 from vector<1xf32>
        %broadcast_in_dim3A_557 = vector.broadcast %squeeze3A_556 : f32 to vector<16xf32>
        %add3A_558 = arith.constant 2 : i32
        %add3A_559 = arith.addi %mul3A_367, %add3A_558 : i32
        %get3A_560 = arith.index_cast %add3A_559 : i32 to index
        %get3A_561 = arith.constant 0 : index
        %get3A_562 = tpu.vector_load %arg11[%get3A_560, %get3A_561] {strides = array<i32>} : memref<128x64xf32, #tpu.memory_space<vmem>>, vector<1x16xf32>,
        %get3A_563 = vector.shape_cast %get3A_562 : vector<1x16xf32> to vector<16xf32>
        %get3A_564 = arith.constant 0 : i32
        %get3A_565 = arith.index_cast %get3A_564 : i32 to index
        %get3A_566 = arith.constant 0 : index
        %get3A_567 = tpu.vector_load %arg17[%get3A_565, %get3A_566] {strides = array<i32>} : memref<1x64xf32, #tpu.memory_space<vmem>>, vector<1x16xf32>,
        %get3A_568 = vector.shape_cast %get3A_567 : vector<1x16xf32> to vector<16xf32>
        %add3A_569 = arith.addf %get3A_563, %get3A_568 : vector<16xf32>
        %get3A_570 = arith.constant 0 : i32
        %get3A_571 = arith.index_cast %get3A_570 : i32 to index
        %get3A_572 = arith.constant 0 : index
        %get3A_573 = tpu.vector_load %arg10[%get3A_571, %get3A_572] {strides = array<i32>} : memref<1x64xf32, #tpu.memory_space<vmem>>, vector<1x16xf32>,
        %get3A_574 = vector.shape_cast %get3A_573 : vector<1x16xf32> to vector<16xf32>
        %mul3A_575 = arith.mulf %broadcast_in_dim3A_557, %get3A_574 : vector<16xf32>
        %add3A_576 = arith.addf %add3A_569, %mul3A_575 : vector<16xf32>
        %swap3A_577 = arith.index_cast %add3A_559 : i32 to index
        %swap3A_578 = arith.constant 0 : index
        %swap3A_579 = tpu.vector_load %arg13[%swap3A_577, %swap3A_578] {strides = array<i32>} : memref<128x64xf32, #tpu.memory_space<vmem>>, vector<1x16xf32>,
        %swap3A_580 = vector.shape_cast %swap3A_579 : vector<1x16xf32> to vector<16xf32>
        %swap3A_581 = vector.shape_cast %add3A_576 : vector<16xf32> to vector<1x16xf32>
        tpu.vector_store %arg13[%swap3A_577, %swap3A_578], %swap3A_581 {strides = array<i32>} : memref<128x64xf32, #tpu.memory_space<vmem>>, vector<1x16xf32>,
        %get3A_582 = arith.index_cast %add3A_559 : i32 to index
        %get3A_583 = arith.constant 16 : index
        %get3A_584 = tpu.vector_load %arg11[%get3A_582, %get3A_583] {strides = array<i32>} : memref<128x64xf32, #tpu.memory_space<vmem>>, vector<1x16xf32>,
        %get3A_585 = vector.shape_cast %get3A_584 : vector<1x16xf32> to vector<16xf32>
        %get3A_586 = arith.constant 0 : i32
        %get3A_587 = arith.index_cast %get3A_586 : i32 to index
        %get3A_588 = arith.constant 16 : index
        %get3A_589 = tpu.vector_load %arg17[%get3A_587, %get3A_588] {strides = array<i32>} : memref<1x64xf32, #tpu.memory_space<vmem>>, vector<1x16xf32>,
        %get3A_590 = vector.shape_cast %get3A_589 : vector<1x16xf32> to vector<16xf32>
        %add3A_591 = arith.addf %get3A_585, %get3A_590 : vector<16xf32>
        %get3A_592 = arith.constant 0 : i32
        %get3A_593 = arith.index_cast %get3A_592 : i32 to index
        %get3A_594 = arith.constant 16 : index
        %get3A_595 = tpu.vector_load %arg10[%get3A_593, %get3A_594] {strides = array<i32>} : memref<1x64xf32, #tpu.memory_space<vmem>>, vector<1x16xf32>,
        %get3A_596 = vector.shape_cast %get3A_595 : vector<1x16xf32> to vector<16xf32>
        %mul3A_597 = arith.mulf %broadcast_in_dim3A_557, %get3A_596 : vector<16xf32>
        %add3A_598 = arith.addf %add3A_591, %mul3A_597 : vector<16xf32>
        %swap3A_599 = arith.index_cast %add3A_559 : i32 to index
        %swap3A_600 = arith.constant 16 : index
        %swap3A_601 = tpu.vector_load %arg13[%swap3A_599, %swap3A_600] {strides = array<i32>} : memref<128x64xf32, #tpu.memory_space<vmem>>, vector<1x16xf32>,
        %swap3A_602 = vector.shape_cast %swap3A_601 : vector<1x16xf32> to vector<16xf32>
        %swap3A_603 = vector.shape_cast %add3A_598 : vector<16xf32> to vector<1x16xf32>
        tpu.vector_store %arg13[%swap3A_599, %swap3A_600], %swap3A_603 {strides = array<i32>} : memref<128x64xf32, #tpu.memory_space<vmem>>, vector<1x16xf32>,
        %get3A_604 = arith.index_cast %add3A_559 : i32 to index
        %get3A_605 = arith.constant 32 : index
        %get3A_606 = tpu.vector_load %arg11[%get3A_604, %get3A_605] {strides = array<i32>} : memref<128x64xf32, #tpu.memory_space<vmem>>, vector<1x16xf32>,
        %get3A_607 = vector.shape_cast %get3A_606 : vector<1x16xf32> to vector<16xf32>
        %get3A_608 = arith.constant 0 : i32
        %get3A_609 = arith.index_cast %get3A_608 : i32 to index
        %get3A_610 = arith.constant 32 : index
        %get3A_611 = tpu.vector_load %arg17[%get3A_609, %get3A_610] {strides = array<i32>} : memref<1x64xf32, #tpu.memory_space<vmem>>, vector<1x16xf32>,
        %get3A_612 = vector.shape_cast %get3A_611 : vector<1x16xf32> to vector<16xf32>
        %add3A_613 = arith.addf %get3A_607, %get3A_612 : vector<16xf32>
        %get3A_614 = arith.constant 0 : i32
        %get3A_615 = arith.index_cast %get3A_614 : i32 to index
        %get3A_616 = arith.constant 32 : index
        %get3A_617 = tpu.vector_load %arg10[%get3A_615, %get3A_616] {strides = array<i32>} : memref<1x64xf32, #tpu.memory_space<vmem>>, vector<1x16xf32>,
        %get3A_618 = vector.shape_cast %get3A_617 : vector<1x16xf32> to vector<16xf32>
        %mul3A_619 = arith.mulf %broadcast_in_dim3A_557, %get3A_618 : vector<16xf32>
        %add3A_620 = arith.addf %add3A_613, %mul3A_619 : vector<16xf32>
        %swap3A_621 = arith.index_cast %add3A_559 : i32 to index
        %swap3A_622 = arith.constant 32 : index
        %swap3A_623 = tpu.vector_load %arg13[%swap3A_621, %swap3A_622] {strides = array<i32>} : memref<128x64xf32, #tpu.memory_space<vmem>>, vector<1x16xf32>,
        %swap3A_624 = vector.shape_cast %swap3A_623 : vector<1x16xf32> to vector<16xf32>
        %swap3A_625 = vector.shape_cast %add3A_620 : vector<16xf32> to vector<1x16xf32>
        tpu.vector_store %arg13[%swap3A_621, %swap3A_622], %swap3A_625 {strides = array<i32>} : memref<128x64xf32, #tpu.memory_space<vmem>>, vector<1x16xf32>,
        %get3A_626 = arith.index_cast %add3A_559 : i32 to index
        %get3A_627 = arith.constant 48 : index
        %get3A_628 = tpu.vector_load %arg11[%get3A_626, %get3A_627] {strides = array<i32>} : memref<128x64xf32, #tpu.memory_space<vmem>>, vector<1x16xf32>,
        %get3A_629 = vector.shape_cast %get3A_628 : vector<1x16xf32> to vector<16xf32>
        %get3A_630 = arith.constant 0 : i32
        %get3A_631 = arith.index_cast %get3A_630 : i32 to index
        %get3A_632 = arith.constant 48 : index
        %get3A_633 = tpu.vector_load %arg17[%get3A_631, %get3A_632] {strides = array<i32>} : memref<1x64xf32, #tpu.memory_space<vmem>>, vector<1x16xf32>,
        %get3A_634 = vector.shape_cast %get3A_633 : vector<1x16xf32> to vector<16xf32>
        %add3A_635 = arith.addf %get3A_629, %get3A_634 : vector<16xf32>
        %get3A_636 = arith.constant 0 : i32
        %get3A_637 = arith.index_cast %get3A_636 : i32 to index
        %get3A_638 = arith.constant 48 : index
        %get3A_639 = tpu.vector_load %arg10[%get3A_637, %get3A_638] {strides = array<i32>} : memref<1x64xf32, #tpu.memory_space<vmem>>, vector<1x16xf32>,
        %get3A_640 = vector.shape_cast %get3A_639 : vector<1x16xf32> to vector<16xf32>
        %mul3A_641 = arith.mulf %broadcast_in_dim3A_557, %get3A_640 : vector<16xf32>
        %add3A_642 = arith.addf %add3A_635, %mul3A_641 : vector<16xf32>
        %swap3A_643 = arith.index_cast %add3A_559 : i32 to index
        %swap3A_644 = arith.constant 48 : index
        %swap3A_645 = tpu.vector_load %arg13[%swap3A_643, %swap3A_644] {strides = array<i32>} : memref<128x64xf32, #tpu.memory_space<vmem>>, vector<1x16xf32>,
        %swap3A_646 = vector.shape_cast %swap3A_645 : vector<1x16xf32> to vector<16xf32>
        %swap3A_647 = vector.shape_cast %add3A_642 : vector<16xf32> to vector<1x16xf32>
        tpu.vector_store %arg13[%swap3A_643, %swap3A_644], %swap3A_647 {strides = array<i32>} : memref<128x64xf32, #tpu.memory_space<vmem>>, vector<1x16xf32>,
        %slice3A_648 = vector.extract_strided_slice %convert_element_type3A_371 {offsets = [3], sizes = [1], strides = [1]} : vector<16xf32> to vector<1xf32>
        %squeeze3A_649 = vector.extract %slice3A_648[0] : f32 from vector<1xf32>
        %broadcast_in_dim3A_650 = vector.broadcast %squeeze3A_649 : f32 to vector<16xf32>
        %add3A_651 = arith.constant 3 : i32
        %add3A_652 = arith.addi %mul3A_367, %add3A_651 : i32
        %get3A_653 = arith.index_cast %add3A_652 : i32 to index
        %get3A_654 = arith.constant 0 : index
        %get3A_655 = tpu.vector_load %arg11[%get3A_653, %get3A_654] {strides = array<i32>} : memref<128x64xf32, #tpu.memory_space<vmem>>, vector<1x16xf32>,
        %get3A_656 = vector.shape_cast %get3A_655 : vector<1x16xf32> to vector<16xf32>
        %get3A_657 = arith.constant 0 : i32
        %get3A_658 = arith.index_cast %get3A_657 : i32 to index
        %get3A_659 = arith.constant 0 : index
        %get3A_660 = tpu.vector_load %arg17[%get3A_658, %get3A_659] {strides = array<i32>} : memref<1x64xf32, #tpu.memory_space<vmem>>, vector<1x16xf32>,
        %get3A_661 = vector.shape_cast %get3A_660 : vector<1x16xf32> to vector<16xf32>
        %add3A_662 = arith.addf %get3A_656, %get3A_661 : vector<16xf32>
        %get3A_663 = arith.constant 0 : i32
        %get3A_664 = arith.index_cast %get3A_663 : i32 to index
        %get3A_665 = arith.constant 0 : index
        %get3A_666 = tpu.vector_load %arg10[%get3A_664, %get3A_665] {strides = array<i32>} : memref<1x64xf32, #tpu.memory_space<vmem>>, vector<1x16xf32>,
        %get3A_667 = vector.shape_cast %get3A_666 : vector<1x16xf32> to vector<16xf32>
        %mul3A_668 = arith.mulf %broadcast_in_dim3A_650, %get3A_667 : vector<16xf32>
        %add3A_669 = arith.addf %add3A_662, %mul3A_668 : vector<16xf32>
        %swap3A_670 = arith.index_cast %add3A_652 : i32 to index
        %swap3A_671 = arith.constant 0 : index
        %swap3A_672 = tpu.vector_load %arg13[%swap3A_670, %swap3A_671] {strides = array<i32>} : memref<128x64xf32, #tpu.memory_space<vmem>>, vector<1x16xf32>,
        %swap3A_673 = vector.shape_cast %swap3A_672 : vector<1x16xf32> to vector<16xf32>
        %swap3A_674 = vector.shape_cast %add3A_669 : vector<16xf32> to vector<1x16xf32>
        tpu.vector_store %arg13[%swap3A_670, %swap3A_671], %swap3A_674 {strides = array<i32>} : memref<128x64xf32, #tpu.memory_space<vmem>>, vector<1x16xf32>,
        %get3A_675 = arith.index_cast %add3A_652 : i32 to index
        %get3A_676 = arith.constant 16 : index
        %get3A_677 = tpu.vector_load %arg11[%get3A_675, %get3A_676] {strides = array<i32>} : memref<128x64xf32, #tpu.memory_space<vmem>>, vector<1x16xf32>,
        %get3A_678 = vector.shape_cast %get3A_677 : vector<1x16xf32> to vector<16xf32>
        %get3A_679 = arith.constant 0 : i32
        %get3A_680 = arith.index_cast %get3A_679 : i32 to index
        %get3A_681 = arith.constant 16 : index
        %get3A_682 = tpu.vector_load %arg17[%get3A_680, %get3A_681] {strides = array<i32>} : memref<1x64xf32, #tpu.memory_space<vmem>>, vector<1x16xf32>,
        %get3A_683 = vector.shape_cast %get3A_682 : vector<1x16xf32> to vector<16xf32>
        %add3A_684 = arith.addf %get3A_678, %get3A_683 : vector<16xf32>
        %get3A_685 = arith.constant 0 : i32
        %get3A_686 = arith.index_cast %get3A_685 : i32 to index
        %get3A_687 = arith.constant 16 : index
        %get3A_688 = tpu.vector_load %arg10[%get3A_686, %get3A_687] {strides = array<i32>} : memref<1x64xf32, #tpu.memory_space<vmem>>, vector<1x16xf32>,
        %get3A_689 = vector.shape_cast %get3A_688 : vector<1x16xf32> to vector<16xf32>
        %mul3A_690 = arith.mulf %broadcast_in_dim3A_650, %get3A_689 : vector<16xf32>
        %add3A_691 = arith.addf %add3A_684, %mul3A_690 : vector<16xf32>
        %swap3A_692 = arith.index_cast %add3A_652 : i32 to index
        %swap3A_693 = arith.constant 16 : index
        %swap3A_694 = tpu.vector_load %arg13[%swap3A_692, %swap3A_693] {strides = array<i32>} : memref<128x64xf32, #tpu.memory_space<vmem>>, vector<1x16xf32>,
        %swap3A_695 = vector.shape_cast %swap3A_694 : vector<1x16xf32> to vector<16xf32>
        %swap3A_696 = vector.shape_cast %add3A_691 : vector<16xf32> to vector<1x16xf32>
        tpu.vector_store %arg13[%swap3A_692, %swap3A_693], %swap3A_696 {strides = array<i32>} : memref<128x64xf32, #tpu.memory_space<vmem>>, vector<1x16xf32>,
        %get3A_697 = arith.index_cast %add3A_652 : i32 to index
        %get3A_698 = arith.constant 32 : index
        %get3A_699 = tpu.vector_load %arg11[%get3A_697, %get3A_698] {strides = array<i32>} : memref<128x64xf32, #tpu.memory_space<vmem>>, vector<1x16xf32>,
        %get3A_700 = vector.shape_cast %get3A_699 : vector<1x16xf32> to vector<16xf32>
        %get3A_701 = arith.constant 0 : i32
        %get3A_702 = arith.index_cast %get3A_701 : i32 to index
        %get3A_703 = arith.constant 32 : index
        %get3A_704 = tpu.vector_load %arg17[%get3A_702, %get3A_703] {strides = array<i32>} : memref<1x64xf32, #tpu.memory_space<vmem>>, vector<1x16xf32>,
        %get3A_705 = vector.shape_cast %get3A_704 : vector<1x16xf32> to vector<16xf32>
        %add3A_706 = arith.addf %get3A_700, %get3A_705 : vector<16xf32>
        %get3A_707 = arith.constant 0 : i32
        %get3A_708 = arith.index_cast %get3A_707 : i32 to index
        %get3A_709 = arith.constant 32 : index
        %get3A_710 = tpu.vector_load %arg10[%get3A_708, %get3A_709] {strides = array<i32>} : memref<1x64xf32, #tpu.memory_space<vmem>>, vector<1x16xf32>,
        %get3A_711 = vector.shape_cast %get3A_710 : vector<1x16xf32> to vector<16xf32>
        %mul3A_712 = arith.mulf %broadcast_in_dim3A_650, %get3A_711 : vector<16xf32>
        %add3A_713 = arith.addf %add3A_706, %mul3A_712 : vector<16xf32>
        %swap3A_714 = arith.index_cast %add3A_652 : i32 to index
        %swap3A_715 = arith.constant 32 : index
        %swap3A_716 = tpu.vector_load %arg13[%swap3A_714, %swap3A_715] {strides = array<i32>} : memref<128x64xf32, #tpu.memory_space<vmem>>, vector<1x16xf32>,
        %swap3A_717 = vector.shape_cast %swap3A_716 : vector<1x16xf32> to vector<16xf32>
        %swap3A_718 = vector.shape_cast %add3A_713 : vector<16xf32> to vector<1x16xf32>
        tpu.vector_store %arg13[%swap3A_714, %swap3A_715], %swap3A_718 {strides = array<i32>} : memref<128x64xf32, #tpu.memory_space<vmem>>, vector<1x16xf32>,
        %get3A_719 = arith.index_cast %add3A_652 : i32 to index
        %get3A_720 = arith.constant 48 : index
        %get3A_721 = tpu.vector_load %arg11[%get3A_719, %get3A_720] {strides = array<i32>} : memref<128x64xf32, #tpu.memory_space<vmem>>, vector<1x16xf32>,
        %get3A_722 = vector.shape_cast %get3A_721 : vector<1x16xf32> to vector<16xf32>
        %get3A_723 = arith.constant 0 : i32
        %get3A_724 = arith.index_cast %get3A_723 : i32 to index
        %get3A_725 = arith.constant 48 : index
        %get3A_726 = tpu.vector_load %arg17[%get3A_724, %get3A_725] {strides = array<i32>} : memref<1x64xf32, #tpu.memory_space<vmem>>, vector<1x16xf32>,
        %get3A_727 = vector.shape_cast %get3A_726 : vector<1x16xf32> to vector<16xf32>
        %add3A_728 = arith.addf %get3A_722, %get3A_727 : vector<16xf32>
        %get3A_729 = arith.constant 0 : i32
        %get3A_730 = arith.index_cast %get3A_729 : i32 to index
        %get3A_731 = arith.constant 48 : index
        %get3A_732 = tpu.vector_load %arg10[%get3A_730, %get3A_731] {strides = array<i32>} : memref<1x64xf32, #tpu.memory_space<vmem>>, vector<1x16xf32>,
        %get3A_733 = vector.shape_cast %get3A_732 : vector<1x16xf32> to vector<16xf32>
        %mul3A_734 = arith.mulf %broadcast_in_dim3A_650, %get3A_733 : vector<16xf32>
        %add3A_735 = arith.addf %add3A_728, %mul3A_734 : vector<16xf32>
        %swap3A_736 = arith.index_cast %add3A_652 : i32 to index
        %swap3A_737 = arith.constant 48 : index
        %swap3A_738 = tpu.vector_load %arg13[%swap3A_736, %swap3A_737] {strides = array<i32>} : memref<128x64xf32, #tpu.memory_space<vmem>>, vector<1x16xf32>,
        %swap3A_739 = vector.shape_cast %swap3A_738 : vector<1x16xf32> to vector<16xf32>
        %swap3A_740 = vector.shape_cast %add3A_735 : vector<16xf32> to vector<1x16xf32>
        tpu.vector_store %arg13[%swap3A_736, %swap3A_737], %swap3A_740 {strides = array<i32>} : memref<128x64xf32, #tpu.memory_space<vmem>>, vector<1x16xf32>,
        %slice3A_741 = vector.extract_strided_slice %convert_element_type3A_371 {offsets = [4], sizes = [1], strides = [1]} : vector<16xf32> to vector<1xf32>
        %squeeze3A_742 = vector.extract %slice3A_741[0] : f32 from vector<1xf32>
        %broadcast_in_dim3A_743 = vector.broadcast %squeeze3A_742 : f32 to vector<16xf32>
        %add3A_744 = arith.constant 4 : i32
        %add3A_745 = arith.addi %mul3A_367, %add3A_744 : i32
        %get3A_746 = arith.index_cast %add3A_745 : i32 to index
        %get3A_747 = arith.constant 0 : index
        %get3A_748 = tpu.vector_load %arg11[%get3A_746, %get3A_747] {strides = array<i32>} : memref<128x64xf32, #tpu.memory_space<vmem>>, vector<1x16xf32>,
        %get3A_749 = vector.shape_cast %get3A_748 : vector<1x16xf32> to vector<16xf32>
        %get3A_750 = arith.constant 0 : i32
        %get3A_751 = arith.index_cast %get3A_750 : i32 to index
        %get3A_752 = arith.constant 0 : index
        %get3A_753 = tpu.vector_load %arg17[%get3A_751, %get3A_752] {strides = array<i32>} : memref<1x64xf32, #tpu.memory_space<vmem>>, vector<1x16xf32>,
        %get3A_754 = vector.shape_cast %get3A_753 : vector<1x16xf32> to vector<16xf32>
        %add3A_755 = arith.addf %get3A_749, %get3A_754 : vector<16xf32>
        %get3A_756 = arith.constant 0 : i32
        %get3A_757 = arith.index_cast %get3A_756 : i32 to index
        %get3A_758 = arith.constant 0 : index
        %get3A_759 = tpu.vector_load %arg10[%get3A_757, %get3A_758] {strides = array<i32>} : memref<1x64xf32, #tpu.memory_space<vmem>>, vector<1x16xf32>,
        %get3A_760 = vector.shape_cast %get3A_759 : vector<1x16xf32> to vector<16xf32>
        %mul3A_761 = arith.mulf %broadcast_in_dim3A_743, %get3A_760 : vector<16xf32>
        %add3A_762 = arith.addf %add3A_755, %mul3A_761 : vector<16xf32>
        %swap3A_763 = arith.index_cast %add3A_745 : i32 to index
        %swap3A_764 = arith.constant 0 : index
        %swap3A_765 = tpu.vector_load %arg13[%swap3A_763, %swap3A_764] {strides = array<i32>} : memref<128x64xf32, #tpu.memory_space<vmem>>, vector<1x16xf32>,
        %swap3A_766 = vector.shape_cast %swap3A_765 : vector<1x16xf32> to vector<16xf32>
        %swap3A_767 = vector.shape_cast %add3A_762 : vector<16xf32> to vector<1x16xf32>
        tpu.vector_store %arg13[%swap3A_763, %swap3A_764], %swap3A_767 {strides = array<i32>} : memref<128x64xf32, #tpu.memory_space<vmem>>, vector<1x16xf32>,
        %get3A_768 = arith.index_cast %add3A_745 : i32 to index
        %get3A_769 = arith.constant 16 : index
        %get3A_770 = tpu.vector_load %arg11[%get3A_768, %get3A_769] {strides = array<i32>} : memref<128x64xf32, #tpu.memory_space<vmem>>, vector<1x16xf32>,
        %get3A_771 = vector.shape_cast %get3A_770 : vector<1x16xf32> to vector<16xf32>
        %get3A_772 = arith.constant 0 : i32
        %get3A_773 = arith.index_cast %get3A_772 : i32 to index
        %get3A_774 = arith.constant 16 : index
        %get3A_775 = tpu.vector_load %arg17[%get3A_773, %get3A_774] {strides = array<i32>} : memref<1x64xf32, #tpu.memory_space<vmem>>, vector<1x16xf32>,
        %get3A_776 = vector.shape_cast %get3A_775 : vector<1x16xf32> to vector<16xf32>
        %add3A_777 = arith.addf %get3A_771, %get3A_776 : vector<16xf32>
        %get3A_778 = arith.constant 0 : i32
        %get3A_779 = arith.index_cast %get3A_778 : i32 to index
        %get3A_780 = arith.constant 16 : index
        %get3A_781 = tpu.vector_load %arg10[%get3A_779, %get3A_780] {strides = array<i32>} : memref<1x64xf32, #tpu.memory_space<vmem>>, vector<1x16xf32>,
        %get3A_782 = vector.shape_cast %get3A_781 : vector<1x16xf32> to vector<16xf32>
        %mul3A_783 = arith.mulf %broadcast_in_dim3A_743, %get3A_782 : vector<16xf32>
        %add3A_784 = arith.addf %add3A_777, %mul3A_783 : vector<16xf32>
        %swap3A_785 = arith.index_cast %add3A_745 : i32 to index
        %swap3A_786 = arith.constant 16 : index
        %swap3A_787 = tpu.vector_load %arg13[%swap3A_785, %swap3A_786] {strides = array<i32>} : memref<128x64xf32, #tpu.memory_space<vmem>>, vector<1x16xf32>,
        %swap3A_788 = vector.shape_cast %swap3A_787 : vector<1x16xf32> to vector<16xf32>
        %swap3A_789 = vector.shape_cast %add3A_784 : vector<16xf32> to vector<1x16xf32>
        tpu.vector_store %arg13[%swap3A_785, %swap3A_786], %swap3A_789 {strides = array<i32>} : memref<128x64xf32, #tpu.memory_space<vmem>>, vector<1x16xf32>,
        %get3A_790 = arith.index_cast %add3A_745 : i32 to index
        %get3A_791 = arith.constant 32 : index
        %get3A_792 = tpu.vector_load %arg11[%get3A_790, %get3A_791] {strides = array<i32>} : memref<128x64xf32, #tpu.memory_space<vmem>>, vector<1x16xf32>,
        %get3A_793 = vector.shape_cast %get3A_792 : vector<1x16xf32> to vector<16xf32>
        %get3A_794 = arith.constant 0 : i32
        %get3A_795 = arith.index_cast %get3A_794 : i32 to index
        %get3A_796 = arith.constant 32 : index
        %get3A_797 = tpu.vector_load %arg17[%get3A_795, %get3A_796] {strides = array<i32>} : memref<1x64xf32, #tpu.memory_space<vmem>>, vector<1x16xf32>,
        %get3A_798 = vector.shape_cast %get3A_797 : vector<1x16xf32> to vector<16xf32>
        %add3A_799 = arith.addf %get3A_793, %get3A_798 : vector<16xf32>
        %get3A_800 = arith.constant 0 : i32
        %get3A_801 = arith.index_cast %get3A_800 : i32 to index
        %get3A_802 = arith.constant 32 : index
        %get3A_803 = tpu.vector_load %arg10[%get3A_801, %get3A_802] {strides = array<i32>} : memref<1x64xf32, #tpu.memory_space<vmem>>, vector<1x16xf32>,
        %get3A_804 = vector.shape_cast %get3A_803 : vector<1x16xf32> to vector<16xf32>
        %mul3A_805 = arith.mulf %broadcast_in_dim3A_743, %get3A_804 : vector<16xf32>
        %add3A_806 = arith.addf %add3A_799, %mul3A_805 : vector<16xf32>
        %swap3A_807 = arith.index_cast %add3A_745 : i32 to index
        %swap3A_808 = arith.constant 32 : index
        %swap3A_809 = tpu.vector_load %arg13[%swap3A_807, %swap3A_808] {strides = array<i32>} : memref<128x64xf32, #tpu.memory_space<vmem>>, vector<1x16xf32>,
        %swap3A_810 = vector.shape_cast %swap3A_809 : vector<1x16xf32> to vector<16xf32>
        %swap3A_811 = vector.shape_cast %add3A_806 : vector<16xf32> to vector<1x16xf32>
        tpu.vector_store %arg13[%swap3A_807, %swap3A_808], %swap3A_811 {strides = array<i32>} : memref<128x64xf32, #tpu.memory_space<vmem>>, vector<1x16xf32>,
        %get3A_812 = arith.index_cast %add3A_745 : i32 to index
        %get3A_813 = arith.constant 48 : index
        %get3A_814 = tpu.vector_load %arg11[%get3A_812, %get3A_813] {strides = array<i32>} : memref<128x64xf32, #tpu.memory_space<vmem>>, vector<1x16xf32>,
        %get3A_815 = vector.shape_cast %get3A_814 : vector<1x16xf32> to vector<16xf32>
        %get3A_816 = arith.constant 0 : i32
        %get3A_817 = arith.index_cast %get3A_816 : i32 to index
        %get3A_818 = arith.constant 48 : index
        %get3A_819 = tpu.vector_load %arg17[%get3A_817, %get3A_818] {strides = array<i32>} : memref<1x64xf32, #tpu.memory_space<vmem>>, vector<1x16xf32>,
        %get3A_820 = vector.shape_cast %get3A_819 : vector<1x16xf32> to vector<16xf32>
        %add3A_821 = arith.addf %get3A_815, %get3A_820 : vector<16xf32>
        %get3A_822 = arith.constant 0 : i32
        %get3A_823 = arith.index_cast %get3A_822 : i32 to index
        %get3A_824 = arith.constant 48 : index
        %get3A_825 = tpu.vector_load %arg10[%get3A_823, %get3A_824] {strides = array<i32>} : memref<1x64xf32, #tpu.memory_space<vmem>>, vector<1x16xf32>,
        %get3A_826 = vector.shape_cast %get3A_825 : vector<1x16xf32> to vector<16xf32>
        %mul3A_827 = arith.mulf %broadcast_in_dim3A_743, %get3A_826 : vector<16xf32>
        %add3A_828 = arith.addf %add3A_821, %mul3A_827 : vector<16xf32>
        %swap3A_829 = arith.index_cast %add3A_745 : i32 to index
        %swap3A_830 = arith.constant 48 : index
        %swap3A_831 = tpu.vector_load %arg13[%swap3A_829, %swap3A_830] {strides = array<i32>} : memref<128x64xf32, #tpu.memory_space<vmem>>, vector<1x16xf32>,
        %swap3A_832 = vector.shape_cast %swap3A_831 : vector<1x16xf32> to vector<16xf32>
        %swap3A_833 = vector.shape_cast %add3A_828 : vector<16xf32> to vector<1x16xf32>
        tpu.vector_store %arg13[%swap3A_829, %swap3A_830], %swap3A_833 {strides = array<i32>} : memref<128x64xf32, #tpu.memory_space<vmem>>, vector<1x16xf32>,
        %slice3A_834 = vector.extract_strided_slice %convert_element_type3A_371 {offsets = [5], sizes = [1], strides = [1]} : vector<16xf32> to vector<1xf32>
        %squeeze3A_835 = vector.extract %slice3A_834[0] : f32 from vector<1xf32>
        %broadcast_in_dim3A_836 = vector.broadcast %squeeze3A_835 : f32 to vector<16xf32>
        %add3A_837 = arith.constant 5 : i32
        %add3A_838 = arith.addi %mul3A_367, %add3A_837 : i32
        %get3A_839 = arith.index_cast %add3A_838 : i32 to index
        %get3A_840 = arith.constant 0 : index
        %get3A_841 = tpu.vector_load %arg11[%get3A_839, %get3A_840] {strides = array<i32>} : memref<128x64xf32, #tpu.memory_space<vmem>>, vector<1x16xf32>,
        %get3A_842 = vector.shape_cast %get3A_841 : vector<1x16xf32> to vector<16xf32>
        %get3A_843 = arith.constant 0 : i32
        %get3A_844 = arith.index_cast %get3A_843 : i32 to index
        %get3A_845 = arith.constant 0 : index
        %get3A_846 = tpu.vector_load %arg17[%get3A_844, %get3A_845] {strides = array<i32>} : memref<1x64xf32, #tpu.memory_space<vmem>>, vector<1x16xf32>,
        %get3A_847 = vector.shape_cast %get3A_846 : vector<1x16xf32> to vector<16xf32>
        %add3A_848 = arith.addf %get3A_842, %get3A_847 : vector<16xf32>
        %get3A_849 = arith.constant 0 : i32
        %get3A_850 = arith.index_cast %get3A_849 : i32 to index
        %get3A_851 = arith.constant 0 : index
        %get3A_852 = tpu.vector_load %arg10[%get3A_850, %get3A_851] {strides = array<i32>} : memref<1x64xf32, #tpu.memory_space<vmem>>, vector<1x16xf32>,
        %get3A_853 = vector.shape_cast %get3A_852 : vector<1x16xf32> to vector<16xf32>
        %mul3A_854 = arith.mulf %broadcast_in_dim3A_836, %get3A_853 : vector<16xf32>
        %add3A_855 = arith.addf %add3A_848, %mul3A_854 : vector<16xf32>
        %swap3A_856 = arith.index_cast %add3A_838 : i32 to index
        %swap3A_857 = arith.constant 0 : index
        %swap3A_858 = tpu.vector_load %arg13[%swap3A_856, %swap3A_857] {strides = array<i32>} : memref<128x64xf32, #tpu.memory_space<vmem>>, vector<1x16xf32>,
        %swap3A_859 = vector.shape_cast %swap3A_858 : vector<1x16xf32> to vector<16xf32>
        %swap3A_860 = vector.shape_cast %add3A_855 : vector<16xf32> to vector<1x16xf32>
        tpu.vector_store %arg13[%swap3A_856, %swap3A_857], %swap3A_860 {strides = array<i32>} : memref<128x64xf32, #tpu.memory_space<vmem>>, vector<1x16xf32>,
        %get3A_861 = arith.index_cast %add3A_838 : i32 to index
        %get3A_862 = arith.constant 16 : index
        %get3A_863 = tpu.vector_load %arg11[%get3A_861, %get3A_862] {strides = array<i32>} : memref<128x64xf32, #tpu.memory_space<vmem>>, vector<1x16xf32>,
        %get3A_864 = vector.shape_cast %get3A_863 : vector<1x16xf32> to vector<16xf32>
        %get3A_865 = arith.constant 0 : i32
        %get3A_866 = arith.index_cast %get3A_865 : i32 to index
        %get3A_867 = arith.constant 16 : index
        %get3A_868 = tpu.vector_load %arg17[%get3A_866, %get3A_867] {strides = array<i32>} : memref<1x64xf32, #tpu.memory_space<vmem>>, vector<1x16xf32>,
        %get3A_869 = vector.shape_cast %get3A_868 : vector<1x16xf32> to vector<16xf32>
        %add3A_870 = arith.addf %get3A_864, %get3A_869 : vector<16xf32>
        %get3A_871 = arith.constant 0 : i32
        %get3A_872 = arith.index_cast %get3A_871 : i32 to index
        %get3A_873 = arith.constant 16 : index
        %get3A_874 = tpu.vector_load %arg10[%get3A_872, %get3A_873] {strides = array<i32>} : memref<1x64xf32, #tpu.memory_space<vmem>>, vector<1x16xf32>,
        %get3A_875 = vector.shape_cast %get3A_874 : vector<1x16xf32> to vector<16xf32>
        %mul3A_876 = arith.mulf %broadcast_in_dim3A_836, %get3A_875 : vector<16xf32>
        %add3A_877 = arith.addf %add3A_870, %mul3A_876 : vector<16xf32>
        %swap3A_878 = arith.index_cast %add3A_838 : i32 to index
        %swap3A_879 = arith.constant 16 : index
        %swap3A_880 = tpu.vector_load %arg13[%swap3A_878, %swap3A_879] {strides = array<i32>} : memref<128x64xf32, #tpu.memory_space<vmem>>, vector<1x16xf32>,
        %swap3A_881 = vector.shape_cast %swap3A_880 : vector<1x16xf32> to vector<16xf32>
        %swap3A_882 = vector.shape_cast %add3A_877 : vector<16xf32> to vector<1x16xf32>
        tpu.vector_store %arg13[%swap3A_878, %swap3A_879], %swap3A_882 {strides = array<i32>} : memref<128x64xf32, #tpu.memory_space<vmem>>, vector<1x16xf32>,
        %get3A_883 = arith.index_cast %add3A_838 : i32 to index
        %get3A_884 = arith.constant 32 : index
        %get3A_885 = tpu.vector_load %arg11[%get3A_883, %get3A_884] {strides = array<i32>} : memref<128x64xf32, #tpu.memory_space<vmem>>, vector<1x16xf32>,
        %get3A_886 = vector.shape_cast %get3A_885 : vector<1x16xf32> to vector<16xf32>
        %get3A_887 = arith.constant 0 : i32
        %get3A_888 = arith.index_cast %get3A_887 : i32 to index
        %get3A_889 = arith.constant 32 : index
        %get3A_890 = tpu.vector_load %arg17[%get3A_888, %get3A_889] {strides = array<i32>} : memref<1x64xf32, #tpu.memory_space<vmem>>, vector<1x16xf32>,
        %get3A_891 = vector.shape_cast %get3A_890 : vector<1x16xf32> to vector<16xf32>
        %add3A_892 = arith.addf %get3A_886, %get3A_891 : vector<16xf32>
        %get3A_893 = arith.constant 0 : i32
        %get3A_894 = arith.index_cast %get3A_893 : i32 to index
        %get3A_895 = arith.constant 32 : index
        %get3A_896 = tpu.vector_load %arg10[%get3A_894, %get3A_895] {strides = array<i32>} : memref<1x64xf32, #tpu.memory_space<vmem>>, vector<1x16xf32>,
        %get3A_897 = vector.shape_cast %get3A_896 : vector<1x16xf32> to vector<16xf32>
        %mul3A_898 = arith.mulf %broadcast_in_dim3A_836, %get3A_897 : vector<16xf32>
        %add3A_899 = arith.addf %add3A_892, %mul3A_898 : vector<16xf32>
        %swap3A_900 = arith.index_cast %add3A_838 : i32 to index
        %swap3A_901 = arith.constant 32 : index
        %swap3A_902 = tpu.vector_load %arg13[%swap3A_900, %swap3A_901] {strides = array<i32>} : memref<128x64xf32, #tpu.memory_space<vmem>>, vector<1x16xf32>,
        %swap3A_903 = vector.shape_cast %swap3A_902 : vector<1x16xf32> to vector<16xf32>
        %swap3A_904 = vector.shape_cast %add3A_899 : vector<16xf32> to vector<1x16xf32>
        tpu.vector_store %arg13[%swap3A_900, %swap3A_901], %swap3A_904 {strides = array<i32>} : memref<128x64xf32, #tpu.memory_space<vmem>>, vector<1x16xf32>,
        %get3A_905 = arith.index_cast %add3A_838 : i32 to index
        %get3A_906 = arith.constant 48 : index
        %get3A_907 = tpu.vector_load %arg11[%get3A_905, %get3A_906] {strides = array<i32>} : memref<128x64xf32, #tpu.memory_space<vmem>>, vector<1x16xf32>,
        %get3A_908 = vector.shape_cast %get3A_907 : vector<1x16xf32> to vector<16xf32>
        %get3A_909 = arith.constant 0 : i32
        %get3A_910 = arith.index_cast %get3A_909 : i32 to index
        %get3A_911 = arith.constant 48 : index
        %get3A_912 = tpu.vector_load %arg17[%get3A_910, %get3A_911] {strides = array<i32>} : memref<1x64xf32, #tpu.memory_space<vmem>>, vector<1x16xf32>,
        %get3A_913 = vector.shape_cast %get3A_912 : vector<1x16xf32> to vector<16xf32>
        %add3A_914 = arith.addf %get3A_908, %get3A_913 : vector<16xf32>
        %get3A_915 = arith.constant 0 : i32
        %get3A_916 = arith.index_cast %get3A_915 : i32 to index
        %get3A_917 = arith.constant 48 : index
        %get3A_918 = tpu.vector_load %arg10[%get3A_916, %get3A_917] {strides = array<i32>} : memref<1x64xf32, #tpu.memory_space<vmem>>, vector<1x16xf32>,
        %get3A_919 = vector.shape_cast %get3A_918 : vector<1x16xf32> to vector<16xf32>
        %mul3A_920 = arith.mulf %broadcast_in_dim3A_836, %get3A_919 : vector<16xf32>
        %add3A_921 = arith.addf %add3A_914, %mul3A_920 : vector<16xf32>
        %swap3A_922 = arith.index_cast %add3A_838 : i32 to index
        %swap3A_923 = arith.constant 48 : index
        %swap3A_924 = tpu.vector_load %arg13[%swap3A_922, %swap3A_923] {strides = array<i32>} : memref<128x64xf32, #tpu.memory_space<vmem>>, vector<1x16xf32>,
        %swap3A_925 = vector.shape_cast %swap3A_924 : vector<1x16xf32> to vector<16xf32>
        %swap3A_926 = vector.shape_cast %add3A_921 : vector<16xf32> to vector<1x16xf32>
        tpu.vector_store %arg13[%swap3A_922, %swap3A_923], %swap3A_926 {strides = array<i32>} : memref<128x64xf32, #tpu.memory_space<vmem>>, vector<1x16xf32>,
        %slice3A_927 = vector.extract_strided_slice %convert_element_type3A_371 {offsets = [6], sizes = [1], strides = [1]} : vector<16xf32> to vector<1xf32>
        %squeeze3A_928 = vector.extract %slice3A_927[0] : f32 from vector<1xf32>
        %broadcast_in_dim3A_929 = vector.broadcast %squeeze3A_928 : f32 to vector<16xf32>
        %add3A_930 = arith.constant 6 : i32
        %add3A_931 = arith.addi %mul3A_367, %add3A_930 : i32
        %get3A_932 = arith.index_cast %add3A_931 : i32 to index
        %get3A_933 = arith.constant 0 : index
        %get3A_934 = tpu.vector_load %arg11[%get3A_932, %get3A_933] {strides = array<i32>} : memref<128x64xf32, #tpu.memory_space<vmem>>, vector<1x16xf32>,
        %get3A_935 = vector.shape_cast %get3A_934 : vector<1x16xf32> to vector<16xf32>
        %get3A_936 = arith.constant 0 : i32
        %get3A_937 = arith.index_cast %get3A_936 : i32 to index
        %get3A_938 = arith.constant 0 : index
        %get3A_939 = tpu.vector_load %arg17[%get3A_937, %get3A_938] {strides = array<i32>} : memref<1x64xf32, #tpu.memory_space<vmem>>, vector<1x16xf32>,
        %get3A_940 = vector.shape_cast %get3A_939 : vector<1x16xf32> to vector<16xf32>
        %add3A_941 = arith.addf %get3A_935, %get3A_940 : vector<16xf32>
        %get3A_942 = arith.constant 0 : i32
        %get3A_943 = arith.index_cast %get3A_942 : i32 to index
        %get3A_944 = arith.constant 0 : index
        %get3A_945 = tpu.vector_load %arg10[%get3A_943, %get3A_944] {strides = array<i32>} : memref<1x64xf32, #tpu.memory_space<vmem>>, vector<1x16xf32>,
        %get3A_946 = vector.shape_cast %get3A_945 : vector<1x16xf32> to vector<16xf32>
        %mul3A_947 = arith.mulf %broadcast_in_dim3A_929, %get3A_946 : vector<16xf32>
        %add3A_948 = arith.addf %add3A_941, %mul3A_947 : vector<16xf32>
        %swap3A_949 = arith.index_cast %add3A_931 : i32 to index
        %swap3A_950 = arith.constant 0 : index
        %swap3A_951 = tpu.vector_load %arg13[%swap3A_949, %swap3A_950] {strides = array<i32>} : memref<128x64xf32, #tpu.memory_space<vmem>>, vector<1x16xf32>,
        %swap3A_952 = vector.shape_cast %swap3A_951 : vector<1x16xf32> to vector<16xf32>
        %swap3A_953 = vector.shape_cast %add3A_948 : vector<16xf32> to vector<1x16xf32>
        tpu.vector_store %arg13[%swap3A_949, %swap3A_950], %swap3A_953 {strides = array<i32>} : memref<128x64xf32, #tpu.memory_space<vmem>>, vector<1x16xf32>,
        %get3A_954 = arith.index_cast %add3A_931 : i32 to index
        %get3A_955 = arith.constant 16 : index
        %get3A_956 = tpu.vector_load %arg11[%get3A_954, %get3A_955] {strides = array<i32>} : memref<128x64xf32, #tpu.memory_space<vmem>>, vector<1x16xf32>,
        %get3A_957 = vector.shape_cast %get3A_956 : vector<1x16xf32> to vector<16xf32>
        %get3A_958 = arith.constant 0 : i32
        %get3A_959 = arith.index_cast %get3A_958 : i32 to index
        %get3A_960 = arith.constant 16 : index
        %get3A_961 = tpu.vector_load %arg17[%get3A_959, %get3A_960] {strides = array<i32>} : memref<1x64xf32, #tpu.memory_space<vmem>>, vector<1x16xf32>,
        %get3A_962 = vector.shape_cast %get3A_961 : vector<1x16xf32> to vector<16xf32>
        %add3A_963 = arith.addf %get3A_957, %get3A_962 : vector<16xf32>
        %get3A_964 = arith.constant 0 : i32
        %get3A_965 = arith.index_cast %get3A_964 : i32 to index
        %get3A_966 = arith.constant 16 : index
        %get3A_967 = tpu.vector_load %arg10[%get3A_965, %get3A_966] {strides = array<i32>} : memref<1x64xf32, #tpu.memory_space<vmem>>, vector<1x16xf32>,
        %get3A_968 = vector.shape_cast %get3A_967 : vector<1x16xf32> to vector<16xf32>
        %mul3A_969 = arith.mulf %broadcast_in_dim3A_929, %get3A_968 : vector<16xf32>
        %add3A_970 = arith.addf %add3A_963, %mul3A_969 : vector<16xf32>
        %swap3A_971 = arith.index_cast %add3A_931 : i32 to index
        %swap3A_972 = arith.constant 16 : index
        %swap3A_973 = tpu.vector_load %arg13[%swap3A_971, %swap3A_972] {strides = array<i32>} : memref<128x64xf32, #tpu.memory_space<vmem>>, vector<1x16xf32>,
        %swap3A_974 = vector.shape_cast %swap3A_973 : vector<1x16xf32> to vector<16xf32>
        %swap3A_975 = vector.shape_cast %add3A_970 : vector<16xf32> to vector<1x16xf32>
        tpu.vector_store %arg13[%swap3A_971, %swap3A_972], %swap3A_975 {strides = array<i32>} : memref<128x64xf32, #tpu.memory_space<vmem>>, vector<1x16xf32>,
        %get3A_976 = arith.index_cast %add3A_931 : i32 to index
        %get3A_977 = arith.constant 32 : index
        %get3A_978 = tpu.vector_load %arg11[%get3A_976, %get3A_977] {strides = array<i32>} : memref<128x64xf32, #tpu.memory_space<vmem>>, vector<1x16xf32>,
        %get3A_979 = vector.shape_cast %get3A_978 : vector<1x16xf32> to vector<16xf32>
        %get3A_980 = arith.constant 0 : i32
        %get3A_981 = arith.index_cast %get3A_980 : i32 to index
        %get3A_982 = arith.constant 32 : index
        %get3A_983 = tpu.vector_load %arg17[%get3A_981, %get3A_982] {strides = array<i32>} : memref<1x64xf32, #tpu.memory_space<vmem>>, vector<1x16xf32>,
        %get3A_984 = vector.shape_cast %get3A_983 : vector<1x16xf32> to vector<16xf32>
        %add3A_985 = arith.addf %get3A_979, %get3A_984 : vector<16xf32>
        %get3A_986 = arith.constant 0 : i32
        %get3A_987 = arith.index_cast %get3A_986 : i32 to index
        %get3A_988 = arith.constant 32 : index
        %get3A_989 = tpu.vector_load %arg10[%get3A_987, %get3A_988] {strides = array<i32>} : memref<1x64xf32, #tpu.memory_space<vmem>>, vector<1x16xf32>,
        %get3A_990 = vector.shape_cast %get3A_989 : vector<1x16xf32> to vector<16xf32>
        %mul3A_991 = arith.mulf %broadcast_in_dim3A_929, %get3A_990 : vector<16xf32>
        %add3A_992 = arith.addf %add3A_985, %mul3A_991 : vector<16xf32>
        %swap3A_993 = arith.index_cast %add3A_931 : i32 to index
        %swap3A_994 = arith.constant 32 : index
        %swap3A_995 = tpu.vector_load %arg13[%swap3A_993, %swap3A_994] {strides = array<i32>} : memref<128x64xf32, #tpu.memory_space<vmem>>, vector<1x16xf32>,
        %swap3A_996 = vector.shape_cast %swap3A_995 : vector<1x16xf32> to vector<16xf32>
        %swap3A_997 = vector.shape_cast %add3A_992 : vector<16xf32> to vector<1x16xf32>
        tpu.vector_store %arg13[%swap3A_993, %swap3A_994], %swap3A_997 {strides = array<i32>} : memref<128x64xf32, #tpu.memory_space<vmem>>, vector<1x16xf32>,
        %get3A_998 = arith.index_cast %add3A_931 : i32 to index
        %get3A_999 = arith.constant 48 : index
        %get3A_1000 = tpu.vector_load %arg11[%get3A_998, %get3A_999] {strides = array<i32>} : memref<128x64xf32, #tpu.memory_space<vmem>>, vector<1x16xf32>,
        %get3A_1001 = vector.shape_cast %get3A_1000 : vector<1x16xf32> to vector<16xf32>
        %get3A_1002 = arith.constant 0 : i32
        %get3A_1003 = arith.index_cast %get3A_1002 : i32 to index
        %get3A_1004 = arith.constant 48 : index
        %get3A_1005 = tpu.vector_load %arg17[%get3A_1003, %get3A_1004] {strides = array<i32>} : memref<1x64xf32, #tpu.memory_space<vmem>>, vector<1x16xf32>,
        %get3A_1006 = vector.shape_cast %get3A_1005 : vector<1x16xf32> to vector<16xf32>
        %add3A_1007 = arith.addf %get3A_1001, %get3A_1006 : vector<16xf32>
        %get3A_1008 = arith.constant 0 : i32
        %get3A_1009 = arith.index_cast %get3A_1008 : i32 to index
        %get3A_1010 = arith.constant 48 : index
        %get3A_1011 = tpu.vector_load %arg10[%get3A_1009, %get3A_1010] {strides = array<i32>} : memref<1x64xf32, #tpu.memory_space<vmem>>, vector<1x16xf32>,
        %get3A_1012 = vector.shape_cast %get3A_1011 : vector<1x16xf32> to vector<16xf32>
        %mul3A_1013 = arith.mulf %broadcast_in_dim3A_929, %get3A_1012 : vector<16xf32>
        %add3A_1014 = arith.addf %add3A_1007, %mul3A_1013 : vector<16xf32>
        %swap3A_1015 = arith.index_cast %add3A_931 : i32 to index
        %swap3A_1016 = arith.constant 48 : index
        %swap3A_1017 = tpu.vector_load %arg13[%swap3A_1015, %swap3A_1016] {strides = array<i32>} : memref<128x64xf32, #tpu.memory_space<vmem>>, vector<1x16xf32>,
        %swap3A_1018 = vector.shape_cast %swap3A_1017 : vector<1x16xf32> to vector<16xf32>
        %swap3A_1019 = vector.shape_cast %add3A_1014 : vector<16xf32> to vector<1x16xf32>
        tpu.vector_store %arg13[%swap3A_1015, %swap3A_1016], %swap3A_1019 {strides = array<i32>} : memref<128x64xf32, #tpu.memory_space<vmem>>, vector<1x16xf32>,
        %slice3A_1020 = vector.extract_strided_slice %convert_element_type3A_371 {offsets = [7], sizes = [1], strides = [1]} : vector<16xf32> to vector<1xf32>
        %squeeze3A_1021 = vector.extract %slice3A_1020[0] : f32 from vector<1xf32>
        %broadcast_in_dim3A_1022 = vector.broadcast %squeeze3A_1021 : f32 to vector<16xf32>
        %add3A_1023 = arith.constant 7 : i32
        %add3A_1024 = arith.addi %mul3A_367, %add3A_1023 : i32
        %get3A_1025 = arith.index_cast %add3A_1024 : i32 to index
        %get3A_1026 = arith.constant 0 : index
        %get3A_1027 = tpu.vector_load %arg11[%get3A_1025, %get3A_1026] {strides = array<i32>} : memref<128x64xf32, #tpu.memory_space<vmem>>, vector<1x16xf32>,
        %get3A_1028 = vector.shape_cast %get3A_1027 : vector<1x16xf32> to vector<16xf32>
        %get3A_1029 = arith.constant 0 : i32
        %get3A_1030 = arith.index_cast %get3A_1029 : i32 to index
        %get3A_1031 = arith.constant 0 : index
        %get3A_1032 = tpu.vector_load %arg17[%get3A_1030, %get3A_1031] {strides = array<i32>} : memref<1x64xf32, #tpu.memory_space<vmem>>, vector<1x16xf32>,
        %get3A_1033 = vector.shape_cast %get3A_1032 : vector<1x16xf32> to vector<16xf32>
        %add3A_1034 = arith.addf %get3A_1028, %get3A_1033 : vector<16xf32>
        %get3A_1035 = arith.constant 0 : i32
        %get3A_1036 = arith.index_cast %get3A_1035 : i32 to index
        %get3A_1037 = arith.constant 0 : index
        %get3A_1038 = tpu.vector_load %arg10[%get3A_1036, %get3A_1037] {strides = array<i32>} : memref<1x64xf32, #tpu.memory_space<vmem>>, vector<1x16xf32>,
        %get3A_1039 = vector.shape_cast %get3A_1038 : vector<1x16xf32> to vector<16xf32>
        %mul3A_1040 = arith.mulf %broadcast_in_dim3A_1022, %get3A_1039 : vector<16xf32>
        %add3A_1041 = arith.addf %add3A_1034, %mul3A_1040 : vector<16xf32>
        %swap3A_1042 = arith.index_cast %add3A_1024 : i32 to index
        %swap3A_1043 = arith.constant 0 : index
        %swap3A_1044 = tpu.vector_load %arg13[%swap3A_1042, %swap3A_1043] {strides = array<i32>} : memref<128x64xf32, #tpu.memory_space<vmem>>, vector<1x16xf32>,
        %swap3A_1045 = vector.shape_cast %swap3A_1044 : vector<1x16xf32> to vector<16xf32>
        %swap3A_1046 = vector.shape_cast %add3A_1041 : vector<16xf32> to vector<1x16xf32>
        tpu.vector_store %arg13[%swap3A_1042, %swap3A_1043], %swap3A_1046 {strides = array<i32>} : memref<128x64xf32, #tpu.memory_space<vmem>>, vector<1x16xf32>,
        %get3A_1047 = arith.index_cast %add3A_1024 : i32 to index
        %get3A_1048 = arith.constant 16 : index
        %get3A_1049 = tpu.vector_load %arg11[%get3A_1047, %get3A_1048] {strides = array<i32>} : memref<128x64xf32, #tpu.memory_space<vmem>>, vector<1x16xf32>,
        %get3A_1050 = vector.shape_cast %get3A_1049 : vector<1x16xf32> to vector<16xf32>
        %get3A_1051 = arith.constant 0 : i32
        %get3A_1052 = arith.index_cast %get3A_1051 : i32 to index
        %get3A_1053 = arith.constant 16 : index
        %get3A_1054 = tpu.vector_load %arg17[%get3A_1052, %get3A_1053] {strides = array<i32>} : memref<1x64xf32, #tpu.memory_space<vmem>>, vector<1x16xf32>,
        %get3A_1055 = vector.shape_cast %get3A_1054 : vector<1x16xf32> to vector<16xf32>
        %add3A_1056 = arith.addf %get3A_1050, %get3A_1055 : vector<16xf32>
        %get3A_1057 = arith.constant 0 : i32
        %get3A_1058 = arith.index_cast %get3A_1057 : i32 to index
        %get3A_1059 = arith.constant 16 : index
        %get3A_1060 = tpu.vector_load %arg10[%get3A_1058, %get3A_1059] {strides = array<i32>} : memref<1x64xf32, #tpu.memory_space<vmem>>, vector<1x16xf32>,
        %get3A_1061 = vector.shape_cast %get3A_1060 : vector<1x16xf32> to vector<16xf32>
        %mul3A_1062 = arith.mulf %broadcast_in_dim3A_1022, %get3A_1061 : vector<16xf32>
        %add3A_1063 = arith.addf %add3A_1056, %mul3A_1062 : vector<16xf32>
        %swap3A_1064 = arith.index_cast %add3A_1024 : i32 to index
        %swap3A_1065 = arith.constant 16 : index
        %swap3A_1066 = tpu.vector_load %arg13[%swap3A_1064, %swap3A_1065] {strides = array<i32>} : memref<128x64xf32, #tpu.memory_space<vmem>>, vector<1x16xf32>,
        %swap3A_1067 = vector.shape_cast %swap3A_1066 : vector<1x16xf32> to vector<16xf32>
        %swap3A_1068 = vector.shape_cast %add3A_1063 : vector<16xf32> to vector<1x16xf32>
        tpu.vector_store %arg13[%swap3A_1064, %swap3A_1065], %swap3A_1068 {strides = array<i32>} : memref<128x64xf32, #tpu.memory_space<vmem>>, vector<1x16xf32>,
        %get3A_1069 = arith.index_cast %add3A_1024 : i32 to index
        %get3A_1070 = arith.constant 32 : index
        %get3A_1071 = tpu.vector_load %arg11[%get3A_1069, %get3A_1070] {strides = array<i32>} : memref<128x64xf32, #tpu.memory_space<vmem>>, vector<1x16xf32>,
        %get3A_1072 = vector.shape_cast %get3A_1071 : vector<1x16xf32> to vector<16xf32>
        %get3A_1073 = arith.constant 0 : i32
        %get3A_1074 = arith.index_cast %get3A_1073 : i32 to index
        %get3A_1075 = arith.constant 32 : index
        %get3A_1076 = tpu.vector_load %arg17[%get3A_1074, %get3A_1075] {strides = array<i32>} : memref<1x64xf32, #tpu.memory_space<vmem>>, vector<1x16xf32>,
        %get3A_1077 = vector.shape_cast %get3A_1076 : vector<1x16xf32> to vector<16xf32>
        %add3A_1078 = arith.addf %get3A_1072, %get3A_1077 : vector<16xf32>
        %get3A_1079 = arith.constant 0 : i32
        %get3A_1080 = arith.index_cast %get3A_1079 : i32 to index
        %get3A_1081 = arith.constant 32 : index
        %get3A_1082 = tpu.vector_load %arg10[%get3A_1080, %get3A_1081] {strides = array<i32>} : memref<1x64xf32, #tpu.memory_space<vmem>>, vector<1x16xf32>,
        %get3A_1083 = vector.shape_cast %get3A_1082 : vector<1x16xf32> to vector<16xf32>
        %mul3A_1084 = arith.mulf %broadcast_in_dim3A_1022, %get3A_1083 : vector<16xf32>
        %add3A_1085 = arith.addf %add3A_1078, %mul3A_1084 : vector<16xf32>
        %swap3A_1086 = arith.index_cast %add3A_1024 : i32 to index
        %swap3A_1087 = arith.constant 32 : index
        %swap3A_1088 = tpu.vector_load %arg13[%swap3A_1086, %swap3A_1087] {strides = array<i32>} : memref<128x64xf32, #tpu.memory_space<vmem>>, vector<1x16xf32>,
        %swap3A_1089 = vector.shape_cast %swap3A_1088 : vector<1x16xf32> to vector<16xf32>
        %swap3A_1090 = vector.shape_cast %add3A_1085 : vector<16xf32> to vector<1x16xf32>
        tpu.vector_store %arg13[%swap3A_1086, %swap3A_1087], %swap3A_1090 {strides = array<i32>} : memref<128x64xf32, #tpu.memory_space<vmem>>, vector<1x16xf32>,
        %get3A_1091 = arith.index_cast %add3A_1024 : i32 to index
        %get3A_1092 = arith.constant 48 : index
        %get3A_1093 = tpu.vector_load %arg11[%get3A_1091, %get3A_1092] {strides = array<i32>} : memref<128x64xf32, #tpu.memory_space<vmem>>, vector<1x16xf32>,
        %get3A_1094 = vector.shape_cast %get3A_1093 : vector<1x16xf32> to vector<16xf32>
        %get3A_1095 = arith.constant 0 : i32
        %get3A_1096 = arith.index_cast %get3A_1095 : i32 to index
        %get3A_1097 = arith.constant 48 : index
        %get3A_1098 = tpu.vector_load %arg17[%get3A_1096, %get3A_1097] {strides = array<i32>} : memref<1x64xf32, #tpu.memory_space<vmem>>, vector<1x16xf32>,
        %get3A_1099 = vector.shape_cast %get3A_1098 : vector<1x16xf32> to vector<16xf32>
        %add3A_1100 = arith.addf %get3A_1094, %get3A_1099 : vector<16xf32>
        %get3A_1101 = arith.constant 0 : i32
        %get3A_1102 = arith.index_cast %get3A_1101 : i32 to index
        %get3A_1103 = arith.constant 48 : index
        %get3A_1104 = tpu.vector_load %arg10[%get3A_1102, %get3A_1103] {strides = array<i32>} : memref<1x64xf32, #tpu.memory_space<vmem>>, vector<1x16xf32>,
        %get3A_1105 = vector.shape_cast %get3A_1104 : vector<1x16xf32> to vector<16xf32>
        %mul3A_1106 = arith.mulf %broadcast_in_dim3A_1022, %get3A_1105 : vector<16xf32>
        %add3A_1107 = arith.addf %add3A_1100, %mul3A_1106 : vector<16xf32>
        %swap3A_1108 = arith.index_cast %add3A_1024 : i32 to index
        %swap3A_1109 = arith.constant 48 : index
        %swap3A_1110 = tpu.vector_load %arg13[%swap3A_1108, %swap3A_1109] {strides = array<i32>} : memref<128x64xf32, #tpu.memory_space<vmem>>, vector<1x16xf32>,
        %swap3A_1111 = vector.shape_cast %swap3A_1110 : vector<1x16xf32> to vector<16xf32>
        %swap3A_1112 = vector.shape_cast %add3A_1107 : vector<16xf32> to vector<1x16xf32>
        tpu.vector_store %arg13[%swap3A_1108, %swap3A_1109], %swap3A_1112 {strides = array<i32>} : memref<128x64xf32, #tpu.memory_space<vmem>>, vector<1x16xf32>,
        %slice3A_1113 = vector.extract_strided_slice %convert_element_type3A_371 {offsets = [8], sizes = [1], strides = [1]} : vector<16xf32> to vector<1xf32>
        %squeeze3A_1114 = vector.extract %slice3A_1113[0] : f32 from vector<1xf32>
        %broadcast_in_dim3A_1115 = vector.broadcast %squeeze3A_1114 : f32 to vector<16xf32>
        %add3A_1116 = arith.constant 8 : i32
        %add3A_1117 = arith.addi %mul3A_367, %add3A_1116 : i32
        %get3A_1118 = arith.index_cast %add3A_1117 : i32 to index
        %get3A_1119 = arith.constant 0 : index
        %get3A_1120 = tpu.vector_load %arg11[%get3A_1118, %get3A_1119] {strides = array<i32>} : memref<128x64xf32, #tpu.memory_space<vmem>>, vector<1x16xf32>,
        %get3A_1121 = vector.shape_cast %get3A_1120 : vector<1x16xf32> to vector<16xf32>
        %get3A_1122 = arith.constant 0 : i32
        %get3A_1123 = arith.index_cast %get3A_1122 : i32 to index
        %get3A_1124 = arith.constant 0 : index
        %get3A_1125 = tpu.vector_load %arg17[%get3A_1123, %get3A_1124] {strides = array<i32>} : memref<1x64xf32, #tpu.memory_space<vmem>>, vector<1x16xf32>,
        %get3A_1126 = vector.shape_cast %get3A_1125 : vector<1x16xf32> to vector<16xf32>
        %add3A_1127 = arith.addf %get3A_1121, %get3A_1126 : vector<16xf32>
        %get3A_1128 = arith.constant 0 : i32
        %get3A_1129 = arith.index_cast %get3A_1128 : i32 to index
        %get3A_1130 = arith.constant 0 : index
        %get3A_1131 = tpu.vector_load %arg10[%get3A_1129, %get3A_1130] {strides = array<i32>} : memref<1x64xf32, #tpu.memory_space<vmem>>, vector<1x16xf32>,
        %get3A_1132 = vector.shape_cast %get3A_1131 : vector<1x16xf32> to vector<16xf32>
        %mul3A_1133 = arith.mulf %broadcast_in_dim3A_1115, %get3A_1132 : vector<16xf32>
        %add3A_1134 = arith.addf %add3A_1127, %mul3A_1133 : vector<16xf32>
        %swap3A_1135 = arith.index_cast %add3A_1117 : i32 to index
        %swap3A_1136 = arith.constant 0 : index
        %swap3A_1137 = tpu.vector_load %arg13[%swap3A_1135, %swap3A_1136] {strides = array<i32>} : memref<128x64xf32, #tpu.memory_space<vmem>>, vector<1x16xf32>,
        %swap3A_1138 = vector.shape_cast %swap3A_1137 : vector<1x16xf32> to vector<16xf32>
        %swap3A_1139 = vector.shape_cast %add3A_1134 : vector<16xf32> to vector<1x16xf32>
        tpu.vector_store %arg13[%swap3A_1135, %swap3A_1136], %swap3A_1139 {strides = array<i32>} : memref<128x64xf32, #tpu.memory_space<vmem>>, vector<1x16xf32>,
        %get3A_1140 = arith.index_cast %add3A_1117 : i32 to index
        %get3A_1141 = arith.constant 16 : index
        %get3A_1142 = tpu.vector_load %arg11[%get3A_1140, %get3A_1141] {strides = array<i32>} : memref<128x64xf32, #tpu.memory_space<vmem>>, vector<1x16xf32>,
        %get3A_1143 = vector.shape_cast %get3A_1142 : vector<1x16xf32> to vector<16xf32>
        %get3A_1144 = arith.constant 0 : i32
        %get3A_1145 = arith.index_cast %get3A_1144 : i32 to index
        %get3A_1146 = arith.constant 16 : index
        %get3A_1147 = tpu.vector_load %arg17[%get3A_1145, %get3A_1146] {strides = array<i32>} : memref<1x64xf32, #tpu.memory_space<vmem>>, vector<1x16xf32>,
        %get3A_1148 = vector.shape_cast %get3A_1147 : vector<1x16xf32> to vector<16xf32>
        %add3A_1149 = arith.addf %get3A_1143, %get3A_1148 : vector<16xf32>
        %get3A_1150 = arith.constant 0 : i32
        %get3A_1151 = arith.index_cast %get3A_1150 : i32 to index
        %get3A_1152 = arith.constant 16 : index
        %get3A_1153 = tpu.vector_load %arg10[%get3A_1151, %get3A_1152] {strides = array<i32>} : memref<1x64xf32, #tpu.memory_space<vmem>>, vector<1x16xf32>,
        %get3A_1154 = vector.shape_cast %get3A_1153 : vector<1x16xf32> to vector<16xf32>
        %mul3A_1155 = arith.mulf %broadcast_in_dim3A_1115, %get3A_1154 : vector<16xf32>
        %add3A_1156 = arith.addf %add3A_1149, %mul3A_1155 : vector<16xf32>
        %swap3A_1157 = arith.index_cast %add3A_1117 : i32 to index
        %swap3A_1158 = arith.constant 16 : index
        %swap3A_1159 = tpu.vector_load %arg13[%swap3A_1157, %swap3A_1158] {strides = array<i32>} : memref<128x64xf32, #tpu.memory_space<vmem>>, vector<1x16xf32>,
        %swap3A_1160 = vector.shape_cast %swap3A_1159 : vector<1x16xf32> to vector<16xf32>
        %swap3A_1161 = vector.shape_cast %add3A_1156 : vector<16xf32> to vector<1x16xf32>
        tpu.vector_store %arg13[%swap3A_1157, %swap3A_1158], %swap3A_1161 {strides = array<i32>} : memref<128x64xf32, #tpu.memory_space<vmem>>, vector<1x16xf32>,
        %get3A_1162 = arith.index_cast %add3A_1117 : i32 to index
        %get3A_1163 = arith.constant 32 : index
        %get3A_1164 = tpu.vector_load %arg11[%get3A_1162, %get3A_1163] {strides = array<i32>} : memref<128x64xf32, #tpu.memory_space<vmem>>, vector<1x16xf32>,
        %get3A_1165 = vector.shape_cast %get3A_1164 : vector<1x16xf32> to vector<16xf32>
        %get3A_1166 = arith.constant 0 : i32
        %get3A_1167 = arith.index_cast %get3A_1166 : i32 to index
        %get3A_1168 = arith.constant 32 : index
        %get3A_1169 = tpu.vector_load %arg17[%get3A_1167, %get3A_1168] {strides = array<i32>} : memref<1x64xf32, #tpu.memory_space<vmem>>, vector<1x16xf32>,
        %get3A_1170 = vector.shape_cast %get3A_1169 : vector<1x16xf32> to vector<16xf32>
        %add3A_1171 = arith.addf %get3A_1165, %get3A_1170 : vector<16xf32>
        %get3A_1172 = arith.constant 0 : i32
        %get3A_1173 = arith.index_cast %get3A_1172 : i32 to index
        %get3A_1174 = arith.constant 32 : index
        %get3A_1175 = tpu.vector_load %arg10[%get3A_1173, %get3A_1174] {strides = array<i32>} : memref<1x64xf32, #tpu.memory_space<vmem>>, vector<1x16xf32>,
        %get3A_1176 = vector.shape_cast %get3A_1175 : vector<1x16xf32> to vector<16xf32>
        %mul3A_1177 = arith.mulf %broadcast_in_dim3A_1115, %get3A_1176 : vector<16xf32>
        %add3A_1178 = arith.addf %add3A_1171, %mul3A_1177 : vector<16xf32>
        %swap3A_1179 = arith.index_cast %add3A_1117 : i32 to index
        %swap3A_1180 = arith.constant 32 : index
        %swap3A_1181 = tpu.vector_load %arg13[%swap3A_1179, %swap3A_1180] {strides = array<i32>} : memref<128x64xf32, #tpu.memory_space<vmem>>, vector<1x16xf32>,
        %swap3A_1182 = vector.shape_cast %swap3A_1181 : vector<1x16xf32> to vector<16xf32>
        %swap3A_1183 = vector.shape_cast %add3A_1178 : vector<16xf32> to vector<1x16xf32>
        tpu.vector_store %arg13[%swap3A_1179, %swap3A_1180], %swap3A_1183 {strides = array<i32>} : memref<128x64xf32, #tpu.memory_space<vmem>>, vector<1x16xf32>,
        %get3A_1184 = arith.index_cast %add3A_1117 : i32 to index
        %get3A_1185 = arith.constant 48 : index
        %get3A_1186 = tpu.vector_load %arg11[%get3A_1184, %get3A_1185] {strides = array<i32>} : memref<128x64xf32, #tpu.memory_space<vmem>>, vector<1x16xf32>,
        %get3A_1187 = vector.shape_cast %get3A_1186 : vector<1x16xf32> to vector<16xf32>
        %get3A_1188 = arith.constant 0 : i32
        %get3A_1189 = arith.index_cast %get3A_1188 : i32 to index
        %get3A_1190 = arith.constant 48 : index
        %get3A_1191 = tpu.vector_load %arg17[%get3A_1189, %get3A_1190] {strides = array<i32>} : memref<1x64xf32, #tpu.memory_space<vmem>>, vector<1x16xf32>,
        %get3A_1192 = vector.shape_cast %get3A_1191 : vector<1x16xf32> to vector<16xf32>
        %add3A_1193 = arith.addf %get3A_1187, %get3A_1192 : vector<16xf32>
        %get3A_1194 = arith.constant 0 : i32
        %get3A_1195 = arith.index_cast %get3A_1194 : i32 to index
        %get3A_1196 = arith.constant 48 : index
        %get3A_1197 = tpu.vector_load %arg10[%get3A_1195, %get3A_1196] {strides = array<i32>} : memref<1x64xf32, #tpu.memory_space<vmem>>, vector<1x16xf32>,
        %get3A_1198 = vector.shape_cast %get3A_1197 : vector<1x16xf32> to vector<16xf32>
        %mul3A_1199 = arith.mulf %broadcast_in_dim3A_1115, %get3A_1198 : vector<16xf32>
        %add3A_1200 = arith.addf %add3A_1193, %mul3A_1199 : vector<16xf32>
        %swap3A_1201 = arith.index_cast %add3A_1117 : i32 to index
        %swap3A_1202 = arith.constant 48 : index
        %swap3A_1203 = tpu.vector_load %arg13[%swap3A_1201, %swap3A_1202] {strides = array<i32>} : memref<128x64xf32, #tpu.memory_space<vmem>>, vector<1x16xf32>,
        %swap3A_1204 = vector.shape_cast %swap3A_1203 : vector<1x16xf32> to vector<16xf32>
        %swap3A_1205 = vector.shape_cast %add3A_1200 : vector<16xf32> to vector<1x16xf32>
        tpu.vector_store %arg13[%swap3A_1201, %swap3A_1202], %swap3A_1205 {strides = array<i32>} : memref<128x64xf32, #tpu.memory_space<vmem>>, vector<1x16xf32>,
        %slice3A_1206 = vector.extract_strided_slice %convert_element_type3A_371 {offsets = [9], sizes = [1], strides = [1]} : vector<16xf32> to vector<1xf32>
        %squeeze3A_1207 = vector.extract %slice3A_1206[0] : f32 from vector<1xf32>
        %broadcast_in_dim3A_1208 = vector.broadcast %squeeze3A_1207 : f32 to vector<16xf32>
        %add3A_1209 = arith.constant 9 : i32
        %add3A_1210 = arith.addi %mul3A_367, %add3A_1209 : i32
        %get3A_1211 = arith.index_cast %add3A_1210 : i32 to index
        %get3A_1212 = arith.constant 0 : index
        %get3A_1213 = tpu.vector_load %arg11[%get3A_1211, %get3A_1212] {strides = array<i32>} : memref<128x64xf32, #tpu.memory_space<vmem>>, vector<1x16xf32>,
        %get3A_1214 = vector.shape_cast %get3A_1213 : vector<1x16xf32> to vector<16xf32>
        %get3A_1215 = arith.constant 0 : i32
        %get3A_1216 = arith.index_cast %get3A_1215 : i32 to index
        %get3A_1217 = arith.constant 0 : index
        %get3A_1218 = tpu.vector_load %arg17[%get3A_1216, %get3A_1217] {strides = array<i32>} : memref<1x64xf32, #tpu.memory_space<vmem>>, vector<1x16xf32>,
        %get3A_1219 = vector.shape_cast %get3A_1218 : vector<1x16xf32> to vector<16xf32>
        %add3A_1220 = arith.addf %get3A_1214, %get3A_1219 : vector<16xf32>
        %get3A_1221 = arith.constant 0 : i32
        %get3A_1222 = arith.index_cast %get3A_1221 : i32 to index
        %get3A_1223 = arith.constant 0 : index
        %get3A_1224 = tpu.vector_load %arg10[%get3A_1222, %get3A_1223] {strides = array<i32>} : memref<1x64xf32, #tpu.memory_space<vmem>>, vector<1x16xf32>,
        %get3A_1225 = vector.shape_cast %get3A_1224 : vector<1x16xf32> to vector<16xf32>
        %mul3A_1226 = arith.mulf %broadcast_in_dim3A_1208, %get3A_1225 : vector<16xf32>
        %add3A_1227 = arith.addf %add3A_1220, %mul3A_1226 : vector<16xf32>
        %swap3A_1228 = arith.index_cast %add3A_1210 : i32 to index
        %swap3A_1229 = arith.constant 0 : index
        %swap3A_1230 = tpu.vector_load %arg13[%swap3A_1228, %swap3A_1229] {strides = array<i32>} : memref<128x64xf32, #tpu.memory_space<vmem>>, vector<1x16xf32>,
        %swap3A_1231 = vector.shape_cast %swap3A_1230 : vector<1x16xf32> to vector<16xf32>
        %swap3A_1232 = vector.shape_cast %add3A_1227 : vector<16xf32> to vector<1x16xf32>
        tpu.vector_store %arg13[%swap3A_1228, %swap3A_1229], %swap3A_1232 {strides = array<i32>} : memref<128x64xf32, #tpu.memory_space<vmem>>, vector<1x16xf32>,
        %get3A_1233 = arith.index_cast %add3A_1210 : i32 to index
        %get3A_1234 = arith.constant 16 : index
        %get3A_1235 = tpu.vector_load %arg11[%get3A_1233, %get3A_1234] {strides = array<i32>} : memref<128x64xf32, #tpu.memory_space<vmem>>, vector<1x16xf32>,
        %get3A_1236 = vector.shape_cast %get3A_1235 : vector<1x16xf32> to vector<16xf32>
        %get3A_1237 = arith.constant 0 : i32
        %get3A_1238 = arith.index_cast %get3A_1237 : i32 to index
        %get3A_1239 = arith.constant 16 : index
        %get3A_1240 = tpu.vector_load %arg17[%get3A_1238, %get3A_1239] {strides = array<i32>} : memref<1x64xf32, #tpu.memory_space<vmem>>, vector<1x16xf32>,
        %get3A_1241 = vector.shape_cast %get3A_1240 : vector<1x16xf32> to vector<16xf32>
        %add3A_1242 = arith.addf %get3A_1236, %get3A_1241 : vector<16xf32>
        %get3A_1243 = arith.constant 0 : i32
        %get3A_1244 = arith.index_cast %get3A_1243 : i32 to index
        %get3A_1245 = arith.constant 16 : index
        %get3A_1246 = tpu.vector_load %arg10[%get3A_1244, %get3A_1245] {strides = array<i32>} : memref<1x64xf32, #tpu.memory_space<vmem>>, vector<1x16xf32>,
        %get3A_1247 = vector.shape_cast %get3A_1246 : vector<1x16xf32> to vector<16xf32>
        %mul3A_1248 = arith.mulf %broadcast_in_dim3A_1208, %get3A_1247 : vector<16xf32>
        %add3A_1249 = arith.addf %add3A_1242, %mul3A_1248 : vector<16xf32>
        %swap3A_1250 = arith.index_cast %add3A_1210 : i32 to index
        %swap3A_1251 = arith.constant 16 : index
        %swap3A_1252 = tpu.vector_load %arg13[%swap3A_1250, %swap3A_1251] {strides = array<i32>} : memref<128x64xf32, #tpu.memory_space<vmem>>, vector<1x16xf32>,
        %swap3A_1253 = vector.shape_cast %swap3A_1252 : vector<1x16xf32> to vector<16xf32>
        %swap3A_1254 = vector.shape_cast %add3A_1249 : vector<16xf32> to vector<1x16xf32>
        tpu.vector_store %arg13[%swap3A_1250, %swap3A_1251], %swap3A_1254 {strides = array<i32>} : memref<128x64xf32, #tpu.memory_space<vmem>>, vector<1x16xf32>,
        %get3A_1255 = arith.index_cast %add3A_1210 : i32 to index
        %get3A_1256 = arith.constant 32 : index
        %get3A_1257 = tpu.vector_load %arg11[%get3A_1255, %get3A_1256] {strides = array<i32>} : memref<128x64xf32, #tpu.memory_space<vmem>>, vector<1x16xf32>,
        %get3A_1258 = vector.shape_cast %get3A_1257 : vector<1x16xf32> to vector<16xf32>
        %get3A_1259 = arith.constant 0 : i32
        %get3A_1260 = arith.index_cast %get3A_1259 : i32 to index
        %get3A_1261 = arith.constant 32 : index
        %get3A_1262 = tpu.vector_load %arg17[%get3A_1260, %get3A_1261] {strides = array<i32>} : memref<1x64xf32, #tpu.memory_space<vmem>>, vector<1x16xf32>,
        %get3A_1263 = vector.shape_cast %get3A_1262 : vector<1x16xf32> to vector<16xf32>
        %add3A_1264 = arith.addf %get3A_1258, %get3A_1263 : vector<16xf32>
        %get3A_1265 = arith.constant 0 : i32
        %get3A_1266 = arith.index_cast %get3A_1265 : i32 to index
        %get3A_1267 = arith.constant 32 : index
        %get3A_1268 = tpu.vector_load %arg10[%get3A_1266, %get3A_1267] {strides = array<i32>} : memref<1x64xf32, #tpu.memory_space<vmem>>, vector<1x16xf32>,
        %get3A_1269 = vector.shape_cast %get3A_1268 : vector<1x16xf32> to vector<16xf32>
        %mul3A_1270 = arith.mulf %broadcast_in_dim3A_1208, %get3A_1269 : vector<16xf32>
        %add3A_1271 = arith.addf %add3A_1264, %mul3A_1270 : vector<16xf32>
        %swap3A_1272 = arith.index_cast %add3A_1210 : i32 to index
        %swap3A_1273 = arith.constant 32 : index
        %swap3A_1274 = tpu.vector_load %arg13[%swap3A_1272, %swap3A_1273] {strides = array<i32>} : memref<128x64xf32, #tpu.memory_space<vmem>>, vector<1x16xf32>,
        %swap3A_1275 = vector.shape_cast %swap3A_1274 : vector<1x16xf32> to vector<16xf32>
        %swap3A_1276 = vector.shape_cast %add3A_1271 : vector<16xf32> to vector<1x16xf32>
        tpu.vector_store %arg13[%swap3A_1272, %swap3A_1273], %swap3A_1276 {strides = array<i32>} : memref<128x64xf32, #tpu.memory_space<vmem>>, vector<1x16xf32>,
        %get3A_1277 = arith.index_cast %add3A_1210 : i32 to index
        %get3A_1278 = arith.constant 48 : index
        %get3A_1279 = tpu.vector_load %arg11[%get3A_1277, %get3A_1278] {strides = array<i32>} : memref<128x64xf32, #tpu.memory_space<vmem>>, vector<1x16xf32>,
        %get3A_1280 = vector.shape_cast %get3A_1279 : vector<1x16xf32> to vector<16xf32>
        %get3A_1281 = arith.constant 0 : i32
        %get3A_1282 = arith.index_cast %get3A_1281 : i32 to index
        %get3A_1283 = arith.constant 48 : index
        %get3A_1284 = tpu.vector_load %arg17[%get3A_1282, %get3A_1283] {strides = array<i32>} : memref<1x64xf32, #tpu.memory_space<vmem>>, vector<1x16xf32>,
        %get3A_1285 = vector.shape_cast %get3A_1284 : vector<1x16xf32> to vector<16xf32>
        %add3A_1286 = arith.addf %get3A_1280, %get3A_1285 : vector<16xf32>
        %get3A_1287 = arith.constant 0 : i32
        %get3A_1288 = arith.index_cast %get3A_1287 : i32 to index
        %get3A_1289 = arith.constant 48 : index
        %get3A_1290 = tpu.vector_load %arg10[%get3A_1288, %get3A_1289] {strides = array<i32>} : memref<1x64xf32, #tpu.memory_space<vmem>>, vector<1x16xf32>,
        %get3A_1291 = vector.shape_cast %get3A_1290 : vector<1x16xf32> to vector<16xf32>
        %mul3A_1292 = arith.mulf %broadcast_in_dim3A_1208, %get3A_1291 : vector<16xf32>
        %add3A_1293 = arith.addf %add3A_1286, %mul3A_1292 : vector<16xf32>
        %swap3A_1294 = arith.index_cast %add3A_1210 : i32 to index
        %swap3A_1295 = arith.constant 48 : index
        %swap3A_1296 = tpu.vector_load %arg13[%swap3A_1294, %swap3A_1295] {strides = array<i32>} : memref<128x64xf32, #tpu.memory_space<vmem>>, vector<1x16xf32>,
        %swap3A_1297 = vector.shape_cast %swap3A_1296 : vector<1x16xf32> to vector<16xf32>
        %swap3A_1298 = vector.shape_cast %add3A_1293 : vector<16xf32> to vector<1x16xf32>
        tpu.vector_store %arg13[%swap3A_1294, %swap3A_1295], %swap3A_1298 {strides = array<i32>} : memref<128x64xf32, #tpu.memory_space<vmem>>, vector<1x16xf32>,
        %slice3A_1299 = vector.extract_strided_slice %convert_element_type3A_371 {offsets = [10], sizes = [1], strides = [1]} : vector<16xf32> to vector<1xf32>
        %squeeze3A_1300 = vector.extract %slice3A_1299[0] : f32 from vector<1xf32>
        %broadcast_in_dim3A_1301 = vector.broadcast %squeeze3A_1300 : f32 to vector<16xf32>
        %add3A_1302 = arith.constant 10 : i32
        %add3A_1303 = arith.addi %mul3A_367, %add3A_1302 : i32
        %get3A_1304 = arith.index_cast %add3A_1303 : i32 to index
        %get3A_1305 = arith.constant 0 : index
        %get3A_1306 = tpu.vector_load %arg11[%get3A_1304, %get3A_1305] {strides = array<i32>} : memref<128x64xf32, #tpu.memory_space<vmem>>, vector<1x16xf32>,
        %get3A_1307 = vector.shape_cast %get3A_1306 : vector<1x16xf32> to vector<16xf32>
        %get3A_1308 = arith.constant 0 : i32
        %get3A_1309 = arith.index_cast %get3A_1308 : i32 to index
        %get3A_1310 = arith.constant 0 : index
        %get3A_1311 = tpu.vector_load %arg17[%get3A_1309, %get3A_1310] {strides = array<i32>} : memref<1x64xf32, #tpu.memory_space<vmem>>, vector<1x16xf32>,
        %get3A_1312 = vector.shape_cast %get3A_1311 : vector<1x16xf32> to vector<16xf32>
        %add3A_1313 = arith.addf %get3A_1307, %get3A_1312 : vector<16xf32>
        %get3A_1314 = arith.constant 0 : i32
        %get3A_1315 = arith.index_cast %get3A_1314 : i32 to index
        %get3A_1316 = arith.constant 0 : index
        %get3A_1317 = tpu.vector_load %arg10[%get3A_1315, %get3A_1316] {strides = array<i32>} : memref<1x64xf32, #tpu.memory_space<vmem>>, vector<1x16xf32>,
        %get3A_1318 = vector.shape_cast %get3A_1317 : vector<1x16xf32> to vector<16xf32>
        %mul3A_1319 = arith.mulf %broadcast_in_dim3A_1301, %get3A_1318 : vector<16xf32>
        %add3A_1320 = arith.addf %add3A_1313, %mul3A_1319 : vector<16xf32>
        %swap3A_1321 = arith.index_cast %add3A_1303 : i32 to index
        %swap3A_1322 = arith.constant 0 : index
        %swap3A_1323 = tpu.vector_load %arg13[%swap3A_1321, %swap3A_1322] {strides = array<i32>} : memref<128x64xf32, #tpu.memory_space<vmem>>, vector<1x16xf32>,
        %swap3A_1324 = vector.shape_cast %swap3A_1323 : vector<1x16xf32> to vector<16xf32>
        %swap3A_1325 = vector.shape_cast %add3A_1320 : vector<16xf32> to vector<1x16xf32>
        tpu.vector_store %arg13[%swap3A_1321, %swap3A_1322], %swap3A_1325 {strides = array<i32>} : memref<128x64xf32, #tpu.memory_space<vmem>>, vector<1x16xf32>,
        %get3A_1326 = arith.index_cast %add3A_1303 : i32 to index
        %get3A_1327 = arith.constant 16 : index
        %get3A_1328 = tpu.vector_load %arg11[%get3A_1326, %get3A_1327] {strides = array<i32>} : memref<128x64xf32, #tpu.memory_space<vmem>>, vector<1x16xf32>,
        %get3A_1329 = vector.shape_cast %get3A_1328 : vector<1x16xf32> to vector<16xf32>
        %get3A_1330 = arith.constant 0 : i32
        %get3A_1331 = arith.index_cast %get3A_1330 : i32 to index
        %get3A_1332 = arith.constant 16 : index
        %get3A_1333 = tpu.vector_load %arg17[%get3A_1331, %get3A_1332] {strides = array<i32>} : memref<1x64xf32, #tpu.memory_space<vmem>>, vector<1x16xf32>,
        %get3A_1334 = vector.shape_cast %get3A_1333 : vector<1x16xf32> to vector<16xf32>
        %add3A_1335 = arith.addf %get3A_1329, %get3A_1334 : vector<16xf32>
        %get3A_1336 = arith.constant 0 : i32
        %get3A_1337 = arith.index_cast %get3A_1336 : i32 to index
        %get3A_1338 = arith.constant 16 : index
        %get3A_1339 = tpu.vector_load %arg10[%get3A_1337, %get3A_1338] {strides = array<i32>} : memref<1x64xf32, #tpu.memory_space<vmem>>, vector<1x16xf32>,
        %get3A_1340 = vector.shape_cast %get3A_1339 : vector<1x16xf32> to vector<16xf32>
        %mul3A_1341 = arith.mulf %broadcast_in_dim3A_1301, %get3A_1340 : vector<16xf32>
        %add3A_1342 = arith.addf %add3A_1335, %mul3A_1341 : vector<16xf32>
        %swap3A_1343 = arith.index_cast %add3A_1303 : i32 to index
        %swap3A_1344 = arith.constant 16 : index
        %swap3A_1345 = tpu.vector_load %arg13[%swap3A_1343, %swap3A_1344] {strides = array<i32>} : memref<128x64xf32, #tpu.memory_space<vmem>>, vector<1x16xf32>,
        %swap3A_1346 = vector.shape_cast %swap3A_1345 : vector<1x16xf32> to vector<16xf32>
        %swap3A_1347 = vector.shape_cast %add3A_1342 : vector<16xf32> to vector<1x16xf32>
        tpu.vector_store %arg13[%swap3A_1343, %swap3A_1344], %swap3A_1347 {strides = array<i32>} : memref<128x64xf32, #tpu.memory_space<vmem>>, vector<1x16xf32>,
        %get3A_1348 = arith.index_cast %add3A_1303 : i32 to index
        %get3A_1349 = arith.constant 32 : index
        %get3A_1350 = tpu.vector_load %arg11[%get3A_1348, %get3A_1349] {strides = array<i32>} : memref<128x64xf32, #tpu.memory_space<vmem>>, vector<1x16xf32>,
        %get3A_1351 = vector.shape_cast %get3A_1350 : vector<1x16xf32> to vector<16xf32>
        %get3A_1352 = arith.constant 0 : i32
        %get3A_1353 = arith.index_cast %get3A_1352 : i32 to index
        %get3A_1354 = arith.constant 32 : index
        %get3A_1355 = tpu.vector_load %arg17[%get3A_1353, %get3A_1354] {strides = array<i32>} : memref<1x64xf32, #tpu.memory_space<vmem>>, vector<1x16xf32>,
        %get3A_1356 = vector.shape_cast %get3A_1355 : vector<1x16xf32> to vector<16xf32>
        %add3A_1357 = arith.addf %get3A_1351, %get3A_1356 : vector<16xf32>
        %get3A_1358 = arith.constant 0 : i32
        %get3A_1359 = arith.index_cast %get3A_1358 : i32 to index
        %get3A_1360 = arith.constant 32 : index
        %get3A_1361 = tpu.vector_load %arg10[%get3A_1359, %get3A_1360] {strides = array<i32>} : memref<1x64xf32, #tpu.memory_space<vmem>>, vector<1x16xf32>,
        %get3A_1362 = vector.shape_cast %get3A_1361 : vector<1x16xf32> to vector<16xf32>
        %mul3A_1363 = arith.mulf %broadcast_in_dim3A_1301, %get3A_1362 : vector<16xf32>
        %add3A_1364 = arith.addf %add3A_1357, %mul3A_1363 : vector<16xf32>
        %swap3A_1365 = arith.index_cast %add3A_1303 : i32 to index
        %swap3A_1366 = arith.constant 32 : index
        %swap3A_1367 = tpu.vector_load %arg13[%swap3A_1365, %swap3A_1366] {strides = array<i32>} : memref<128x64xf32, #tpu.memory_space<vmem>>, vector<1x16xf32>,
        %swap3A_1368 = vector.shape_cast %swap3A_1367 : vector<1x16xf32> to vector<16xf32>
        %swap3A_1369 = vector.shape_cast %add3A_1364 : vector<16xf32> to vector<1x16xf32>
        tpu.vector_store %arg13[%swap3A_1365, %swap3A_1366], %swap3A_1369 {strides = array<i32>} : memref<128x64xf32, #tpu.memory_space<vmem>>, vector<1x16xf32>,
        %get3A_1370 = arith.index_cast %add3A_1303 : i32 to index
        %get3A_1371 = arith.constant 48 : index
        %get3A_1372 = tpu.vector_load %arg11[%get3A_1370, %get3A_1371] {strides = array<i32>} : memref<128x64xf32, #tpu.memory_space<vmem>>, vector<1x16xf32>,
        %get3A_1373 = vector.shape_cast %get3A_1372 : vector<1x16xf32> to vector<16xf32>
        %get3A_1374 = arith.constant 0 : i32
        %get3A_1375 = arith.index_cast %get3A_1374 : i32 to index
        %get3A_1376 = arith.constant 48 : index
        %get3A_1377 = tpu.vector_load %arg17[%get3A_1375, %get3A_1376] {strides = array<i32>} : memref<1x64xf32, #tpu.memory_space<vmem>>, vector<1x16xf32>,
        %get3A_1378 = vector.shape_cast %get3A_1377 : vector<1x16xf32> to vector<16xf32>
        %add3A_1379 = arith.addf %get3A_1373, %get3A_1378 : vector<16xf32>
        %get3A_1380 = arith.constant 0 : i32
        %get3A_1381 = arith.index_cast %get3A_1380 : i32 to index
        %get3A_1382 = arith.constant 48 : index
        %get3A_1383 = tpu.vector_load %arg10[%get3A_1381, %get3A_1382] {strides = array<i32>} : memref<1x64xf32, #tpu.memory_space<vmem>>, vector<1x16xf32>,
        %get3A_1384 = vector.shape_cast %get3A_1383 : vector<1x16xf32> to vector<16xf32>
        %mul3A_1385 = arith.mulf %broadcast_in_dim3A_1301, %get3A_1384 : vector<16xf32>
        %add3A_1386 = arith.addf %add3A_1379, %mul3A_1385 : vector<16xf32>
        %swap3A_1387 = arith.index_cast %add3A_1303 : i32 to index
        %swap3A_1388 = arith.constant 48 : index
        %swap3A_1389 = tpu.vector_load %arg13[%swap3A_1387, %swap3A_1388] {strides = array<i32>} : memref<128x64xf32, #tpu.memory_space<vmem>>, vector<1x16xf32>,
        %swap3A_1390 = vector.shape_cast %swap3A_1389 : vector<1x16xf32> to vector<16xf32>
        %swap3A_1391 = vector.shape_cast %add3A_1386 : vector<16xf32> to vector<1x16xf32>
        tpu.vector_store %arg13[%swap3A_1387, %swap3A_1388], %swap3A_1391 {strides = array<i32>} : memref<128x64xf32, #tpu.memory_space<vmem>>, vector<1x16xf32>,
        %slice3A_1392 = vector.extract_strided_slice %convert_element_type3A_371 {offsets = [11], sizes = [1], strides = [1]} : vector<16xf32> to vector<1xf32>
        %squeeze3A_1393 = vector.extract %slice3A_1392[0] : f32 from vector<1xf32>
        %broadcast_in_dim3A_1394 = vector.broadcast %squeeze3A_1393 : f32 to vector<16xf32>
        %add3A_1395 = arith.constant 11 : i32
        %add3A_1396 = arith.addi %mul3A_367, %add3A_1395 : i32
        %get3A_1397 = arith.index_cast %add3A_1396 : i32 to index
        %get3A_1398 = arith.constant 0 : index
        %get3A_1399 = tpu.vector_load %arg11[%get3A_1397, %get3A_1398] {strides = array<i32>} : memref<128x64xf32, #tpu.memory_space<vmem>>, vector<1x16xf32>,
        %get3A_1400 = vector.shape_cast %get3A_1399 : vector<1x16xf32> to vector<16xf32>
        %get3A_1401 = arith.constant 0 : i32
        %get3A_1402 = arith.index_cast %get3A_1401 : i32 to index
        %get3A_1403 = arith.constant 0 : index
        %get3A_1404 = tpu.vector_load %arg17[%get3A_1402, %get3A_1403] {strides = array<i32>} : memref<1x64xf32, #tpu.memory_space<vmem>>, vector<1x16xf32>,
        %get3A_1405 = vector.shape_cast %get3A_1404 : vector<1x16xf32> to vector<16xf32>
        %add3A_1406 = arith.addf %get3A_1400, %get3A_1405 : vector<16xf32>
        %get3A_1407 = arith.constant 0 : i32
        %get3A_1408 = arith.index_cast %get3A_1407 : i32 to index
        %get3A_1409 = arith.constant 0 : index
        %get3A_1410 = tpu.vector_load %arg10[%get3A_1408, %get3A_1409] {strides = array<i32>} : memref<1x64xf32, #tpu.memory_space<vmem>>, vector<1x16xf32>,
        %get3A_1411 = vector.shape_cast %get3A_1410 : vector<1x16xf32> to vector<16xf32>
        %mul3A_1412 = arith.mulf %broadcast_in_dim3A_1394, %get3A_1411 : vector<16xf32>
        %add3A_1413 = arith.addf %add3A_1406, %mul3A_1412 : vector<16xf32>
        %swap3A_1414 = arith.index_cast %add3A_1396 : i32 to index
        %swap3A_1415 = arith.constant 0 : index
        %swap3A_1416 = tpu.vector_load %arg13[%swap3A_1414, %swap3A_1415] {strides = array<i32>} : memref<128x64xf32, #tpu.memory_space<vmem>>, vector<1x16xf32>,
        %swap3A_1417 = vector.shape_cast %swap3A_1416 : vector<1x16xf32> to vector<16xf32>
        %swap3A_1418 = vector.shape_cast %add3A_1413 : vector<16xf32> to vector<1x16xf32>
        tpu.vector_store %arg13[%swap3A_1414, %swap3A_1415], %swap3A_1418 {strides = array<i32>} : memref<128x64xf32, #tpu.memory_space<vmem>>, vector<1x16xf32>,
        %get3A_1419 = arith.index_cast %add3A_1396 : i32 to index
        %get3A_1420 = arith.constant 16 : index
        %get3A_1421 = tpu.vector_load %arg11[%get3A_1419, %get3A_1420] {strides = array<i32>} : memref<128x64xf32, #tpu.memory_space<vmem>>, vector<1x16xf32>,
        %get3A_1422 = vector.shape_cast %get3A_1421 : vector<1x16xf32> to vector<16xf32>
        %get3A_1423 = arith.constant 0 : i32
        %get3A_1424 = arith.index_cast %get3A_1423 : i32 to index
        %get3A_1425 = arith.constant 16 : index
        %get3A_1426 = tpu.vector_load %arg17[%get3A_1424, %get3A_1425] {strides = array<i32>} : memref<1x64xf32, #tpu.memory_space<vmem>>, vector<1x16xf32>,
        %get3A_1427 = vector.shape_cast %get3A_1426 : vector<1x16xf32> to vector<16xf32>
        %add3A_1428 = arith.addf %get3A_1422, %get3A_1427 : vector<16xf32>
        %get3A_1429 = arith.constant 0 : i32
        %get3A_1430 = arith.index_cast %get3A_1429 : i32 to index
        %get3A_1431 = arith.constant 16 : index
        %get3A_1432 = tpu.vector_load %arg10[%get3A_1430, %get3A_1431] {strides = array<i32>} : memref<1x64xf32, #tpu.memory_space<vmem>>, vector<1x16xf32>,
        %get3A_1433 = vector.shape_cast %get3A_1432 : vector<1x16xf32> to vector<16xf32>
        %mul3A_1434 = arith.mulf %broadcast_in_dim3A_1394, %get3A_1433 : vector<16xf32>
        %add3A_1435 = arith.addf %add3A_1428, %mul3A_1434 : vector<16xf32>
        %swap3A_1436 = arith.index_cast %add3A_1396 : i32 to index
        %swap3A_1437 = arith.constant 16 : index
        %swap3A_1438 = tpu.vector_load %arg13[%swap3A_1436, %swap3A_1437] {strides = array<i32>} : memref<128x64xf32, #tpu.memory_space<vmem>>, vector<1x16xf32>,
        %swap3A_1439 = vector.shape_cast %swap3A_1438 : vector<1x16xf32> to vector<16xf32>
        %swap3A_1440 = vector.shape_cast %add3A_1435 : vector<16xf32> to vector<1x16xf32>
        tpu.vector_store %arg13[%swap3A_1436, %swap3A_1437], %swap3A_1440 {strides = array<i32>} : memref<128x64xf32, #tpu.memory_space<vmem>>, vector<1x16xf32>,
        %get3A_1441 = arith.index_cast %add3A_1396 : i32 to index
        %get3A_1442 = arith.constant 32 : index
        %get3A_1443 = tpu.vector_load %arg11[%get3A_1441, %get3A_1442] {strides = array<i32>} : memref<128x64xf32, #tpu.memory_space<vmem>>, vector<1x16xf32>,
        %get3A_1444 = vector.shape_cast %get3A_1443 : vector<1x16xf32> to vector<16xf32>
        %get3A_1445 = arith.constant 0 : i32
        %get3A_1446 = arith.index_cast %get3A_1445 : i32 to index
        %get3A_1447 = arith.constant 32 : index
        %get3A_1448 = tpu.vector_load %arg17[%get3A_1446, %get3A_1447] {strides = array<i32>} : memref<1x64xf32, #tpu.memory_space<vmem>>, vector<1x16xf32>,
        %get3A_1449 = vector.shape_cast %get3A_1448 : vector<1x16xf32> to vector<16xf32>
        %add3A_1450 = arith.addf %get3A_1444, %get3A_1449 : vector<16xf32>
        %get3A_1451 = arith.constant 0 : i32
        %get3A_1452 = arith.index_cast %get3A_1451 : i32 to index
        %get3A_1453 = arith.constant 32 : index
        %get3A_1454 = tpu.vector_load %arg10[%get3A_1452, %get3A_1453] {strides = array<i32>} : memref<1x64xf32, #tpu.memory_space<vmem>>, vector<1x16xf32>,
        %get3A_1455 = vector.shape_cast %get3A_1454 : vector<1x16xf32> to vector<16xf32>
        %mul3A_1456 = arith.mulf %broadcast_in_dim3A_1394, %get3A_1455 : vector<16xf32>
        %add3A_1457 = arith.addf %add3A_1450, %mul3A_1456 : vector<16xf32>
        %swap3A_1458 = arith.index_cast %add3A_1396 : i32 to index
        %swap3A_1459 = arith.constant 32 : index
        %swap3A_1460 = tpu.vector_load %arg13[%swap3A_1458, %swap3A_1459] {strides = array<i32>} : memref<128x64xf32, #tpu.memory_space<vmem>>, vector<1x16xf32>,
        %swap3A_1461 = vector.shape_cast %swap3A_1460 : vector<1x16xf32> to vector<16xf32>
        %swap3A_1462 = vector.shape_cast %add3A_1457 : vector<16xf32> to vector<1x16xf32>
        tpu.vector_store %arg13[%swap3A_1458, %swap3A_1459], %swap3A_1462 {strides = array<i32>} : memref<128x64xf32, #tpu.memory_space<vmem>>, vector<1x16xf32>,
        %get3A_1463 = arith.index_cast %add3A_1396 : i32 to index
        %get3A_1464 = arith.constant 48 : index
        %get3A_1465 = tpu.vector_load %arg11[%get3A_1463, %get3A_1464] {strides = array<i32>} : memref<128x64xf32, #tpu.memory_space<vmem>>, vector<1x16xf32>,
        %get3A_1466 = vector.shape_cast %get3A_1465 : vector<1x16xf32> to vector<16xf32>
        %get3A_1467 = arith.constant 0 : i32
        %get3A_1468 = arith.index_cast %get3A_1467 : i32 to index
        %get3A_1469 = arith.constant 48 : index
        %get3A_1470 = tpu.vector_load %arg17[%get3A_1468, %get3A_1469] {strides = array<i32>} : memref<1x64xf32, #tpu.memory_space<vmem>>, vector<1x16xf32>,
        %get3A_1471 = vector.shape_cast %get3A_1470 : vector<1x16xf32> to vector<16xf32>
        %add3A_1472 = arith.addf %get3A_1466, %get3A_1471 : vector<16xf32>
        %get3A_1473 = arith.constant 0 : i32
        %get3A_1474 = arith.index_cast %get3A_1473 : i32 to index
        %get3A_1475 = arith.constant 48 : index
        %get3A_1476 = tpu.vector_load %arg10[%get3A_1474, %get3A_1475] {strides = array<i32>} : memref<1x64xf32, #tpu.memory_space<vmem>>, vector<1x16xf32>,
        %get3A_1477 = vector.shape_cast %get3A_1476 : vector<1x16xf32> to vector<16xf32>
        %mul3A_1478 = arith.mulf %broadcast_in_dim3A_1394, %get3A_1477 : vector<16xf32>
        %add3A_1479 = arith.addf %add3A_1472, %mul3A_1478 : vector<16xf32>
        %swap3A_1480 = arith.index_cast %add3A_1396 : i32 to index
        %swap3A_1481 = arith.constant 48 : index
        %swap3A_1482 = tpu.vector_load %arg13[%swap3A_1480, %swap3A_1481] {strides = array<i32>} : memref<128x64xf32, #tpu.memory_space<vmem>>, vector<1x16xf32>,
        %swap3A_1483 = vector.shape_cast %swap3A_1482 : vector<1x16xf32> to vector<16xf32>
        %swap3A_1484 = vector.shape_cast %add3A_1479 : vector<16xf32> to vector<1x16xf32>
        tpu.vector_store %arg13[%swap3A_1480, %swap3A_1481], %swap3A_1484 {strides = array<i32>} : memref<128x64xf32, #tpu.memory_space<vmem>>, vector<1x16xf32>,
        %slice3A_1485 = vector.extract_strided_slice %convert_element_type3A_371 {offsets = [12], sizes = [1], strides = [1]} : vector<16xf32> to vector<1xf32>
        %squeeze3A_1486 = vector.extract %slice3A_1485[0] : f32 from vector<1xf32>
        %broadcast_in_dim3A_1487 = vector.broadcast %squeeze3A_1486 : f32 to vector<16xf32>
        %add3A_1488 = arith.constant 12 : i32
        %add3A_1489 = arith.addi %mul3A_367, %add3A_1488 : i32
        %get3A_1490 = arith.index_cast %add3A_1489 : i32 to index
        %get3A_1491 = arith.constant 0 : index
        %get3A_1492 = tpu.vector_load %arg11[%get3A_1490, %get3A_1491] {strides = array<i32>} : memref<128x64xf32, #tpu.memory_space<vmem>>, vector<1x16xf32>,
        %get3A_1493 = vector.shape_cast %get3A_1492 : vector<1x16xf32> to vector<16xf32>
        %get3A_1494 = arith.constant 0 : i32
        %get3A_1495 = arith.index_cast %get3A_1494 : i32 to index
        %get3A_1496 = arith.constant 0 : index
        %get3A_1497 = tpu.vector_load %arg17[%get3A_1495, %get3A_1496] {strides = array<i32>} : memref<1x64xf32, #tpu.memory_space<vmem>>, vector<1x16xf32>,
        %get3A_1498 = vector.shape_cast %get3A_1497 : vector<1x16xf32> to vector<16xf32>
        %add3A_1499 = arith.addf %get3A_1493, %get3A_1498 : vector<16xf32>
        %get3A_1500 = arith.constant 0 : i32
        %get3A_1501 = arith.index_cast %get3A_1500 : i32 to index
        %get3A_1502 = arith.constant 0 : index
        %get3A_1503 = tpu.vector_load %arg10[%get3A_1501, %get3A_1502] {strides = array<i32>} : memref<1x64xf32, #tpu.memory_space<vmem>>, vector<1x16xf32>,
        %get3A_1504 = vector.shape_cast %get3A_1503 : vector<1x16xf32> to vector<16xf32>
        %mul3A_1505 = arith.mulf %broadcast_in_dim3A_1487, %get3A_1504 : vector<16xf32>
        %add3A_1506 = arith.addf %add3A_1499, %mul3A_1505 : vector<16xf32>
        %swap3A_1507 = arith.index_cast %add3A_1489 : i32 to index
        %swap3A_1508 = arith.constant 0 : index
        %swap3A_1509 = tpu.vector_load %arg13[%swap3A_1507, %swap3A_1508] {strides = array<i32>} : memref<128x64xf32, #tpu.memory_space<vmem>>, vector<1x16xf32>,
        %swap3A_1510 = vector.shape_cast %swap3A_1509 : vector<1x16xf32> to vector<16xf32>
        %swap3A_1511 = vector.shape_cast %add3A_1506 : vector<16xf32> to vector<1x16xf32>
        tpu.vector_store %arg13[%swap3A_1507, %swap3A_1508], %swap3A_1511 {strides = array<i32>} : memref<128x64xf32, #tpu.memory_space<vmem>>, vector<1x16xf32>,
        %get3A_1512 = arith.index_cast %add3A_1489 : i32 to index
        %get3A_1513 = arith.constant 16 : index
        %get3A_1514 = tpu.vector_load %arg11[%get3A_1512, %get3A_1513] {strides = array<i32>} : memref<128x64xf32, #tpu.memory_space<vmem>>, vector<1x16xf32>,
        %get3A_1515 = vector.shape_cast %get3A_1514 : vector<1x16xf32> to vector<16xf32>
        %get3A_1516 = arith.constant 0 : i32
        %get3A_1517 = arith.index_cast %get3A_1516 : i32 to index
        %get3A_1518 = arith.constant 16 : index
        %get3A_1519 = tpu.vector_load %arg17[%get3A_1517, %get3A_1518] {strides = array<i32>} : memref<1x64xf32, #tpu.memory_space<vmem>>, vector<1x16xf32>,
        %get3A_1520 = vector.shape_cast %get3A_1519 : vector<1x16xf32> to vector<16xf32>
        %add3A_1521 = arith.addf %get3A_1515, %get3A_1520 : vector<16xf32>
        %get3A_1522 = arith.constant 0 : i32
        %get3A_1523 = arith.index_cast %get3A_1522 : i32 to index
        %get3A_1524 = arith.constant 16 : index
        %get3A_1525 = tpu.vector_load %arg10[%get3A_1523, %get3A_1524] {strides = array<i32>} : memref<1x64xf32, #tpu.memory_space<vmem>>, vector<1x16xf32>,
        %get3A_1526 = vector.shape_cast %get3A_1525 : vector<1x16xf32> to vector<16xf32>
        %mul3A_1527 = arith.mulf %broadcast_in_dim3A_1487, %get3A_1526 : vector<16xf32>
        %add3A_1528 = arith.addf %add3A_1521, %mul3A_1527 : vector<16xf32>
        %swap3A_1529 = arith.index_cast %add3A_1489 : i32 to index
        %swap3A_1530 = arith.constant 16 : index
        %swap3A_1531 = tpu.vector_load %arg13[%swap3A_1529, %swap3A_1530] {strides = array<i32>} : memref<128x64xf32, #tpu.memory_space<vmem>>, vector<1x16xf32>,
        %swap3A_1532 = vector.shape_cast %swap3A_1531 : vector<1x16xf32> to vector<16xf32>
        %swap3A_1533 = vector.shape_cast %add3A_1528 : vector<16xf32> to vector<1x16xf32>
        tpu.vector_store %arg13[%swap3A_1529, %swap3A_1530], %swap3A_1533 {strides = array<i32>} : memref<128x64xf32, #tpu.memory_space<vmem>>, vector<1x16xf32>,
        %get3A_1534 = arith.index_cast %add3A_1489 : i32 to index
        %get3A_1535 = arith.constant 32 : index
        %get3A_1536 = tpu.vector_load %arg11[%get3A_1534, %get3A_1535] {strides = array<i32>} : memref<128x64xf32, #tpu.memory_space<vmem>>, vector<1x16xf32>,
        %get3A_1537 = vector.shape_cast %get3A_1536 : vector<1x16xf32> to vector<16xf32>
        %get3A_1538 = arith.constant 0 : i32
        %get3A_1539 = arith.index_cast %get3A_1538 : i32 to index
        %get3A_1540 = arith.constant 32 : index
        %get3A_1541 = tpu.vector_load %arg17[%get3A_1539, %get3A_1540] {strides = array<i32>} : memref<1x64xf32, #tpu.memory_space<vmem>>, vector<1x16xf32>,
        %get3A_1542 = vector.shape_cast %get3A_1541 : vector<1x16xf32> to vector<16xf32>
        %add3A_1543 = arith.addf %get3A_1537, %get3A_1542 : vector<16xf32>
        %get3A_1544 = arith.constant 0 : i32
        %get3A_1545 = arith.index_cast %get3A_1544 : i32 to index
        %get3A_1546 = arith.constant 32 : index
        %get3A_1547 = tpu.vector_load %arg10[%get3A_1545, %get3A_1546] {strides = array<i32>} : memref<1x64xf32, #tpu.memory_space<vmem>>, vector<1x16xf32>,
        %get3A_1548 = vector.shape_cast %get3A_1547 : vector<1x16xf32> to vector<16xf32>
        %mul3A_1549 = arith.mulf %broadcast_in_dim3A_1487, %get3A_1548 : vector<16xf32>
        %add3A_1550 = arith.addf %add3A_1543, %mul3A_1549 : vector<16xf32>
        %swap3A_1551 = arith.index_cast %add3A_1489 : i32 to index
        %swap3A_1552 = arith.constant 32 : index
        %swap3A_1553 = tpu.vector_load %arg13[%swap3A_1551, %swap3A_1552] {strides = array<i32>} : memref<128x64xf32, #tpu.memory_space<vmem>>, vector<1x16xf32>,
        %swap3A_1554 = vector.shape_cast %swap3A_1553 : vector<1x16xf32> to vector<16xf32>
        %swap3A_1555 = vector.shape_cast %add3A_1550 : vector<16xf32> to vector<1x16xf32>
        tpu.vector_store %arg13[%swap3A_1551, %swap3A_1552], %swap3A_1555 {strides = array<i32>} : memref<128x64xf32, #tpu.memory_space<vmem>>, vector<1x16xf32>,
        %get3A_1556 = arith.index_cast %add3A_1489 : i32 to index
        %get3A_1557 = arith.constant 48 : index
        %get3A_1558 = tpu.vector_load %arg11[%get3A_1556, %get3A_1557] {strides = array<i32>} : memref<128x64xf32, #tpu.memory_space<vmem>>, vector<1x16xf32>,
        %get3A_1559 = vector.shape_cast %get3A_1558 : vector<1x16xf32> to vector<16xf32>
        %get3A_1560 = arith.constant 0 : i32
        %get3A_1561 = arith.index_cast %get3A_1560 : i32 to index
        %get3A_1562 = arith.constant 48 : index
        %get3A_1563 = tpu.vector_load %arg17[%get3A_1561, %get3A_1562] {strides = array<i32>} : memref<1x64xf32, #tpu.memory_space<vmem>>, vector<1x16xf32>,
        %get3A_1564 = vector.shape_cast %get3A_1563 : vector<1x16xf32> to vector<16xf32>
        %add3A_1565 = arith.addf %get3A_1559, %get3A_1564 : vector<16xf32>
        %get3A_1566 = arith.constant 0 : i32
        %get3A_1567 = arith.index_cast %get3A_1566 : i32 to index
        %get3A_1568 = arith.constant 48 : index
        %get3A_1569 = tpu.vector_load %arg10[%get3A_1567, %get3A_1568] {strides = array<i32>} : memref<1x64xf32, #tpu.memory_space<vmem>>, vector<1x16xf32>,
        %get3A_1570 = vector.shape_cast %get3A_1569 : vector<1x16xf32> to vector<16xf32>
        %mul3A_1571 = arith.mulf %broadcast_in_dim3A_1487, %get3A_1570 : vector<16xf32>
        %add3A_1572 = arith.addf %add3A_1565, %mul3A_1571 : vector<16xf32>
        %swap3A_1573 = arith.index_cast %add3A_1489 : i32 to index
        %swap3A_1574 = arith.constant 48 : index
        %swap3A_1575 = tpu.vector_load %arg13[%swap3A_1573, %swap3A_1574] {strides = array<i32>} : memref<128x64xf32, #tpu.memory_space<vmem>>, vector<1x16xf32>,
        %swap3A_1576 = vector.shape_cast %swap3A_1575 : vector<1x16xf32> to vector<16xf32>
        %swap3A_1577 = vector.shape_cast %add3A_1572 : vector<16xf32> to vector<1x16xf32>
        tpu.vector_store %arg13[%swap3A_1573, %swap3A_1574], %swap3A_1577 {strides = array<i32>} : memref<128x64xf32, #tpu.memory_space<vmem>>, vector<1x16xf32>,
        %slice3A_1578 = vector.extract_strided_slice %convert_element_type3A_371 {offsets = [13], sizes = [1], strides = [1]} : vector<16xf32> to vector<1xf32>
        %squeeze3A_1579 = vector.extract %slice3A_1578[0] : f32 from vector<1xf32>
        %broadcast_in_dim3A_1580 = vector.broadcast %squeeze3A_1579 : f32 to vector<16xf32>
        %add3A_1581 = arith.constant 13 : i32
        %add3A_1582 = arith.addi %mul3A_367, %add3A_1581 : i32
        %get3A_1583 = arith.index_cast %add3A_1582 : i32 to index
        %get3A_1584 = arith.constant 0 : index
        %get3A_1585 = tpu.vector_load %arg11[%get3A_1583, %get3A_1584] {strides = array<i32>} : memref<128x64xf32, #tpu.memory_space<vmem>>, vector<1x16xf32>,
        %get3A_1586 = vector.shape_cast %get3A_1585 : vector<1x16xf32> to vector<16xf32>
        %get3A_1587 = arith.constant 0 : i32
        %get3A_1588 = arith.index_cast %get3A_1587 : i32 to index
        %get3A_1589 = arith.constant 0 : index
        %get3A_1590 = tpu.vector_load %arg17[%get3A_1588, %get3A_1589] {strides = array<i32>} : memref<1x64xf32, #tpu.memory_space<vmem>>, vector<1x16xf32>,
        %get3A_1591 = vector.shape_cast %get3A_1590 : vector<1x16xf32> to vector<16xf32>
        %add3A_1592 = arith.addf %get3A_1586, %get3A_1591 : vector<16xf32>
        %get3A_1593 = arith.constant 0 : i32
        %get3A_1594 = arith.index_cast %get3A_1593 : i32 to index
        %get3A_1595 = arith.constant 0 : index
        %get3A_1596 = tpu.vector_load %arg10[%get3A_1594, %get3A_1595] {strides = array<i32>} : memref<1x64xf32, #tpu.memory_space<vmem>>, vector<1x16xf32>,
        %get3A_1597 = vector.shape_cast %get3A_1596 : vector<1x16xf32> to vector<16xf32>
        %mul3A_1598 = arith.mulf %broadcast_in_dim3A_1580, %get3A_1597 : vector<16xf32>
        %add3A_1599 = arith.addf %add3A_1592, %mul3A_1598 : vector<16xf32>
        %swap3A_1600 = arith.index_cast %add3A_1582 : i32 to index
        %swap3A_1601 = arith.constant 0 : index
        %swap3A_1602 = tpu.vector_load %arg13[%swap3A_1600, %swap3A_1601] {strides = array<i32>} : memref<128x64xf32, #tpu.memory_space<vmem>>, vector<1x16xf32>,
        %swap3A_1603 = vector.shape_cast %swap3A_1602 : vector<1x16xf32> to vector<16xf32>
        %swap3A_1604 = vector.shape_cast %add3A_1599 : vector<16xf32> to vector<1x16xf32>
        tpu.vector_store %arg13[%swap3A_1600, %swap3A_1601], %swap3A_1604 {strides = array<i32>} : memref<128x64xf32, #tpu.memory_space<vmem>>, vector<1x16xf32>,
        %get3A_1605 = arith.index_cast %add3A_1582 : i32 to index
        %get3A_1606 = arith.constant 16 : index
        %get3A_1607 = tpu.vector_load %arg11[%get3A_1605, %get3A_1606] {strides = array<i32>} : memref<128x64xf32, #tpu.memory_space<vmem>>, vector<1x16xf32>,
        %get3A_1608 = vector.shape_cast %get3A_1607 : vector<1x16xf32> to vector<16xf32>
        %get3A_1609 = arith.constant 0 : i32
        %get3A_1610 = arith.index_cast %get3A_1609 : i32 to index
        %get3A_1611 = arith.constant 16 : index
        %get3A_1612 = tpu.vector_load %arg17[%get3A_1610, %get3A_1611] {strides = array<i32>} : memref<1x64xf32, #tpu.memory_space<vmem>>, vector<1x16xf32>,
        %get3A_1613 = vector.shape_cast %get3A_1612 : vector<1x16xf32> to vector<16xf32>
        %add3A_1614 = arith.addf %get3A_1608, %get3A_1613 : vector<16xf32>
        %get3A_1615 = arith.constant 0 : i32
        %get3A_1616 = arith.index_cast %get3A_1615 : i32 to index
        %get3A_1617 = arith.constant 16 : index
        %get3A_1618 = tpu.vector_load %arg10[%get3A_1616, %get3A_1617] {strides = array<i32>} : memref<1x64xf32, #tpu.memory_space<vmem>>, vector<1x16xf32>,
        %get3A_1619 = vector.shape_cast %get3A_1618 : vector<1x16xf32> to vector<16xf32>
        %mul3A_1620 = arith.mulf %broadcast_in_dim3A_1580, %get3A_1619 : vector<16xf32>
        %add3A_1621 = arith.addf %add3A_1614, %mul3A_1620 : vector<16xf32>
        %swap3A_1622 = arith.index_cast %add3A_1582 : i32 to index
        %swap3A_1623 = arith.constant 16 : index
        %swap3A_1624 = tpu.vector_load %arg13[%swap3A_1622, %swap3A_1623] {strides = array<i32>} : memref<128x64xf32, #tpu.memory_space<vmem>>, vector<1x16xf32>,
        %swap3A_1625 = vector.shape_cast %swap3A_1624 : vector<1x16xf32> to vector<16xf32>
        %swap3A_1626 = vector.shape_cast %add3A_1621 : vector<16xf32> to vector<1x16xf32>
        tpu.vector_store %arg13[%swap3A_1622, %swap3A_1623], %swap3A_1626 {strides = array<i32>} : memref<128x64xf32, #tpu.memory_space<vmem>>, vector<1x16xf32>,
        %get3A_1627 = arith.index_cast %add3A_1582 : i32 to index
        %get3A_1628 = arith.constant 32 : index
        %get3A_1629 = tpu.vector_load %arg11[%get3A_1627, %get3A_1628] {strides = array<i32>} : memref<128x64xf32, #tpu.memory_space<vmem>>, vector<1x16xf32>,
        %get3A_1630 = vector.shape_cast %get3A_1629 : vector<1x16xf32> to vector<16xf32>
        %get3A_1631 = arith.constant 0 : i32
        %get3A_1632 = arith.index_cast %get3A_1631 : i32 to index
        %get3A_1633 = arith.constant 32 : index
        %get3A_1634 = tpu.vector_load %arg17[%get3A_1632, %get3A_1633] {strides = array<i32>} : memref<1x64xf32, #tpu.memory_space<vmem>>, vector<1x16xf32>,
        %get3A_1635 = vector.shape_cast %get3A_1634 : vector<1x16xf32> to vector<16xf32>
        %add3A_1636 = arith.addf %get3A_1630, %get3A_1635 : vector<16xf32>
        %get3A_1637 = arith.constant 0 : i32
        %get3A_1638 = arith.index_cast %get3A_1637 : i32 to index
        %get3A_1639 = arith.constant 32 : index
        %get3A_1640 = tpu.vector_load %arg10[%get3A_1638, %get3A_1639] {strides = array<i32>} : memref<1x64xf32, #tpu.memory_space<vmem>>, vector<1x16xf32>,
        %get3A_1641 = vector.shape_cast %get3A_1640 : vector<1x16xf32> to vector<16xf32>
        %mul3A_1642 = arith.mulf %broadcast_in_dim3A_1580, %get3A_1641 : vector<16xf32>
        %add3A_1643 = arith.addf %add3A_1636, %mul3A_1642 : vector<16xf32>
        %swap3A_1644 = arith.index_cast %add3A_1582 : i32 to index
        %swap3A_1645 = arith.constant 32 : index
        %swap3A_1646 = tpu.vector_load %arg13[%swap3A_1644, %swap3A_1645] {strides = array<i32>} : memref<128x64xf32, #tpu.memory_space<vmem>>, vector<1x16xf32>,
        %swap3A_1647 = vector.shape_cast %swap3A_1646 : vector<1x16xf32> to vector<16xf32>
        %swap3A_1648 = vector.shape_cast %add3A_1643 : vector<16xf32> to vector<1x16xf32>
        tpu.vector_store %arg13[%swap3A_1644, %swap3A_1645], %swap3A_1648 {strides = array<i32>} : memref<128x64xf32, #tpu.memory_space<vmem>>, vector<1x16xf32>,
        %get3A_1649 = arith.index_cast %add3A_1582 : i32 to index
        %get3A_1650 = arith.constant 48 : index
        %get3A_1651 = tpu.vector_load %arg11[%get3A_1649, %get3A_1650] {strides = array<i32>} : memref<128x64xf32, #tpu.memory_space<vmem>>, vector<1x16xf32>,
        %get3A_1652 = vector.shape_cast %get3A_1651 : vector<1x16xf32> to vector<16xf32>
        %get3A_1653 = arith.constant 0 : i32
        %get3A_1654 = arith.index_cast %get3A_1653 : i32 to index
        %get3A_1655 = arith.constant 48 : index
        %get3A_1656 = tpu.vector_load %arg17[%get3A_1654, %get3A_1655] {strides = array<i32>} : memref<1x64xf32, #tpu.memory_space<vmem>>, vector<1x16xf32>,
        %get3A_1657 = vector.shape_cast %get3A_1656 : vector<1x16xf32> to vector<16xf32>
        %add3A_1658 = arith.addf %get3A_1652, %get3A_1657 : vector<16xf32>
        %get3A_1659 = arith.constant 0 : i32
        %get3A_1660 = arith.index_cast %get3A_1659 : i32 to index
        %get3A_1661 = arith.constant 48 : index
        %get3A_1662 = tpu.vector_load %arg10[%get3A_1660, %get3A_1661] {strides = array<i32>} : memref<1x64xf32, #tpu.memory_space<vmem>>, vector<1x16xf32>,
        %get3A_1663 = vector.shape_cast %get3A_1662 : vector<1x16xf32> to vector<16xf32>
        %mul3A_1664 = arith.mulf %broadcast_in_dim3A_1580, %get3A_1663 : vector<16xf32>
        %add3A_1665 = arith.addf %add3A_1658, %mul3A_1664 : vector<16xf32>
        %swap3A_1666 = arith.index_cast %add3A_1582 : i32 to index
        %swap3A_1667 = arith.constant 48 : index
        %swap3A_1668 = tpu.vector_load %arg13[%swap3A_1666, %swap3A_1667] {strides = array<i32>} : memref<128x64xf32, #tpu.memory_space<vmem>>, vector<1x16xf32>,
        %swap3A_1669 = vector.shape_cast %swap3A_1668 : vector<1x16xf32> to vector<16xf32>
        %swap3A_1670 = vector.shape_cast %add3A_1665 : vector<16xf32> to vector<1x16xf32>
        tpu.vector_store %arg13[%swap3A_1666, %swap3A_1667], %swap3A_1670 {strides = array<i32>} : memref<128x64xf32, #tpu.memory_space<vmem>>, vector<1x16xf32>,
        %slice3A_1671 = vector.extract_strided_slice %convert_element_type3A_371 {offsets = [14], sizes = [1], strides = [1]} : vector<16xf32> to vector<1xf32>
        %squeeze3A_1672 = vector.extract %slice3A_1671[0] : f32 from vector<1xf32>
        %broadcast_in_dim3A_1673 = vector.broadcast %squeeze3A_1672 : f32 to vector<16xf32>
        %add3A_1674 = arith.constant 14 : i32
        %add3A_1675 = arith.addi %mul3A_367, %add3A_1674 : i32
        %get3A_1676 = arith.index_cast %add3A_1675 : i32 to index
        %get3A_1677 = arith.constant 0 : index
        %get3A_1678 = tpu.vector_load %arg11[%get3A_1676, %get3A_1677] {strides = array<i32>} : memref<128x64xf32, #tpu.memory_space<vmem>>, vector<1x16xf32>,
        %get3A_1679 = vector.shape_cast %get3A_1678 : vector<1x16xf32> to vector<16xf32>
        %get3A_1680 = arith.constant 0 : i32
        %get3A_1681 = arith.index_cast %get3A_1680 : i32 to index
        %get3A_1682 = arith.constant 0 : index
        %get3A_1683 = tpu.vector_load %arg17[%get3A_1681, %get3A_1682] {strides = array<i32>} : memref<1x64xf32, #tpu.memory_space<vmem>>, vector<1x16xf32>,
        %get3A_1684 = vector.shape_cast %get3A_1683 : vector<1x16xf32> to vector<16xf32>
        %add3A_1685 = arith.addf %get3A_1679, %get3A_1684 : vector<16xf32>
        %get3A_1686 = arith.constant 0 : i32
        %get3A_1687 = arith.index_cast %get3A_1686 : i32 to index
        %get3A_1688 = arith.constant 0 : index
        %get3A_1689 = tpu.vector_load %arg10[%get3A_1687, %get3A_1688] {strides = array<i32>} : memref<1x64xf32, #tpu.memory_space<vmem>>, vector<1x16xf32>,
        %get3A_1690 = vector.shape_cast %get3A_1689 : vector<1x16xf32> to vector<16xf32>
        %mul3A_1691 = arith.mulf %broadcast_in_dim3A_1673, %get3A_1690 : vector<16xf32>
        %add3A_1692 = arith.addf %add3A_1685, %mul3A_1691 : vector<16xf32>
        %swap3A_1693 = arith.index_cast %add3A_1675 : i32 to index
        %swap3A_1694 = arith.constant 0 : index
        %swap3A_1695 = tpu.vector_load %arg13[%swap3A_1693, %swap3A_1694] {strides = array<i32>} : memref<128x64xf32, #tpu.memory_space<vmem>>, vector<1x16xf32>,
        %swap3A_1696 = vector.shape_cast %swap3A_1695 : vector<1x16xf32> to vector<16xf32>
        %swap3A_1697 = vector.shape_cast %add3A_1692 : vector<16xf32> to vector<1x16xf32>
        tpu.vector_store %arg13[%swap3A_1693, %swap3A_1694], %swap3A_1697 {strides = array<i32>} : memref<128x64xf32, #tpu.memory_space<vmem>>, vector<1x16xf32>,
        %get3A_1698 = arith.index_cast %add3A_1675 : i32 to index
        %get3A_1699 = arith.constant 16 : index
        %get3A_1700 = tpu.vector_load %arg11[%get3A_1698, %get3A_1699] {strides = array<i32>} : memref<128x64xf32, #tpu.memory_space<vmem>>, vector<1x16xf32>,
        %get3A_1701 = vector.shape_cast %get3A_1700 : vector<1x16xf32> to vector<16xf32>
        %get3A_1702 = arith.constant 0 : i32
        %get3A_1703 = arith.index_cast %get3A_1702 : i32 to index
        %get3A_1704 = arith.constant 16 : index
        %get3A_1705 = tpu.vector_load %arg17[%get3A_1703, %get3A_1704] {strides = array<i32>} : memref<1x64xf32, #tpu.memory_space<vmem>>, vector<1x16xf32>,
        %get3A_1706 = vector.shape_cast %get3A_1705 : vector<1x16xf32> to vector<16xf32>
        %add3A_1707 = arith.addf %get3A_1701, %get3A_1706 : vector<16xf32>
        %get3A_1708 = arith.constant 0 : i32
        %get3A_1709 = arith.index_cast %get3A_1708 : i32 to index
        %get3A_1710 = arith.constant 16 : index
        %get3A_1711 = tpu.vector_load %arg10[%get3A_1709, %get3A_1710] {strides = array<i32>} : memref<1x64xf32, #tpu.memory_space<vmem>>, vector<1x16xf32>,
        %get3A_1712 = vector.shape_cast %get3A_1711 : vector<1x16xf32> to vector<16xf32>
        %mul3A_1713 = arith.mulf %broadcast_in_dim3A_1673, %get3A_1712 : vector<16xf32>
        %add3A_1714 = arith.addf %add3A_1707, %mul3A_1713 : vector<16xf32>
        %swap3A_1715 = arith.index_cast %add3A_1675 : i32 to index
        %swap3A_1716 = arith.constant 16 : index
        %swap3A_1717 = tpu.vector_load %arg13[%swap3A_1715, %swap3A_1716] {strides = array<i32>} : memref<128x64xf32, #tpu.memory_space<vmem>>, vector<1x16xf32>,
        %swap3A_1718 = vector.shape_cast %swap3A_1717 : vector<1x16xf32> to vector<16xf32>
        %swap3A_1719 = vector.shape_cast %add3A_1714 : vector<16xf32> to vector<1x16xf32>
        tpu.vector_store %arg13[%swap3A_1715, %swap3A_1716], %swap3A_1719 {strides = array<i32>} : memref<128x64xf32, #tpu.memory_space<vmem>>, vector<1x16xf32>,
        %get3A_1720 = arith.index_cast %add3A_1675 : i32 to index
        %get3A_1721 = arith.constant 32 : index
        %get3A_1722 = tpu.vector_load %arg11[%get3A_1720, %get3A_1721] {strides = array<i32>} : memref<128x64xf32, #tpu.memory_space<vmem>>, vector<1x16xf32>,
        %get3A_1723 = vector.shape_cast %get3A_1722 : vector<1x16xf32> to vector<16xf32>
        %get3A_1724 = arith.constant 0 : i32
        %get3A_1725 = arith.index_cast %get3A_1724 : i32 to index
        %get3A_1726 = arith.constant 32 : index
        %get3A_1727 = tpu.vector_load %arg17[%get3A_1725, %get3A_1726] {strides = array<i32>} : memref<1x64xf32, #tpu.memory_space<vmem>>, vector<1x16xf32>,
        %get3A_1728 = vector.shape_cast %get3A_1727 : vector<1x16xf32> to vector<16xf32>
        %add3A_1729 = arith.addf %get3A_1723, %get3A_1728 : vector<16xf32>
        %get3A_1730 = arith.constant 0 : i32
        %get3A_1731 = arith.index_cast %get3A_1730 : i32 to index
        %get3A_1732 = arith.constant 32 : index
        %get3A_1733 = tpu.vector_load %arg10[%get3A_1731, %get3A_1732] {strides = array<i32>} : memref<1x64xf32, #tpu.memory_space<vmem>>, vector<1x16xf32>,
        %get3A_1734 = vector.shape_cast %get3A_1733 : vector<1x16xf32> to vector<16xf32>
        %mul3A_1735 = arith.mulf %broadcast_in_dim3A_1673, %get3A_1734 : vector<16xf32>
        %add3A_1736 = arith.addf %add3A_1729, %mul3A_1735 : vector<16xf32>
        %swap3A_1737 = arith.index_cast %add3A_1675 : i32 to index
        %swap3A_1738 = arith.constant 32 : index
        %swap3A_1739 = tpu.vector_load %arg13[%swap3A_1737, %swap3A_1738] {strides = array<i32>} : memref<128x64xf32, #tpu.memory_space<vmem>>, vector<1x16xf32>,
        %swap3A_1740 = vector.shape_cast %swap3A_1739 : vector<1x16xf32> to vector<16xf32>
        %swap3A_1741 = vector.shape_cast %add3A_1736 : vector<16xf32> to vector<1x16xf32>
        tpu.vector_store %arg13[%swap3A_1737, %swap3A_1738], %swap3A_1741 {strides = array<i32>} : memref<128x64xf32, #tpu.memory_space<vmem>>, vector<1x16xf32>,
        %get3A_1742 = arith.index_cast %add3A_1675 : i32 to index
        %get3A_1743 = arith.constant 48 : index
        %get3A_1744 = tpu.vector_load %arg11[%get3A_1742, %get3A_1743] {strides = array<i32>} : memref<128x64xf32, #tpu.memory_space<vmem>>, vector<1x16xf32>,
        %get3A_1745 = vector.shape_cast %get3A_1744 : vector<1x16xf32> to vector<16xf32>
        %get3A_1746 = arith.constant 0 : i32
        %get3A_1747 = arith.index_cast %get3A_1746 : i32 to index
        %get3A_1748 = arith.constant 48 : index
        %get3A_1749 = tpu.vector_load %arg17[%get3A_1747, %get3A_1748] {strides = array<i32>} : memref<1x64xf32, #tpu.memory_space<vmem>>, vector<1x16xf32>,
        %get3A_1750 = vector.shape_cast %get3A_1749 : vector<1x16xf32> to vector<16xf32>
        %add3A_1751 = arith.addf %get3A_1745, %get3A_1750 : vector<16xf32>
        %get3A_1752 = arith.constant 0 : i32
        %get3A_1753 = arith.index_cast %get3A_1752 : i32 to index
        %get3A_1754 = arith.constant 48 : index
        %get3A_1755 = tpu.vector_load %arg10[%get3A_1753, %get3A_1754] {strides = array<i32>} : memref<1x64xf32, #tpu.memory_space<vmem>>, vector<1x16xf32>,
        %get3A_1756 = vector.shape_cast %get3A_1755 : vector<1x16xf32> to vector<16xf32>
        %mul3A_1757 = arith.mulf %broadcast_in_dim3A_1673, %get3A_1756 : vector<16xf32>
        %add3A_1758 = arith.addf %add3A_1751, %mul3A_1757 : vector<16xf32>
        %swap3A_1759 = arith.index_cast %add3A_1675 : i32 to index
        %swap3A_1760 = arith.constant 48 : index
        %swap3A_1761 = tpu.vector_load %arg13[%swap3A_1759, %swap3A_1760] {strides = array<i32>} : memref<128x64xf32, #tpu.memory_space<vmem>>, vector<1x16xf32>,
        %swap3A_1762 = vector.shape_cast %swap3A_1761 : vector<1x16xf32> to vector<16xf32>
        %swap3A_1763 = vector.shape_cast %add3A_1758 : vector<16xf32> to vector<1x16xf32>
        tpu.vector_store %arg13[%swap3A_1759, %swap3A_1760], %swap3A_1763 {strides = array<i32>} : memref<128x64xf32, #tpu.memory_space<vmem>>, vector<1x16xf32>,
        %slice3A_1764 = vector.extract_strided_slice %convert_element_type3A_371 {offsets = [15], sizes = [1], strides = [1]} : vector<16xf32> to vector<1xf32>
        %squeeze3A_1765 = vector.extract %slice3A_1764[0] : f32 from vector<1xf32>
        %broadcast_in_dim3A_1766 = vector.broadcast %squeeze3A_1765 : f32 to vector<16xf32>
        %add3A_1767 = arith.constant 15 : i32
        %add3A_1768 = arith.addi %mul3A_367, %add3A_1767 : i32
        %get3A_1769 = arith.index_cast %add3A_1768 : i32 to index
        %get3A_1770 = arith.constant 0 : index
        %get3A_1771 = tpu.vector_load %arg11[%get3A_1769, %get3A_1770] {strides = array<i32>} : memref<128x64xf32, #tpu.memory_space<vmem>>, vector<1x16xf32>,
        %get3A_1772 = vector.shape_cast %get3A_1771 : vector<1x16xf32> to vector<16xf32>
        %get3A_1773 = arith.constant 0 : i32
        %get3A_1774 = arith.index_cast %get3A_1773 : i32 to index
        %get3A_1775 = arith.constant 0 : index
        %get3A_1776 = tpu.vector_load %arg17[%get3A_1774, %get3A_1775] {strides = array<i32>} : memref<1x64xf32, #tpu.memory_space<vmem>>, vector<1x16xf32>,
        %get3A_1777 = vector.shape_cast %get3A_1776 : vector<1x16xf32> to vector<16xf32>
        %add3A_1778 = arith.addf %get3A_1772, %get3A_1777 : vector<16xf32>
        %get3A_1779 = arith.constant 0 : i32
        %get3A_1780 = arith.index_cast %get3A_1779 : i32 to index
        %get3A_1781 = arith.constant 0 : index
        %get3A_1782 = tpu.vector_load %arg10[%get3A_1780, %get3A_1781] {strides = array<i32>} : memref<1x64xf32, #tpu.memory_space<vmem>>, vector<1x16xf32>,
        %get3A_1783 = vector.shape_cast %get3A_1782 : vector<1x16xf32> to vector<16xf32>
        %mul3A_1784 = arith.mulf %broadcast_in_dim3A_1766, %get3A_1783 : vector<16xf32>
        %add3A_1785 = arith.addf %add3A_1778, %mul3A_1784 : vector<16xf32>
        %swap3A_1786 = arith.index_cast %add3A_1768 : i32 to index
        %swap3A_1787 = arith.constant 0 : index
        %swap3A_1788 = tpu.vector_load %arg13[%swap3A_1786, %swap3A_1787] {strides = array<i32>} : memref<128x64xf32, #tpu.memory_space<vmem>>, vector<1x16xf32>,
        %swap3A_1789 = vector.shape_cast %swap3A_1788 : vector<1x16xf32> to vector<16xf32>
        %swap3A_1790 = vector.shape_cast %add3A_1785 : vector<16xf32> to vector<1x16xf32>
        tpu.vector_store %arg13[%swap3A_1786, %swap3A_1787], %swap3A_1790 {strides = array<i32>} : memref<128x64xf32, #tpu.memory_space<vmem>>, vector<1x16xf32>,
        %get3A_1791 = arith.index_cast %add3A_1768 : i32 to index
        %get3A_1792 = arith.constant 16 : index
        %get3A_1793 = tpu.vector_load %arg11[%get3A_1791, %get3A_1792] {strides = array<i32>} : memref<128x64xf32, #tpu.memory_space<vmem>>, vector<1x16xf32>,
        %get3A_1794 = vector.shape_cast %get3A_1793 : vector<1x16xf32> to vector<16xf32>
        %get3A_1795 = arith.constant 0 : i32
        %get3A_1796 = arith.index_cast %get3A_1795 : i32 to index
        %get3A_1797 = arith.constant 16 : index
        %get3A_1798 = tpu.vector_load %arg17[%get3A_1796, %get3A_1797] {strides = array<i32>} : memref<1x64xf32, #tpu.memory_space<vmem>>, vector<1x16xf32>,
        %get3A_1799 = vector.shape_cast %get3A_1798 : vector<1x16xf32> to vector<16xf32>
        %add3A_1800 = arith.addf %get3A_1794, %get3A_1799 : vector<16xf32>
        %get3A_1801 = arith.constant 0 : i32
        %get3A_1802 = arith.index_cast %get3A_1801 : i32 to index
        %get3A_1803 = arith.constant 16 : index
        %get3A_1804 = tpu.vector_load %arg10[%get3A_1802, %get3A_1803] {strides = array<i32>} : memref<1x64xf32, #tpu.memory_space<vmem>>, vector<1x16xf32>,
        %get3A_1805 = vector.shape_cast %get3A_1804 : vector<1x16xf32> to vector<16xf32>
        %mul3A_1806 = arith.mulf %broadcast_in_dim3A_1766, %get3A_1805 : vector<16xf32>
        %add3A_1807 = arith.addf %add3A_1800, %mul3A_1806 : vector<16xf32>
        %swap3A_1808 = arith.index_cast %add3A_1768 : i32 to index
        %swap3A_1809 = arith.constant 16 : index
        %swap3A_1810 = tpu.vector_load %arg13[%swap3A_1808, %swap3A_1809] {strides = array<i32>} : memref<128x64xf32, #tpu.memory_space<vmem>>, vector<1x16xf32>,
        %swap3A_1811 = vector.shape_cast %swap3A_1810 : vector<1x16xf32> to vector<16xf32>
        %swap3A_1812 = vector.shape_cast %add3A_1807 : vector<16xf32> to vector<1x16xf32>
        tpu.vector_store %arg13[%swap3A_1808, %swap3A_1809], %swap3A_1812 {strides = array<i32>} : memref<128x64xf32, #tpu.memory_space<vmem>>, vector<1x16xf32>,
        %get3A_1813 = arith.index_cast %add3A_1768 : i32 to index
        %get3A_1814 = arith.constant 32 : index
        %get3A_1815 = tpu.vector_load %arg11[%get3A_1813, %get3A_1814] {strides = array<i32>} : memref<128x64xf32, #tpu.memory_space<vmem>>, vector<1x16xf32>,
        %get3A_1816 = vector.shape_cast %get3A_1815 : vector<1x16xf32> to vector<16xf32>
        %get3A_1817 = arith.constant 0 : i32
        %get3A_1818 = arith.index_cast %get3A_1817 : i32 to index
        %get3A_1819 = arith.constant 32 : index
        %get3A_1820 = tpu.vector_load %arg17[%get3A_1818, %get3A_1819] {strides = array<i32>} : memref<1x64xf32, #tpu.memory_space<vmem>>, vector<1x16xf32>,
        %get3A_1821 = vector.shape_cast %get3A_1820 : vector<1x16xf32> to vector<16xf32>
        %add3A_1822 = arith.addf %get3A_1816, %get3A_1821 : vector<16xf32>
        %get3A_1823 = arith.constant 0 : i32
        %get3A_1824 = arith.index_cast %get3A_1823 : i32 to index
        %get3A_1825 = arith.constant 32 : index
        %get3A_1826 = tpu.vector_load %arg10[%get3A_1824, %get3A_1825] {strides = array<i32>} : memref<1x64xf32, #tpu.memory_space<vmem>>, vector<1x16xf32>,
        %get3A_1827 = vector.shape_cast %get3A_1826 : vector<1x16xf32> to vector<16xf32>
        %mul3A_1828 = arith.mulf %broadcast_in_dim3A_1766, %get3A_1827 : vector<16xf32>
        %add3A_1829 = arith.addf %add3A_1822, %mul3A_1828 : vector<16xf32>
        %swap3A_1830 = arith.index_cast %add3A_1768 : i32 to index
        %swap3A_1831 = arith.constant 32 : index
        %swap3A_1832 = tpu.vector_load %arg13[%swap3A_1830, %swap3A_1831] {strides = array<i32>} : memref<128x64xf32, #tpu.memory_space<vmem>>, vector<1x16xf32>,
        %swap3A_1833 = vector.shape_cast %swap3A_1832 : vector<1x16xf32> to vector<16xf32>
        %swap3A_1834 = vector.shape_cast %add3A_1829 : vector<16xf32> to vector<1x16xf32>
        tpu.vector_store %arg13[%swap3A_1830, %swap3A_1831], %swap3A_1834 {strides = array<i32>} : memref<128x64xf32, #tpu.memory_space<vmem>>, vector<1x16xf32>,
        %get3A_1835 = arith.index_cast %add3A_1768 : i32 to index
        %get3A_1836 = arith.constant 48 : index
        %get3A_1837 = tpu.vector_load %arg11[%get3A_1835, %get3A_1836] {strides = array<i32>} : memref<128x64xf32, #tpu.memory_space<vmem>>, vector<1x16xf32>,
        %get3A_1838 = vector.shape_cast %get3A_1837 : vector<1x16xf32> to vector<16xf32>
        %get3A_1839 = arith.constant 0 : i32
        %get3A_1840 = arith.index_cast %get3A_1839 : i32 to index
        %get3A_1841 = arith.constant 48 : index
        %get3A_1842 = tpu.vector_load %arg17[%get3A_1840, %get3A_1841] {strides = array<i32>} : memref<1x64xf32, #tpu.memory_space<vmem>>, vector<1x16xf32>,
        %get3A_1843 = vector.shape_cast %get3A_1842 : vector<1x16xf32> to vector<16xf32>
        %add3A_1844 = arith.addf %get3A_1838, %get3A_1843 : vector<16xf32>
        %get3A_1845 = arith.constant 0 : i32
        %get3A_1846 = arith.index_cast %get3A_1845 : i32 to index
        %get3A_1847 = arith.constant 48 : index
        %get3A_1848 = tpu.vector_load %arg10[%get3A_1846, %get3A_1847] {strides = array<i32>} : memref<1x64xf32, #tpu.memory_space<vmem>>, vector<1x16xf32>,
        %get3A_1849 = vector.shape_cast %get3A_1848 : vector<1x16xf32> to vector<16xf32>
        %mul3A_1850 = arith.mulf %broadcast_in_dim3A_1766, %get3A_1849 : vector<16xf32>
        %add3A_1851 = arith.addf %add3A_1844, %mul3A_1850 : vector<16xf32>
        %swap3A_1852 = arith.index_cast %add3A_1768 : i32 to index
        %swap3A_1853 = arith.constant 48 : index
        %swap3A_1854 = tpu.vector_load %arg13[%swap3A_1852, %swap3A_1853] {strides = array<i32>} : memref<128x64xf32, #tpu.memory_space<vmem>>, vector<1x16xf32>,
        %swap3A_1855 = vector.shape_cast %swap3A_1854 : vector<1x16xf32> to vector<16xf32>
        %swap3A_1856 = vector.shape_cast %add3A_1851 : vector<16xf32> to vector<1x16xf32>
        tpu.vector_store %arg13[%swap3A_1852, %swap3A_1853], %swap3A_1856 {strides = array<i32>} : memref<128x64xf32, #tpu.memory_space<vmem>>, vector<1x16xf32>,
      }
      %scan3A_245 = arith.constant 8 : i32
      %mul3A_246 = arith.constant 128 : i32
      %mul3A_247 = arith.muli %add3A_154, %mul3A_246 : i32
      %add3A_248 = arith.addi %mul3A_2, %mul3A_247 : i32
      %dma_start3A_249 = arith.constant 0 : i32
      %dma_start3A_250 = tpu.memref_slice %arg7[%add3A_248, %dma_start3A_249] : memref<204800x64xf32, #tpu.memory_space<hbm>> -> memref<128x64xf32, #tpu.memory_space<hbm>>
      %dma_start3A_251 = arith.constant 0 : i32
      %dma_start3A_252 = tpu.memref_slice %arg7[%add3A_248, %dma_start3A_251] : memref<204800x64xf32, #tpu.memory_space<hbm>> -> memref<128x64xf32, #tpu.memory_space<hbm>>
      tpu.enqueue_dma source(%arg13 : memref<128x64xf32, #tpu.memory_space<vmem>>) target(%dma_start3A_252 : memref<128x64xf32, #tpu.memory_space<hbm>>) target_semaphore(%arg23 : memref<!tpu.dma_semaphore, #tpu.memory_space<semaphore_mem>>)
      %lt3A = arith.constant 24 : i32
      %lt3A_253 = arith.cmpi slt, %scan3A_150, %lt3A : i32
      %convert_element_type3A_254 = arith.extui %lt3A_253 : i1 to i32
      %cond3A_255 = arith.constant 0 : i32
      %cond3A_256 = arith.cmpi ne, %convert_element_type3A_254, %cond3A_255 : i32
      scf.if %cond3A_256 {
        %add3A_365 = arith.constant 2 : i32
        %add3A_366 = arith.addi %add3A_154, %add3A_365 : i32
        %mul3A_367 = arith.constant 128 : i32
        %mul3A_368 = arith.muli %add3A_366, %mul3A_367 : i32
        %add3A_369 = arith.addi %mul3A_2, %mul3A_368 : i32
        %jit3A_370 = arith.constant 1024 : i32
        %div3A_371 = arith.divsi %add3A_369, %jit3A_370 : i32
        %sign3A_372 = arith.constant 0 : i32
        %sign3A_373 = arith.cmpi sgt, %add3A_369, %sign3A_372 : i32
        %sign3A_374 = arith.extui %sign3A_373 : i1 to i32
        %sign3A_375 = arith.constant 0 : i32
        %sign3A_376 = arith.cmpi slt, %add3A_369, %sign3A_375 : i32
        %sign3A_377 = arith.extui %sign3A_376 : i1 to i32
        %sign3A_378 = arith.subi %sign3A_374, %sign3A_377 : i32
        %sign3A_379 = arith.constant 0 : i32
        %sign3A_380 = arith.cmpi sgt, %jit3A_370, %sign3A_379 : i32
        %sign3A_381 = arith.extui %sign3A_380 : i1 to i32
        %sign3A_382 = arith.constant 0 : i32
        %sign3A_383 = arith.cmpi slt, %jit3A_370, %sign3A_382 : i32
        %sign3A_384 = arith.extui %sign3A_383 : i1 to i32
        %sign3A_385 = arith.subi %sign3A_381, %sign3A_384 : i32
        %ne3A_386 = arith.cmpi ne, %sign3A_378, %sign3A_385 : i32
        %rem3A_387 = arith.remsi %add3A_369, %jit3A_370 : i32
        %ne3A_388 = arith.constant 0 : i32
        %ne3A_389 = arith.cmpi ne, %rem3A_387, %ne3A_388 : i32
        %and3A_390 = arith.andi %ne3A_386, %ne3A_389 : i1
        %sub3A_391 = arith.constant 1 : i32
        %sub3A_392 = arith.subi %div3A_371, %sub3A_391 : i32
        %select_n3A_393 = arith.select %and3A_390, %sub3A_392, %div3A_371 : i32
        %mul3A_394 = arith.constant 128 : i32
        %mul3A_395 = arith.muli %add3A_366, %mul3A_394 : i32
        %dma_start3A_396 = tpu.memref_slice %arg8[%mul3A_395] : memref<6400xi32, #tpu.memory_space<vmem>> -> memref<128xi32, #tpu.memory_space<vmem>>
        %dma_start3A_397 = arith.constant 0 : i32
        %dma_start3A_398 = arith.constant 0 : i32
        %dma_start3A_399 = tpu.memref_slice %arg4[%dma_start3A_397, %dma_start3A_398] : memref<1000000x64xf32, #tpu.memory_space<hbm>> -> memref<1000000x64xf32, #tpu.memory_space<hbm>>
        tpu.enqueue_indirect_dma source(%dma_start3A_399 : memref<1000000x64xf32, #tpu.memory_space<hbm>>) target(%arg11 : memref<128x64xf32, #tpu.memory_space<vmem>>) offsets(%dma_start3A_396 : memref<128xi32, #tpu.memory_space<vmem>>) semaphore(%arg21 : memref<!tpu.dma_semaphore, #tpu.memory_space<semaphore_mem>>)
        %dma_start3A_400 = arith.constant 0 : i32
        %dma_start3A_401 = tpu.memref_slice %arg6[%select_n3A_393, %dma_start3A_400] : memref<512x64xf32, #tpu.memory_space<hbm>> -> memref<1x64xf32, #tpu.memory_space<hbm>>
        %dma_start3A_402 = arith.constant 0 : i32
        %dma_start3A_403 = tpu.memref_slice %arg6[%select_n3A_393, %dma_start3A_402] : memref<512x64xf32, #tpu.memory_space<hbm>> -> memref<1x64xf32, #tpu.memory_space<hbm>>
        tpu.enqueue_dma source(%dma_start3A_403 : memref<1x64xf32, #tpu.memory_space<hbm>>) target(%arg15 : memref<1x64xf32, #tpu.memory_space<vmem>>) target_semaphore(%arg21 : memref<!tpu.dma_semaphore, #tpu.memory_space<semaphore_mem>>)
        %dma_start3A_404 = tpu.memref_slice %arg3[%add3A_369] : memref<204800xi32, #tpu.memory_space<hbm>> -> memref<128xi32, #tpu.memory_space<hbm>>
        %dma_start3A_405 = tpu.memref_slice %arg3[%add3A_369] : memref<204800xi32, #tpu.memory_space<hbm>> -> memref<128xi32, #tpu.memory_space<hbm>>
        tpu.enqueue_dma source(%dma_start3A_405 : memref<128xi32, #tpu.memory_space<hbm>>) target(%arg19 : memref<128xi32, #tpu.memory_space<vmem>>) target_semaphore(%arg21 : memref<!tpu.dma_semaphore, #tpu.memory_space<semaphore_mem>>)
      } else {
      }
      %add3A_257 = arith.constant 1 : i32
      %add3A_258 = arith.addi %mul3A_152, %add3A_257 : i32
      %dma_wait3A_259 = arith.constant 0 : i32
      %dma_wait3A_260 = tpu.memref_slice %arg8[%dma_wait3A_259] : memref<6400xi32, #tpu.memory_space<vmem>> -> memref<128xi32, #tpu.memory_space<vmem>>
      %dma_wait3A_261 = arith.constant 0 : i32
      %dma_wait3A_262 = arith.constant 0 : i32
      %dma_wait3A_263 = tpu.memref_slice %arg4[%dma_wait3A_261, %dma_wait3A_262] : memref<1000000x64xf32, #tpu.memory_space<hbm>> -> memref<1000000x64xf32, #tpu.memory_space<hbm>>
      tpu.wait_indirect_dma semaphore(%arg22 : memref<!tpu.dma_semaphore, #tpu.memory_space<semaphore_mem>>) src(%dma_wait3A_263 : memref<1000000x64xf32, #tpu.memory_space<hbm>>) dst(%arg12 : memref<128x64xf32, #tpu.memory_space<vmem>>)
      %dma_wait3A_264 = arith.constant 0 : i32
      %dma_wait3A_265 = arith.constant 0 : i32
      %dma_wait3A_266 = tpu.memref_slice %arg6[%dma_wait3A_264, %dma_wait3A_265] : memref<512x64xf32, #tpu.memory_space<hbm>> -> memref<1x64xf32, #tpu.memory_space<hbm>>
      %dma_wait3A_267 = arith.constant 0 : i32
      %dma_wait3A_268 = arith.constant 0 : i32
      %dma_wait3A_269 = tpu.memref_slice %arg6[%dma_wait3A_267, %dma_wait3A_268] : memref<512x64xf32, #tpu.memory_space<hbm>> -> memref<1x64xf32, #tpu.memory_space<hbm>>
      tpu.wait_dma2 semaphore(%arg22 : memref<!tpu.dma_semaphore, #tpu.memory_space<semaphore_mem>>) src(%dma_wait3A_269 : memref<1x64xf32, #tpu.memory_space<hbm>>) dst(%arg16 : memref<1x64xf32, #tpu.memory_space<vmem>>)
      %dma_wait3A_270 = arith.constant 0 : i32
      %dma_wait3A_271 = tpu.memref_slice %arg3[%dma_wait3A_270] : memref<204800xi32, #tpu.memory_space<hbm>> -> memref<128xi32, #tpu.memory_space<hbm>>
      %dma_wait3A_272 = arith.constant 0 : i32
      %dma_wait3A_273 = tpu.memref_slice %arg3[%dma_wait3A_272] : memref<204800xi32, #tpu.memory_space<hbm>> -> memref<128xi32, #tpu.memory_space<hbm>>
      tpu.wait_dma2 semaphore(%arg22 : memref<!tpu.dma_semaphore, #tpu.memory_space<semaphore_mem>>) src(%dma_wait3A_273 : memref<128xi32, #tpu.memory_space<hbm>>) dst(%arg20 : memref<128xi32, #tpu.memory_space<vmem>>)
      %gt3A_274 = arith.constant 0 : i32
      %gt3A_275 = arith.cmpi sgt, %scan3A_150, %gt3A_274 : i32
      %convert_element_type3A_276 = arith.extui %gt3A_275 : i1 to i32
      %cond3A_277 = arith.constant 0 : i32
      %cond3A_278 = arith.cmpi ne, %convert_element_type3A_276, %cond3A_277 : i32
      scf.if %cond3A_278 {
        %dma_wait3A_365 = arith.constant 0 : i32
        %dma_wait3A_366 = arith.constant 0 : i32
        %dma_wait3A_367 = tpu.memref_slice %arg7[%dma_wait3A_365, %dma_wait3A_366] : memref<204800x64xf32, #tpu.memory_space<hbm>> -> memref<128x64xf32, #tpu.memory_space<hbm>>
        %dma_wait3A_368 = arith.constant 0 : i32
        %dma_wait3A_369 = arith.constant 0 : i32
        %dma_wait3A_370 = tpu.memref_slice %arg7[%dma_wait3A_368, %dma_wait3A_369] : memref<204800x64xf32, #tpu.memory_space<hbm>> -> memref<128x64xf32, #tpu.memory_space<hbm>>
        tpu.wait_dma2 semaphore(%arg24 : memref<!tpu.dma_semaphore, #tpu.memory_space<semaphore_mem>>) src(%arg14 : memref<128x64xf32, #tpu.memory_space<vmem>>) dst(%dma_wait3A_370 : memref<128x64xf32, #tpu.memory_space<hbm>>)
      } else {
      }
      %get3A_279 = arith.constant 0 : i32
      %get3A_280 = arith.index_cast %get3A_279 : i32 to index
      %get3A_281 = arith.constant 0 : index
      %get3A_282 = tpu.vector_load %arg16[%get3A_280, %get3A_281] {strides = array<i32>} : memref<1x64xf32, #tpu.memory_space<vmem>>, vector<1x16xf32>,
      %get3A_283 = vector.shape_cast %get3A_282 : vector<1x16xf32> to vector<16xf32>
      %get3A_284 = arith.constant 0 : i32
      %get3A_285 = arith.index_cast %get3A_284 : i32 to index
      %get3A_286 = arith.constant 0 : index
      %get3A_287 = tpu.vector_load %arg9[%get3A_285, %get3A_286] {strides = array<i32>} : memref<2x64xf32, #tpu.memory_space<vmem>>, vector<1x16xf32>,
      %get3A_288 = vector.shape_cast %get3A_287 : vector<1x16xf32> to vector<16xf32>
      %add3A_289 = arith.addf %get3A_283, %get3A_288 : vector<16xf32>
      %swap3A_290 = arith.constant 0 : i32
      %swap3A_291 = arith.index_cast %swap3A_290 : i32 to index
      %swap3A_292 = arith.constant 0 : index
      %swap3A_293 = tpu.vector_load %arg18[%swap3A_291, %swap3A_292] {strides = array<i32>} : memref<1x64xf32, #tpu.memory_space<vmem>>, vector<1x16xf32>,
      %swap3A_294 = vector.shape_cast %swap3A_293 : vector<1x16xf32> to vector<16xf32>
      %swap3A_295 = vector.shape_cast %add3A_289 : vector<16xf32> to vector<1x16xf32>
      tpu.vector_store %arg18[%swap3A_291, %swap3A_292], %swap3A_295 {strides = array<i32>} : memref<1x64xf32, #tpu.memory_space<vmem>>, vector<1x16xf32>,
      %get3A_296 = arith.constant 0 : i32
      %get3A_297 = arith.index_cast %get3A_296 : i32 to index
      %get3A_298 = arith.constant 16 : index
      %get3A_299 = tpu.vector_load %arg16[%get3A_297, %get3A_298] {strides = array<i32>} : memref<1x64xf32, #tpu.memory_space<vmem>>, vector<1x16xf32>,
      %get3A_300 = vector.shape_cast %get3A_299 : vector<1x16xf32> to vector<16xf32>
      %get3A_301 = arith.constant 0 : i32
      %get3A_302 = arith.index_cast %get3A_301 : i32 to index
      %get3A_303 = arith.constant 16 : index
      %get3A_304 = tpu.vector_load %arg9[%get3A_302, %get3A_303] {strides = array<i32>} : memref<2x64xf32, #tpu.memory_space<vmem>>, vector<1x16xf32>,
      %get3A_305 = vector.shape_cast %get3A_304 : vector<1x16xf32> to vector<16xf32>
      %add3A_306 = arith.addf %get3A_300, %get3A_305 : vector<16xf32>
      %swap3A_307 = arith.constant 0 : i32
      %swap3A_308 = arith.index_cast %swap3A_307 : i32 to index
      %swap3A_309 = arith.constant 16 : index
      %swap3A_310 = tpu.vector_load %arg18[%swap3A_308, %swap3A_309] {strides = array<i32>} : memref<1x64xf32, #tpu.memory_space<vmem>>, vector<1x16xf32>,
      %swap3A_311 = vector.shape_cast %swap3A_310 : vector<1x16xf32> to vector<16xf32>
      %swap3A_312 = vector.shape_cast %add3A_306 : vector<16xf32> to vector<1x16xf32>
      tpu.vector_store %arg18[%swap3A_308, %swap3A_309], %swap3A_312 {strides = array<i32>} : memref<1x64xf32, #tpu.memory_space<vmem>>, vector<1x16xf32>,
      %get3A_313 = arith.constant 0 : i32
      %get3A_314 = arith.index_cast %get3A_313 : i32 to index
      %get3A_315 = arith.constant 32 : index
      %get3A_316 = tpu.vector_load %arg16[%get3A_314, %get3A_315] {strides = array<i32>} : memref<1x64xf32, #tpu.memory_space<vmem>>, vector<1x16xf32>,
      %get3A_317 = vector.shape_cast %get3A_316 : vector<1x16xf32> to vector<16xf32>
      %get3A_318 = arith.constant 0 : i32
      %get3A_319 = arith.index_cast %get3A_318 : i32 to index
      %get3A_320 = arith.constant 32 : index
      %get3A_321 = tpu.vector_load %arg9[%get3A_319, %get3A_320] {strides = array<i32>} : memref<2x64xf32, #tpu.memory_space<vmem>>, vector<1x16xf32>,
      %get3A_322 = vector.shape_cast %get3A_321 : vector<1x16xf32> to vector<16xf32>
      %add3A_323 = arith.addf %get3A_317, %get3A_322 : vector<16xf32>
      %swap3A_324 = arith.constant 0 : i32
      %swap3A_325 = arith.index_cast %swap3A_324 : i32 to index
      %swap3A_326 = arith.constant 32 : index
      %swap3A_327 = tpu.vector_load %arg18[%swap3A_325, %swap3A_326] {strides = array<i32>} : memref<1x64xf32, #tpu.memory_space<vmem>>, vector<1x16xf32>,
      %swap3A_328 = vector.shape_cast %swap3A_327 : vector<1x16xf32> to vector<16xf32>
      %swap3A_329 = vector.shape_cast %add3A_323 : vector<16xf32> to vector<1x16xf32>
      tpu.vector_store %arg18[%swap3A_325, %swap3A_326], %swap3A_329 {strides = array<i32>} : memref<1x64xf32, #tpu.memory_space<vmem>>, vector<1x16xf32>,
      %get3A_330 = arith.constant 0 : i32
      %get3A_331 = arith.index_cast %get3A_330 : i32 to index
      %get3A_332 = arith.constant 48 : index
      %get3A_333 = tpu.vector_load %arg16[%get3A_331, %get3A_332] {strides = array<i32>} : memref<1x64xf32, #tpu.memory_space<vmem>>, vector<1x16xf32>,
      %get3A_334 = vector.shape_cast %get3A_333 : vector<1x16xf32> to vector<16xf32>
      %get3A_335 = arith.constant 0 : i32
      %get3A_336 = arith.index_cast %get3A_335 : i32 to index
      %get3A_337 = arith.constant 48 : index
      %get3A_338 = tpu.vector_load %arg9[%get3A_336, %get3A_337] {strides = array<i32>} : memref<2x64xf32, #tpu.memory_space<vmem>>, vector<1x16xf32>,
      %get3A_339 = vector.shape_cast %get3A_338 : vector<1x16xf32> to vector<16xf32>
      %add3A_340 = arith.addf %get3A_334, %get3A_339 : vector<16xf32>
      %swap3A_341 = arith.constant 0 : i32
      %swap3A_342 = arith.index_cast %swap3A_341 : i32 to index
      %swap3A_343 = arith.constant 48 : index
      %swap3A_344 = tpu.vector_load %arg18[%swap3A_342, %swap3A_343] {strides = array<i32>} : memref<1x64xf32, #tpu.memory_space<vmem>>, vector<1x16xf32>,
      %swap3A_345 = vector.shape_cast %swap3A_344 : vector<1x16xf32> to vector<16xf32>
      %swap3A_346 = vector.shape_cast %add3A_340 : vector<16xf32> to vector<1x16xf32>
      tpu.vector_store %arg18[%swap3A_342, %swap3A_343], %swap3A_346 {strides = array<i32>} : memref<1x64xf32, #tpu.memory_space<vmem>>, vector<1x16xf32>,
      %scan3A_347 = arith.constant 0 : i32
      %scan3A_348 = arith.constant 0 : i32
      %scan3A_349 = arith.constant 8 : i32
      %scan3A_350 = arith.addi %scan3A_348, %scan3A_349 : i32
      %scan3A_351 = arith.constant 1 : i32
      scf.for %scan3A_365 = %scan3A_348 to %scan3A_350 step %scan3A_351  : i32 {
        %mul3A_366 = arith.constant 16 : i32
        %mul3A_367 = arith.muli %scan3A_365, %mul3A_366 : i32
        %get3A_368 = arith.index_cast %mul3A_367 : i32 to index
        %get3A_369 = tpu.vector_load %arg20[%get3A_368] {strides = array<i32>} : memref<128xi32, #tpu.memory_space<vmem>>, vector<16xi32>,
        %get3A_370 = vector.shape_cast %get3A_369 : vector<16xi32> to vector<16xi32>
        %convert_element_type3A_371 = arith.sitofp %get3A_370 : vector<16xi32> to vector<16xf32>
        %slice3A = vector.extract_strided_slice %convert_element_type3A_371 {offsets = [0], sizes = [1], strides = [1]} : vector<16xf32> to vector<1xf32>
        %squeeze3A = vector.extract %slice3A[0] : f32 from vector<1xf32>
        %broadcast_in_dim3A = vector.broadcast %squeeze3A : f32 to vector<16xf32>
        %add3A_372 = arith.constant 0 : i32
        %add3A_373 = arith.addi %mul3A_367, %add3A_372 : i32
        %get3A_374 = arith.index_cast %add3A_373 : i32 to index
        %get3A_375 = arith.constant 0 : index
        %get3A_376 = tpu.vector_load %arg12[%get3A_374, %get3A_375] {strides = array<i32>} : memref<128x64xf32, #tpu.memory_space<vmem>>, vector<1x16xf32>,
        %get3A_377 = vector.shape_cast %get3A_376 : vector<1x16xf32> to vector<16xf32>
        %get3A_378 = arith.constant 0 : i32
        %get3A_379 = arith.index_cast %get3A_378 : i32 to index
        %get3A_380 = arith.constant 0 : index
        %get3A_381 = tpu.vector_load %arg18[%get3A_379, %get3A_380] {strides = array<i32>} : memref<1x64xf32, #tpu.memory_space<vmem>>, vector<1x16xf32>,
        %get3A_382 = vector.shape_cast %get3A_381 : vector<1x16xf32> to vector<16xf32>
        %add3A_383 = arith.addf %get3A_377, %get3A_382 : vector<16xf32>
        %get3A_384 = arith.constant 0 : i32
        %get3A_385 = arith.index_cast %get3A_384 : i32 to index
        %get3A_386 = arith.constant 0 : index
        %get3A_387 = tpu.vector_load %arg10[%get3A_385, %get3A_386] {strides = array<i32>} : memref<1x64xf32, #tpu.memory_space<vmem>>, vector<1x16xf32>,
        %get3A_388 = vector.shape_cast %get3A_387 : vector<1x16xf32> to vector<16xf32>
        %mul3A_389 = arith.mulf %broadcast_in_dim3A, %get3A_388 : vector<16xf32>
        %add3A_390 = arith.addf %add3A_383, %mul3A_389 : vector<16xf32>
        %swap3A_391 = arith.index_cast %add3A_373 : i32 to index
        %swap3A_392 = arith.constant 0 : index
        %swap3A_393 = tpu.vector_load %arg14[%swap3A_391, %swap3A_392] {strides = array<i32>} : memref<128x64xf32, #tpu.memory_space<vmem>>, vector<1x16xf32>,
        %swap3A_394 = vector.shape_cast %swap3A_393 : vector<1x16xf32> to vector<16xf32>
        %swap3A_395 = vector.shape_cast %add3A_390 : vector<16xf32> to vector<1x16xf32>
        tpu.vector_store %arg14[%swap3A_391, %swap3A_392], %swap3A_395 {strides = array<i32>} : memref<128x64xf32, #tpu.memory_space<vmem>>, vector<1x16xf32>,
        %get3A_396 = arith.index_cast %add3A_373 : i32 to index
        %get3A_397 = arith.constant 16 : index
        %get3A_398 = tpu.vector_load %arg12[%get3A_396, %get3A_397] {strides = array<i32>} : memref<128x64xf32, #tpu.memory_space<vmem>>, vector<1x16xf32>,
        %get3A_399 = vector.shape_cast %get3A_398 : vector<1x16xf32> to vector<16xf32>
        %get3A_400 = arith.constant 0 : i32
        %get3A_401 = arith.index_cast %get3A_400 : i32 to index
        %get3A_402 = arith.constant 16 : index
        %get3A_403 = tpu.vector_load %arg18[%get3A_401, %get3A_402] {strides = array<i32>} : memref<1x64xf32, #tpu.memory_space<vmem>>, vector<1x16xf32>,
        %get3A_404 = vector.shape_cast %get3A_403 : vector<1x16xf32> to vector<16xf32>
        %add3A_405 = arith.addf %get3A_399, %get3A_404 : vector<16xf32>
        %get3A_406 = arith.constant 0 : i32
        %get3A_407 = arith.index_cast %get3A_406 : i32 to index
        %get3A_408 = arith.constant 16 : index
        %get3A_409 = tpu.vector_load %arg10[%get3A_407, %get3A_408] {strides = array<i32>} : memref<1x64xf32, #tpu.memory_space<vmem>>, vector<1x16xf32>,
        %get3A_410 = vector.shape_cast %get3A_409 : vector<1x16xf32> to vector<16xf32>
        %mul3A_411 = arith.mulf %broadcast_in_dim3A, %get3A_410 : vector<16xf32>
        %add3A_412 = arith.addf %add3A_405, %mul3A_411 : vector<16xf32>
        %swap3A_413 = arith.index_cast %add3A_373 : i32 to index
        %swap3A_414 = arith.constant 16 : index
        %swap3A_415 = tpu.vector_load %arg14[%swap3A_413, %swap3A_414] {strides = array<i32>} : memref<128x64xf32, #tpu.memory_space<vmem>>, vector<1x16xf32>,
        %swap3A_416 = vector.shape_cast %swap3A_415 : vector<1x16xf32> to vector<16xf32>
        %swap3A_417 = vector.shape_cast %add3A_412 : vector<16xf32> to vector<1x16xf32>
        tpu.vector_store %arg14[%swap3A_413, %swap3A_414], %swap3A_417 {strides = array<i32>} : memref<128x64xf32, #tpu.memory_space<vmem>>, vector<1x16xf32>,
        %get3A_418 = arith.index_cast %add3A_373 : i32 to index
        %get3A_419 = arith.constant 32 : index
        %get3A_420 = tpu.vector_load %arg12[%get3A_418, %get3A_419] {strides = array<i32>} : memref<128x64xf32, #tpu.memory_space<vmem>>, vector<1x16xf32>,
        %get3A_421 = vector.shape_cast %get3A_420 : vector<1x16xf32> to vector<16xf32>
        %get3A_422 = arith.constant 0 : i32
        %get3A_423 = arith.index_cast %get3A_422 : i32 to index
        %get3A_424 = arith.constant 32 : index
        %get3A_425 = tpu.vector_load %arg18[%get3A_423, %get3A_424] {strides = array<i32>} : memref<1x64xf32, #tpu.memory_space<vmem>>, vector<1x16xf32>,
        %get3A_426 = vector.shape_cast %get3A_425 : vector<1x16xf32> to vector<16xf32>
        %add3A_427 = arith.addf %get3A_421, %get3A_426 : vector<16xf32>
        %get3A_428 = arith.constant 0 : i32
        %get3A_429 = arith.index_cast %get3A_428 : i32 to index
        %get3A_430 = arith.constant 32 : index
        %get3A_431 = tpu.vector_load %arg10[%get3A_429, %get3A_430] {strides = array<i32>} : memref<1x64xf32, #tpu.memory_space<vmem>>, vector<1x16xf32>,
        %get3A_432 = vector.shape_cast %get3A_431 : vector<1x16xf32> to vector<16xf32>
        %mul3A_433 = arith.mulf %broadcast_in_dim3A, %get3A_432 : vector<16xf32>
        %add3A_434 = arith.addf %add3A_427, %mul3A_433 : vector<16xf32>
        %swap3A_435 = arith.index_cast %add3A_373 : i32 to index
        %swap3A_436 = arith.constant 32 : index
        %swap3A_437 = tpu.vector_load %arg14[%swap3A_435, %swap3A_436] {strides = array<i32>} : memref<128x64xf32, #tpu.memory_space<vmem>>, vector<1x16xf32>,
        %swap3A_438 = vector.shape_cast %swap3A_437 : vector<1x16xf32> to vector<16xf32>
        %swap3A_439 = vector.shape_cast %add3A_434 : vector<16xf32> to vector<1x16xf32>
        tpu.vector_store %arg14[%swap3A_435, %swap3A_436], %swap3A_439 {strides = array<i32>} : memref<128x64xf32, #tpu.memory_space<vmem>>, vector<1x16xf32>,
        %get3A_440 = arith.index_cast %add3A_373 : i32 to index
        %get3A_441 = arith.constant 48 : index
        %get3A_442 = tpu.vector_load %arg12[%get3A_440, %get3A_441] {strides = array<i32>} : memref<128x64xf32, #tpu.memory_space<vmem>>, vector<1x16xf32>,
        %get3A_443 = vector.shape_cast %get3A_442 : vector<1x16xf32> to vector<16xf32>
        %get3A_444 = arith.constant 0 : i32
        %get3A_445 = arith.index_cast %get3A_444 : i32 to index
        %get3A_446 = arith.constant 48 : index
        %get3A_447 = tpu.vector_load %arg18[%get3A_445, %get3A_446] {strides = array<i32>} : memref<1x64xf32, #tpu.memory_space<vmem>>, vector<1x16xf32>,
        %get3A_448 = vector.shape_cast %get3A_447 : vector<1x16xf32> to vector<16xf32>
        %add3A_449 = arith.addf %get3A_443, %get3A_448 : vector<16xf32>
        %get3A_450 = arith.constant 0 : i32
        %get3A_451 = arith.index_cast %get3A_450 : i32 to index
        %get3A_452 = arith.constant 48 : index
        %get3A_453 = tpu.vector_load %arg10[%get3A_451, %get3A_452] {strides = array<i32>} : memref<1x64xf32, #tpu.memory_space<vmem>>, vector<1x16xf32>,
        %get3A_454 = vector.shape_cast %get3A_453 : vector<1x16xf32> to vector<16xf32>
        %mul3A_455 = arith.mulf %broadcast_in_dim3A, %get3A_454 : vector<16xf32>
        %add3A_456 = arith.addf %add3A_449, %mul3A_455 : vector<16xf32>
        %swap3A_457 = arith.index_cast %add3A_373 : i32 to index
        %swap3A_458 = arith.constant 48 : index
        %swap3A_459 = tpu.vector_load %arg14[%swap3A_457, %swap3A_458] {strides = array<i32>} : memref<128x64xf32, #tpu.memory_space<vmem>>, vector<1x16xf32>,
        %swap3A_460 = vector.shape_cast %swap3A_459 : vector<1x16xf32> to vector<16xf32>
        %swap3A_461 = vector.shape_cast %add3A_456 : vector<16xf32> to vector<1x16xf32>
        tpu.vector_store %arg14[%swap3A_457, %swap3A_458], %swap3A_461 {strides = array<i32>} : memref<128x64xf32, #tpu.memory_space<vmem>>, vector<1x16xf32>,
        %slice3A_462 = vector.extract_strided_slice %convert_element_type3A_371 {offsets = [1], sizes = [1], strides = [1]} : vector<16xf32> to vector<1xf32>
        %squeeze3A_463 = vector.extract %slice3A_462[0] : f32 from vector<1xf32>
        %broadcast_in_dim3A_464 = vector.broadcast %squeeze3A_463 : f32 to vector<16xf32>
        %add3A_465 = arith.constant 1 : i32
        %add3A_466 = arith.addi %mul3A_367, %add3A_465 : i32
        %get3A_467 = arith.index_cast %add3A_466 : i32 to index
        %get3A_468 = arith.constant 0 : index
        %get3A_469 = tpu.vector_load %arg12[%get3A_467, %get3A_468] {strides = array<i32>} : memref<128x64xf32, #tpu.memory_space<vmem>>, vector<1x16xf32>,
        %get3A_470 = vector.shape_cast %get3A_469 : vector<1x16xf32> to vector<16xf32>
        %get3A_471 = arith.constant 0 : i32
        %get3A_472 = arith.index_cast %get3A_471 : i32 to index
        %get3A_473 = arith.constant 0 : index
        %get3A_474 = tpu.vector_load %arg18[%get3A_472, %get3A_473] {strides = array<i32>} : memref<1x64xf32, #tpu.memory_space<vmem>>, vector<1x16xf32>,
        %get3A_475 = vector.shape_cast %get3A_474 : vector<1x16xf32> to vector<16xf32>
        %add3A_476 = arith.addf %get3A_470, %get3A_475 : vector<16xf32>
        %get3A_477 = arith.constant 0 : i32
        %get3A_478 = arith.index_cast %get3A_477 : i32 to index
        %get3A_479 = arith.constant 0 : index
        %get3A_480 = tpu.vector_load %arg10[%get3A_478, %get3A_479] {strides = array<i32>} : memref<1x64xf32, #tpu.memory_space<vmem>>, vector<1x16xf32>,
        %get3A_481 = vector.shape_cast %get3A_480 : vector<1x16xf32> to vector<16xf32>
        %mul3A_482 = arith.mulf %broadcast_in_dim3A_464, %get3A_481 : vector<16xf32>
        %add3A_483 = arith.addf %add3A_476, %mul3A_482 : vector<16xf32>
        %swap3A_484 = arith.index_cast %add3A_466 : i32 to index
        %swap3A_485 = arith.constant 0 : index
        %swap3A_486 = tpu.vector_load %arg14[%swap3A_484, %swap3A_485] {strides = array<i32>} : memref<128x64xf32, #tpu.memory_space<vmem>>, vector<1x16xf32>,
        %swap3A_487 = vector.shape_cast %swap3A_486 : vector<1x16xf32> to vector<16xf32>
        %swap3A_488 = vector.shape_cast %add3A_483 : vector<16xf32> to vector<1x16xf32>
        tpu.vector_store %arg14[%swap3A_484, %swap3A_485], %swap3A_488 {strides = array<i32>} : memref<128x64xf32, #tpu.memory_space<vmem>>, vector<1x16xf32>,
        %get3A_489 = arith.index_cast %add3A_466 : i32 to index
        %get3A_490 = arith.constant 16 : index
        %get3A_491 = tpu.vector_load %arg12[%get3A_489, %get3A_490] {strides = array<i32>} : memref<128x64xf32, #tpu.memory_space<vmem>>, vector<1x16xf32>,
        %get3A_492 = vector.shape_cast %get3A_491 : vector<1x16xf32> to vector<16xf32>
        %get3A_493 = arith.constant 0 : i32
        %get3A_494 = arith.index_cast %get3A_493 : i32 to index
        %get3A_495 = arith.constant 16 : index
        %get3A_496 = tpu.vector_load %arg18[%get3A_494, %get3A_495] {strides = array<i32>} : memref<1x64xf32, #tpu.memory_space<vmem>>, vector<1x16xf32>,
        %get3A_497 = vector.shape_cast %get3A_496 : vector<1x16xf32> to vector<16xf32>
        %add3A_498 = arith.addf %get3A_492, %get3A_497 : vector<16xf32>
        %get3A_499 = arith.constant 0 : i32
        %get3A_500 = arith.index_cast %get3A_499 : i32 to index
        %get3A_501 = arith.constant 16 : index
        %get3A_502 = tpu.vector_load %arg10[%get3A_500, %get3A_501] {strides = array<i32>} : memref<1x64xf32, #tpu.memory_space<vmem>>, vector<1x16xf32>,
        %get3A_503 = vector.shape_cast %get3A_502 : vector<1x16xf32> to vector<16xf32>
        %mul3A_504 = arith.mulf %broadcast_in_dim3A_464, %get3A_503 : vector<16xf32>
        %add3A_505 = arith.addf %add3A_498, %mul3A_504 : vector<16xf32>
        %swap3A_506 = arith.index_cast %add3A_466 : i32 to index
        %swap3A_507 = arith.constant 16 : index
        %swap3A_508 = tpu.vector_load %arg14[%swap3A_506, %swap3A_507] {strides = array<i32>} : memref<128x64xf32, #tpu.memory_space<vmem>>, vector<1x16xf32>,
        %swap3A_509 = vector.shape_cast %swap3A_508 : vector<1x16xf32> to vector<16xf32>
        %swap3A_510 = vector.shape_cast %add3A_505 : vector<16xf32> to vector<1x16xf32>
        tpu.vector_store %arg14[%swap3A_506, %swap3A_507], %swap3A_510 {strides = array<i32>} : memref<128x64xf32, #tpu.memory_space<vmem>>, vector<1x16xf32>,
        %get3A_511 = arith.index_cast %add3A_466 : i32 to index
        %get3A_512 = arith.constant 32 : index
        %get3A_513 = tpu.vector_load %arg12[%get3A_511, %get3A_512] {strides = array<i32>} : memref<128x64xf32, #tpu.memory_space<vmem>>, vector<1x16xf32>,
        %get3A_514 = vector.shape_cast %get3A_513 : vector<1x16xf32> to vector<16xf32>
        %get3A_515 = arith.constant 0 : i32
        %get3A_516 = arith.index_cast %get3A_515 : i32 to index
        %get3A_517 = arith.constant 32 : index
        %get3A_518 = tpu.vector_load %arg18[%get3A_516, %get3A_517] {strides = array<i32>} : memref<1x64xf32, #tpu.memory_space<vmem>>, vector<1x16xf32>,
        %get3A_519 = vector.shape_cast %get3A_518 : vector<1x16xf32> to vector<16xf32>
        %add3A_520 = arith.addf %get3A_514, %get3A_519 : vector<16xf32>
        %get3A_521 = arith.constant 0 : i32
        %get3A_522 = arith.index_cast %get3A_521 : i32 to index
        %get3A_523 = arith.constant 32 : index
        %get3A_524 = tpu.vector_load %arg10[%get3A_522, %get3A_523] {strides = array<i32>} : memref<1x64xf32, #tpu.memory_space<vmem>>, vector<1x16xf32>,
        %get3A_525 = vector.shape_cast %get3A_524 : vector<1x16xf32> to vector<16xf32>
        %mul3A_526 = arith.mulf %broadcast_in_dim3A_464, %get3A_525 : vector<16xf32>
        %add3A_527 = arith.addf %add3A_520, %mul3A_526 : vector<16xf32>
        %swap3A_528 = arith.index_cast %add3A_466 : i32 to index
        %swap3A_529 = arith.constant 32 : index
        %swap3A_530 = tpu.vector_load %arg14[%swap3A_528, %swap3A_529] {strides = array<i32>} : memref<128x64xf32, #tpu.memory_space<vmem>>, vector<1x16xf32>,
        %swap3A_531 = vector.shape_cast %swap3A_530 : vector<1x16xf32> to vector<16xf32>
        %swap3A_532 = vector.shape_cast %add3A_527 : vector<16xf32> to vector<1x16xf32>
        tpu.vector_store %arg14[%swap3A_528, %swap3A_529], %swap3A_532 {strides = array<i32>} : memref<128x64xf32, #tpu.memory_space<vmem>>, vector<1x16xf32>,
        %get3A_533 = arith.index_cast %add3A_466 : i32 to index
        %get3A_534 = arith.constant 48 : index
        %get3A_535 = tpu.vector_load %arg12[%get3A_533, %get3A_534] {strides = array<i32>} : memref<128x64xf32, #tpu.memory_space<vmem>>, vector<1x16xf32>,
        %get3A_536 = vector.shape_cast %get3A_535 : vector<1x16xf32> to vector<16xf32>
        %get3A_537 = arith.constant 0 : i32
        %get3A_538 = arith.index_cast %get3A_537 : i32 to index
        %get3A_539 = arith.constant 48 : index
        %get3A_540 = tpu.vector_load %arg18[%get3A_538, %get3A_539] {strides = array<i32>} : memref<1x64xf32, #tpu.memory_space<vmem>>, vector<1x16xf32>,
        %get3A_541 = vector.shape_cast %get3A_540 : vector<1x16xf32> to vector<16xf32>
        %add3A_542 = arith.addf %get3A_536, %get3A_541 : vector<16xf32>
        %get3A_543 = arith.constant 0 : i32
        %get3A_544 = arith.index_cast %get3A_543 : i32 to index
        %get3A_545 = arith.constant 48 : index
        %get3A_546 = tpu.vector_load %arg10[%get3A_544, %get3A_545] {strides = array<i32>} : memref<1x64xf32, #tpu.memory_space<vmem>>, vector<1x16xf32>,
        %get3A_547 = vector.shape_cast %get3A_546 : vector<1x16xf32> to vector<16xf32>
        %mul3A_548 = arith.mulf %broadcast_in_dim3A_464, %get3A_547 : vector<16xf32>
        %add3A_549 = arith.addf %add3A_542, %mul3A_548 : vector<16xf32>
        %swap3A_550 = arith.index_cast %add3A_466 : i32 to index
        %swap3A_551 = arith.constant 48 : index
        %swap3A_552 = tpu.vector_load %arg14[%swap3A_550, %swap3A_551] {strides = array<i32>} : memref<128x64xf32, #tpu.memory_space<vmem>>, vector<1x16xf32>,
        %swap3A_553 = vector.shape_cast %swap3A_552 : vector<1x16xf32> to vector<16xf32>
        %swap3A_554 = vector.shape_cast %add3A_549 : vector<16xf32> to vector<1x16xf32>
        tpu.vector_store %arg14[%swap3A_550, %swap3A_551], %swap3A_554 {strides = array<i32>} : memref<128x64xf32, #tpu.memory_space<vmem>>, vector<1x16xf32>,
        %slice3A_555 = vector.extract_strided_slice %convert_element_type3A_371 {offsets = [2], sizes = [1], strides = [1]} : vector<16xf32> to vector<1xf32>
        %squeeze3A_556 = vector.extract %slice3A_555[0] : f32 from vector<1xf32>
        %broadcast_in_dim3A_557 = vector.broadcast %squeeze3A_556 : f32 to vector<16xf32>
        %add3A_558 = arith.constant 2 : i32
        %add3A_559 = arith.addi %mul3A_367, %add3A_558 : i32
        %get3A_560 = arith.index_cast %add3A_559 : i32 to index
        %get3A_561 = arith.constant 0 : index
        %get3A_562 = tpu.vector_load %arg12[%get3A_560, %get3A_561] {strides = array<i32>} : memref<128x64xf32, #tpu.memory_space<vmem>>, vector<1x16xf32>,
        %get3A_563 = vector.shape_cast %get3A_562 : vector<1x16xf32> to vector<16xf32>
        %get3A_564 = arith.constant 0 : i32
        %get3A_565 = arith.index_cast %get3A_564 : i32 to index
        %get3A_566 = arith.constant 0 : index
        %get3A_567 = tpu.vector_load %arg18[%get3A_565, %get3A_566] {strides = array<i32>} : memref<1x64xf32, #tpu.memory_space<vmem>>, vector<1x16xf32>,
        %get3A_568 = vector.shape_cast %get3A_567 : vector<1x16xf32> to vector<16xf32>
        %add3A_569 = arith.addf %get3A_563, %get3A_568 : vector<16xf32>
        %get3A_570 = arith.constant 0 : i32
        %get3A_571 = arith.index_cast %get3A_570 : i32 to index
        %get3A_572 = arith.constant 0 : index
        %get3A_573 = tpu.vector_load %arg10[%get3A_571, %get3A_572] {strides = array<i32>} : memref<1x64xf32, #tpu.memory_space<vmem>>, vector<1x16xf32>,
        %get3A_574 = vector.shape_cast %get3A_573 : vector<1x16xf32> to vector<16xf32>
        %mul3A_575 = arith.mulf %broadcast_in_dim3A_557, %get3A_574 : vector<16xf32>
        %add3A_576 = arith.addf %add3A_569, %mul3A_575 : vector<16xf32>
        %swap3A_577 = arith.index_cast %add3A_559 : i32 to index
        %swap3A_578 = arith.constant 0 : index
        %swap3A_579 = tpu.vector_load %arg14[%swap3A_577, %swap3A_578] {strides = array<i32>} : memref<128x64xf32, #tpu.memory_space<vmem>>, vector<1x16xf32>,
        %swap3A_580 = vector.shape_cast %swap3A_579 : vector<1x16xf32> to vector<16xf32>
        %swap3A_581 = vector.shape_cast %add3A_576 : vector<16xf32> to vector<1x16xf32>
        tpu.vector_store %arg14[%swap3A_577, %swap3A_578], %swap3A_581 {strides = array<i32>} : memref<128x64xf32, #tpu.memory_space<vmem>>, vector<1x16xf32>,
        %get3A_582 = arith.index_cast %add3A_559 : i32 to index
        %get3A_583 = arith.constant 16 : index
        %get3A_584 = tpu.vector_load %arg12[%get3A_582, %get3A_583] {strides = array<i32>} : memref<128x64xf32, #tpu.memory_space<vmem>>, vector<1x16xf32>,
        %get3A_585 = vector.shape_cast %get3A_584 : vector<1x16xf32> to vector<16xf32>
        %get3A_586 = arith.constant 0 : i32
        %get3A_587 = arith.index_cast %get3A_586 : i32 to index
        %get3A_588 = arith.constant 16 : index
        %get3A_589 = tpu.vector_load %arg18[%get3A_587, %get3A_588] {strides = array<i32>} : memref<1x64xf32, #tpu.memory_space<vmem>>, vector<1x16xf32>,
        %get3A_590 = vector.shape_cast %get3A_589 : vector<1x16xf32> to vector<16xf32>
        %add3A_591 = arith.addf %get3A_585, %get3A_590 : vector<16xf32>
        %get3A_592 = arith.constant 0 : i32
        %get3A_593 = arith.index_cast %get3A_592 : i32 to index
        %get3A_594 = arith.constant 16 : index
        %get3A_595 = tpu.vector_load %arg10[%get3A_593, %get3A_594] {strides = array<i32>} : memref<1x64xf32, #tpu.memory_space<vmem>>, vector<1x16xf32>,
        %get3A_596 = vector.shape_cast %get3A_595 : vector<1x16xf32> to vector<16xf32>
        %mul3A_597 = arith.mulf %broadcast_in_dim3A_557, %get3A_596 : vector<16xf32>
        %add3A_598 = arith.addf %add3A_591, %mul3A_597 : vector<16xf32>
        %swap3A_599 = arith.index_cast %add3A_559 : i32 to index
        %swap3A_600 = arith.constant 16 : index
        %swap3A_601 = tpu.vector_load %arg14[%swap3A_599, %swap3A_600] {strides = array<i32>} : memref<128x64xf32, #tpu.memory_space<vmem>>, vector<1x16xf32>,
        %swap3A_602 = vector.shape_cast %swap3A_601 : vector<1x16xf32> to vector<16xf32>
        %swap3A_603 = vector.shape_cast %add3A_598 : vector<16xf32> to vector<1x16xf32>
        tpu.vector_store %arg14[%swap3A_599, %swap3A_600], %swap3A_603 {strides = array<i32>} : memref<128x64xf32, #tpu.memory_space<vmem>>, vector<1x16xf32>,
        %get3A_604 = arith.index_cast %add3A_559 : i32 to index
        %get3A_605 = arith.constant 32 : index
        %get3A_606 = tpu.vector_load %arg12[%get3A_604, %get3A_605] {strides = array<i32>} : memref<128x64xf32, #tpu.memory_space<vmem>>, vector<1x16xf32>,
        %get3A_607 = vector.shape_cast %get3A_606 : vector<1x16xf32> to vector<16xf32>
        %get3A_608 = arith.constant 0 : i32
        %get3A_609 = arith.index_cast %get3A_608 : i32 to index
        %get3A_610 = arith.constant 32 : index
        %get3A_611 = tpu.vector_load %arg18[%get3A_609, %get3A_610] {strides = array<i32>} : memref<1x64xf32, #tpu.memory_space<vmem>>, vector<1x16xf32>,
        %get3A_612 = vector.shape_cast %get3A_611 : vector<1x16xf32> to vector<16xf32>
        %add3A_613 = arith.addf %get3A_607, %get3A_612 : vector<16xf32>
        %get3A_614 = arith.constant 0 : i32
        %get3A_615 = arith.index_cast %get3A_614 : i32 to index
        %get3A_616 = arith.constant 32 : index
        %get3A_617 = tpu.vector_load %arg10[%get3A_615, %get3A_616] {strides = array<i32>} : memref<1x64xf32, #tpu.memory_space<vmem>>, vector<1x16xf32>,
        %get3A_618 = vector.shape_cast %get3A_617 : vector<1x16xf32> to vector<16xf32>
        %mul3A_619 = arith.mulf %broadcast_in_dim3A_557, %get3A_618 : vector<16xf32>
        %add3A_620 = arith.addf %add3A_613, %mul3A_619 : vector<16xf32>
        %swap3A_621 = arith.index_cast %add3A_559 : i32 to index
        %swap3A_622 = arith.constant 32 : index
        %swap3A_623 = tpu.vector_load %arg14[%swap3A_621, %swap3A_622] {strides = array<i32>} : memref<128x64xf32, #tpu.memory_space<vmem>>, vector<1x16xf32>,
        %swap3A_624 = vector.shape_cast %swap3A_623 : vector<1x16xf32> to vector<16xf32>
        %swap3A_625 = vector.shape_cast %add3A_620 : vector<16xf32> to vector<1x16xf32>
        tpu.vector_store %arg14[%swap3A_621, %swap3A_622], %swap3A_625 {strides = array<i32>} : memref<128x64xf32, #tpu.memory_space<vmem>>, vector<1x16xf32>,
        %get3A_626 = arith.index_cast %add3A_559 : i32 to index
        %get3A_627 = arith.constant 48 : index
        %get3A_628 = tpu.vector_load %arg12[%get3A_626, %get3A_627] {strides = array<i32>} : memref<128x64xf32, #tpu.memory_space<vmem>>, vector<1x16xf32>,
        %get3A_629 = vector.shape_cast %get3A_628 : vector<1x16xf32> to vector<16xf32>
        %get3A_630 = arith.constant 0 : i32
        %get3A_631 = arith.index_cast %get3A_630 : i32 to index
        %get3A_632 = arith.constant 48 : index
        %get3A_633 = tpu.vector_load %arg18[%get3A_631, %get3A_632] {strides = array<i32>} : memref<1x64xf32, #tpu.memory_space<vmem>>, vector<1x16xf32>,
        %get3A_634 = vector.shape_cast %get3A_633 : vector<1x16xf32> to vector<16xf32>
        %add3A_635 = arith.addf %get3A_629, %get3A_634 : vector<16xf32>
        %get3A_636 = arith.constant 0 : i32
        %get3A_637 = arith.index_cast %get3A_636 : i32 to index
        %get3A_638 = arith.constant 48 : index
        %get3A_639 = tpu.vector_load %arg10[%get3A_637, %get3A_638] {strides = array<i32>} : memref<1x64xf32, #tpu.memory_space<vmem>>, vector<1x16xf32>,
        %get3A_640 = vector.shape_cast %get3A_639 : vector<1x16xf32> to vector<16xf32>
        %mul3A_641 = arith.mulf %broadcast_in_dim3A_557, %get3A_640 : vector<16xf32>
        %add3A_642 = arith.addf %add3A_635, %mul3A_641 : vector<16xf32>
        %swap3A_643 = arith.index_cast %add3A_559 : i32 to index
        %swap3A_644 = arith.constant 48 : index
        %swap3A_645 = tpu.vector_load %arg14[%swap3A_643, %swap3A_644] {strides = array<i32>} : memref<128x64xf32, #tpu.memory_space<vmem>>, vector<1x16xf32>,
        %swap3A_646 = vector.shape_cast %swap3A_645 : vector<1x16xf32> to vector<16xf32>
        %swap3A_647 = vector.shape_cast %add3A_642 : vector<16xf32> to vector<1x16xf32>
        tpu.vector_store %arg14[%swap3A_643, %swap3A_644], %swap3A_647 {strides = array<i32>} : memref<128x64xf32, #tpu.memory_space<vmem>>, vector<1x16xf32>,
        %slice3A_648 = vector.extract_strided_slice %convert_element_type3A_371 {offsets = [3], sizes = [1], strides = [1]} : vector<16xf32> to vector<1xf32>
        %squeeze3A_649 = vector.extract %slice3A_648[0] : f32 from vector<1xf32>
        %broadcast_in_dim3A_650 = vector.broadcast %squeeze3A_649 : f32 to vector<16xf32>
        %add3A_651 = arith.constant 3 : i32
        %add3A_652 = arith.addi %mul3A_367, %add3A_651 : i32
        %get3A_653 = arith.index_cast %add3A_652 : i32 to index
        %get3A_654 = arith.constant 0 : index
        %get3A_655 = tpu.vector_load %arg12[%get3A_653, %get3A_654] {strides = array<i32>} : memref<128x64xf32, #tpu.memory_space<vmem>>, vector<1x16xf32>,
        %get3A_656 = vector.shape_cast %get3A_655 : vector<1x16xf32> to vector<16xf32>
        %get3A_657 = arith.constant 0 : i32
        %get3A_658 = arith.index_cast %get3A_657 : i32 to index
        %get3A_659 = arith.constant 0 : index
        %get3A_660 = tpu.vector_load %arg18[%get3A_658, %get3A_659] {strides = array<i32>} : memref<1x64xf32, #tpu.memory_space<vmem>>, vector<1x16xf32>,
        %get3A_661 = vector.shape_cast %get3A_660 : vector<1x16xf32> to vector<16xf32>
        %add3A_662 = arith.addf %get3A_656, %get3A_661 : vector<16xf32>
        %get3A_663 = arith.constant 0 : i32
        %get3A_664 = arith.index_cast %get3A_663 : i32 to index
        %get3A_665 = arith.constant 0 : index
        %get3A_666 = tpu.vector_load %arg10[%get3A_664, %get3A_665] {strides = array<i32>} : memref<1x64xf32, #tpu.memory_space<vmem>>, vector<1x16xf32>,
        %get3A_667 = vector.shape_cast %get3A_666 : vector<1x16xf32> to vector<16xf32>
        %mul3A_668 = arith.mulf %broadcast_in_dim3A_650, %get3A_667 : vector<16xf32>
        %add3A_669 = arith.addf %add3A_662, %mul3A_668 : vector<16xf32>
        %swap3A_670 = arith.index_cast %add3A_652 : i32 to index
        %swap3A_671 = arith.constant 0 : index
        %swap3A_672 = tpu.vector_load %arg14[%swap3A_670, %swap3A_671] {strides = array<i32>} : memref<128x64xf32, #tpu.memory_space<vmem>>, vector<1x16xf32>,
        %swap3A_673 = vector.shape_cast %swap3A_672 : vector<1x16xf32> to vector<16xf32>
        %swap3A_674 = vector.shape_cast %add3A_669 : vector<16xf32> to vector<1x16xf32>
        tpu.vector_store %arg14[%swap3A_670, %swap3A_671], %swap3A_674 {strides = array<i32>} : memref<128x64xf32, #tpu.memory_space<vmem>>, vector<1x16xf32>,
        %get3A_675 = arith.index_cast %add3A_652 : i32 to index
        %get3A_676 = arith.constant 16 : index
        %get3A_677 = tpu.vector_load %arg12[%get3A_675, %get3A_676] {strides = array<i32>} : memref<128x64xf32, #tpu.memory_space<vmem>>, vector<1x16xf32>,
        %get3A_678 = vector.shape_cast %get3A_677 : vector<1x16xf32> to vector<16xf32>
        %get3A_679 = arith.constant 0 : i32
        %get3A_680 = arith.index_cast %get3A_679 : i32 to index
        %get3A_681 = arith.constant 16 : index
        %get3A_682 = tpu.vector_load %arg18[%get3A_680, %get3A_681] {strides = array<i32>} : memref<1x64xf32, #tpu.memory_space<vmem>>, vector<1x16xf32>,
        %get3A_683 = vector.shape_cast %get3A_682 : vector<1x16xf32> to vector<16xf32>
        %add3A_684 = arith.addf %get3A_678, %get3A_683 : vector<16xf32>
        %get3A_685 = arith.constant 0 : i32
        %get3A_686 = arith.index_cast %get3A_685 : i32 to index
        %get3A_687 = arith.constant 16 : index
        %get3A_688 = tpu.vector_load %arg10[%get3A_686, %get3A_687] {strides = array<i32>} : memref<1x64xf32, #tpu.memory_space<vmem>>, vector<1x16xf32>,
        %get3A_689 = vector.shape_cast %get3A_688 : vector<1x16xf32> to vector<16xf32>
        %mul3A_690 = arith.mulf %broadcast_in_dim3A_650, %get3A_689 : vector<16xf32>
        %add3A_691 = arith.addf %add3A_684, %mul3A_690 : vector<16xf32>
        %swap3A_692 = arith.index_cast %add3A_652 : i32 to index
        %swap3A_693 = arith.constant 16 : index
        %swap3A_694 = tpu.vector_load %arg14[%swap3A_692, %swap3A_693] {strides = array<i32>} : memref<128x64xf32, #tpu.memory_space<vmem>>, vector<1x16xf32>,
        %swap3A_695 = vector.shape_cast %swap3A_694 : vector<1x16xf32> to vector<16xf32>
        %swap3A_696 = vector.shape_cast %add3A_691 : vector<16xf32> to vector<1x16xf32>
        tpu.vector_store %arg14[%swap3A_692, %swap3A_693], %swap3A_696 {strides = array<i32>} : memref<128x64xf32, #tpu.memory_space<vmem>>, vector<1x16xf32>,
        %get3A_697 = arith.index_cast %add3A_652 : i32 to index
        %get3A_698 = arith.constant 32 : index
        %get3A_699 = tpu.vector_load %arg12[%get3A_697, %get3A_698] {strides = array<i32>} : memref<128x64xf32, #tpu.memory_space<vmem>>, vector<1x16xf32>,
        %get3A_700 = vector.shape_cast %get3A_699 : vector<1x16xf32> to vector<16xf32>
        %get3A_701 = arith.constant 0 : i32
        %get3A_702 = arith.index_cast %get3A_701 : i32 to index
        %get3A_703 = arith.constant 32 : index
        %get3A_704 = tpu.vector_load %arg18[%get3A_702, %get3A_703] {strides = array<i32>} : memref<1x64xf32, #tpu.memory_space<vmem>>, vector<1x16xf32>,
        %get3A_705 = vector.shape_cast %get3A_704 : vector<1x16xf32> to vector<16xf32>
        %add3A_706 = arith.addf %get3A_700, %get3A_705 : vector<16xf32>
        %get3A_707 = arith.constant 0 : i32
        %get3A_708 = arith.index_cast %get3A_707 : i32 to index
        %get3A_709 = arith.constant 32 : index
        %get3A_710 = tpu.vector_load %arg10[%get3A_708, %get3A_709] {strides = array<i32>} : memref<1x64xf32, #tpu.memory_space<vmem>>, vector<1x16xf32>,
        %get3A_711 = vector.shape_cast %get3A_710 : vector<1x16xf32> to vector<16xf32>
        %mul3A_712 = arith.mulf %broadcast_in_dim3A_650, %get3A_711 : vector<16xf32>
        %add3A_713 = arith.addf %add3A_706, %mul3A_712 : vector<16xf32>
        %swap3A_714 = arith.index_cast %add3A_652 : i32 to index
        %swap3A_715 = arith.constant 32 : index
        %swap3A_716 = tpu.vector_load %arg14[%swap3A_714, %swap3A_715] {strides = array<i32>} : memref<128x64xf32, #tpu.memory_space<vmem>>, vector<1x16xf32>,
        %swap3A_717 = vector.shape_cast %swap3A_716 : vector<1x16xf32> to vector<16xf32>
        %swap3A_718 = vector.shape_cast %add3A_713 : vector<16xf32> to vector<1x16xf32>
        tpu.vector_store %arg14[%swap3A_714, %swap3A_715], %swap3A_718 {strides = array<i32>} : memref<128x64xf32, #tpu.memory_space<vmem>>, vector<1x16xf32>,
        %get3A_719 = arith.index_cast %add3A_652 : i32 to index
        %get3A_720 = arith.constant 48 : index
        %get3A_721 = tpu.vector_load %arg12[%get3A_719, %get3A_720] {strides = array<i32>} : memref<128x64xf32, #tpu.memory_space<vmem>>, vector<1x16xf32>,
        %get3A_722 = vector.shape_cast %get3A_721 : vector<1x16xf32> to vector<16xf32>
        %get3A_723 = arith.constant 0 : i32
        %get3A_724 = arith.index_cast %get3A_723 : i32 to index
        %get3A_725 = arith.constant 48 : index
        %get3A_726 = tpu.vector_load %arg18[%get3A_724, %get3A_725] {strides = array<i32>} : memref<1x64xf32, #tpu.memory_space<vmem>>, vector<1x16xf32>,
        %get3A_727 = vector.shape_cast %get3A_726 : vector<1x16xf32> to vector<16xf32>
        %add3A_728 = arith.addf %get3A_722, %get3A_727 : vector<16xf32>
        %get3A_729 = arith.constant 0 : i32
        %get3A_730 = arith.index_cast %get3A_729 : i32 to index
        %get3A_731 = arith.constant 48 : index
        %get3A_732 = tpu.vector_load %arg10[%get3A_730, %get3A_731] {strides = array<i32>} : memref<1x64xf32, #tpu.memory_space<vmem>>, vector<1x16xf32>,
        %get3A_733 = vector.shape_cast %get3A_732 : vector<1x16xf32> to vector<16xf32>
        %mul3A_734 = arith.mulf %broadcast_in_dim3A_650, %get3A_733 : vector<16xf32>
        %add3A_735 = arith.addf %add3A_728, %mul3A_734 : vector<16xf32>
        %swap3A_736 = arith.index_cast %add3A_652 : i32 to index
        %swap3A_737 = arith.constant 48 : index
        %swap3A_738 = tpu.vector_load %arg14[%swap3A_736, %swap3A_737] {strides = array<i32>} : memref<128x64xf32, #tpu.memory_space<vmem>>, vector<1x16xf32>,
        %swap3A_739 = vector.shape_cast %swap3A_738 : vector<1x16xf32> to vector<16xf32>
        %swap3A_740 = vector.shape_cast %add3A_735 : vector<16xf32> to vector<1x16xf32>
        tpu.vector_store %arg14[%swap3A_736, %swap3A_737], %swap3A_740 {strides = array<i32>} : memref<128x64xf32, #tpu.memory_space<vmem>>, vector<1x16xf32>,
        %slice3A_741 = vector.extract_strided_slice %convert_element_type3A_371 {offsets = [4], sizes = [1], strides = [1]} : vector<16xf32> to vector<1xf32>
        %squeeze3A_742 = vector.extract %slice3A_741[0] : f32 from vector<1xf32>
        %broadcast_in_dim3A_743 = vector.broadcast %squeeze3A_742 : f32 to vector<16xf32>
        %add3A_744 = arith.constant 4 : i32
        %add3A_745 = arith.addi %mul3A_367, %add3A_744 : i32
        %get3A_746 = arith.index_cast %add3A_745 : i32 to index
        %get3A_747 = arith.constant 0 : index
        %get3A_748 = tpu.vector_load %arg12[%get3A_746, %get3A_747] {strides = array<i32>} : memref<128x64xf32, #tpu.memory_space<vmem>>, vector<1x16xf32>,
        %get3A_749 = vector.shape_cast %get3A_748 : vector<1x16xf32> to vector<16xf32>
        %get3A_750 = arith.constant 0 : i32
        %get3A_751 = arith.index_cast %get3A_750 : i32 to index
        %get3A_752 = arith.constant 0 : index
        %get3A_753 = tpu.vector_load %arg18[%get3A_751, %get3A_752] {strides = array<i32>} : memref<1x64xf32, #tpu.memory_space<vmem>>, vector<1x16xf32>,
        %get3A_754 = vector.shape_cast %get3A_753 : vector<1x16xf32> to vector<16xf32>
        %add3A_755 = arith.addf %get3A_749, %get3A_754 : vector<16xf32>
        %get3A_756 = arith.constant 0 : i32
        %get3A_757 = arith.index_cast %get3A_756 : i32 to index
        %get3A_758 = arith.constant 0 : index
        %get3A_759 = tpu.vector_load %arg10[%get3A_757, %get3A_758] {strides = array<i32>} : memref<1x64xf32, #tpu.memory_space<vmem>>, vector<1x16xf32>,
        %get3A_760 = vector.shape_cast %get3A_759 : vector<1x16xf32> to vector<16xf32>
        %mul3A_761 = arith.mulf %broadcast_in_dim3A_743, %get3A_760 : vector<16xf32>
        %add3A_762 = arith.addf %add3A_755, %mul3A_761 : vector<16xf32>
        %swap3A_763 = arith.index_cast %add3A_745 : i32 to index
        %swap3A_764 = arith.constant 0 : index
        %swap3A_765 = tpu.vector_load %arg14[%swap3A_763, %swap3A_764] {strides = array<i32>} : memref<128x64xf32, #tpu.memory_space<vmem>>, vector<1x16xf32>,
        %swap3A_766 = vector.shape_cast %swap3A_765 : vector<1x16xf32> to vector<16xf32>
        %swap3A_767 = vector.shape_cast %add3A_762 : vector<16xf32> to vector<1x16xf32>
        tpu.vector_store %arg14[%swap3A_763, %swap3A_764], %swap3A_767 {strides = array<i32>} : memref<128x64xf32, #tpu.memory_space<vmem>>, vector<1x16xf32>,
        %get3A_768 = arith.index_cast %add3A_745 : i32 to index
        %get3A_769 = arith.constant 16 : index
        %get3A_770 = tpu.vector_load %arg12[%get3A_768, %get3A_769] {strides = array<i32>} : memref<128x64xf32, #tpu.memory_space<vmem>>, vector<1x16xf32>,
        %get3A_771 = vector.shape_cast %get3A_770 : vector<1x16xf32> to vector<16xf32>
        %get3A_772 = arith.constant 0 : i32
        %get3A_773 = arith.index_cast %get3A_772 : i32 to index
        %get3A_774 = arith.constant 16 : index
        %get3A_775 = tpu.vector_load %arg18[%get3A_773, %get3A_774] {strides = array<i32>} : memref<1x64xf32, #tpu.memory_space<vmem>>, vector<1x16xf32>,
        %get3A_776 = vector.shape_cast %get3A_775 : vector<1x16xf32> to vector<16xf32>
        %add3A_777 = arith.addf %get3A_771, %get3A_776 : vector<16xf32>
        %get3A_778 = arith.constant 0 : i32
        %get3A_779 = arith.index_cast %get3A_778 : i32 to index
        %get3A_780 = arith.constant 16 : index
        %get3A_781 = tpu.vector_load %arg10[%get3A_779, %get3A_780] {strides = array<i32>} : memref<1x64xf32, #tpu.memory_space<vmem>>, vector<1x16xf32>,
        %get3A_782 = vector.shape_cast %get3A_781 : vector<1x16xf32> to vector<16xf32>
        %mul3A_783 = arith.mulf %broadcast_in_dim3A_743, %get3A_782 : vector<16xf32>
        %add3A_784 = arith.addf %add3A_777, %mul3A_783 : vector<16xf32>
        %swap3A_785 = arith.index_cast %add3A_745 : i32 to index
        %swap3A_786 = arith.constant 16 : index
        %swap3A_787 = tpu.vector_load %arg14[%swap3A_785, %swap3A_786] {strides = array<i32>} : memref<128x64xf32, #tpu.memory_space<vmem>>, vector<1x16xf32>,
        %swap3A_788 = vector.shape_cast %swap3A_787 : vector<1x16xf32> to vector<16xf32>
        %swap3A_789 = vector.shape_cast %add3A_784 : vector<16xf32> to vector<1x16xf32>
        tpu.vector_store %arg14[%swap3A_785, %swap3A_786], %swap3A_789 {strides = array<i32>} : memref<128x64xf32, #tpu.memory_space<vmem>>, vector<1x16xf32>,
        %get3A_790 = arith.index_cast %add3A_745 : i32 to index
        %get3A_791 = arith.constant 32 : index
        %get3A_792 = tpu.vector_load %arg12[%get3A_790, %get3A_791] {strides = array<i32>} : memref<128x64xf32, #tpu.memory_space<vmem>>, vector<1x16xf32>,
        %get3A_793 = vector.shape_cast %get3A_792 : vector<1x16xf32> to vector<16xf32>
        %get3A_794 = arith.constant 0 : i32
        %get3A_795 = arith.index_cast %get3A_794 : i32 to index
        %get3A_796 = arith.constant 32 : index
        %get3A_797 = tpu.vector_load %arg18[%get3A_795, %get3A_796] {strides = array<i32>} : memref<1x64xf32, #tpu.memory_space<vmem>>, vector<1x16xf32>,
        %get3A_798 = vector.shape_cast %get3A_797 : vector<1x16xf32> to vector<16xf32>
        %add3A_799 = arith.addf %get3A_793, %get3A_798 : vector<16xf32>
        %get3A_800 = arith.constant 0 : i32
        %get3A_801 = arith.index_cast %get3A_800 : i32 to index
        %get3A_802 = arith.constant 32 : index
        %get3A_803 = tpu.vector_load %arg10[%get3A_801, %get3A_802] {strides = array<i32>} : memref<1x64xf32, #tpu.memory_space<vmem>>, vector<1x16xf32>,
        %get3A_804 = vector.shape_cast %get3A_803 : vector<1x16xf32> to vector<16xf32>
        %mul3A_805 = arith.mulf %broadcast_in_dim3A_743, %get3A_804 : vector<16xf32>
        %add3A_806 = arith.addf %add3A_799, %mul3A_805 : vector<16xf32>
        %swap3A_807 = arith.index_cast %add3A_745 : i32 to index
        %swap3A_808 = arith.constant 32 : index
        %swap3A_809 = tpu.vector_load %arg14[%swap3A_807, %swap3A_808] {strides = array<i32>} : memref<128x64xf32, #tpu.memory_space<vmem>>, vector<1x16xf32>,
        %swap3A_810 = vector.shape_cast %swap3A_809 : vector<1x16xf32> to vector<16xf32>
        %swap3A_811 = vector.shape_cast %add3A_806 : vector<16xf32> to vector<1x16xf32>
        tpu.vector_store %arg14[%swap3A_807, %swap3A_808], %swap3A_811 {strides = array<i32>} : memref<128x64xf32, #tpu.memory_space<vmem>>, vector<1x16xf32>,
        %get3A_812 = arith.index_cast %add3A_745 : i32 to index
        %get3A_813 = arith.constant 48 : index
        %get3A_814 = tpu.vector_load %arg12[%get3A_812, %get3A_813] {strides = array<i32>} : memref<128x64xf32, #tpu.memory_space<vmem>>, vector<1x16xf32>,
        %get3A_815 = vector.shape_cast %get3A_814 : vector<1x16xf32> to vector<16xf32>
        %get3A_816 = arith.constant 0 : i32
        %get3A_817 = arith.index_cast %get3A_816 : i32 to index
        %get3A_818 = arith.constant 48 : index
        %get3A_819 = tpu.vector_load %arg18[%get3A_817, %get3A_818] {strides = array<i32>} : memref<1x64xf32, #tpu.memory_space<vmem>>, vector<1x16xf32>,
        %get3A_820 = vector.shape_cast %get3A_819 : vector<1x16xf32> to vector<16xf32>
        %add3A_821 = arith.addf %get3A_815, %get3A_820 : vector<16xf32>
        %get3A_822 = arith.constant 0 : i32
        %get3A_823 = arith.index_cast %get3A_822 : i32 to index
        %get3A_824 = arith.constant 48 : index
        %get3A_825 = tpu.vector_load %arg10[%get3A_823, %get3A_824] {strides = array<i32>} : memref<1x64xf32, #tpu.memory_space<vmem>>, vector<1x16xf32>,
        %get3A_826 = vector.shape_cast %get3A_825 : vector<1x16xf32> to vector<16xf32>
        %mul3A_827 = arith.mulf %broadcast_in_dim3A_743, %get3A_826 : vector<16xf32>
        %add3A_828 = arith.addf %add3A_821, %mul3A_827 : vector<16xf32>
        %swap3A_829 = arith.index_cast %add3A_745 : i32 to index
        %swap3A_830 = arith.constant 48 : index
        %swap3A_831 = tpu.vector_load %arg14[%swap3A_829, %swap3A_830] {strides = array<i32>} : memref<128x64xf32, #tpu.memory_space<vmem>>, vector<1x16xf32>,
        %swap3A_832 = vector.shape_cast %swap3A_831 : vector<1x16xf32> to vector<16xf32>
        %swap3A_833 = vector.shape_cast %add3A_828 : vector<16xf32> to vector<1x16xf32>
        tpu.vector_store %arg14[%swap3A_829, %swap3A_830], %swap3A_833 {strides = array<i32>} : memref<128x64xf32, #tpu.memory_space<vmem>>, vector<1x16xf32>,
        %slice3A_834 = vector.extract_strided_slice %convert_element_type3A_371 {offsets = [5], sizes = [1], strides = [1]} : vector<16xf32> to vector<1xf32>
        %squeeze3A_835 = vector.extract %slice3A_834[0] : f32 from vector<1xf32>
        %broadcast_in_dim3A_836 = vector.broadcast %squeeze3A_835 : f32 to vector<16xf32>
        %add3A_837 = arith.constant 5 : i32
        %add3A_838 = arith.addi %mul3A_367, %add3A_837 : i32
        %get3A_839 = arith.index_cast %add3A_838 : i32 to index
        %get3A_840 = arith.constant 0 : index
        %get3A_841 = tpu.vector_load %arg12[%get3A_839, %get3A_840] {strides = array<i32>} : memref<128x64xf32, #tpu.memory_space<vmem>>, vector<1x16xf32>,
        %get3A_842 = vector.shape_cast %get3A_841 : vector<1x16xf32> to vector<16xf32>
        %get3A_843 = arith.constant 0 : i32
        %get3A_844 = arith.index_cast %get3A_843 : i32 to index
        %get3A_845 = arith.constant 0 : index
        %get3A_846 = tpu.vector_load %arg18[%get3A_844, %get3A_845] {strides = array<i32>} : memref<1x64xf32, #tpu.memory_space<vmem>>, vector<1x16xf32>,
        %get3A_847 = vector.shape_cast %get3A_846 : vector<1x16xf32> to vector<16xf32>
        %add3A_848 = arith.addf %get3A_842, %get3A_847 : vector<16xf32>
        %get3A_849 = arith.constant 0 : i32
        %get3A_850 = arith.index_cast %get3A_849 : i32 to index
        %get3A_851 = arith.constant 0 : index
        %get3A_852 = tpu.vector_load %arg10[%get3A_850, %get3A_851] {strides = array<i32>} : memref<1x64xf32, #tpu.memory_space<vmem>>, vector<1x16xf32>,
        %get3A_853 = vector.shape_cast %get3A_852 : vector<1x16xf32> to vector<16xf32>
        %mul3A_854 = arith.mulf %broadcast_in_dim3A_836, %get3A_853 : vector<16xf32>
        %add3A_855 = arith.addf %add3A_848, %mul3A_854 : vector<16xf32>
        %swap3A_856 = arith.index_cast %add3A_838 : i32 to index
        %swap3A_857 = arith.constant 0 : index
        %swap3A_858 = tpu.vector_load %arg14[%swap3A_856, %swap3A_857] {strides = array<i32>} : memref<128x64xf32, #tpu.memory_space<vmem>>, vector<1x16xf32>,
        %swap3A_859 = vector.shape_cast %swap3A_858 : vector<1x16xf32> to vector<16xf32>
        %swap3A_860 = vector.shape_cast %add3A_855 : vector<16xf32> to vector<1x16xf32>
        tpu.vector_store %arg14[%swap3A_856, %swap3A_857], %swap3A_860 {strides = array<i32>} : memref<128x64xf32, #tpu.memory_space<vmem>>, vector<1x16xf32>,
        %get3A_861 = arith.index_cast %add3A_838 : i32 to index
        %get3A_862 = arith.constant 16 : index
        %get3A_863 = tpu.vector_load %arg12[%get3A_861, %get3A_862] {strides = array<i32>} : memref<128x64xf32, #tpu.memory_space<vmem>>, vector<1x16xf32>,
        %get3A_864 = vector.shape_cast %get3A_863 : vector<1x16xf32> to vector<16xf32>
        %get3A_865 = arith.constant 0 : i32
        %get3A_866 = arith.index_cast %get3A_865 : i32 to index
        %get3A_867 = arith.constant 16 : index
        %get3A_868 = tpu.vector_load %arg18[%get3A_866, %get3A_867] {strides = array<i32>} : memref<1x64xf32, #tpu.memory_space<vmem>>, vector<1x16xf32>,
        %get3A_869 = vector.shape_cast %get3A_868 : vector<1x16xf32> to vector<16xf32>
        %add3A_870 = arith.addf %get3A_864, %get3A_869 : vector<16xf32>
        %get3A_871 = arith.constant 0 : i32
        %get3A_872 = arith.index_cast %get3A_871 : i32 to index
        %get3A_873 = arith.constant 16 : index
        %get3A_874 = tpu.vector_load %arg10[%get3A_872, %get3A_873] {strides = array<i32>} : memref<1x64xf32, #tpu.memory_space<vmem>>, vector<1x16xf32>,
        %get3A_875 = vector.shape_cast %get3A_874 : vector<1x16xf32> to vector<16xf32>
        %mul3A_876 = arith.mulf %broadcast_in_dim3A_836, %get3A_875 : vector<16xf32>
        %add3A_877 = arith.addf %add3A_870, %mul3A_876 : vector<16xf32>
        %swap3A_878 = arith.index_cast %add3A_838 : i32 to index
        %swap3A_879 = arith.constant 16 : index
        %swap3A_880 = tpu.vector_load %arg14[%swap3A_878, %swap3A_879] {strides = array<i32>} : memref<128x64xf32, #tpu.memory_space<vmem>>, vector<1x16xf32>,
        %swap3A_881 = vector.shape_cast %swap3A_880 : vector<1x16xf32> to vector<16xf32>
        %swap3A_882 = vector.shape_cast %add3A_877 : vector<16xf32> to vector<1x16xf32>
        tpu.vector_store %arg14[%swap3A_878, %swap3A_879], %swap3A_882 {strides = array<i32>} : memref<128x64xf32, #tpu.memory_space<vmem>>, vector<1x16xf32>,
        %get3A_883 = arith.index_cast %add3A_838 : i32 to index
        %get3A_884 = arith.constant 32 : index
        %get3A_885 = tpu.vector_load %arg12[%get3A_883, %get3A_884] {strides = array<i32>} : memref<128x64xf32, #tpu.memory_space<vmem>>, vector<1x16xf32>,
        %get3A_886 = vector.shape_cast %get3A_885 : vector<1x16xf32> to vector<16xf32>
        %get3A_887 = arith.constant 0 : i32
        %get3A_888 = arith.index_cast %get3A_887 : i32 to index
        %get3A_889 = arith.constant 32 : index
        %get3A_890 = tpu.vector_load %arg18[%get3A_888, %get3A_889] {strides = array<i32>} : memref<1x64xf32, #tpu.memory_space<vmem>>, vector<1x16xf32>,
        %get3A_891 = vector.shape_cast %get3A_890 : vector<1x16xf32> to vector<16xf32>
        %add3A_892 = arith.addf %get3A_886, %get3A_891 : vector<16xf32>
        %get3A_893 = arith.constant 0 : i32
        %get3A_894 = arith.index_cast %get3A_893 : i32 to index
        %get3A_895 = arith.constant 32 : index
        %get3A_896 = tpu.vector_load %arg10[%get3A_894, %get3A_895] {strides = array<i32>} : memref<1x64xf32, #tpu.memory_space<vmem>>, vector<1x16xf32>,
        %get3A_897 = vector.shape_cast %get3A_896 : vector<1x16xf32> to vector<16xf32>
        %mul3A_898 = arith.mulf %broadcast_in_dim3A_836, %get3A_897 : vector<16xf32>
        %add3A_899 = arith.addf %add3A_892, %mul3A_898 : vector<16xf32>
        %swap3A_900 = arith.index_cast %add3A_838 : i32 to index
        %swap3A_901 = arith.constant 32 : index
        %swap3A_902 = tpu.vector_load %arg14[%swap3A_900, %swap3A_901] {strides = array<i32>} : memref<128x64xf32, #tpu.memory_space<vmem>>, vector<1x16xf32>,
        %swap3A_903 = vector.shape_cast %swap3A_902 : vector<1x16xf32> to vector<16xf32>
        %swap3A_904 = vector.shape_cast %add3A_899 : vector<16xf32> to vector<1x16xf32>
        tpu.vector_store %arg14[%swap3A_900, %swap3A_901], %swap3A_904 {strides = array<i32>} : memref<128x64xf32, #tpu.memory_space<vmem>>, vector<1x16xf32>,
        %get3A_905 = arith.index_cast %add3A_838 : i32 to index
        %get3A_906 = arith.constant 48 : index
        %get3A_907 = tpu.vector_load %arg12[%get3A_905, %get3A_906] {strides = array<i32>} : memref<128x64xf32, #tpu.memory_space<vmem>>, vector<1x16xf32>,
        %get3A_908 = vector.shape_cast %get3A_907 : vector<1x16xf32> to vector<16xf32>
        %get3A_909 = arith.constant 0 : i32
        %get3A_910 = arith.index_cast %get3A_909 : i32 to index
        %get3A_911 = arith.constant 48 : index
        %get3A_912 = tpu.vector_load %arg18[%get3A_910, %get3A_911] {strides = array<i32>} : memref<1x64xf32, #tpu.memory_space<vmem>>, vector<1x16xf32>,
        %get3A_913 = vector.shape_cast %get3A_912 : vector<1x16xf32> to vector<16xf32>
        %add3A_914 = arith.addf %get3A_908, %get3A_913 : vector<16xf32>
        %get3A_915 = arith.constant 0 : i32
        %get3A_916 = arith.index_cast %get3A_915 : i32 to index
        %get3A_917 = arith.constant 48 : index
        %get3A_918 = tpu.vector_load %arg10[%get3A_916, %get3A_917] {strides = array<i32>} : memref<1x64xf32, #tpu.memory_space<vmem>>, vector<1x16xf32>,
        %get3A_919 = vector.shape_cast %get3A_918 : vector<1x16xf32> to vector<16xf32>
        %mul3A_920 = arith.mulf %broadcast_in_dim3A_836, %get3A_919 : vector<16xf32>
        %add3A_921 = arith.addf %add3A_914, %mul3A_920 : vector<16xf32>
        %swap3A_922 = arith.index_cast %add3A_838 : i32 to index
        %swap3A_923 = arith.constant 48 : index
        %swap3A_924 = tpu.vector_load %arg14[%swap3A_922, %swap3A_923] {strides = array<i32>} : memref<128x64xf32, #tpu.memory_space<vmem>>, vector<1x16xf32>,
        %swap3A_925 = vector.shape_cast %swap3A_924 : vector<1x16xf32> to vector<16xf32>
        %swap3A_926 = vector.shape_cast %add3A_921 : vector<16xf32> to vector<1x16xf32>
        tpu.vector_store %arg14[%swap3A_922, %swap3A_923], %swap3A_926 {strides = array<i32>} : memref<128x64xf32, #tpu.memory_space<vmem>>, vector<1x16xf32>,
        %slice3A_927 = vector.extract_strided_slice %convert_element_type3A_371 {offsets = [6], sizes = [1], strides = [1]} : vector<16xf32> to vector<1xf32>
        %squeeze3A_928 = vector.extract %slice3A_927[0] : f32 from vector<1xf32>
        %broadcast_in_dim3A_929 = vector.broadcast %squeeze3A_928 : f32 to vector<16xf32>
        %add3A_930 = arith.constant 6 : i32
        %add3A_931 = arith.addi %mul3A_367, %add3A_930 : i32
        %get3A_932 = arith.index_cast %add3A_931 : i32 to index
        %get3A_933 = arith.constant 0 : index
        %get3A_934 = tpu.vector_load %arg12[%get3A_932, %get3A_933] {strides = array<i32>} : memref<128x64xf32, #tpu.memory_space<vmem>>, vector<1x16xf32>,
        %get3A_935 = vector.shape_cast %get3A_934 : vector<1x16xf32> to vector<16xf32>
        %get3A_936 = arith.constant 0 : i32
        %get3A_937 = arith.index_cast %get3A_936 : i32 to index
        %get3A_938 = arith.constant 0 : index
        %get3A_939 = tpu.vector_load %arg18[%get3A_937, %get3A_938] {strides = array<i32>} : memref<1x64xf32, #tpu.memory_space<vmem>>, vector<1x16xf32>,
        %get3A_940 = vector.shape_cast %get3A_939 : vector<1x16xf32> to vector<16xf32>
        %add3A_941 = arith.addf %get3A_935, %get3A_940 : vector<16xf32>
        %get3A_942 = arith.constant 0 : i32
        %get3A_943 = arith.index_cast %get3A_942 : i32 to index
        %get3A_944 = arith.constant 0 : index
        %get3A_945 = tpu.vector_load %arg10[%get3A_943, %get3A_944] {strides = array<i32>} : memref<1x64xf32, #tpu.memory_space<vmem>>, vector<1x16xf32>,
        %get3A_946 = vector.shape_cast %get3A_945 : vector<1x16xf32> to vector<16xf32>
        %mul3A_947 = arith.mulf %broadcast_in_dim3A_929, %get3A_946 : vector<16xf32>
        %add3A_948 = arith.addf %add3A_941, %mul3A_947 : vector<16xf32>
        %swap3A_949 = arith.index_cast %add3A_931 : i32 to index
        %swap3A_950 = arith.constant 0 : index
        %swap3A_951 = tpu.vector_load %arg14[%swap3A_949, %swap3A_950] {strides = array<i32>} : memref<128x64xf32, #tpu.memory_space<vmem>>, vector<1x16xf32>,
        %swap3A_952 = vector.shape_cast %swap3A_951 : vector<1x16xf32> to vector<16xf32>
        %swap3A_953 = vector.shape_cast %add3A_948 : vector<16xf32> to vector<1x16xf32>
        tpu.vector_store %arg14[%swap3A_949, %swap3A_950], %swap3A_953 {strides = array<i32>} : memref<128x64xf32, #tpu.memory_space<vmem>>, vector<1x16xf32>,
        %get3A_954 = arith.index_cast %add3A_931 : i32 to index
        %get3A_955 = arith.constant 16 : index
        %get3A_956 = tpu.vector_load %arg12[%get3A_954, %get3A_955] {strides = array<i32>} : memref<128x64xf32, #tpu.memory_space<vmem>>, vector<1x16xf32>,
        %get3A_957 = vector.shape_cast %get3A_956 : vector<1x16xf32> to vector<16xf32>
        %get3A_958 = arith.constant 0 : i32
        %get3A_959 = arith.index_cast %get3A_958 : i32 to index
        %get3A_960 = arith.constant 16 : index
        %get3A_961 = tpu.vector_load %arg18[%get3A_959, %get3A_960] {strides = array<i32>} : memref<1x64xf32, #tpu.memory_space<vmem>>, vector<1x16xf32>,
        %get3A_962 = vector.shape_cast %get3A_961 : vector<1x16xf32> to vector<16xf32>
        %add3A_963 = arith.addf %get3A_957, %get3A_962 : vector<16xf32>
        %get3A_964 = arith.constant 0 : i32
        %get3A_965 = arith.index_cast %get3A_964 : i32 to index
        %get3A_966 = arith.constant 16 : index
        %get3A_967 = tpu.vector_load %arg10[%get3A_965, %get3A_966] {strides = array<i32>} : memref<1x64xf32, #tpu.memory_space<vmem>>, vector<1x16xf32>,
        %get3A_968 = vector.shape_cast %get3A_967 : vector<1x16xf32> to vector<16xf32>
        %mul3A_969 = arith.mulf %broadcast_in_dim3A_929, %get3A_968 : vector<16xf32>
        %add3A_970 = arith.addf %add3A_963, %mul3A_969 : vector<16xf32>
        %swap3A_971 = arith.index_cast %add3A_931 : i32 to index
        %swap3A_972 = arith.constant 16 : index
        %swap3A_973 = tpu.vector_load %arg14[%swap3A_971, %swap3A_972] {strides = array<i32>} : memref<128x64xf32, #tpu.memory_space<vmem>>, vector<1x16xf32>,
        %swap3A_974 = vector.shape_cast %swap3A_973 : vector<1x16xf32> to vector<16xf32>
        %swap3A_975 = vector.shape_cast %add3A_970 : vector<16xf32> to vector<1x16xf32>
        tpu.vector_store %arg14[%swap3A_971, %swap3A_972], %swap3A_975 {strides = array<i32>} : memref<128x64xf32, #tpu.memory_space<vmem>>, vector<1x16xf32>,
        %get3A_976 = arith.index_cast %add3A_931 : i32 to index
        %get3A_977 = arith.constant 32 : index
        %get3A_978 = tpu.vector_load %arg12[%get3A_976, %get3A_977] {strides = array<i32>} : memref<128x64xf32, #tpu.memory_space<vmem>>, vector<1x16xf32>,
        %get3A_979 = vector.shape_cast %get3A_978 : vector<1x16xf32> to vector<16xf32>
        %get3A_980 = arith.constant 0 : i32
        %get3A_981 = arith.index_cast %get3A_980 : i32 to index
        %get3A_982 = arith.constant 32 : index
        %get3A_983 = tpu.vector_load %arg18[%get3A_981, %get3A_982] {strides = array<i32>} : memref<1x64xf32, #tpu.memory_space<vmem>>, vector<1x16xf32>,
        %get3A_984 = vector.shape_cast %get3A_983 : vector<1x16xf32> to vector<16xf32>
        %add3A_985 = arith.addf %get3A_979, %get3A_984 : vector<16xf32>
        %get3A_986 = arith.constant 0 : i32
        %get3A_987 = arith.index_cast %get3A_986 : i32 to index
        %get3A_988 = arith.constant 32 : index
        %get3A_989 = tpu.vector_load %arg10[%get3A_987, %get3A_988] {strides = array<i32>} : memref<1x64xf32, #tpu.memory_space<vmem>>, vector<1x16xf32>,
        %get3A_990 = vector.shape_cast %get3A_989 : vector<1x16xf32> to vector<16xf32>
        %mul3A_991 = arith.mulf %broadcast_in_dim3A_929, %get3A_990 : vector<16xf32>
        %add3A_992 = arith.addf %add3A_985, %mul3A_991 : vector<16xf32>
        %swap3A_993 = arith.index_cast %add3A_931 : i32 to index
        %swap3A_994 = arith.constant 32 : index
        %swap3A_995 = tpu.vector_load %arg14[%swap3A_993, %swap3A_994] {strides = array<i32>} : memref<128x64xf32, #tpu.memory_space<vmem>>, vector<1x16xf32>,
        %swap3A_996 = vector.shape_cast %swap3A_995 : vector<1x16xf32> to vector<16xf32>
        %swap3A_997 = vector.shape_cast %add3A_992 : vector<16xf32> to vector<1x16xf32>
        tpu.vector_store %arg14[%swap3A_993, %swap3A_994], %swap3A_997 {strides = array<i32>} : memref<128x64xf32, #tpu.memory_space<vmem>>, vector<1x16xf32>,
        %get3A_998 = arith.index_cast %add3A_931 : i32 to index
        %get3A_999 = arith.constant 48 : index
        %get3A_1000 = tpu.vector_load %arg12[%get3A_998, %get3A_999] {strides = array<i32>} : memref<128x64xf32, #tpu.memory_space<vmem>>, vector<1x16xf32>,
        %get3A_1001 = vector.shape_cast %get3A_1000 : vector<1x16xf32> to vector<16xf32>
        %get3A_1002 = arith.constant 0 : i32
        %get3A_1003 = arith.index_cast %get3A_1002 : i32 to index
        %get3A_1004 = arith.constant 48 : index
        %get3A_1005 = tpu.vector_load %arg18[%get3A_1003, %get3A_1004] {strides = array<i32>} : memref<1x64xf32, #tpu.memory_space<vmem>>, vector<1x16xf32>,
        %get3A_1006 = vector.shape_cast %get3A_1005 : vector<1x16xf32> to vector<16xf32>
        %add3A_1007 = arith.addf %get3A_1001, %get3A_1006 : vector<16xf32>
        %get3A_1008 = arith.constant 0 : i32
        %get3A_1009 = arith.index_cast %get3A_1008 : i32 to index
        %get3A_1010 = arith.constant 48 : index
        %get3A_1011 = tpu.vector_load %arg10[%get3A_1009, %get3A_1010] {strides = array<i32>} : memref<1x64xf32, #tpu.memory_space<vmem>>, vector<1x16xf32>,
        %get3A_1012 = vector.shape_cast %get3A_1011 : vector<1x16xf32> to vector<16xf32>
        %mul3A_1013 = arith.mulf %broadcast_in_dim3A_929, %get3A_1012 : vector<16xf32>
        %add3A_1014 = arith.addf %add3A_1007, %mul3A_1013 : vector<16xf32>
        %swap3A_1015 = arith.index_cast %add3A_931 : i32 to index
        %swap3A_1016 = arith.constant 48 : index
        %swap3A_1017 = tpu.vector_load %arg14[%swap3A_1015, %swap3A_1016] {strides = array<i32>} : memref<128x64xf32, #tpu.memory_space<vmem>>, vector<1x16xf32>,
        %swap3A_1018 = vector.shape_cast %swap3A_1017 : vector<1x16xf32> to vector<16xf32>
        %swap3A_1019 = vector.shape_cast %add3A_1014 : vector<16xf32> to vector<1x16xf32>
        tpu.vector_store %arg14[%swap3A_1015, %swap3A_1016], %swap3A_1019 {strides = array<i32>} : memref<128x64xf32, #tpu.memory_space<vmem>>, vector<1x16xf32>,
        %slice3A_1020 = vector.extract_strided_slice %convert_element_type3A_371 {offsets = [7], sizes = [1], strides = [1]} : vector<16xf32> to vector<1xf32>
        %squeeze3A_1021 = vector.extract %slice3A_1020[0] : f32 from vector<1xf32>
        %broadcast_in_dim3A_1022 = vector.broadcast %squeeze3A_1021 : f32 to vector<16xf32>
        %add3A_1023 = arith.constant 7 : i32
        %add3A_1024 = arith.addi %mul3A_367, %add3A_1023 : i32
        %get3A_1025 = arith.index_cast %add3A_1024 : i32 to index
        %get3A_1026 = arith.constant 0 : index
        %get3A_1027 = tpu.vector_load %arg12[%get3A_1025, %get3A_1026] {strides = array<i32>} : memref<128x64xf32, #tpu.memory_space<vmem>>, vector<1x16xf32>,
        %get3A_1028 = vector.shape_cast %get3A_1027 : vector<1x16xf32> to vector<16xf32>
        %get3A_1029 = arith.constant 0 : i32
        %get3A_1030 = arith.index_cast %get3A_1029 : i32 to index
        %get3A_1031 = arith.constant 0 : index
        %get3A_1032 = tpu.vector_load %arg18[%get3A_1030, %get3A_1031] {strides = array<i32>} : memref<1x64xf32, #tpu.memory_space<vmem>>, vector<1x16xf32>,
        %get3A_1033 = vector.shape_cast %get3A_1032 : vector<1x16xf32> to vector<16xf32>
        %add3A_1034 = arith.addf %get3A_1028, %get3A_1033 : vector<16xf32>
        %get3A_1035 = arith.constant 0 : i32
        %get3A_1036 = arith.index_cast %get3A_1035 : i32 to index
        %get3A_1037 = arith.constant 0 : index
        %get3A_1038 = tpu.vector_load %arg10[%get3A_1036, %get3A_1037] {strides = array<i32>} : memref<1x64xf32, #tpu.memory_space<vmem>>, vector<1x16xf32>,
        %get3A_1039 = vector.shape_cast %get3A_1038 : vector<1x16xf32> to vector<16xf32>
        %mul3A_1040 = arith.mulf %broadcast_in_dim3A_1022, %get3A_1039 : vector<16xf32>
        %add3A_1041 = arith.addf %add3A_1034, %mul3A_1040 : vector<16xf32>
        %swap3A_1042 = arith.index_cast %add3A_1024 : i32 to index
        %swap3A_1043 = arith.constant 0 : index
        %swap3A_1044 = tpu.vector_load %arg14[%swap3A_1042, %swap3A_1043] {strides = array<i32>} : memref<128x64xf32, #tpu.memory_space<vmem>>, vector<1x16xf32>,
        %swap3A_1045 = vector.shape_cast %swap3A_1044 : vector<1x16xf32> to vector<16xf32>
        %swap3A_1046 = vector.shape_cast %add3A_1041 : vector<16xf32> to vector<1x16xf32>
        tpu.vector_store %arg14[%swap3A_1042, %swap3A_1043], %swap3A_1046 {strides = array<i32>} : memref<128x64xf32, #tpu.memory_space<vmem>>, vector<1x16xf32>,
        %get3A_1047 = arith.index_cast %add3A_1024 : i32 to index
        %get3A_1048 = arith.constant 16 : index
        %get3A_1049 = tpu.vector_load %arg12[%get3A_1047, %get3A_1048] {strides = array<i32>} : memref<128x64xf32, #tpu.memory_space<vmem>>, vector<1x16xf32>,
        %get3A_1050 = vector.shape_cast %get3A_1049 : vector<1x16xf32> to vector<16xf32>
        %get3A_1051 = arith.constant 0 : i32
        %get3A_1052 = arith.index_cast %get3A_1051 : i32 to index
        %get3A_1053 = arith.constant 16 : index
        %get3A_1054 = tpu.vector_load %arg18[%get3A_1052, %get3A_1053] {strides = array<i32>} : memref<1x64xf32, #tpu.memory_space<vmem>>, vector<1x16xf32>,
        %get3A_1055 = vector.shape_cast %get3A_1054 : vector<1x16xf32> to vector<16xf32>
        %add3A_1056 = arith.addf %get3A_1050, %get3A_1055 : vector<16xf32>
        %get3A_1057 = arith.constant 0 : i32
        %get3A_1058 = arith.index_cast %get3A_1057 : i32 to index
        %get3A_1059 = arith.constant 16 : index
        %get3A_1060 = tpu.vector_load %arg10[%get3A_1058, %get3A_1059] {strides = array<i32>} : memref<1x64xf32, #tpu.memory_space<vmem>>, vector<1x16xf32>,
        %get3A_1061 = vector.shape_cast %get3A_1060 : vector<1x16xf32> to vector<16xf32>
        %mul3A_1062 = arith.mulf %broadcast_in_dim3A_1022, %get3A_1061 : vector<16xf32>
        %add3A_1063 = arith.addf %add3A_1056, %mul3A_1062 : vector<16xf32>
        %swap3A_1064 = arith.index_cast %add3A_1024 : i32 to index
        %swap3A_1065 = arith.constant 16 : index
        %swap3A_1066 = tpu.vector_load %arg14[%swap3A_1064, %swap3A_1065] {strides = array<i32>} : memref<128x64xf32, #tpu.memory_space<vmem>>, vector<1x16xf32>,
        %swap3A_1067 = vector.shape_cast %swap3A_1066 : vector<1x16xf32> to vector<16xf32>
        %swap3A_1068 = vector.shape_cast %add3A_1063 : vector<16xf32> to vector<1x16xf32>
        tpu.vector_store %arg14[%swap3A_1064, %swap3A_1065], %swap3A_1068 {strides = array<i32>} : memref<128x64xf32, #tpu.memory_space<vmem>>, vector<1x16xf32>,
        %get3A_1069 = arith.index_cast %add3A_1024 : i32 to index
        %get3A_1070 = arith.constant 32 : index
        %get3A_1071 = tpu.vector_load %arg12[%get3A_1069, %get3A_1070] {strides = array<i32>} : memref<128x64xf32, #tpu.memory_space<vmem>>, vector<1x16xf32>,
        %get3A_1072 = vector.shape_cast %get3A_1071 : vector<1x16xf32> to vector<16xf32>
        %get3A_1073 = arith.constant 0 : i32
        %get3A_1074 = arith.index_cast %get3A_1073 : i32 to index
        %get3A_1075 = arith.constant 32 : index
        %get3A_1076 = tpu.vector_load %arg18[%get3A_1074, %get3A_1075] {strides = array<i32>} : memref<1x64xf32, #tpu.memory_space<vmem>>, vector<1x16xf32>,
        %get3A_1077 = vector.shape_cast %get3A_1076 : vector<1x16xf32> to vector<16xf32>
        %add3A_1078 = arith.addf %get3A_1072, %get3A_1077 : vector<16xf32>
        %get3A_1079 = arith.constant 0 : i32
        %get3A_1080 = arith.index_cast %get3A_1079 : i32 to index
        %get3A_1081 = arith.constant 32 : index
        %get3A_1082 = tpu.vector_load %arg10[%get3A_1080, %get3A_1081] {strides = array<i32>} : memref<1x64xf32, #tpu.memory_space<vmem>>, vector<1x16xf32>,
        %get3A_1083 = vector.shape_cast %get3A_1082 : vector<1x16xf32> to vector<16xf32>
        %mul3A_1084 = arith.mulf %broadcast_in_dim3A_1022, %get3A_1083 : vector<16xf32>
        %add3A_1085 = arith.addf %add3A_1078, %mul3A_1084 : vector<16xf32>
        %swap3A_1086 = arith.index_cast %add3A_1024 : i32 to index
        %swap3A_1087 = arith.constant 32 : index
        %swap3A_1088 = tpu.vector_load %arg14[%swap3A_1086, %swap3A_1087] {strides = array<i32>} : memref<128x64xf32, #tpu.memory_space<vmem>>, vector<1x16xf32>,
        %swap3A_1089 = vector.shape_cast %swap3A_1088 : vector<1x16xf32> to vector<16xf32>
        %swap3A_1090 = vector.shape_cast %add3A_1085 : vector<16xf32> to vector<1x16xf32>
        tpu.vector_store %arg14[%swap3A_1086, %swap3A_1087], %swap3A_1090 {strides = array<i32>} : memref<128x64xf32, #tpu.memory_space<vmem>>, vector<1x16xf32>,
        %get3A_1091 = arith.index_cast %add3A_1024 : i32 to index
        %get3A_1092 = arith.constant 48 : index
        %get3A_1093 = tpu.vector_load %arg12[%get3A_1091, %get3A_1092] {strides = array<i32>} : memref<128x64xf32, #tpu.memory_space<vmem>>, vector<1x16xf32>,
        %get3A_1094 = vector.shape_cast %get3A_1093 : vector<1x16xf32> to vector<16xf32>
        %get3A_1095 = arith.constant 0 : i32
        %get3A_1096 = arith.index_cast %get3A_1095 : i32 to index
        %get3A_1097 = arith.constant 48 : index
        %get3A_1098 = tpu.vector_load %arg18[%get3A_1096, %get3A_1097] {strides = array<i32>} : memref<1x64xf32, #tpu.memory_space<vmem>>, vector<1x16xf32>,
        %get3A_1099 = vector.shape_cast %get3A_1098 : vector<1x16xf32> to vector<16xf32>
        %add3A_1100 = arith.addf %get3A_1094, %get3A_1099 : vector<16xf32>
        %get3A_1101 = arith.constant 0 : i32
        %get3A_1102 = arith.index_cast %get3A_1101 : i32 to index
        %get3A_1103 = arith.constant 48 : index
        %get3A_1104 = tpu.vector_load %arg10[%get3A_1102, %get3A_1103] {strides = array<i32>} : memref<1x64xf32, #tpu.memory_space<vmem>>, vector<1x16xf32>,
        %get3A_1105 = vector.shape_cast %get3A_1104 : vector<1x16xf32> to vector<16xf32>
        %mul3A_1106 = arith.mulf %broadcast_in_dim3A_1022, %get3A_1105 : vector<16xf32>
        %add3A_1107 = arith.addf %add3A_1100, %mul3A_1106 : vector<16xf32>
        %swap3A_1108 = arith.index_cast %add3A_1024 : i32 to index
        %swap3A_1109 = arith.constant 48 : index
        %swap3A_1110 = tpu.vector_load %arg14[%swap3A_1108, %swap3A_1109] {strides = array<i32>} : memref<128x64xf32, #tpu.memory_space<vmem>>, vector<1x16xf32>,
        %swap3A_1111 = vector.shape_cast %swap3A_1110 : vector<1x16xf32> to vector<16xf32>
        %swap3A_1112 = vector.shape_cast %add3A_1107 : vector<16xf32> to vector<1x16xf32>
        tpu.vector_store %arg14[%swap3A_1108, %swap3A_1109], %swap3A_1112 {strides = array<i32>} : memref<128x64xf32, #tpu.memory_space<vmem>>, vector<1x16xf32>,
        %slice3A_1113 = vector.extract_strided_slice %convert_element_type3A_371 {offsets = [8], sizes = [1], strides = [1]} : vector<16xf32> to vector<1xf32>
        %squeeze3A_1114 = vector.extract %slice3A_1113[0] : f32 from vector<1xf32>
        %broadcast_in_dim3A_1115 = vector.broadcast %squeeze3A_1114 : f32 to vector<16xf32>
        %add3A_1116 = arith.constant 8 : i32
        %add3A_1117 = arith.addi %mul3A_367, %add3A_1116 : i32
        %get3A_1118 = arith.index_cast %add3A_1117 : i32 to index
        %get3A_1119 = arith.constant 0 : index
        %get3A_1120 = tpu.vector_load %arg12[%get3A_1118, %get3A_1119] {strides = array<i32>} : memref<128x64xf32, #tpu.memory_space<vmem>>, vector<1x16xf32>,
        %get3A_1121 = vector.shape_cast %get3A_1120 : vector<1x16xf32> to vector<16xf32>
        %get3A_1122 = arith.constant 0 : i32
        %get3A_1123 = arith.index_cast %get3A_1122 : i32 to index
        %get3A_1124 = arith.constant 0 : index
        %get3A_1125 = tpu.vector_load %arg18[%get3A_1123, %get3A_1124] {strides = array<i32>} : memref<1x64xf32, #tpu.memory_space<vmem>>, vector<1x16xf32>,
        %get3A_1126 = vector.shape_cast %get3A_1125 : vector<1x16xf32> to vector<16xf32>
        %add3A_1127 = arith.addf %get3A_1121, %get3A_1126 : vector<16xf32>
        %get3A_1128 = arith.constant 0 : i32
        %get3A_1129 = arith.index_cast %get3A_1128 : i32 to index
        %get3A_1130 = arith.constant 0 : index
        %get3A_1131 = tpu.vector_load %arg10[%get3A_1129, %get3A_1130] {strides = array<i32>} : memref<1x64xf32, #tpu.memory_space<vmem>>, vector<1x16xf32>,
        %get3A_1132 = vector.shape_cast %get3A_1131 : vector<1x16xf32> to vector<16xf32>
        %mul3A_1133 = arith.mulf %broadcast_in_dim3A_1115, %get3A_1132 : vector<16xf32>
        %add3A_1134 = arith.addf %add3A_1127, %mul3A_1133 : vector<16xf32>
        %swap3A_1135 = arith.index_cast %add3A_1117 : i32 to index
        %swap3A_1136 = arith.constant 0 : index
        %swap3A_1137 = tpu.vector_load %arg14[%swap3A_1135, %swap3A_1136] {strides = array<i32>} : memref<128x64xf32, #tpu.memory_space<vmem>>, vector<1x16xf32>,
        %swap3A_1138 = vector.shape_cast %swap3A_1137 : vector<1x16xf32> to vector<16xf32>
        %swap3A_1139 = vector.shape_cast %add3A_1134 : vector<16xf32> to vector<1x16xf32>
        tpu.vector_store %arg14[%swap3A_1135, %swap3A_1136], %swap3A_1139 {strides = array<i32>} : memref<128x64xf32, #tpu.memory_space<vmem>>, vector<1x16xf32>,
        %get3A_1140 = arith.index_cast %add3A_1117 : i32 to index
        %get3A_1141 = arith.constant 16 : index
        %get3A_1142 = tpu.vector_load %arg12[%get3A_1140, %get3A_1141] {strides = array<i32>} : memref<128x64xf32, #tpu.memory_space<vmem>>, vector<1x16xf32>,
        %get3A_1143 = vector.shape_cast %get3A_1142 : vector<1x16xf32> to vector<16xf32>
        %get3A_1144 = arith.constant 0 : i32
        %get3A_1145 = arith.index_cast %get3A_1144 : i32 to index
        %get3A_1146 = arith.constant 16 : index
        %get3A_1147 = tpu.vector_load %arg18[%get3A_1145, %get3A_1146] {strides = array<i32>} : memref<1x64xf32, #tpu.memory_space<vmem>>, vector<1x16xf32>,
        %get3A_1148 = vector.shape_cast %get3A_1147 : vector<1x16xf32> to vector<16xf32>
        %add3A_1149 = arith.addf %get3A_1143, %get3A_1148 : vector<16xf32>
        %get3A_1150 = arith.constant 0 : i32
        %get3A_1151 = arith.index_cast %get3A_1150 : i32 to index
        %get3A_1152 = arith.constant 16 : index
        %get3A_1153 = tpu.vector_load %arg10[%get3A_1151, %get3A_1152] {strides = array<i32>} : memref<1x64xf32, #tpu.memory_space<vmem>>, vector<1x16xf32>,
        %get3A_1154 = vector.shape_cast %get3A_1153 : vector<1x16xf32> to vector<16xf32>
        %mul3A_1155 = arith.mulf %broadcast_in_dim3A_1115, %get3A_1154 : vector<16xf32>
        %add3A_1156 = arith.addf %add3A_1149, %mul3A_1155 : vector<16xf32>
        %swap3A_1157 = arith.index_cast %add3A_1117 : i32 to index
        %swap3A_1158 = arith.constant 16 : index
        %swap3A_1159 = tpu.vector_load %arg14[%swap3A_1157, %swap3A_1158] {strides = array<i32>} : memref<128x64xf32, #tpu.memory_space<vmem>>, vector<1x16xf32>,
        %swap3A_1160 = vector.shape_cast %swap3A_1159 : vector<1x16xf32> to vector<16xf32>
        %swap3A_1161 = vector.shape_cast %add3A_1156 : vector<16xf32> to vector<1x16xf32>
        tpu.vector_store %arg14[%swap3A_1157, %swap3A_1158], %swap3A_1161 {strides = array<i32>} : memref<128x64xf32, #tpu.memory_space<vmem>>, vector<1x16xf32>,
        %get3A_1162 = arith.index_cast %add3A_1117 : i32 to index
        %get3A_1163 = arith.constant 32 : index
        %get3A_1164 = tpu.vector_load %arg12[%get3A_1162, %get3A_1163] {strides = array<i32>} : memref<128x64xf32, #tpu.memory_space<vmem>>, vector<1x16xf32>,
        %get3A_1165 = vector.shape_cast %get3A_1164 : vector<1x16xf32> to vector<16xf32>
        %get3A_1166 = arith.constant 0 : i32
        %get3A_1167 = arith.index_cast %get3A_1166 : i32 to index
        %get3A_1168 = arith.constant 32 : index
        %get3A_1169 = tpu.vector_load %arg18[%get3A_1167, %get3A_1168] {strides = array<i32>} : memref<1x64xf32, #tpu.memory_space<vmem>>, vector<1x16xf32>,
        %get3A_1170 = vector.shape_cast %get3A_1169 : vector<1x16xf32> to vector<16xf32>
        %add3A_1171 = arith.addf %get3A_1165, %get3A_1170 : vector<16xf32>
        %get3A_1172 = arith.constant 0 : i32
        %get3A_1173 = arith.index_cast %get3A_1172 : i32 to index
        %get3A_1174 = arith.constant 32 : index
        %get3A_1175 = tpu.vector_load %arg10[%get3A_1173, %get3A_1174] {strides = array<i32>} : memref<1x64xf32, #tpu.memory_space<vmem>>, vector<1x16xf32>,
        %get3A_1176 = vector.shape_cast %get3A_1175 : vector<1x16xf32> to vector<16xf32>
        %mul3A_1177 = arith.mulf %broadcast_in_dim3A_1115, %get3A_1176 : vector<16xf32>
        %add3A_1178 = arith.addf %add3A_1171, %mul3A_1177 : vector<16xf32>
        %swap3A_1179 = arith.index_cast %add3A_1117 : i32 to index
        %swap3A_1180 = arith.constant 32 : index
        %swap3A_1181 = tpu.vector_load %arg14[%swap3A_1179, %swap3A_1180] {strides = array<i32>} : memref<128x64xf32, #tpu.memory_space<vmem>>, vector<1x16xf32>,
        %swap3A_1182 = vector.shape_cast %swap3A_1181 : vector<1x16xf32> to vector<16xf32>
        %swap3A_1183 = vector.shape_cast %add3A_1178 : vector<16xf32> to vector<1x16xf32>
        tpu.vector_store %arg14[%swap3A_1179, %swap3A_1180], %swap3A_1183 {strides = array<i32>} : memref<128x64xf32, #tpu.memory_space<vmem>>, vector<1x16xf32>,
        %get3A_1184 = arith.index_cast %add3A_1117 : i32 to index
        %get3A_1185 = arith.constant 48 : index
        %get3A_1186 = tpu.vector_load %arg12[%get3A_1184, %get3A_1185] {strides = array<i32>} : memref<128x64xf32, #tpu.memory_space<vmem>>, vector<1x16xf32>,
        %get3A_1187 = vector.shape_cast %get3A_1186 : vector<1x16xf32> to vector<16xf32>
        %get3A_1188 = arith.constant 0 : i32
        %get3A_1189 = arith.index_cast %get3A_1188 : i32 to index
        %get3A_1190 = arith.constant 48 : index
        %get3A_1191 = tpu.vector_load %arg18[%get3A_1189, %get3A_1190] {strides = array<i32>} : memref<1x64xf32, #tpu.memory_space<vmem>>, vector<1x16xf32>,
        %get3A_1192 = vector.shape_cast %get3A_1191 : vector<1x16xf32> to vector<16xf32>
        %add3A_1193 = arith.addf %get3A_1187, %get3A_1192 : vector<16xf32>
        %get3A_1194 = arith.constant 0 : i32
        %get3A_1195 = arith.index_cast %get3A_1194 : i32 to index
        %get3A_1196 = arith.constant 48 : index
        %get3A_1197 = tpu.vector_load %arg10[%get3A_1195, %get3A_1196] {strides = array<i32>} : memref<1x64xf32, #tpu.memory_space<vmem>>, vector<1x16xf32>,
        %get3A_1198 = vector.shape_cast %get3A_1197 : vector<1x16xf32> to vector<16xf32>
        %mul3A_1199 = arith.mulf %broadcast_in_dim3A_1115, %get3A_1198 : vector<16xf32>
        %add3A_1200 = arith.addf %add3A_1193, %mul3A_1199 : vector<16xf32>
        %swap3A_1201 = arith.index_cast %add3A_1117 : i32 to index
        %swap3A_1202 = arith.constant 48 : index
        %swap3A_1203 = tpu.vector_load %arg14[%swap3A_1201, %swap3A_1202] {strides = array<i32>} : memref<128x64xf32, #tpu.memory_space<vmem>>, vector<1x16xf32>,
        %swap3A_1204 = vector.shape_cast %swap3A_1203 : vector<1x16xf32> to vector<16xf32>
        %swap3A_1205 = vector.shape_cast %add3A_1200 : vector<16xf32> to vector<1x16xf32>
        tpu.vector_store %arg14[%swap3A_1201, %swap3A_1202], %swap3A_1205 {strides = array<i32>} : memref<128x64xf32, #tpu.memory_space<vmem>>, vector<1x16xf32>,
        %slice3A_1206 = vector.extract_strided_slice %convert_element_type3A_371 {offsets = [9], sizes = [1], strides = [1]} : vector<16xf32> to vector<1xf32>
        %squeeze3A_1207 = vector.extract %slice3A_1206[0] : f32 from vector<1xf32>
        %broadcast_in_dim3A_1208 = vector.broadcast %squeeze3A_1207 : f32 to vector<16xf32>
        %add3A_1209 = arith.constant 9 : i32
        %add3A_1210 = arith.addi %mul3A_367, %add3A_1209 : i32
        %get3A_1211 = arith.index_cast %add3A_1210 : i32 to index
        %get3A_1212 = arith.constant 0 : index
        %get3A_1213 = tpu.vector_load %arg12[%get3A_1211, %get3A_1212] {strides = array<i32>} : memref<128x64xf32, #tpu.memory_space<vmem>>, vector<1x16xf32>,
        %get3A_1214 = vector.shape_cast %get3A_1213 : vector<1x16xf32> to vector<16xf32>
        %get3A_1215 = arith.constant 0 : i32
        %get3A_1216 = arith.index_cast %get3A_1215 : i32 to index
        %get3A_1217 = arith.constant 0 : index
        %get3A_1218 = tpu.vector_load %arg18[%get3A_1216, %get3A_1217] {strides = array<i32>} : memref<1x64xf32, #tpu.memory_space<vmem>>, vector<1x16xf32>,
        %get3A_1219 = vector.shape_cast %get3A_1218 : vector<1x16xf32> to vector<16xf32>
        %add3A_1220 = arith.addf %get3A_1214, %get3A_1219 : vector<16xf32>
        %get3A_1221 = arith.constant 0 : i32
        %get3A_1222 = arith.index_cast %get3A_1221 : i32 to index
        %get3A_1223 = arith.constant 0 : index
        %get3A_1224 = tpu.vector_load %arg10[%get3A_1222, %get3A_1223] {strides = array<i32>} : memref<1x64xf32, #tpu.memory_space<vmem>>, vector<1x16xf32>,
        %get3A_1225 = vector.shape_cast %get3A_1224 : vector<1x16xf32> to vector<16xf32>
        %mul3A_1226 = arith.mulf %broadcast_in_dim3A_1208, %get3A_1225 : vector<16xf32>
        %add3A_1227 = arith.addf %add3A_1220, %mul3A_1226 : vector<16xf32>
        %swap3A_1228 = arith.index_cast %add3A_1210 : i32 to index
        %swap3A_1229 = arith.constant 0 : index
        %swap3A_1230 = tpu.vector_load %arg14[%swap3A_1228, %swap3A_1229] {strides = array<i32>} : memref<128x64xf32, #tpu.memory_space<vmem>>, vector<1x16xf32>,
        %swap3A_1231 = vector.shape_cast %swap3A_1230 : vector<1x16xf32> to vector<16xf32>
        %swap3A_1232 = vector.shape_cast %add3A_1227 : vector<16xf32> to vector<1x16xf32>
        tpu.vector_store %arg14[%swap3A_1228, %swap3A_1229], %swap3A_1232 {strides = array<i32>} : memref<128x64xf32, #tpu.memory_space<vmem>>, vector<1x16xf32>,
        %get3A_1233 = arith.index_cast %add3A_1210 : i32 to index
        %get3A_1234 = arith.constant 16 : index
        %get3A_1235 = tpu.vector_load %arg12[%get3A_1233, %get3A_1234] {strides = array<i32>} : memref<128x64xf32, #tpu.memory_space<vmem>>, vector<1x16xf32>,
        %get3A_1236 = vector.shape_cast %get3A_1235 : vector<1x16xf32> to vector<16xf32>
        %get3A_1237 = arith.constant 0 : i32
        %get3A_1238 = arith.index_cast %get3A_1237 : i32 to index
        %get3A_1239 = arith.constant 16 : index
        %get3A_1240 = tpu.vector_load %arg18[%get3A_1238, %get3A_1239] {strides = array<i32>} : memref<1x64xf32, #tpu.memory_space<vmem>>, vector<1x16xf32>,
        %get3A_1241 = vector.shape_cast %get3A_1240 : vector<1x16xf32> to vector<16xf32>
        %add3A_1242 = arith.addf %get3A_1236, %get3A_1241 : vector<16xf32>
        %get3A_1243 = arith.constant 0 : i32
        %get3A_1244 = arith.index_cast %get3A_1243 : i32 to index
        %get3A_1245 = arith.constant 16 : index
        %get3A_1246 = tpu.vector_load %arg10[%get3A_1244, %get3A_1245] {strides = array<i32>} : memref<1x64xf32, #tpu.memory_space<vmem>>, vector<1x16xf32>,
        %get3A_1247 = vector.shape_cast %get3A_1246 : vector<1x16xf32> to vector<16xf32>
        %mul3A_1248 = arith.mulf %broadcast_in_dim3A_1208, %get3A_1247 : vector<16xf32>
        %add3A_1249 = arith.addf %add3A_1242, %mul3A_1248 : vector<16xf32>
        %swap3A_1250 = arith.index_cast %add3A_1210 : i32 to index
        %swap3A_1251 = arith.constant 16 : index
        %swap3A_1252 = tpu.vector_load %arg14[%swap3A_1250, %swap3A_1251] {strides = array<i32>} : memref<128x64xf32, #tpu.memory_space<vmem>>, vector<1x16xf32>,
        %swap3A_1253 = vector.shape_cast %swap3A_1252 : vector<1x16xf32> to vector<16xf32>
        %swap3A_1254 = vector.shape_cast %add3A_1249 : vector<16xf32> to vector<1x16xf32>
        tpu.vector_store %arg14[%swap3A_1250, %swap3A_1251], %swap3A_1254 {strides = array<i32>} : memref<128x64xf32, #tpu.memory_space<vmem>>, vector<1x16xf32>,
        %get3A_1255 = arith.index_cast %add3A_1210 : i32 to index
        %get3A_1256 = arith.constant 32 : index
        %get3A_1257 = tpu.vector_load %arg12[%get3A_1255, %get3A_1256] {strides = array<i32>} : memref<128x64xf32, #tpu.memory_space<vmem>>, vector<1x16xf32>,
        %get3A_1258 = vector.shape_cast %get3A_1257 : vector<1x16xf32> to vector<16xf32>
        %get3A_1259 = arith.constant 0 : i32
        %get3A_1260 = arith.index_cast %get3A_1259 : i32 to index
        %get3A_1261 = arith.constant 32 : index
        %get3A_1262 = tpu.vector_load %arg18[%get3A_1260, %get3A_1261] {strides = array<i32>} : memref<1x64xf32, #tpu.memory_space<vmem>>, vector<1x16xf32>,
        %get3A_1263 = vector.shape_cast %get3A_1262 : vector<1x16xf32> to vector<16xf32>
        %add3A_1264 = arith.addf %get3A_1258, %get3A_1263 : vector<16xf32>
        %get3A_1265 = arith.constant 0 : i32
        %get3A_1266 = arith.index_cast %get3A_1265 : i32 to index
        %get3A_1267 = arith.constant 32 : index
        %get3A_1268 = tpu.vector_load %arg10[%get3A_1266, %get3A_1267] {strides = array<i32>} : memref<1x64xf32, #tpu.memory_space<vmem>>, vector<1x16xf32>,
        %get3A_1269 = vector.shape_cast %get3A_1268 : vector<1x16xf32> to vector<16xf32>
        %mul3A_1270 = arith.mulf %broadcast_in_dim3A_1208, %get3A_1269 : vector<16xf32>
        %add3A_1271 = arith.addf %add3A_1264, %mul3A_1270 : vector<16xf32>
        %swap3A_1272 = arith.index_cast %add3A_1210 : i32 to index
        %swap3A_1273 = arith.constant 32 : index
        %swap3A_1274 = tpu.vector_load %arg14[%swap3A_1272, %swap3A_1273] {strides = array<i32>} : memref<128x64xf32, #tpu.memory_space<vmem>>, vector<1x16xf32>,
        %swap3A_1275 = vector.shape_cast %swap3A_1274 : vector<1x16xf32> to vector<16xf32>
        %swap3A_1276 = vector.shape_cast %add3A_1271 : vector<16xf32> to vector<1x16xf32>
        tpu.vector_store %arg14[%swap3A_1272, %swap3A_1273], %swap3A_1276 {strides = array<i32>} : memref<128x64xf32, #tpu.memory_space<vmem>>, vector<1x16xf32>,
        %get3A_1277 = arith.index_cast %add3A_1210 : i32 to index
        %get3A_1278 = arith.constant 48 : index
        %get3A_1279 = tpu.vector_load %arg12[%get3A_1277, %get3A_1278] {strides = array<i32>} : memref<128x64xf32, #tpu.memory_space<vmem>>, vector<1x16xf32>,
        %get3A_1280 = vector.shape_cast %get3A_1279 : vector<1x16xf32> to vector<16xf32>
        %get3A_1281 = arith.constant 0 : i32
        %get3A_1282 = arith.index_cast %get3A_1281 : i32 to index
        %get3A_1283 = arith.constant 48 : index
        %get3A_1284 = tpu.vector_load %arg18[%get3A_1282, %get3A_1283] {strides = array<i32>} : memref<1x64xf32, #tpu.memory_space<vmem>>, vector<1x16xf32>,
        %get3A_1285 = vector.shape_cast %get3A_1284 : vector<1x16xf32> to vector<16xf32>
        %add3A_1286 = arith.addf %get3A_1280, %get3A_1285 : vector<16xf32>
        %get3A_1287 = arith.constant 0 : i32
        %get3A_1288 = arith.index_cast %get3A_1287 : i32 to index
        %get3A_1289 = arith.constant 48 : index
        %get3A_1290 = tpu.vector_load %arg10[%get3A_1288, %get3A_1289] {strides = array<i32>} : memref<1x64xf32, #tpu.memory_space<vmem>>, vector<1x16xf32>,
        %get3A_1291 = vector.shape_cast %get3A_1290 : vector<1x16xf32> to vector<16xf32>
        %mul3A_1292 = arith.mulf %broadcast_in_dim3A_1208, %get3A_1291 : vector<16xf32>
        %add3A_1293 = arith.addf %add3A_1286, %mul3A_1292 : vector<16xf32>
        %swap3A_1294 = arith.index_cast %add3A_1210 : i32 to index
        %swap3A_1295 = arith.constant 48 : index
        %swap3A_1296 = tpu.vector_load %arg14[%swap3A_1294, %swap3A_1295] {strides = array<i32>} : memref<128x64xf32, #tpu.memory_space<vmem>>, vector<1x16xf32>,
        %swap3A_1297 = vector.shape_cast %swap3A_1296 : vector<1x16xf32> to vector<16xf32>
        %swap3A_1298 = vector.shape_cast %add3A_1293 : vector<16xf32> to vector<1x16xf32>
        tpu.vector_store %arg14[%swap3A_1294, %swap3A_1295], %swap3A_1298 {strides = array<i32>} : memref<128x64xf32, #tpu.memory_space<vmem>>, vector<1x16xf32>,
        %slice3A_1299 = vector.extract_strided_slice %convert_element_type3A_371 {offsets = [10], sizes = [1], strides = [1]} : vector<16xf32> to vector<1xf32>
        %squeeze3A_1300 = vector.extract %slice3A_1299[0] : f32 from vector<1xf32>
        %broadcast_in_dim3A_1301 = vector.broadcast %squeeze3A_1300 : f32 to vector<16xf32>
        %add3A_1302 = arith.constant 10 : i32
        %add3A_1303 = arith.addi %mul3A_367, %add3A_1302 : i32
        %get3A_1304 = arith.index_cast %add3A_1303 : i32 to index
        %get3A_1305 = arith.constant 0 : index
        %get3A_1306 = tpu.vector_load %arg12[%get3A_1304, %get3A_1305] {strides = array<i32>} : memref<128x64xf32, #tpu.memory_space<vmem>>, vector<1x16xf32>,
        %get3A_1307 = vector.shape_cast %get3A_1306 : vector<1x16xf32> to vector<16xf32>
        %get3A_1308 = arith.constant 0 : i32
        %get3A_1309 = arith.index_cast %get3A_1308 : i32 to index
        %get3A_1310 = arith.constant 0 : index
        %get3A_1311 = tpu.vector_load %arg18[%get3A_1309, %get3A_1310] {strides = array<i32>} : memref<1x64xf32, #tpu.memory_space<vmem>>, vector<1x16xf32>,
        %get3A_1312 = vector.shape_cast %get3A_1311 : vector<1x16xf32> to vector<16xf32>
        %add3A_1313 = arith.addf %get3A_1307, %get3A_1312 : vector<16xf32>
        %get3A_1314 = arith.constant 0 : i32
        %get3A_1315 = arith.index_cast %get3A_1314 : i32 to index
        %get3A_1316 = arith.constant 0 : index
        %get3A_1317 = tpu.vector_load %arg10[%get3A_1315, %get3A_1316] {strides = array<i32>} : memref<1x64xf32, #tpu.memory_space<vmem>>, vector<1x16xf32>,
        %get3A_1318 = vector.shape_cast %get3A_1317 : vector<1x16xf32> to vector<16xf32>
        %mul3A_1319 = arith.mulf %broadcast_in_dim3A_1301, %get3A_1318 : vector<16xf32>
        %add3A_1320 = arith.addf %add3A_1313, %mul3A_1319 : vector<16xf32>
        %swap3A_1321 = arith.index_cast %add3A_1303 : i32 to index
        %swap3A_1322 = arith.constant 0 : index
        %swap3A_1323 = tpu.vector_load %arg14[%swap3A_1321, %swap3A_1322] {strides = array<i32>} : memref<128x64xf32, #tpu.memory_space<vmem>>, vector<1x16xf32>,
        %swap3A_1324 = vector.shape_cast %swap3A_1323 : vector<1x16xf32> to vector<16xf32>
        %swap3A_1325 = vector.shape_cast %add3A_1320 : vector<16xf32> to vector<1x16xf32>
        tpu.vector_store %arg14[%swap3A_1321, %swap3A_1322], %swap3A_1325 {strides = array<i32>} : memref<128x64xf32, #tpu.memory_space<vmem>>, vector<1x16xf32>,
        %get3A_1326 = arith.index_cast %add3A_1303 : i32 to index
        %get3A_1327 = arith.constant 16 : index
        %get3A_1328 = tpu.vector_load %arg12[%get3A_1326, %get3A_1327] {strides = array<i32>} : memref<128x64xf32, #tpu.memory_space<vmem>>, vector<1x16xf32>,
        %get3A_1329 = vector.shape_cast %get3A_1328 : vector<1x16xf32> to vector<16xf32>
        %get3A_1330 = arith.constant 0 : i32
        %get3A_1331 = arith.index_cast %get3A_1330 : i32 to index
        %get3A_1332 = arith.constant 16 : index
        %get3A_1333 = tpu.vector_load %arg18[%get3A_1331, %get3A_1332] {strides = array<i32>} : memref<1x64xf32, #tpu.memory_space<vmem>>, vector<1x16xf32>,
        %get3A_1334 = vector.shape_cast %get3A_1333 : vector<1x16xf32> to vector<16xf32>
        %add3A_1335 = arith.addf %get3A_1329, %get3A_1334 : vector<16xf32>
        %get3A_1336 = arith.constant 0 : i32
        %get3A_1337 = arith.index_cast %get3A_1336 : i32 to index
        %get3A_1338 = arith.constant 16 : index
        %get3A_1339 = tpu.vector_load %arg10[%get3A_1337, %get3A_1338] {strides = array<i32>} : memref<1x64xf32, #tpu.memory_space<vmem>>, vector<1x16xf32>,
        %get3A_1340 = vector.shape_cast %get3A_1339 : vector<1x16xf32> to vector<16xf32>
        %mul3A_1341 = arith.mulf %broadcast_in_dim3A_1301, %get3A_1340 : vector<16xf32>
        %add3A_1342 = arith.addf %add3A_1335, %mul3A_1341 : vector<16xf32>
        %swap3A_1343 = arith.index_cast %add3A_1303 : i32 to index
        %swap3A_1344 = arith.constant 16 : index
        %swap3A_1345 = tpu.vector_load %arg14[%swap3A_1343, %swap3A_1344] {strides = array<i32>} : memref<128x64xf32, #tpu.memory_space<vmem>>, vector<1x16xf32>,
        %swap3A_1346 = vector.shape_cast %swap3A_1345 : vector<1x16xf32> to vector<16xf32>
        %swap3A_1347 = vector.shape_cast %add3A_1342 : vector<16xf32> to vector<1x16xf32>
        tpu.vector_store %arg14[%swap3A_1343, %swap3A_1344], %swap3A_1347 {strides = array<i32>} : memref<128x64xf32, #tpu.memory_space<vmem>>, vector<1x16xf32>,
        %get3A_1348 = arith.index_cast %add3A_1303 : i32 to index
        %get3A_1349 = arith.constant 32 : index
        %get3A_1350 = tpu.vector_load %arg12[%get3A_1348, %get3A_1349] {strides = array<i32>} : memref<128x64xf32, #tpu.memory_space<vmem>>, vector<1x16xf32>,
        %get3A_1351 = vector.shape_cast %get3A_1350 : vector<1x16xf32> to vector<16xf32>
        %get3A_1352 = arith.constant 0 : i32
        %get3A_1353 = arith.index_cast %get3A_1352 : i32 to index
        %get3A_1354 = arith.constant 32 : index
        %get3A_1355 = tpu.vector_load %arg18[%get3A_1353, %get3A_1354] {strides = array<i32>} : memref<1x64xf32, #tpu.memory_space<vmem>>, vector<1x16xf32>,
        %get3A_1356 = vector.shape_cast %get3A_1355 : vector<1x16xf32> to vector<16xf32>
        %add3A_1357 = arith.addf %get3A_1351, %get3A_1356 : vector<16xf32>
        %get3A_1358 = arith.constant 0 : i32
        %get3A_1359 = arith.index_cast %get3A_1358 : i32 to index
        %get3A_1360 = arith.constant 32 : index
        %get3A_1361 = tpu.vector_load %arg10[%get3A_1359, %get3A_1360] {strides = array<i32>} : memref<1x64xf32, #tpu.memory_space<vmem>>, vector<1x16xf32>,
        %get3A_1362 = vector.shape_cast %get3A_1361 : vector<1x16xf32> to vector<16xf32>
        %mul3A_1363 = arith.mulf %broadcast_in_dim3A_1301, %get3A_1362 : vector<16xf32>
        %add3A_1364 = arith.addf %add3A_1357, %mul3A_1363 : vector<16xf32>
        %swap3A_1365 = arith.index_cast %add3A_1303 : i32 to index
        %swap3A_1366 = arith.constant 32 : index
        %swap3A_1367 = tpu.vector_load %arg14[%swap3A_1365, %swap3A_1366] {strides = array<i32>} : memref<128x64xf32, #tpu.memory_space<vmem>>, vector<1x16xf32>,
        %swap3A_1368 = vector.shape_cast %swap3A_1367 : vector<1x16xf32> to vector<16xf32>
        %swap3A_1369 = vector.shape_cast %add3A_1364 : vector<16xf32> to vector<1x16xf32>
        tpu.vector_store %arg14[%swap3A_1365, %swap3A_1366], %swap3A_1369 {strides = array<i32>} : memref<128x64xf32, #tpu.memory_space<vmem>>, vector<1x16xf32>,
        %get3A_1370 = arith.index_cast %add3A_1303 : i32 to index
        %get3A_1371 = arith.constant 48 : index
        %get3A_1372 = tpu.vector_load %arg12[%get3A_1370, %get3A_1371] {strides = array<i32>} : memref<128x64xf32, #tpu.memory_space<vmem>>, vector<1x16xf32>,
        %get3A_1373 = vector.shape_cast %get3A_1372 : vector<1x16xf32> to vector<16xf32>
        %get3A_1374 = arith.constant 0 : i32
        %get3A_1375 = arith.index_cast %get3A_1374 : i32 to index
        %get3A_1376 = arith.constant 48 : index
        %get3A_1377 = tpu.vector_load %arg18[%get3A_1375, %get3A_1376] {strides = array<i32>} : memref<1x64xf32, #tpu.memory_space<vmem>>, vector<1x16xf32>,
        %get3A_1378 = vector.shape_cast %get3A_1377 : vector<1x16xf32> to vector<16xf32>
        %add3A_1379 = arith.addf %get3A_1373, %get3A_1378 : vector<16xf32>
        %get3A_1380 = arith.constant 0 : i32
        %get3A_1381 = arith.index_cast %get3A_1380 : i32 to index
        %get3A_1382 = arith.constant 48 : index
        %get3A_1383 = tpu.vector_load %arg10[%get3A_1381, %get3A_1382] {strides = array<i32>} : memref<1x64xf32, #tpu.memory_space<vmem>>, vector<1x16xf32>,
        %get3A_1384 = vector.shape_cast %get3A_1383 : vector<1x16xf32> to vector<16xf32>
        %mul3A_1385 = arith.mulf %broadcast_in_dim3A_1301, %get3A_1384 : vector<16xf32>
        %add3A_1386 = arith.addf %add3A_1379, %mul3A_1385 : vector<16xf32>
        %swap3A_1387 = arith.index_cast %add3A_1303 : i32 to index
        %swap3A_1388 = arith.constant 48 : index
        %swap3A_1389 = tpu.vector_load %arg14[%swap3A_1387, %swap3A_1388] {strides = array<i32>} : memref<128x64xf32, #tpu.memory_space<vmem>>, vector<1x16xf32>,
        %swap3A_1390 = vector.shape_cast %swap3A_1389 : vector<1x16xf32> to vector<16xf32>
        %swap3A_1391 = vector.shape_cast %add3A_1386 : vector<16xf32> to vector<1x16xf32>
        tpu.vector_store %arg14[%swap3A_1387, %swap3A_1388], %swap3A_1391 {strides = array<i32>} : memref<128x64xf32, #tpu.memory_space<vmem>>, vector<1x16xf32>,
        %slice3A_1392 = vector.extract_strided_slice %convert_element_type3A_371 {offsets = [11], sizes = [1], strides = [1]} : vector<16xf32> to vector<1xf32>
        %squeeze3A_1393 = vector.extract %slice3A_1392[0] : f32 from vector<1xf32>
        %broadcast_in_dim3A_1394 = vector.broadcast %squeeze3A_1393 : f32 to vector<16xf32>
        %add3A_1395 = arith.constant 11 : i32
        %add3A_1396 = arith.addi %mul3A_367, %add3A_1395 : i32
        %get3A_1397 = arith.index_cast %add3A_1396 : i32 to index
        %get3A_1398 = arith.constant 0 : index
        %get3A_1399 = tpu.vector_load %arg12[%get3A_1397, %get3A_1398] {strides = array<i32>} : memref<128x64xf32, #tpu.memory_space<vmem>>, vector<1x16xf32>,
        %get3A_1400 = vector.shape_cast %get3A_1399 : vector<1x16xf32> to vector<16xf32>
        %get3A_1401 = arith.constant 0 : i32
        %get3A_1402 = arith.index_cast %get3A_1401 : i32 to index
        %get3A_1403 = arith.constant 0 : index
        %get3A_1404 = tpu.vector_load %arg18[%get3A_1402, %get3A_1403] {strides = array<i32>} : memref<1x64xf32, #tpu.memory_space<vmem>>, vector<1x16xf32>,
        %get3A_1405 = vector.shape_cast %get3A_1404 : vector<1x16xf32> to vector<16xf32>
        %add3A_1406 = arith.addf %get3A_1400, %get3A_1405 : vector<16xf32>
        %get3A_1407 = arith.constant 0 : i32
        %get3A_1408 = arith.index_cast %get3A_1407 : i32 to index
        %get3A_1409 = arith.constant 0 : index
        %get3A_1410 = tpu.vector_load %arg10[%get3A_1408, %get3A_1409] {strides = array<i32>} : memref<1x64xf32, #tpu.memory_space<vmem>>, vector<1x16xf32>,
        %get3A_1411 = vector.shape_cast %get3A_1410 : vector<1x16xf32> to vector<16xf32>
        %mul3A_1412 = arith.mulf %broadcast_in_dim3A_1394, %get3A_1411 : vector<16xf32>
        %add3A_1413 = arith.addf %add3A_1406, %mul3A_1412 : vector<16xf32>
        %swap3A_1414 = arith.index_cast %add3A_1396 : i32 to index
        %swap3A_1415 = arith.constant 0 : index
        %swap3A_1416 = tpu.vector_load %arg14[%swap3A_1414, %swap3A_1415] {strides = array<i32>} : memref<128x64xf32, #tpu.memory_space<vmem>>, vector<1x16xf32>,
        %swap3A_1417 = vector.shape_cast %swap3A_1416 : vector<1x16xf32> to vector<16xf32>
        %swap3A_1418 = vector.shape_cast %add3A_1413 : vector<16xf32> to vector<1x16xf32>
        tpu.vector_store %arg14[%swap3A_1414, %swap3A_1415], %swap3A_1418 {strides = array<i32>} : memref<128x64xf32, #tpu.memory_space<vmem>>, vector<1x16xf32>,
        %get3A_1419 = arith.index_cast %add3A_1396 : i32 to index
        %get3A_1420 = arith.constant 16 : index
        %get3A_1421 = tpu.vector_load %arg12[%get3A_1419, %get3A_1420] {strides = array<i32>} : memref<128x64xf32, #tpu.memory_space<vmem>>, vector<1x16xf32>,
        %get3A_1422 = vector.shape_cast %get3A_1421 : vector<1x16xf32> to vector<16xf32>
        %get3A_1423 = arith.constant 0 : i32
        %get3A_1424 = arith.index_cast %get3A_1423 : i32 to index
        %get3A_1425 = arith.constant 16 : index
        %get3A_1426 = tpu.vector_load %arg18[%get3A_1424, %get3A_1425] {strides = array<i32>} : memref<1x64xf32, #tpu.memory_space<vmem>>, vector<1x16xf32>,
        %get3A_1427 = vector.shape_cast %get3A_1426 : vector<1x16xf32> to vector<16xf32>
        %add3A_1428 = arith.addf %get3A_1422, %get3A_1427 : vector<16xf32>
        %get3A_1429 = arith.constant 0 : i32
        %get3A_1430 = arith.index_cast %get3A_1429 : i32 to index
        %get3A_1431 = arith.constant 16 : index
        %get3A_1432 = tpu.vector_load %arg10[%get3A_1430, %get3A_1431] {strides = array<i32>} : memref<1x64xf32, #tpu.memory_space<vmem>>, vector<1x16xf32>,
        %get3A_1433 = vector.shape_cast %get3A_1432 : vector<1x16xf32> to vector<16xf32>
        %mul3A_1434 = arith.mulf %broadcast_in_dim3A_1394, %get3A_1433 : vector<16xf32>
        %add3A_1435 = arith.addf %add3A_1428, %mul3A_1434 : vector<16xf32>
        %swap3A_1436 = arith.index_cast %add3A_1396 : i32 to index
        %swap3A_1437 = arith.constant 16 : index
        %swap3A_1438 = tpu.vector_load %arg14[%swap3A_1436, %swap3A_1437] {strides = array<i32>} : memref<128x64xf32, #tpu.memory_space<vmem>>, vector<1x16xf32>,
        %swap3A_1439 = vector.shape_cast %swap3A_1438 : vector<1x16xf32> to vector<16xf32>
        %swap3A_1440 = vector.shape_cast %add3A_1435 : vector<16xf32> to vector<1x16xf32>
        tpu.vector_store %arg14[%swap3A_1436, %swap3A_1437], %swap3A_1440 {strides = array<i32>} : memref<128x64xf32, #tpu.memory_space<vmem>>, vector<1x16xf32>,
        %get3A_1441 = arith.index_cast %add3A_1396 : i32 to index
        %get3A_1442 = arith.constant 32 : index
        %get3A_1443 = tpu.vector_load %arg12[%get3A_1441, %get3A_1442] {strides = array<i32>} : memref<128x64xf32, #tpu.memory_space<vmem>>, vector<1x16xf32>,
        %get3A_1444 = vector.shape_cast %get3A_1443 : vector<1x16xf32> to vector<16xf32>
        %get3A_1445 = arith.constant 0 : i32
        %get3A_1446 = arith.index_cast %get3A_1445 : i32 to index
        %get3A_1447 = arith.constant 32 : index
        %get3A_1448 = tpu.vector_load %arg18[%get3A_1446, %get3A_1447] {strides = array<i32>} : memref<1x64xf32, #tpu.memory_space<vmem>>, vector<1x16xf32>,
        %get3A_1449 = vector.shape_cast %get3A_1448 : vector<1x16xf32> to vector<16xf32>
        %add3A_1450 = arith.addf %get3A_1444, %get3A_1449 : vector<16xf32>
        %get3A_1451 = arith.constant 0 : i32
        %get3A_1452 = arith.index_cast %get3A_1451 : i32 to index
        %get3A_1453 = arith.constant 32 : index
        %get3A_1454 = tpu.vector_load %arg10[%get3A_1452, %get3A_1453] {strides = array<i32>} : memref<1x64xf32, #tpu.memory_space<vmem>>, vector<1x16xf32>,
        %get3A_1455 = vector.shape_cast %get3A_1454 : vector<1x16xf32> to vector<16xf32>
        %mul3A_1456 = arith.mulf %broadcast_in_dim3A_1394, %get3A_1455 : vector<16xf32>
        %add3A_1457 = arith.addf %add3A_1450, %mul3A_1456 : vector<16xf32>
        %swap3A_1458 = arith.index_cast %add3A_1396 : i32 to index
        %swap3A_1459 = arith.constant 32 : index
        %swap3A_1460 = tpu.vector_load %arg14[%swap3A_1458, %swap3A_1459] {strides = array<i32>} : memref<128x64xf32, #tpu.memory_space<vmem>>, vector<1x16xf32>,
        %swap3A_1461 = vector.shape_cast %swap3A_1460 : vector<1x16xf32> to vector<16xf32>
        %swap3A_1462 = vector.shape_cast %add3A_1457 : vector<16xf32> to vector<1x16xf32>
        tpu.vector_store %arg14[%swap3A_1458, %swap3A_1459], %swap3A_1462 {strides = array<i32>} : memref<128x64xf32, #tpu.memory_space<vmem>>, vector<1x16xf32>,
        %get3A_1463 = arith.index_cast %add3A_1396 : i32 to index
        %get3A_1464 = arith.constant 48 : index
        %get3A_1465 = tpu.vector_load %arg12[%get3A_1463, %get3A_1464] {strides = array<i32>} : memref<128x64xf32, #tpu.memory_space<vmem>>, vector<1x16xf32>,
        %get3A_1466 = vector.shape_cast %get3A_1465 : vector<1x16xf32> to vector<16xf32>
        %get3A_1467 = arith.constant 0 : i32
        %get3A_1468 = arith.index_cast %get3A_1467 : i32 to index
        %get3A_1469 = arith.constant 48 : index
        %get3A_1470 = tpu.vector_load %arg18[%get3A_1468, %get3A_1469] {strides = array<i32>} : memref<1x64xf32, #tpu.memory_space<vmem>>, vector<1x16xf32>,
        %get3A_1471 = vector.shape_cast %get3A_1470 : vector<1x16xf32> to vector<16xf32>
        %add3A_1472 = arith.addf %get3A_1466, %get3A_1471 : vector<16xf32>
        %get3A_1473 = arith.constant 0 : i32
        %get3A_1474 = arith.index_cast %get3A_1473 : i32 to index
        %get3A_1475 = arith.constant 48 : index
        %get3A_1476 = tpu.vector_load %arg10[%get3A_1474, %get3A_1475] {strides = array<i32>} : memref<1x64xf32, #tpu.memory_space<vmem>>, vector<1x16xf32>,
        %get3A_1477 = vector.shape_cast %get3A_1476 : vector<1x16xf32> to vector<16xf32>
        %mul3A_1478 = arith.mulf %broadcast_in_dim3A_1394, %get3A_1477 : vector<16xf32>
        %add3A_1479 = arith.addf %add3A_1472, %mul3A_1478 : vector<16xf32>
        %swap3A_1480 = arith.index_cast %add3A_1396 : i32 to index
        %swap3A_1481 = arith.constant 48 : index
        %swap3A_1482 = tpu.vector_load %arg14[%swap3A_1480, %swap3A_1481] {strides = array<i32>} : memref<128x64xf32, #tpu.memory_space<vmem>>, vector<1x16xf32>,
        %swap3A_1483 = vector.shape_cast %swap3A_1482 : vector<1x16xf32> to vector<16xf32>
        %swap3A_1484 = vector.shape_cast %add3A_1479 : vector<16xf32> to vector<1x16xf32>
        tpu.vector_store %arg14[%swap3A_1480, %swap3A_1481], %swap3A_1484 {strides = array<i32>} : memref<128x64xf32, #tpu.memory_space<vmem>>, vector<1x16xf32>,
        %slice3A_1485 = vector.extract_strided_slice %convert_element_type3A_371 {offsets = [12], sizes = [1], strides = [1]} : vector<16xf32> to vector<1xf32>
        %squeeze3A_1486 = vector.extract %slice3A_1485[0] : f32 from vector<1xf32>
        %broadcast_in_dim3A_1487 = vector.broadcast %squeeze3A_1486 : f32 to vector<16xf32>
        %add3A_1488 = arith.constant 12 : i32
        %add3A_1489 = arith.addi %mul3A_367, %add3A_1488 : i32
        %get3A_1490 = arith.index_cast %add3A_1489 : i32 to index
        %get3A_1491 = arith.constant 0 : index
        %get3A_1492 = tpu.vector_load %arg12[%get3A_1490, %get3A_1491] {strides = array<i32>} : memref<128x64xf32, #tpu.memory_space<vmem>>, vector<1x16xf32>,
        %get3A_1493 = vector.shape_cast %get3A_1492 : vector<1x16xf32> to vector<16xf32>
        %get3A_1494 = arith.constant 0 : i32
        %get3A_1495 = arith.index_cast %get3A_1494 : i32 to index
        %get3A_1496 = arith.constant 0 : index
        %get3A_1497 = tpu.vector_load %arg18[%get3A_1495, %get3A_1496] {strides = array<i32>} : memref<1x64xf32, #tpu.memory_space<vmem>>, vector<1x16xf32>,
        %get3A_1498 = vector.shape_cast %get3A_1497 : vector<1x16xf32> to vector<16xf32>
        %add3A_1499 = arith.addf %get3A_1493, %get3A_1498 : vector<16xf32>
        %get3A_1500 = arith.constant 0 : i32
        %get3A_1501 = arith.index_cast %get3A_1500 : i32 to index
        %get3A_1502 = arith.constant 0 : index
        %get3A_1503 = tpu.vector_load %arg10[%get3A_1501, %get3A_1502] {strides = array<i32>} : memref<1x64xf32, #tpu.memory_space<vmem>>, vector<1x16xf32>,
        %get3A_1504 = vector.shape_cast %get3A_1503 : vector<1x16xf32> to vector<16xf32>
        %mul3A_1505 = arith.mulf %broadcast_in_dim3A_1487, %get3A_1504 : vector<16xf32>
        %add3A_1506 = arith.addf %add3A_1499, %mul3A_1505 : vector<16xf32>
        %swap3A_1507 = arith.index_cast %add3A_1489 : i32 to index
        %swap3A_1508 = arith.constant 0 : index
        %swap3A_1509 = tpu.vector_load %arg14[%swap3A_1507, %swap3A_1508] {strides = array<i32>} : memref<128x64xf32, #tpu.memory_space<vmem>>, vector<1x16xf32>,
        %swap3A_1510 = vector.shape_cast %swap3A_1509 : vector<1x16xf32> to vector<16xf32>
        %swap3A_1511 = vector.shape_cast %add3A_1506 : vector<16xf32> to vector<1x16xf32>
        tpu.vector_store %arg14[%swap3A_1507, %swap3A_1508], %swap3A_1511 {strides = array<i32>} : memref<128x64xf32, #tpu.memory_space<vmem>>, vector<1x16xf32>,
        %get3A_1512 = arith.index_cast %add3A_1489 : i32 to index
        %get3A_1513 = arith.constant 16 : index
        %get3A_1514 = tpu.vector_load %arg12[%get3A_1512, %get3A_1513] {strides = array<i32>} : memref<128x64xf32, #tpu.memory_space<vmem>>, vector<1x16xf32>,
        %get3A_1515 = vector.shape_cast %get3A_1514 : vector<1x16xf32> to vector<16xf32>
        %get3A_1516 = arith.constant 0 : i32
        %get3A_1517 = arith.index_cast %get3A_1516 : i32 to index
        %get3A_1518 = arith.constant 16 : index
        %get3A_1519 = tpu.vector_load %arg18[%get3A_1517, %get3A_1518] {strides = array<i32>} : memref<1x64xf32, #tpu.memory_space<vmem>>, vector<1x16xf32>,
        %get3A_1520 = vector.shape_cast %get3A_1519 : vector<1x16xf32> to vector<16xf32>
        %add3A_1521 = arith.addf %get3A_1515, %get3A_1520 : vector<16xf32>
        %get3A_1522 = arith.constant 0 : i32
        %get3A_1523 = arith.index_cast %get3A_1522 : i32 to index
        %get3A_1524 = arith.constant 16 : index
        %get3A_1525 = tpu.vector_load %arg10[%get3A_1523, %get3A_1524] {strides = array<i32>} : memref<1x64xf32, #tpu.memory_space<vmem>>, vector<1x16xf32>,
        %get3A_1526 = vector.shape_cast %get3A_1525 : vector<1x16xf32> to vector<16xf32>
        %mul3A_1527 = arith.mulf %broadcast_in_dim3A_1487, %get3A_1526 : vector<16xf32>
        %add3A_1528 = arith.addf %add3A_1521, %mul3A_1527 : vector<16xf32>
        %swap3A_1529 = arith.index_cast %add3A_1489 : i32 to index
        %swap3A_1530 = arith.constant 16 : index
        %swap3A_1531 = tpu.vector_load %arg14[%swap3A_1529, %swap3A_1530] {strides = array<i32>} : memref<128x64xf32, #tpu.memory_space<vmem>>, vector<1x16xf32>,
        %swap3A_1532 = vector.shape_cast %swap3A_1531 : vector<1x16xf32> to vector<16xf32>
        %swap3A_1533 = vector.shape_cast %add3A_1528 : vector<16xf32> to vector<1x16xf32>
        tpu.vector_store %arg14[%swap3A_1529, %swap3A_1530], %swap3A_1533 {strides = array<i32>} : memref<128x64xf32, #tpu.memory_space<vmem>>, vector<1x16xf32>,
        %get3A_1534 = arith.index_cast %add3A_1489 : i32 to index
        %get3A_1535 = arith.constant 32 : index
        %get3A_1536 = tpu.vector_load %arg12[%get3A_1534, %get3A_1535] {strides = array<i32>} : memref<128x64xf32, #tpu.memory_space<vmem>>, vector<1x16xf32>,
        %get3A_1537 = vector.shape_cast %get3A_1536 : vector<1x16xf32> to vector<16xf32>
        %get3A_1538 = arith.constant 0 : i32
        %get3A_1539 = arith.index_cast %get3A_1538 : i32 to index
        %get3A_1540 = arith.constant 32 : index
        %get3A_1541 = tpu.vector_load %arg18[%get3A_1539, %get3A_1540] {strides = array<i32>} : memref<1x64xf32, #tpu.memory_space<vmem>>, vector<1x16xf32>,
        %get3A_1542 = vector.shape_cast %get3A_1541 : vector<1x16xf32> to vector<16xf32>
        %add3A_1543 = arith.addf %get3A_1537, %get3A_1542 : vector<16xf32>
        %get3A_1544 = arith.constant 0 : i32
        %get3A_1545 = arith.index_cast %get3A_1544 : i32 to index
        %get3A_1546 = arith.constant 32 : index
        %get3A_1547 = tpu.vector_load %arg10[%get3A_1545, %get3A_1546] {strides = array<i32>} : memref<1x64xf32, #tpu.memory_space<vmem>>, vector<1x16xf32>,
        %get3A_1548 = vector.shape_cast %get3A_1547 : vector<1x16xf32> to vector<16xf32>
        %mul3A_1549 = arith.mulf %broadcast_in_dim3A_1487, %get3A_1548 : vector<16xf32>
        %add3A_1550 = arith.addf %add3A_1543, %mul3A_1549 : vector<16xf32>
        %swap3A_1551 = arith.index_cast %add3A_1489 : i32 to index
        %swap3A_1552 = arith.constant 32 : index
        %swap3A_1553 = tpu.vector_load %arg14[%swap3A_1551, %swap3A_1552] {strides = array<i32>} : memref<128x64xf32, #tpu.memory_space<vmem>>, vector<1x16xf32>,
        %swap3A_1554 = vector.shape_cast %swap3A_1553 : vector<1x16xf32> to vector<16xf32>
        %swap3A_1555 = vector.shape_cast %add3A_1550 : vector<16xf32> to vector<1x16xf32>
        tpu.vector_store %arg14[%swap3A_1551, %swap3A_1552], %swap3A_1555 {strides = array<i32>} : memref<128x64xf32, #tpu.memory_space<vmem>>, vector<1x16xf32>,
        %get3A_1556 = arith.index_cast %add3A_1489 : i32 to index
        %get3A_1557 = arith.constant 48 : index
        %get3A_1558 = tpu.vector_load %arg12[%get3A_1556, %get3A_1557] {strides = array<i32>} : memref<128x64xf32, #tpu.memory_space<vmem>>, vector<1x16xf32>,
        %get3A_1559 = vector.shape_cast %get3A_1558 : vector<1x16xf32> to vector<16xf32>
        %get3A_1560 = arith.constant 0 : i32
        %get3A_1561 = arith.index_cast %get3A_1560 : i32 to index
        %get3A_1562 = arith.constant 48 : index
        %get3A_1563 = tpu.vector_load %arg18[%get3A_1561, %get3A_1562] {strides = array<i32>} : memref<1x64xf32, #tpu.memory_space<vmem>>, vector<1x16xf32>,
        %get3A_1564 = vector.shape_cast %get3A_1563 : vector<1x16xf32> to vector<16xf32>
        %add3A_1565 = arith.addf %get3A_1559, %get3A_1564 : vector<16xf32>
        %get3A_1566 = arith.constant 0 : i32
        %get3A_1567 = arith.index_cast %get3A_1566 : i32 to index
        %get3A_1568 = arith.constant 48 : index
        %get3A_1569 = tpu.vector_load %arg10[%get3A_1567, %get3A_1568] {strides = array<i32>} : memref<1x64xf32, #tpu.memory_space<vmem>>, vector<1x16xf32>,
        %get3A_1570 = vector.shape_cast %get3A_1569 : vector<1x16xf32> to vector<16xf32>
        %mul3A_1571 = arith.mulf %broadcast_in_dim3A_1487, %get3A_1570 : vector<16xf32>
        %add3A_1572 = arith.addf %add3A_1565, %mul3A_1571 : vector<16xf32>
        %swap3A_1573 = arith.index_cast %add3A_1489 : i32 to index
        %swap3A_1574 = arith.constant 48 : index
        %swap3A_1575 = tpu.vector_load %arg14[%swap3A_1573, %swap3A_1574] {strides = array<i32>} : memref<128x64xf32, #tpu.memory_space<vmem>>, vector<1x16xf32>,
        %swap3A_1576 = vector.shape_cast %swap3A_1575 : vector<1x16xf32> to vector<16xf32>
        %swap3A_1577 = vector.shape_cast %add3A_1572 : vector<16xf32> to vector<1x16xf32>
        tpu.vector_store %arg14[%swap3A_1573, %swap3A_1574], %swap3A_1577 {strides = array<i32>} : memref<128x64xf32, #tpu.memory_space<vmem>>, vector<1x16xf32>,
        %slice3A_1578 = vector.extract_strided_slice %convert_element_type3A_371 {offsets = [13], sizes = [1], strides = [1]} : vector<16xf32> to vector<1xf32>
        %squeeze3A_1579 = vector.extract %slice3A_1578[0] : f32 from vector<1xf32>
        %broadcast_in_dim3A_1580 = vector.broadcast %squeeze3A_1579 : f32 to vector<16xf32>
        %add3A_1581 = arith.constant 13 : i32
        %add3A_1582 = arith.addi %mul3A_367, %add3A_1581 : i32
        %get3A_1583 = arith.index_cast %add3A_1582 : i32 to index
        %get3A_1584 = arith.constant 0 : index
        %get3A_1585 = tpu.vector_load %arg12[%get3A_1583, %get3A_1584] {strides = array<i32>} : memref<128x64xf32, #tpu.memory_space<vmem>>, vector<1x16xf32>,
        %get3A_1586 = vector.shape_cast %get3A_1585 : vector<1x16xf32> to vector<16xf32>
        %get3A_1587 = arith.constant 0 : i32
        %get3A_1588 = arith.index_cast %get3A_1587 : i32 to index
        %get3A_1589 = arith.constant 0 : index
        %get3A_1590 = tpu.vector_load %arg18[%get3A_1588, %get3A_1589] {strides = array<i32>} : memref<1x64xf32, #tpu.memory_space<vmem>>, vector<1x16xf32>,
        %get3A_1591 = vector.shape_cast %get3A_1590 : vector<1x16xf32> to vector<16xf32>
        %add3A_1592 = arith.addf %get3A_1586, %get3A_1591 : vector<16xf32>
        %get3A_1593 = arith.constant 0 : i32
        %get3A_1594 = arith.index_cast %get3A_1593 : i32 to index
        %get3A_1595 = arith.constant 0 : index
        %get3A_1596 = tpu.vector_load %arg10[%get3A_1594, %get3A_1595] {strides = array<i32>} : memref<1x64xf32, #tpu.memory_space<vmem>>, vector<1x16xf32>,
        %get3A_1597 = vector.shape_cast %get3A_1596 : vector<1x16xf32> to vector<16xf32>
        %mul3A_1598 = arith.mulf %broadcast_in_dim3A_1580, %get3A_1597 : vector<16xf32>
        %add3A_1599 = arith.addf %add3A_1592, %mul3A_1598 : vector<16xf32>
        %swap3A_1600 = arith.index_cast %add3A_1582 : i32 to index
        %swap3A_1601 = arith.constant 0 : index
        %swap3A_1602 = tpu.vector_load %arg14[%swap3A_1600, %swap3A_1601] {strides = array<i32>} : memref<128x64xf32, #tpu.memory_space<vmem>>, vector<1x16xf32>,
        %swap3A_1603 = vector.shape_cast %swap3A_1602 : vector<1x16xf32> to vector<16xf32>
        %swap3A_1604 = vector.shape_cast %add3A_1599 : vector<16xf32> to vector<1x16xf32>
        tpu.vector_store %arg14[%swap3A_1600, %swap3A_1601], %swap3A_1604 {strides = array<i32>} : memref<128x64xf32, #tpu.memory_space<vmem>>, vector<1x16xf32>,
        %get3A_1605 = arith.index_cast %add3A_1582 : i32 to index
        %get3A_1606 = arith.constant 16 : index
        %get3A_1607 = tpu.vector_load %arg12[%get3A_1605, %get3A_1606] {strides = array<i32>} : memref<128x64xf32, #tpu.memory_space<vmem>>, vector<1x16xf32>,
        %get3A_1608 = vector.shape_cast %get3A_1607 : vector<1x16xf32> to vector<16xf32>
        %get3A_1609 = arith.constant 0 : i32
        %get3A_1610 = arith.index_cast %get3A_1609 : i32 to index
        %get3A_1611 = arith.constant 16 : index
        %get3A_1612 = tpu.vector_load %arg18[%get3A_1610, %get3A_1611] {strides = array<i32>} : memref<1x64xf32, #tpu.memory_space<vmem>>, vector<1x16xf32>,
        %get3A_1613 = vector.shape_cast %get3A_1612 : vector<1x16xf32> to vector<16xf32>
        %add3A_1614 = arith.addf %get3A_1608, %get3A_1613 : vector<16xf32>
        %get3A_1615 = arith.constant 0 : i32
        %get3A_1616 = arith.index_cast %get3A_1615 : i32 to index
        %get3A_1617 = arith.constant 16 : index
        %get3A_1618 = tpu.vector_load %arg10[%get3A_1616, %get3A_1617] {strides = array<i32>} : memref<1x64xf32, #tpu.memory_space<vmem>>, vector<1x16xf32>,
        %get3A_1619 = vector.shape_cast %get3A_1618 : vector<1x16xf32> to vector<16xf32>
        %mul3A_1620 = arith.mulf %broadcast_in_dim3A_1580, %get3A_1619 : vector<16xf32>
        %add3A_1621 = arith.addf %add3A_1614, %mul3A_1620 : vector<16xf32>
        %swap3A_1622 = arith.index_cast %add3A_1582 : i32 to index
        %swap3A_1623 = arith.constant 16 : index
        %swap3A_1624 = tpu.vector_load %arg14[%swap3A_1622, %swap3A_1623] {strides = array<i32>} : memref<128x64xf32, #tpu.memory_space<vmem>>, vector<1x16xf32>,
        %swap3A_1625 = vector.shape_cast %swap3A_1624 : vector<1x16xf32> to vector<16xf32>
        %swap3A_1626 = vector.shape_cast %add3A_1621 : vector<16xf32> to vector<1x16xf32>
        tpu.vector_store %arg14[%swap3A_1622, %swap3A_1623], %swap3A_1626 {strides = array<i32>} : memref<128x64xf32, #tpu.memory_space<vmem>>, vector<1x16xf32>,
        %get3A_1627 = arith.index_cast %add3A_1582 : i32 to index
        %get3A_1628 = arith.constant 32 : index
        %get3A_1629 = tpu.vector_load %arg12[%get3A_1627, %get3A_1628] {strides = array<i32>} : memref<128x64xf32, #tpu.memory_space<vmem>>, vector<1x16xf32>,
        %get3A_1630 = vector.shape_cast %get3A_1629 : vector<1x16xf32> to vector<16xf32>
        %get3A_1631 = arith.constant 0 : i32
        %get3A_1632 = arith.index_cast %get3A_1631 : i32 to index
        %get3A_1633 = arith.constant 32 : index
        %get3A_1634 = tpu.vector_load %arg18[%get3A_1632, %get3A_1633] {strides = array<i32>} : memref<1x64xf32, #tpu.memory_space<vmem>>, vector<1x16xf32>,
        %get3A_1635 = vector.shape_cast %get3A_1634 : vector<1x16xf32> to vector<16xf32>
        %add3A_1636 = arith.addf %get3A_1630, %get3A_1635 : vector<16xf32>
        %get3A_1637 = arith.constant 0 : i32
        %get3A_1638 = arith.index_cast %get3A_1637 : i32 to index
        %get3A_1639 = arith.constant 32 : index
        %get3A_1640 = tpu.vector_load %arg10[%get3A_1638, %get3A_1639] {strides = array<i32>} : memref<1x64xf32, #tpu.memory_space<vmem>>, vector<1x16xf32>,
        %get3A_1641 = vector.shape_cast %get3A_1640 : vector<1x16xf32> to vector<16xf32>
        %mul3A_1642 = arith.mulf %broadcast_in_dim3A_1580, %get3A_1641 : vector<16xf32>
        %add3A_1643 = arith.addf %add3A_1636, %mul3A_1642 : vector<16xf32>
        %swap3A_1644 = arith.index_cast %add3A_1582 : i32 to index
        %swap3A_1645 = arith.constant 32 : index
        %swap3A_1646 = tpu.vector_load %arg14[%swap3A_1644, %swap3A_1645] {strides = array<i32>} : memref<128x64xf32, #tpu.memory_space<vmem>>, vector<1x16xf32>,
        %swap3A_1647 = vector.shape_cast %swap3A_1646 : vector<1x16xf32> to vector<16xf32>
        %swap3A_1648 = vector.shape_cast %add3A_1643 : vector<16xf32> to vector<1x16xf32>
        tpu.vector_store %arg14[%swap3A_1644, %swap3A_1645], %swap3A_1648 {strides = array<i32>} : memref<128x64xf32, #tpu.memory_space<vmem>>, vector<1x16xf32>,
        %get3A_1649 = arith.index_cast %add3A_1582 : i32 to index
        %get3A_1650 = arith.constant 48 : index
        %get3A_1651 = tpu.vector_load %arg12[%get3A_1649, %get3A_1650] {strides = array<i32>} : memref<128x64xf32, #tpu.memory_space<vmem>>, vector<1x16xf32>,
        %get3A_1652 = vector.shape_cast %get3A_1651 : vector<1x16xf32> to vector<16xf32>
        %get3A_1653 = arith.constant 0 : i32
        %get3A_1654 = arith.index_cast %get3A_1653 : i32 to index
        %get3A_1655 = arith.constant 48 : index
        %get3A_1656 = tpu.vector_load %arg18[%get3A_1654, %get3A_1655] {strides = array<i32>} : memref<1x64xf32, #tpu.memory_space<vmem>>, vector<1x16xf32>,
        %get3A_1657 = vector.shape_cast %get3A_1656 : vector<1x16xf32> to vector<16xf32>
        %add3A_1658 = arith.addf %get3A_1652, %get3A_1657 : vector<16xf32>
        %get3A_1659 = arith.constant 0 : i32
        %get3A_1660 = arith.index_cast %get3A_1659 : i32 to index
        %get3A_1661 = arith.constant 48 : index
        %get3A_1662 = tpu.vector_load %arg10[%get3A_1660, %get3A_1661] {strides = array<i32>} : memref<1x64xf32, #tpu.memory_space<vmem>>, vector<1x16xf32>,
        %get3A_1663 = vector.shape_cast %get3A_1662 : vector<1x16xf32> to vector<16xf32>
        %mul3A_1664 = arith.mulf %broadcast_in_dim3A_1580, %get3A_1663 : vector<16xf32>
        %add3A_1665 = arith.addf %add3A_1658, %mul3A_1664 : vector<16xf32>
        %swap3A_1666 = arith.index_cast %add3A_1582 : i32 to index
        %swap3A_1667 = arith.constant 48 : index
        %swap3A_1668 = tpu.vector_load %arg14[%swap3A_1666, %swap3A_1667] {strides = array<i32>} : memref<128x64xf32, #tpu.memory_space<vmem>>, vector<1x16xf32>,
        %swap3A_1669 = vector.shape_cast %swap3A_1668 : vector<1x16xf32> to vector<16xf32>
        %swap3A_1670 = vector.shape_cast %add3A_1665 : vector<16xf32> to vector<1x16xf32>
        tpu.vector_store %arg14[%swap3A_1666, %swap3A_1667], %swap3A_1670 {strides = array<i32>} : memref<128x64xf32, #tpu.memory_space<vmem>>, vector<1x16xf32>,
        %slice3A_1671 = vector.extract_strided_slice %convert_element_type3A_371 {offsets = [14], sizes = [1], strides = [1]} : vector<16xf32> to vector<1xf32>
        %squeeze3A_1672 = vector.extract %slice3A_1671[0] : f32 from vector<1xf32>
        %broadcast_in_dim3A_1673 = vector.broadcast %squeeze3A_1672 : f32 to vector<16xf32>
        %add3A_1674 = arith.constant 14 : i32
        %add3A_1675 = arith.addi %mul3A_367, %add3A_1674 : i32
        %get3A_1676 = arith.index_cast %add3A_1675 : i32 to index
        %get3A_1677 = arith.constant 0 : index
        %get3A_1678 = tpu.vector_load %arg12[%get3A_1676, %get3A_1677] {strides = array<i32>} : memref<128x64xf32, #tpu.memory_space<vmem>>, vector<1x16xf32>,
        %get3A_1679 = vector.shape_cast %get3A_1678 : vector<1x16xf32> to vector<16xf32>
        %get3A_1680 = arith.constant 0 : i32
        %get3A_1681 = arith.index_cast %get3A_1680 : i32 to index
        %get3A_1682 = arith.constant 0 : index
        %get3A_1683 = tpu.vector_load %arg18[%get3A_1681, %get3A_1682] {strides = array<i32>} : memref<1x64xf32, #tpu.memory_space<vmem>>, vector<1x16xf32>,
        %get3A_1684 = vector.shape_cast %get3A_1683 : vector<1x16xf32> to vector<16xf32>
        %add3A_1685 = arith.addf %get3A_1679, %get3A_1684 : vector<16xf32>
        %get3A_1686 = arith.constant 0 : i32
        %get3A_1687 = arith.index_cast %get3A_1686 : i32 to index
        %get3A_1688 = arith.constant 0 : index
        %get3A_1689 = tpu.vector_load %arg10[%get3A_1687, %get3A_1688] {strides = array<i32>} : memref<1x64xf32, #tpu.memory_space<vmem>>, vector<1x16xf32>,
        %get3A_1690 = vector.shape_cast %get3A_1689 : vector<1x16xf32> to vector<16xf32>
        %mul3A_1691 = arith.mulf %broadcast_in_dim3A_1673, %get3A_1690 : vector<16xf32>
        %add3A_1692 = arith.addf %add3A_1685, %mul3A_1691 : vector<16xf32>
        %swap3A_1693 = arith.index_cast %add3A_1675 : i32 to index
        %swap3A_1694 = arith.constant 0 : index
        %swap3A_1695 = tpu.vector_load %arg14[%swap3A_1693, %swap3A_1694] {strides = array<i32>} : memref<128x64xf32, #tpu.memory_space<vmem>>, vector<1x16xf32>,
        %swap3A_1696 = vector.shape_cast %swap3A_1695 : vector<1x16xf32> to vector<16xf32>
        %swap3A_1697 = vector.shape_cast %add3A_1692 : vector<16xf32> to vector<1x16xf32>
        tpu.vector_store %arg14[%swap3A_1693, %swap3A_1694], %swap3A_1697 {strides = array<i32>} : memref<128x64xf32, #tpu.memory_space<vmem>>, vector<1x16xf32>,
        %get3A_1698 = arith.index_cast %add3A_1675 : i32 to index
        %get3A_1699 = arith.constant 16 : index
        %get3A_1700 = tpu.vector_load %arg12[%get3A_1698, %get3A_1699] {strides = array<i32>} : memref<128x64xf32, #tpu.memory_space<vmem>>, vector<1x16xf32>,
        %get3A_1701 = vector.shape_cast %get3A_1700 : vector<1x16xf32> to vector<16xf32>
        %get3A_1702 = arith.constant 0 : i32
        %get3A_1703 = arith.index_cast %get3A_1702 : i32 to index
        %get3A_1704 = arith.constant 16 : index
        %get3A_1705 = tpu.vector_load %arg18[%get3A_1703, %get3A_1704] {strides = array<i32>} : memref<1x64xf32, #tpu.memory_space<vmem>>, vector<1x16xf32>,
        %get3A_1706 = vector.shape_cast %get3A_1705 : vector<1x16xf32> to vector<16xf32>
        %add3A_1707 = arith.addf %get3A_1701, %get3A_1706 : vector<16xf32>
        %get3A_1708 = arith.constant 0 : i32
        %get3A_1709 = arith.index_cast %get3A_1708 : i32 to index
        %get3A_1710 = arith.constant 16 : index
        %get3A_1711 = tpu.vector_load %arg10[%get3A_1709, %get3A_1710] {strides = array<i32>} : memref<1x64xf32, #tpu.memory_space<vmem>>, vector<1x16xf32>,
        %get3A_1712 = vector.shape_cast %get3A_1711 : vector<1x16xf32> to vector<16xf32>
        %mul3A_1713 = arith.mulf %broadcast_in_dim3A_1673, %get3A_1712 : vector<16xf32>
        %add3A_1714 = arith.addf %add3A_1707, %mul3A_1713 : vector<16xf32>
        %swap3A_1715 = arith.index_cast %add3A_1675 : i32 to index
        %swap3A_1716 = arith.constant 16 : index
        %swap3A_1717 = tpu.vector_load %arg14[%swap3A_1715, %swap3A_1716] {strides = array<i32>} : memref<128x64xf32, #tpu.memory_space<vmem>>, vector<1x16xf32>,
        %swap3A_1718 = vector.shape_cast %swap3A_1717 : vector<1x16xf32> to vector<16xf32>
        %swap3A_1719 = vector.shape_cast %add3A_1714 : vector<16xf32> to vector<1x16xf32>
        tpu.vector_store %arg14[%swap3A_1715, %swap3A_1716], %swap3A_1719 {strides = array<i32>} : memref<128x64xf32, #tpu.memory_space<vmem>>, vector<1x16xf32>,
        %get3A_1720 = arith.index_cast %add3A_1675 : i32 to index
        %get3A_1721 = arith.constant 32 : index
        %get3A_1722 = tpu.vector_load %arg12[%get3A_1720, %get3A_1721] {strides = array<i32>} : memref<128x64xf32, #tpu.memory_space<vmem>>, vector<1x16xf32>,
        %get3A_1723 = vector.shape_cast %get3A_1722 : vector<1x16xf32> to vector<16xf32>
        %get3A_1724 = arith.constant 0 : i32
        %get3A_1725 = arith.index_cast %get3A_1724 : i32 to index
        %get3A_1726 = arith.constant 32 : index
        %get3A_1727 = tpu.vector_load %arg18[%get3A_1725, %get3A_1726] {strides = array<i32>} : memref<1x64xf32, #tpu.memory_space<vmem>>, vector<1x16xf32>,
        %get3A_1728 = vector.shape_cast %get3A_1727 : vector<1x16xf32> to vector<16xf32>
        %add3A_1729 = arith.addf %get3A_1723, %get3A_1728 : vector<16xf32>
        %get3A_1730 = arith.constant 0 : i32
        %get3A_1731 = arith.index_cast %get3A_1730 : i32 to index
        %get3A_1732 = arith.constant 32 : index
        %get3A_1733 = tpu.vector_load %arg10[%get3A_1731, %get3A_1732] {strides = array<i32>} : memref<1x64xf32, #tpu.memory_space<vmem>>, vector<1x16xf32>,
        %get3A_1734 = vector.shape_cast %get3A_1733 : vector<1x16xf32> to vector<16xf32>
        %mul3A_1735 = arith.mulf %broadcast_in_dim3A_1673, %get3A_1734 : vector<16xf32>
        %add3A_1736 = arith.addf %add3A_1729, %mul3A_1735 : vector<16xf32>
        %swap3A_1737 = arith.index_cast %add3A_1675 : i32 to index
        %swap3A_1738 = arith.constant 32 : index
        %swap3A_1739 = tpu.vector_load %arg14[%swap3A_1737, %swap3A_1738] {strides = array<i32>} : memref<128x64xf32, #tpu.memory_space<vmem>>, vector<1x16xf32>,
        %swap3A_1740 = vector.shape_cast %swap3A_1739 : vector<1x16xf32> to vector<16xf32>
        %swap3A_1741 = vector.shape_cast %add3A_1736 : vector<16xf32> to vector<1x16xf32>
        tpu.vector_store %arg14[%swap3A_1737, %swap3A_1738], %swap3A_1741 {strides = array<i32>} : memref<128x64xf32, #tpu.memory_space<vmem>>, vector<1x16xf32>,
        %get3A_1742 = arith.index_cast %add3A_1675 : i32 to index
        %get3A_1743 = arith.constant 48 : index
        %get3A_1744 = tpu.vector_load %arg12[%get3A_1742, %get3A_1743] {strides = array<i32>} : memref<128x64xf32, #tpu.memory_space<vmem>>, vector<1x16xf32>,
        %get3A_1745 = vector.shape_cast %get3A_1744 : vector<1x16xf32> to vector<16xf32>
        %get3A_1746 = arith.constant 0 : i32
        %get3A_1747 = arith.index_cast %get3A_1746 : i32 to index
        %get3A_1748 = arith.constant 48 : index
        %get3A_1749 = tpu.vector_load %arg18[%get3A_1747, %get3A_1748] {strides = array<i32>} : memref<1x64xf32, #tpu.memory_space<vmem>>, vector<1x16xf32>,
        %get3A_1750 = vector.shape_cast %get3A_1749 : vector<1x16xf32> to vector<16xf32>
        %add3A_1751 = arith.addf %get3A_1745, %get3A_1750 : vector<16xf32>
        %get3A_1752 = arith.constant 0 : i32
        %get3A_1753 = arith.index_cast %get3A_1752 : i32 to index
        %get3A_1754 = arith.constant 48 : index
        %get3A_1755 = tpu.vector_load %arg10[%get3A_1753, %get3A_1754] {strides = array<i32>} : memref<1x64xf32, #tpu.memory_space<vmem>>, vector<1x16xf32>,
        %get3A_1756 = vector.shape_cast %get3A_1755 : vector<1x16xf32> to vector<16xf32>
        %mul3A_1757 = arith.mulf %broadcast_in_dim3A_1673, %get3A_1756 : vector<16xf32>
        %add3A_1758 = arith.addf %add3A_1751, %mul3A_1757 : vector<16xf32>
        %swap3A_1759 = arith.index_cast %add3A_1675 : i32 to index
        %swap3A_1760 = arith.constant 48 : index
        %swap3A_1761 = tpu.vector_load %arg14[%swap3A_1759, %swap3A_1760] {strides = array<i32>} : memref<128x64xf32, #tpu.memory_space<vmem>>, vector<1x16xf32>,
        %swap3A_1762 = vector.shape_cast %swap3A_1761 : vector<1x16xf32> to vector<16xf32>
        %swap3A_1763 = vector.shape_cast %add3A_1758 : vector<16xf32> to vector<1x16xf32>
        tpu.vector_store %arg14[%swap3A_1759, %swap3A_1760], %swap3A_1763 {strides = array<i32>} : memref<128x64xf32, #tpu.memory_space<vmem>>, vector<1x16xf32>,
        %slice3A_1764 = vector.extract_strided_slice %convert_element_type3A_371 {offsets = [15], sizes = [1], strides = [1]} : vector<16xf32> to vector<1xf32>
        %squeeze3A_1765 = vector.extract %slice3A_1764[0] : f32 from vector<1xf32>
        %broadcast_in_dim3A_1766 = vector.broadcast %squeeze3A_1765 : f32 to vector<16xf32>
        %add3A_1767 = arith.constant 15 : i32
        %add3A_1768 = arith.addi %mul3A_367, %add3A_1767 : i32
        %get3A_1769 = arith.index_cast %add3A_1768 : i32 to index
        %get3A_1770 = arith.constant 0 : index
        %get3A_1771 = tpu.vector_load %arg12[%get3A_1769, %get3A_1770] {strides = array<i32>} : memref<128x64xf32, #tpu.memory_space<vmem>>, vector<1x16xf32>,
        %get3A_1772 = vector.shape_cast %get3A_1771 : vector<1x16xf32> to vector<16xf32>
        %get3A_1773 = arith.constant 0 : i32
        %get3A_1774 = arith.index_cast %get3A_1773 : i32 to index
        %get3A_1775 = arith.constant 0 : index
        %get3A_1776 = tpu.vector_load %arg18[%get3A_1774, %get3A_1775] {strides = array<i32>} : memref<1x64xf32, #tpu.memory_space<vmem>>, vector<1x16xf32>,
        %get3A_1777 = vector.shape_cast %get3A_1776 : vector<1x16xf32> to vector<16xf32>
        %add3A_1778 = arith.addf %get3A_1772, %get3A_1777 : vector<16xf32>
        %get3A_1779 = arith.constant 0 : i32
        %get3A_1780 = arith.index_cast %get3A_1779 : i32 to index
        %get3A_1781 = arith.constant 0 : index
        %get3A_1782 = tpu.vector_load %arg10[%get3A_1780, %get3A_1781] {strides = array<i32>} : memref<1x64xf32, #tpu.memory_space<vmem>>, vector<1x16xf32>,
        %get3A_1783 = vector.shape_cast %get3A_1782 : vector<1x16xf32> to vector<16xf32>
        %mul3A_1784 = arith.mulf %broadcast_in_dim3A_1766, %get3A_1783 : vector<16xf32>
        %add3A_1785 = arith.addf %add3A_1778, %mul3A_1784 : vector<16xf32>
        %swap3A_1786 = arith.index_cast %add3A_1768 : i32 to index
        %swap3A_1787 = arith.constant 0 : index
        %swap3A_1788 = tpu.vector_load %arg14[%swap3A_1786, %swap3A_1787] {strides = array<i32>} : memref<128x64xf32, #tpu.memory_space<vmem>>, vector<1x16xf32>,
        %swap3A_1789 = vector.shape_cast %swap3A_1788 : vector<1x16xf32> to vector<16xf32>
        %swap3A_1790 = vector.shape_cast %add3A_1785 : vector<16xf32> to vector<1x16xf32>
        tpu.vector_store %arg14[%swap3A_1786, %swap3A_1787], %swap3A_1790 {strides = array<i32>} : memref<128x64xf32, #tpu.memory_space<vmem>>, vector<1x16xf32>,
        %get3A_1791 = arith.index_cast %add3A_1768 : i32 to index
        %get3A_1792 = arith.constant 16 : index
        %get3A_1793 = tpu.vector_load %arg12[%get3A_1791, %get3A_1792] {strides = array<i32>} : memref<128x64xf32, #tpu.memory_space<vmem>>, vector<1x16xf32>,
        %get3A_1794 = vector.shape_cast %get3A_1793 : vector<1x16xf32> to vector<16xf32>
        %get3A_1795 = arith.constant 0 : i32
        %get3A_1796 = arith.index_cast %get3A_1795 : i32 to index
        %get3A_1797 = arith.constant 16 : index
        %get3A_1798 = tpu.vector_load %arg18[%get3A_1796, %get3A_1797] {strides = array<i32>} : memref<1x64xf32, #tpu.memory_space<vmem>>, vector<1x16xf32>,
        %get3A_1799 = vector.shape_cast %get3A_1798 : vector<1x16xf32> to vector<16xf32>
        %add3A_1800 = arith.addf %get3A_1794, %get3A_1799 : vector<16xf32>
        %get3A_1801 = arith.constant 0 : i32
        %get3A_1802 = arith.index_cast %get3A_1801 : i32 to index
        %get3A_1803 = arith.constant 16 : index
        %get3A_1804 = tpu.vector_load %arg10[%get3A_1802, %get3A_1803] {strides = array<i32>} : memref<1x64xf32, #tpu.memory_space<vmem>>, vector<1x16xf32>,
        %get3A_1805 = vector.shape_cast %get3A_1804 : vector<1x16xf32> to vector<16xf32>
        %mul3A_1806 = arith.mulf %broadcast_in_dim3A_1766, %get3A_1805 : vector<16xf32>
        %add3A_1807 = arith.addf %add3A_1800, %mul3A_1806 : vector<16xf32>
        %swap3A_1808 = arith.index_cast %add3A_1768 : i32 to index
        %swap3A_1809 = arith.constant 16 : index
        %swap3A_1810 = tpu.vector_load %arg14[%swap3A_1808, %swap3A_1809] {strides = array<i32>} : memref<128x64xf32, #tpu.memory_space<vmem>>, vector<1x16xf32>,
        %swap3A_1811 = vector.shape_cast %swap3A_1810 : vector<1x16xf32> to vector<16xf32>
        %swap3A_1812 = vector.shape_cast %add3A_1807 : vector<16xf32> to vector<1x16xf32>
        tpu.vector_store %arg14[%swap3A_1808, %swap3A_1809], %swap3A_1812 {strides = array<i32>} : memref<128x64xf32, #tpu.memory_space<vmem>>, vector<1x16xf32>,
        %get3A_1813 = arith.index_cast %add3A_1768 : i32 to index
        %get3A_1814 = arith.constant 32 : index
        %get3A_1815 = tpu.vector_load %arg12[%get3A_1813, %get3A_1814] {strides = array<i32>} : memref<128x64xf32, #tpu.memory_space<vmem>>, vector<1x16xf32>,
        %get3A_1816 = vector.shape_cast %get3A_1815 : vector<1x16xf32> to vector<16xf32>
        %get3A_1817 = arith.constant 0 : i32
        %get3A_1818 = arith.index_cast %get3A_1817 : i32 to index
        %get3A_1819 = arith.constant 32 : index
        %get3A_1820 = tpu.vector_load %arg18[%get3A_1818, %get3A_1819] {strides = array<i32>} : memref<1x64xf32, #tpu.memory_space<vmem>>, vector<1x16xf32>,
        %get3A_1821 = vector.shape_cast %get3A_1820 : vector<1x16xf32> to vector<16xf32>
        %add3A_1822 = arith.addf %get3A_1816, %get3A_1821 : vector<16xf32>
        %get3A_1823 = arith.constant 0 : i32
        %get3A_1824 = arith.index_cast %get3A_1823 : i32 to index
        %get3A_1825 = arith.constant 32 : index
        %get3A_1826 = tpu.vector_load %arg10[%get3A_1824, %get3A_1825] {strides = array<i32>} : memref<1x64xf32, #tpu.memory_space<vmem>>, vector<1x16xf32>,
        %get3A_1827 = vector.shape_cast %get3A_1826 : vector<1x16xf32> to vector<16xf32>
        %mul3A_1828 = arith.mulf %broadcast_in_dim3A_1766, %get3A_1827 : vector<16xf32>
        %add3A_1829 = arith.addf %add3A_1822, %mul3A_1828 : vector<16xf32>
        %swap3A_1830 = arith.index_cast %add3A_1768 : i32 to index
        %swap3A_1831 = arith.constant 32 : index
        %swap3A_1832 = tpu.vector_load %arg14[%swap3A_1830, %swap3A_1831] {strides = array<i32>} : memref<128x64xf32, #tpu.memory_space<vmem>>, vector<1x16xf32>,
        %swap3A_1833 = vector.shape_cast %swap3A_1832 : vector<1x16xf32> to vector<16xf32>
        %swap3A_1834 = vector.shape_cast %add3A_1829 : vector<16xf32> to vector<1x16xf32>
        tpu.vector_store %arg14[%swap3A_1830, %swap3A_1831], %swap3A_1834 {strides = array<i32>} : memref<128x64xf32, #tpu.memory_space<vmem>>, vector<1x16xf32>,
        %get3A_1835 = arith.index_cast %add3A_1768 : i32 to index
        %get3A_1836 = arith.constant 48 : index
        %get3A_1837 = tpu.vector_load %arg12[%get3A_1835, %get3A_1836] {strides = array<i32>} : memref<128x64xf32, #tpu.memory_space<vmem>>, vector<1x16xf32>,
        %get3A_1838 = vector.shape_cast %get3A_1837 : vector<1x16xf32> to vector<16xf32>
        %get3A_1839 = arith.constant 0 : i32
        %get3A_1840 = arith.index_cast %get3A_1839 : i32 to index
        %get3A_1841 = arith.constant 48 : index
        %get3A_1842 = tpu.vector_load %arg18[%get3A_1840, %get3A_1841] {strides = array<i32>} : memref<1x64xf32, #tpu.memory_space<vmem>>, vector<1x16xf32>,
        %get3A_1843 = vector.shape_cast %get3A_1842 : vector<1x16xf32> to vector<16xf32>
        %add3A_1844 = arith.addf %get3A_1838, %get3A_1843 : vector<16xf32>
        %get3A_1845 = arith.constant 0 : i32
        %get3A_1846 = arith.index_cast %get3A_1845 : i32 to index
        %get3A_1847 = arith.constant 48 : index
        %get3A_1848 = tpu.vector_load %arg10[%get3A_1846, %get3A_1847] {strides = array<i32>} : memref<1x64xf32, #tpu.memory_space<vmem>>, vector<1x16xf32>,
        %get3A_1849 = vector.shape_cast %get3A_1848 : vector<1x16xf32> to vector<16xf32>
        %mul3A_1850 = arith.mulf %broadcast_in_dim3A_1766, %get3A_1849 : vector<16xf32>
        %add3A_1851 = arith.addf %add3A_1844, %mul3A_1850 : vector<16xf32>
        %swap3A_1852 = arith.index_cast %add3A_1768 : i32 to index
        %swap3A_1853 = arith.constant 48 : index
        %swap3A_1854 = tpu.vector_load %arg14[%swap3A_1852, %swap3A_1853] {strides = array<i32>} : memref<128x64xf32, #tpu.memory_space<vmem>>, vector<1x16xf32>,
        %swap3A_1855 = vector.shape_cast %swap3A_1854 : vector<1x16xf32> to vector<16xf32>
        %swap3A_1856 = vector.shape_cast %add3A_1851 : vector<16xf32> to vector<1x16xf32>
        tpu.vector_store %arg14[%swap3A_1852, %swap3A_1853], %swap3A_1856 {strides = array<i32>} : memref<128x64xf32, #tpu.memory_space<vmem>>, vector<1x16xf32>,
      }
      %scan3A_352 = arith.constant 8 : i32
      %mul3A_353 = arith.constant 128 : i32
      %mul3A_354 = arith.muli %add3A_258, %mul3A_353 : i32
      %add3A_355 = arith.addi %mul3A_2, %mul3A_354 : i32
      %dma_start3A_356 = arith.constant 0 : i32
      %dma_start3A_357 = tpu.memref_slice %arg7[%add3A_355, %dma_start3A_356] : memref<204800x64xf32, #tpu.memory_space<hbm>> -> memref<128x64xf32, #tpu.memory_space<hbm>>
      %dma_start3A_358 = arith.constant 0 : i32
      %dma_start3A_359 = tpu.memref_slice %arg7[%add3A_355, %dma_start3A_358] : memref<204800x64xf32, #tpu.memory_space<hbm>> -> memref<128x64xf32, #tpu.memory_space<hbm>>
      tpu.enqueue_dma source(%arg14 : memref<128x64xf32, #tpu.memory_space<vmem>>) target(%dma_start3A_359 : memref<128x64xf32, #tpu.memory_space<hbm>>) target_semaphore(%arg24 : memref<!tpu.dma_semaphore, #tpu.memory_space<semaphore_mem>>)
      %lt3A_360 = arith.constant 24 : i32
      %lt3A_361 = arith.cmpi slt, %scan3A_150, %lt3A_360 : i32
      %convert_element_type3A_362 = arith.extui %lt3A_361 : i1 to i32
      %cond3A_363 = arith.constant 0 : i32
      %cond3A_364 = arith.cmpi ne, %convert_element_type3A_362, %cond3A_363 : i32
      scf.if %cond3A_364 {
        %add3A_365 = arith.constant 2 : i32
        %add3A_366 = arith.addi %add3A_258, %add3A_365 : i32
        %mul3A_367 = arith.constant 128 : i32
        %mul3A_368 = arith.muli %add3A_366, %mul3A_367 : i32
        %add3A_369 = arith.addi %mul3A_2, %mul3A_368 : i32
        %jit3A_370 = arith.constant 1024 : i32
        %div3A_371 = arith.divsi %add3A_369, %jit3A_370 : i32
        %sign3A_372 = arith.constant 0 : i32
        %sign3A_373 = arith.cmpi sgt, %add3A_369, %sign3A_372 : i32
        %sign3A_374 = arith.extui %sign3A_373 : i1 to i32
        %sign3A_375 = arith.constant 0 : i32
        %sign3A_376 = arith.cmpi slt, %add3A_369, %sign3A_375 : i32
        %sign3A_377 = arith.extui %sign3A_376 : i1 to i32
        %sign3A_378 = arith.subi %sign3A_374, %sign3A_377 : i32
        %sign3A_379 = arith.constant 0 : i32
        %sign3A_380 = arith.cmpi sgt, %jit3A_370, %sign3A_379 : i32
        %sign3A_381 = arith.extui %sign3A_380 : i1 to i32
        %sign3A_382 = arith.constant 0 : i32
        %sign3A_383 = arith.cmpi slt, %jit3A_370, %sign3A_382 : i32
        %sign3A_384 = arith.extui %sign3A_383 : i1 to i32
        %sign3A_385 = arith.subi %sign3A_381, %sign3A_384 : i32
        %ne3A_386 = arith.cmpi ne, %sign3A_378, %sign3A_385 : i32
        %rem3A_387 = arith.remsi %add3A_369, %jit3A_370 : i32
        %ne3A_388 = arith.constant 0 : i32
        %ne3A_389 = arith.cmpi ne, %rem3A_387, %ne3A_388 : i32
        %and3A_390 = arith.andi %ne3A_386, %ne3A_389 : i1
        %sub3A_391 = arith.constant 1 : i32
        %sub3A_392 = arith.subi %div3A_371, %sub3A_391 : i32
        %select_n3A_393 = arith.select %and3A_390, %sub3A_392, %div3A_371 : i32
        %mul3A_394 = arith.constant 128 : i32
        %mul3A_395 = arith.muli %add3A_366, %mul3A_394 : i32
        %dma_start3A_396 = tpu.memref_slice %arg8[%mul3A_395] : memref<6400xi32, #tpu.memory_space<vmem>> -> memref<128xi32, #tpu.memory_space<vmem>>
        %dma_start3A_397 = arith.constant 0 : i32
        %dma_start3A_398 = arith.constant 0 : i32
        %dma_start3A_399 = tpu.memref_slice %arg4[%dma_start3A_397, %dma_start3A_398] : memref<1000000x64xf32, #tpu.memory_space<hbm>> -> memref<1000000x64xf32, #tpu.memory_space<hbm>>
        tpu.enqueue_indirect_dma source(%dma_start3A_399 : memref<1000000x64xf32, #tpu.memory_space<hbm>>) target(%arg12 : memref<128x64xf32, #tpu.memory_space<vmem>>) offsets(%dma_start3A_396 : memref<128xi32, #tpu.memory_space<vmem>>) semaphore(%arg22 : memref<!tpu.dma_semaphore, #tpu.memory_space<semaphore_mem>>)
        %dma_start3A_400 = arith.constant 0 : i32
        %dma_start3A_401 = tpu.memref_slice %arg6[%select_n3A_393, %dma_start3A_400] : memref<512x64xf32, #tpu.memory_space<hbm>> -> memref<1x64xf32, #tpu.memory_space<hbm>>
        %dma_start3A_402 = arith.constant 0 : i32
        %dma_start3A_403 = tpu.memref_slice %arg6[%select_n3A_393, %dma_start3A_402] : memref<512x64xf32, #tpu.memory_space<hbm>> -> memref<1x64xf32, #tpu.memory_space<hbm>>
        tpu.enqueue_dma source(%dma_start3A_403 : memref<1x64xf32, #tpu.memory_space<hbm>>) target(%arg16 : memref<1x64xf32, #tpu.memory_space<vmem>>) target_semaphore(%arg22 : memref<!tpu.dma_semaphore, #tpu.memory_space<semaphore_mem>>)
        %dma_start3A_404 = tpu.memref_slice %arg3[%add3A_369] : memref<204800xi32, #tpu.memory_space<hbm>> -> memref<128xi32, #tpu.memory_space<hbm>>
        %dma_start3A_405 = tpu.memref_slice %arg3[%add3A_369] : memref<204800xi32, #tpu.memory_space<hbm>> -> memref<128xi32, #tpu.memory_space<hbm>>
        tpu.enqueue_dma source(%dma_start3A_405 : memref<128xi32, #tpu.memory_space<hbm>>) target(%arg20 : memref<128xi32, #tpu.memory_space<vmem>>) target_semaphore(%arg22 : memref<!tpu.dma_semaphore, #tpu.memory_space<semaphore_mem>>)
      } else {
      }
    }
    %scan3A_138 = arith.constant 25 : i32
    %dma_wait3A = arith.constant 0 : i32
    %dma_wait3A_139 = arith.constant 0 : i32
    %dma_wait3A_140 = tpu.memref_slice %arg7[%dma_wait3A, %dma_wait3A_139] : memref<204800x64xf32, #tpu.memory_space<hbm>> -> memref<128x64xf32, #tpu.memory_space<hbm>>
    %dma_wait3A_141 = arith.constant 0 : i32
    %dma_wait3A_142 = arith.constant 0 : i32
    %dma_wait3A_143 = tpu.memref_slice %arg7[%dma_wait3A_141, %dma_wait3A_142] : memref<204800x64xf32, #tpu.memory_space<hbm>> -> memref<128x64xf32, #tpu.memory_space<hbm>>
    tpu.wait_dma2 semaphore(%arg23 : memref<!tpu.dma_semaphore, #tpu.memory_space<semaphore_mem>>) src(%arg13 : memref<128x64xf32, #tpu.memory_space<vmem>>) dst(%dma_wait3A_143 : memref<128x64xf32, #tpu.memory_space<hbm>>)
    %dma_wait3A_144 = arith.constant 0 : i32
    %dma_wait3A_145 = arith.constant 0 : i32
    %dma_wait3A_146 = tpu.memref_slice %arg7[%dma_wait3A_144, %dma_wait3A_145] : memref<204800x64xf32, #tpu.memory_space<hbm>> -> memref<128x64xf32, #tpu.memory_space<hbm>>
    %dma_wait3A_147 = arith.constant 0 : i32
    %dma_wait3A_148 = arith.constant 0 : i32
    %dma_wait3A_149 = tpu.memref_slice %arg7[%dma_wait3A_147, %dma_wait3A_148] : memref<204800x64xf32, #tpu.memory_space<hbm>> -> memref<128x64xf32, #tpu.memory_space<hbm>>
    tpu.wait_dma2 semaphore(%arg24 : memref<!tpu.dma_semaphore, #tpu.memory_space<semaphore_mem>>) src(%arg14 : memref<128x64xf32, #tpu.memory_space<vmem>>) dst(%dma_wait3A_149 : memref<128x64xf32, #tpu.memory_space<hbm>>)
    return
  }
}

</mosaic_0001>

<sc_bundles>
// kernel: kernel.3.cloned.1.call-start
scs
__scs_entry_jumppad:
0x0: {  	(pc) =	sbr.rel $0x88, $3  }
0x1: {  	(tag) =	ssettag $0x0;
	lr =	simm.s32 $0x1  }
0x2: {  	[smem:$0x3F9C] =	sst lr;
	_ =	strace $0xD0000000  }
0x3: {  	_ = 	snop  }
0x4: {  	_ = 	snop  }
0x5: {  	_ = 	snop  }
0x6: {  	_ = 	snop  }
0x7: {  	_ = 	snop  }
__scs_overlays_trampoline_lowered:
0x8: {  	[smem:$0x3FAB] =	sst s0  }
0x9: {  	[smem:$0x3FAC] =	sst s1  }
0xa: {  	[smem:$0x3FAD] =	sst s2  }
0xb: {  	[smem:$0x3FAE] =	sst s3  }
0xc: {  	[smem:$0x3FAF] =	sst s4  }
0xd: {  	[smem:$0x3FB0] =	sst s5  }
0xe: {  	[smem:$0x3FB1] =	sst s6  }
0xf: {  	[smem:$0x3FB2] =	sst s7  }
0x10: {  	[smem:$0x3FB3] =	sst s8  }
0x11: {  	[smem:$0x3FB4] =	sst s9;
	s0 =	simm.s32 @!p0 $0x0  }
0x12: {  	s1 =	sld [smem:$0x3F9A];
	s0 =	simm.s32 @p0 $0x1  }
0x13: {  	[smem:$0x3FB5] =	sst s0;
	s0 =	simm.s32 @!p1 $0x0  }
0x14: {  	s2 =	sld [smem:$0x3F99];
	s0 =	simm.s32 @p1 $0x1  }
0x15: {  	[smem:$0x3FB6] =	sst s0;
	s0 =	simm.s32 @!p2 $0x0  }
0x16: {  	s3 =	sld [smem:$0x3FDB];
	s0 =	simm.s32 @p2 $0x1  }
0x17: {  	s4 =	simm.s32 $0x1BF5;
	[smem:$0x3FB8] =	sst s0  }
0x18: {  	s0 =	sld [smem:$0x3F9B];
	_ =	swait.ge [sflag:s4], $0x0  }
0x19: {  	s7 =	sld [smem:$0x3F9C]  }
0x1a: {  	s8 =	sadd.s32 $0xFFFFE003, lr  }
0x1b: {  	s9 =	sadd.s32 $0xFFFFFEF7, lr;
	s5 =	simm.s32 $0xFFFFFFFF;
	p2 =	slt.u32 s8, $0xFFFFF086  }
0x1c: {  	p1 =	slt.u32 s9, $0xF7A;
	s5 =	simm.s32 @!p2 $0x0  }
0x1d: {  	s5 =	simm.s32 @p1 $0x1;
	p0 =	seq.s32 s7, s2  }
0x1e: {  	s7 =	smul.u32 @!p0 $0xF7A, s2;
	p2 =	seq.s32 @!p0 s5, $0x0  }
0x1f: {  	s9 =	smul.u32 $0xF7A, s1;
	s8 =	simm.s32 @!p0 $0x1BF5;
	p2 =	por !p2, p0  }
0x20: {  	[sflag:s8] =	ssyncset.s32 @!p0 $0xFFFFF086;
	s6 =	sadd.s32 @!p0 s3, s7;
	s7 =	simm.s32 @!p0 $0x108  }
0x21: {  	s3 =	sadd.s32 s3, s9;
	s6 =	sadd.s32 @!p0 $0x88, s6;
	s7 =	simm.s32 @p2 $0x1082  }
0x22: {  	[simem:s7], [sflag:s8] =	dma.local @!p0 [hbm:s6], $0xF7A  }
0x23: {  	s9 =	sor.u32 $0xD0000000, s2;
	s6 =	simm.s32 $0x108;
	_ =	swait.ge @!p0 [sflag:s8], $0x0  }
0x24: {  	s3 =	sadd.s32 $0x88, s3;
	s6 =	simm.s32 @!p1 $0x1082;
	[sflag:s4] =	ssyncset.s32 $0xFFFFF086  }
0x25: {  	[simem:s6], [sflag:s4] =	dma.local [hbm:s3], $0xF7A  }
0x26: {  	[smem:$0x3F9C] =	sst s1;
	(tag) =	ssettag s2;
	_ =	strace s9  }
0x27: {  	s1 =	sld [smem:$0x3FAC]  }
0x28: {  	s2 =	sld [smem:$0x3FAD]  }
0x29: {  	s4 =	sld [smem:$0x3FAF]  }
0x2a: {  	p0 =	seq.s32 s5, $0x0;
	s5 =	sld [smem:$0x3FB0]  }
0x2b: {  	s6 =	sld [smem:$0x3FB1]  }
0x2c: {  	s7 =	sld [smem:$0x3FB2]  }
0x2d: {  	s3 =	simm.s32 $0x108;
	s8 =	sld [smem:$0x3FB3]  }
0x2e: {  	s3 =	simm.s32 @!p0 $0x1082;
	s9 =	sld [smem:$0x3FB4]  }
0x2f: {  	lr =	sadd.s32 s0, s3;
	s0 =	sld [smem:$0x3FAB]  }
0x30: {  	s3 =	sld [smem:$0x3FAE]  }
0x31: {  	[smem:$0x3FB7] =	sst s10  }
0x32: {  	s10 =	sld [smem:$0x3FB5];
	_ =	sdelay $0x3  }
0x33: {  	p0 =	seq.s32 s10, $0x1;
	s10 =	sld [smem:$0x3FB7];
	_ =	sdelay $0x3  }
0x34: {  	[smem:$0x3FB7] =	sst s10  }
0x35: {  	s10 =	sld [smem:$0x3FB6];
	_ =	sdelay $0x3  }
0x36: {  	p1 =	seq.s32 s10, $0x1;
	s10 =	sld [smem:$0x3FB7];
	_ =	sdelay $0x3  }
0x37: {  	[smem:$0x3FB7] =	sst s10  }
0x38: {  	s10 =	sld [smem:$0x3FB8]  }
0x39: {  	_ = 	snop;
	(pc) =	sbr.ind lr, $3  }
0x3a: {  	_ = 	snop  }
0x3b: {  	_ = 	snop  }
0x3c: {  	p2 =	seq.s32 s10, $0x1;
	s10 =	sld [smem:$0x3FB7]  }
0x3d: {  	_ =	shalt  }
0x3e: {  	_ =	shalt  }
0x3f: {  	_ =	shalt  }
0x40: {  	_ =	shalt  }
0x41: {  	_ =	shalt  }
0x42: {  	_ =	shalt  }
0x43: {  	_ =	shalt  }
0x44: {  	_ =	shalt  }
0x45: {  	_ =	shalt  }
0x46: {  	_ =	shalt  }
0x47: {  	_ =	shalt  }
0x48: {  	_ =	shalt  }
0x49: {  	_ =	shalt  }
0x4a: {  	_ =	shalt  }
0x4b: {  	_ =	shalt  }
0x4c: {  	_ =	shalt  }
0x4d: {  	_ =	shalt  }
0x4e: {  	_ =	shalt  }
0x4f: {  	_ =	shalt  }
0x50: {  	_ =	shalt  }
0x51: {  	_ =	shalt  }
0x52: {  	_ =	shalt  }
0x53: {  	_ =	shalt  }
0x54: {  	_ =	shalt  }
0x55: {  	_ =	shalt  }
0x56: {  	_ =	shalt  }
0x57: {  	_ =	shalt  }
0x58: {  	_ =	shalt  }
0x59: {  	_ =	shalt  }
0x5a: {  	_ =	shalt  }
0x5b: {  	_ =	shalt  }
0x5c: {  	_ =	shalt  }
0x5d: {  	_ =	shalt  }
0x5e: {  	_ =	shalt  }
0x5f: {  	_ =	shalt  }
0x60: {  	_ =	shalt  }
0x61: {  	_ =	shalt  }
0x62: {  	_ =	shalt  }
0x63: {  	_ =	shalt  }
0x64: {  	_ =	shalt  }
0x65: {  	_ =	shalt  }
0x66: {  	_ =	shalt  }
0x67: {  	_ =	shalt  }
0x68: {  	_ =	shalt  }
0x69: {  	_ =	shalt  }
0x6a: {  	_ =	shalt  }
0x6b: {  	_ =	shalt  }
0x6c: {  	_ =	shalt  }
0x6d: {  	_ =	shalt  }
0x6e: {  	_ =	shalt  }
0x6f: {  	_ =	shalt  }
0x70: {  	_ =	shalt  }
0x71: {  	_ =	shalt  }
0x72: {  	_ =	shalt  }
0x73: {  	_ =	shalt  }
0x74: {  	_ =	shalt  }
0x75: {  	_ =	shalt  }
0x76: {  	_ =	shalt  }
0x77: {  	_ =	shalt  }
0x78: {  	_ =	shalt  }
0x79: {  	_ =	shalt  }
0x7a: {  	_ =	shalt  }
0x7b: {  	_ =	shalt  }
0x7c: {  	_ =	shalt  }
0x7d: {  	_ =	shalt  }
0x7e: {  	_ =	shalt  }
0x7f: {  	_ =	shalt  }
0x80: {  	_ =	shalt  }
0x81: {  	_ =	shalt  }
0x82: {  	_ =	shalt  }
0x83: {  	_ =	shalt  }
0x84: {  	_ =	shalt  }
0x85: {  	_ =	shalt  }
0x86: {  	_ =	shalt  }
0x87: {  	_ =	shalt  }
.Lfunc_end0:
.L_simem_size_0:
called_computation.1_lowered:
.L_overlay_start_0:
0x88: {  	s2 =	sld [smem:$0x3FD9]  }
0x89: {  	s3 =	sld [smem:$0x3FFE];
	_ =	sdelay $0x1  }
0x8a: {  	s1 =	srdreg.scid  }
0x8b: {  	s0 =	sand.u32 $0x1, s1  }
0x8c: {  	s17 =	sshll.u32 s0, $0xA;
	s2 =	sadd.s32 s3, s2  }
0x8d: {  	s2 =	sadd.s32 s2, s17  }
0x8e: {  	[smem:$0x3FC3] =	sst s2  }
0x8f: {  	_ = 	snop  }
0x90: {  	s2 =	sld [smem:$0x3FD0];
	(tm) =	ssettm $0x1  }
0x91: {  	s18 =	sld [smem:$0x3FFB];
	_ =	sdelay $0x3  }
0x92: {  	_ =	strace s18  }
0x93: {  	s3 =	sld [smem:$0x3FFC];
	_ =	sdelay $0x3  }
0x94: {  	_ =	strace s3  }
0x95: {  	s3 =	sld [smem:$0x3FFD];
	_ =	sdelay $0x3  }
0x96: {  	_ =	strace s3  }
0x97: {  	_ =	strace $0x8FFFFFFF  }
0x98: {  	s19 =	sld [smem:$0x3FDB];
	_ =	sdelay $0x1  }
0x99: {  	s4 =	simm.s32 $_scs_section_size  }
0x9a: {  	s5 =	simm.s32 $_size__tile_overlayer_lowered;
	s6 =	simm.s32 $_tile_overlayer_lowered  }
0x9b: {  	s22 =	simm.s32 $0x1BFF;
	s21 =	sshll.u32 s6, $0x1;
	s3 =	sadd.s32 s4, s19  }
0x9c: {  	s7 =	simm.s32 $0x0;
	s20 =	sshll.u32 s5, $0x1;
	s5 =	sadd.s32 s21, s3  }
0x9d: {  	[timem:s7], [sflag:s22] =	dma.local [hbm:s5], s20  }
0x9e: {  	_ =	swait.ge [sflag:s22], s20  }
0x9f: {  	s4 =	ssub.s32 $0x0, s20;
	[sflag:s22] =	ssyncset.done $0x0  }
0xa0: {  	[sflag:s22] =	ssyncadd.s32 s4;
	_ =	sdelay $0x1  }
0xa1: {  	s23 =	simm.s32 $0x1B8B  }
0xa2: {  	_ =	swait.ge [sflag:s23], $0x1  }
0xa3: {  	[sflag:s23] =	ssyncset.done $0x0  }
0xa4: {  	s25 =	simm.s32 $0x1B8E;
	s24 =	sld [smem:$0x3FFE];
	[sflag:s23] =	ssyncadd.s32 $0xFFFFFFFF  }
0xa5: {  	s26 =	simm.s32 $execute0_lowered;
	[smem:$0x3FD2] =	sst s25  }
0xa6: {  	s5 =	sshll.u32 s26, $0x1;
	_ =	strace $0x80000046;
	[dreg:$0x1] =	wrdreg $0xFFFFFFFF  }
0xa7: {  	s28 =	simm.s32 $_size_execute0_lowered;
	s3 =	sadd.s32 s3, s5;
	[dreg:$0x0] =	wrdreg $0x0  }
0xa8: {  	s5 =	sshll.u32 s28, $0x1;
	[dreg:$0x2] =	wrdreg s3  }
0xa9: {  	[dreg:$0x3] =	wrdreg s5  }
0xaa: {  	[dreg:$0x4] =	wrdreg $0xC0  }
0xab: {  	_ =	task [dreg:s7], $0x5FFFF  }
0xac: {  	[dreg:$0x1] =	wrdreg $0xFFFFFFFF  }
0xad: {  	[dreg:$0x0] =	wrdreg $0x60  }
0xae: {  	[dreg:$0x2] =	wrdreg s24  }
0xaf: {  	[dreg:$0x3] =	wrdreg s2  }
0xb0: {  	[dreg:$0x4] =	wrdreg $0x9  }
0xb1: {  	_ =	task.clear_ibuf [dreg:s7], $0x5FFFF;
	_ =	strace $0x90000046  }
0xb2: {  	s29 =	simm.s32 $0x9;
	_ =	strace $0x80000048  }
0xb3: {  	_ =	swait.ge [sflag:s29], $0x1  }
0xb4: {  	[sflag:s29] =	ssyncadd.s32 $0xFFFFFFFF  }
0xb5: {  	_ =	strace $0x90000048  }
0xb6: {  	_ =	sfence  }
0xb7: {  	s30 =	sld [smem:$0x0];
	_ =	sdelay $0x2  }
0xb8: {  	s31 =	sshll.u32 s1, $0xD;
	s1 =	sshrl.u32 s1, $0x2  }
0xb9: {  	s3 =	sand.u32 $0x4000, s31;
	s1 =	sadd.s32 s1, s30  }
0xba: {  	s0 =	sor.u32 s3, s0;
	s1 =	sshll.u32 s1, $0x11  }
0xbb: {  	s0 =	sor.u32 s1, s0  }
0xbc: {  	s0 =	sadd.s32 $0x8F2B, s0  }
0xbd: {  	[sflag:s0] =	ssyncadd.remote.s32 $0x1  }
0xbe: {  	_ =	sfence.sel $0xFFFF  }
0xbf: {  	[dreg:$0x0] =	wrdreg $0xFFFFFFFF;
	(pc) =	sbr.abs _section_cstart, $3  }
0xc0: {  	[dreg:$0x1] =	wrdreg $0xFFFFFFFF  }
0xc1: {  	_ =	task.clear_ibuf [dreg:s7], $0x2FFFF;
	_ =	strace $0x9FFFFFFF  }
0xc2: {  	(tm) =	ssettm $0x7FFFFFFF  }
0xc3: {  	_ =	shalt  }
tec
execute0_lowered:
.L_overlay_start_1:
0x0: {  	(tag) =	ssettag $0x1  }
0x1: {  	s0 =	srdreg.scid  }
0x2: {  	s2 =	stileid.u32;
	s1 =	rddreg [dreg:$0x0];
	s16 =	simm.s32 $0x5  }
0x3: {  	s18 =	simm.s32 $0x80;
	s22 =	simm.s32 $0x39C0;
	s23 =	simm.s32 $0x9A00  }
0x4: {  	s24 =	simm.s32 $0x9B40;
	s25 =	simm.s32 $0x1;
	s28 =	simm.s32 $0x2  }
0x5: {  	s29 =	simm.s32 $0x79C0;
	s30 =	simm.s32 $0x3;
	s31 =	simm.s32 $0x4  }
0x6: {  	s0 =	sand.u32 $0x1, s0;
	s3 =	sshll.u32 s2, $0x1;
	s2 =	rddreg [dreg:$0x1]  }
0x7: {  	s5 =	sadd.s32 $0x1000, s1;
	s6 =	sadd.s32 $0xF43400, s1;
	s7 =	sadd.s32 $0xE800, s1  }
0x8: {  	s8 =	sadd.s32 $0xD800, s1;
	s13 =	sor.u32 s0, s3;
	s3 =	simm.s32 $0x0  }
0x9: {  	s0 =	ssub.s32 $0x2, s0;
	s4 =	smul.u32 $0x1900, s13;
	[smem:$0x7FF] =	sst s3  }
0xa: {  	s11 =	sshrl.u32 s0, $0x1;
	s13 =	smul.u32 $0x64000, s13;
	_ =	strace $0x80000047  }
.Ltmp0:
0xb: {  	[dreg:$0x3] =	wrdreg s7;
	s0 =	ssub.s32 s0, s11;
	(pc) =	sbr.rel .LBB2_1-.Ltmp0, $4  }
0xc: {  	s10 =	sshrl.u32 s4, $0x3;
	s26 =	sshrl.u32 s4, $0x7;
	s14 =	sor.u32 $0x80, s4  }
0xd: {  	s15 =	smax.u32 s0, $0x1;
	s9 =	sadd.s32 s10, s1;
	s1 =	sand.u32 $0x7F8, s26  }
0xe: {  	s10 =	sadd.s32 s5, s10;
	s26 =	simm.s32 $0x59C0;
	s9 =	sadd.s32 $0x7400, s9  }
0xf: {  	s11 =	sadd.s32 s8, s1;
	s12 =	sadd.s32 $0x10, s10;
	s1 =	simm.s32 $0x0  }
.LBB2_8:
0x10: {  	s1 =	sadd.s32 $0x1, s1  }
0x11: {  	_ =	swait.ge [sflag:s30], $0x2000;
	p0 =	sne.s32 s1, s15  }
.Ltmp1:
0x12: {  	[sflag:s30] =	ssyncset.done $0x0;
	(pc) =	sbr.rel @!p0 .LBB2_9-.Ltmp1, $4  }
0x13: {  	[sflag:s30] =	ssyncadd.s32 $0xFFFFE000  }
0x14: {  	_ =	swait.ge [sflag:s31], $0x2000  }
0x15: {  	[sflag:s31] =	ssyncset.done $0x0  }
0x16: {  	[sflag:s31] =	ssyncadd.s32 $0xFFFFE000  }
.LBB2_1:
0x17: {  	[tilespmem:s3], [sflag:$0x5] =	stream.linear.gather [hbm4b:s9+s3], $0x1900, $0x38;
	[tilespmem:$0x9BC0] =	vst v63  }
0x18: {  	_ =	swait.ge [sflag:s16], $0x1900  }
0x19: {  	[sflag:s16] =	ssyncset.done $0x0  }
0x1a: {  	s7 =	simm.s32 $0x1900;
	s0 =	rddreg [dreg:$0x3];
	[sflag:s16] =	ssyncadd.s32 $0xFFFFE700  }
0x1b: {  	[tilespmem:s7], [sflag:$0x5] =	stream.linear.gather [hbm4b:s0+s3], $0x80, $0x38;
	[tilespmem:$0x9BC0] =	vst v63  }
0x1c: {  	_ =	swait.ge [sflag:s16], $0x80  }
0x1d: {  	[sflag:s16] =	ssyncset.done $0x0  }
0x1e: {  	[sflag:s16] =	ssyncadd.s32 $0xFFFFFF80  }
0x1f: {  	v0 =	vld [tilespmem:$0x1940]  }
0x20: {  	v1 =	vld [tilespmem:$0x1900]  }
0x21: {  	v2 =	vld [tilespmem:$0x1950]  }
0x22: {  	v3 =	vld [tilespmem:$0x1910]  }
0x23: {  	v4 =	vld [tilespmem:$0x1960]  }
0x24: {  	v5 =	vld [tilespmem:$0x1920]  }
0x25: {  	v6 =	vld [tilespmem:$0x1970]  }
0x26: {  	v7 =	vld [tilespmem:$0x1930];
	_ =	sdelay $0x1  }
0x27: {  	v0 =	vsub.f32 v0, v1  }
0x28: {  	v61 =	vsub.f32 v2, v3  }
0x29: {  	v62 =	vsub.f32 v4, v5;
	[tilespmem:$0x1980] =	vst v0  }
0x2a: {  	v63 =	vsub.f32 v6, v7;
	[tilespmem:$0x1990] =	vst v61  }
0x2b: {  	[tilespmem:$0x19A0] =	vst v62  }
0x2c: {  	s19 =	simm.s32 $0x19C0;
	[tilespmem:$0x19B0] =	vst v63  }
0x2d: {  	[tilespmem:s19], [sflag:$0x1] =	stream.indirect.gather [hbm4b:s6+s18], $0x40, s3, s18, $0xb8;
	[tilespmem:$0x9BC0] =	vst v63  }
0x2e: {  	s20 =	simm.s32 $0x99C0  }
0x2f: {  	[tilespmem:s20], [sflag:$0x1] =	stream.linear.gather [hbm4b:s11+s3], $0x40, $0x38;
	[tilespmem:$0x9BC0] =	vst v63  }
0x30: {  	s21 =	simm.s32 $0x9AC0  }
0x31: {  	[tilespmem:s21], [sflag:$0x1] =	stream.linear.gather [hbm4b:s10+s3], $0x80, $0x38;
	[tilespmem:$0x9BC0] =	vst v63  }
0x32: {  	_ = 	snop  }
0x33: {  	[tilespmem:s22], [sflag:$0x2] =	stream.indirect.gather [hbm4b:s6+s18], $0x40, s18, s18, $0xb8;
	[tilespmem:$0x9BC0] =	vst v63  }
0x34: {  	_ = 	snop  }
0x35: {  	[tilespmem:s23], [sflag:$0x2] =	stream.linear.gather [hbm4b:s11+s3], $0x40, $0x38;
	[tilespmem:$0x9BC0] =	vst v63  }
0x36: {  	s0 =	simm.s32 $0x0  }
0x37: {  	[tilespmem:s24], [sflag:$0x2] =	stream.linear.gather [hbm4b:s12+s3], $0x80, $0x38;
	[tilespmem:$0x9BC0] =	vst v63  }
.LBB2_2:
0x38: {  	_ =	swait.ge [sflag:s25], $0x2000  }
0x39: {  	[sflag:s25] =	ssyncset.done $0x0  }
0x3a: {  	[sflag:s25] =	ssyncadd.s32 $0xFFFFE000  }
0x3b: {  	_ =	swait.ge [sflag:s25], $0x40  }
0x3c: {  	[sflag:s25] =	ssyncset.done $0x0  }
0x3d: {  	[sflag:s25] =	ssyncadd.s32 $0xFFFFFFC0  }
0x3e: {  	_ =	swait.ge [sflag:s25], $0x80  }
0x3f: {  	p0 =	seq.s32 s0, $0x0;
	[sflag:s25] =	ssyncset.done $0x0  }
0x40: {  	s17 =	simm.s32 @!p0 $0x3;
	[sflag:s25] =	ssyncadd.s32 $0xFFFFFF80  }
0x41: {  	_ =	swait.ge @!p0 [sflag:s17], $0x2000  }
0x42: {  	[sflag:s17] =	ssyncset.done @!p0 $0x0  }
0x43: {  	[sflag:s17] =	ssyncadd.s32 @!p0 $0xFFFFE000  }
0x44: {  	v0 =	vld [tilespmem:$0x99C0]  }
0x45: {  	v1 =	vld [tilespmem:$0x1900]  }
0x46: {  	v2 =	vld [tilespmem:$0x99D0]  }
0x47: {  	v3 =	vld [tilespmem:$0x1910]  }
0x48: {  	v4 =	vld [tilespmem:$0x99E0]  }
0x49: {  	v5 =	vld [tilespmem:$0x1920]  }
0x4a: {  	v6 =	vld [tilespmem:$0x99F0]  }
0x4b: {  	v7 =	vld [tilespmem:$0x1930];
	_ =	sdelay $0x1  }
0x4c: {  	v0 =	vadd.f32 v1, v0  }
0x4d: {  	v61 =	vadd.f32 v3, v2  }
0x4e: {  	v62 =	vadd.f32 v5, v4;
	[tilespmem:$0x9A40] =	vst v0  }
0x4f: {  	v63 =	vadd.f32 v7, v6;
	[tilespmem:$0x9A50] =	vst v61  }
0x50: {  	[tilespmem:$0x9A60] =	vst v62  }
0x51: {  	s19 =	simm.s32 $0x0;
	s20 =	simm.s32 $0x9AC0;
	s17 =	sshll.u32 s0, $0x8;
	[tilespmem:$0x9A70] =	vst v63  }
.LBB2_3:
0x52: {  	v0 =	vld [tilespmem:s20+$0x0];
	_ =	sdelay $0x1  }
0x53: {  	v2 =	vld [tilespmem:$0x9A40]  }
0x54: {  	s21 =	sshra.s32 s19, $0x2;
	v3 =	vld [tilespmem:$0x1980]  }
0x55: {  	v1 =	vld [tilespmem:s21+$0x19C0]  }
0x56: {  	v0 =	vcvt.s32.f32 v0;
	_ =	sdelay $0x1  }
0x57: {  	v4 =	vbroadcast v0, $0x0;
	_ =	sdelay $0x1  }
0x58: {  	v1 =	vadd.f32 v2, v1;
	v30 =	vmul.f32 v3, v4;
	_ =	sdelay $0x1  }
0x59: {  	v1 =	vadd.f32 v30, v1;
	_ =	sdelay $0x1  }
0x5a: {  	v31 =	vld [tilespmem:s21+$0x19D0];
	[tilespmem:s21+$0x59C0] =	vst v1  }
0x5b: {  	v32 =	vld [tilespmem:$0x9A50]  }
0x5c: {  	v33 =	vld [tilespmem:$0x1990];
	_ =	sdelay $0x4  }
0x5d: {  	v1 =	vadd.f32 v32, v31;
	v34 =	vmul.f32 v33, v4;
	_ =	sdelay $0x1  }
0x5e: {  	v1 =	vadd.f32 v34, v1;
	_ =	sdelay $0x1  }
0x5f: {  	v35 =	vld [tilespmem:s21+$0x19E0];
	[tilespmem:s21+$0x59D0] =	vst v1  }
0x60: {  	v36 =	vld [tilespmem:$0x9A60]  }
0x61: {  	v37 =	vld [tilespmem:$0x19A0];
	_ =	sdelay $0x4  }
0x62: {  	v1 =	vadd.f32 v36, v35;
	v38 =	vmul.f32 v37, v4;
	_ =	sdelay $0x1  }
0x63: {  	v1 =	vadd.f32 v38, v1;
	_ =	sdelay $0x1  }
0x64: {  	v39 =	vld [tilespmem:s21+$0x19F0];
	[tilespmem:s21+$0x59E0] =	vst v1  }
0x65: {  	v40 =	vld [tilespmem:$0x9A70]  }
0x66: {  	v41 =	vld [tilespmem:$0x19B0];
	_ =	sdelay $0x4  }
0x67: {  	v1 =	vadd.f32 v40, v39;
	v42 =	vmul.f32 v41, v4;
	_ =	sdelay $0x1  }
0x68: {  	v1 =	vadd.f32 v42, v1;
	_ =	sdelay $0x1  }
0x69: {  	v43 =	vld [tilespmem:s21+$0x1A00];
	[tilespmem:s21+$0x59F0] =	vst v1  }
0x6a: {  	v44 =	vld [tilespmem:$0x9A40]  }
0x6b: {  	v45 =	vld [tilespmem:$0x1980];
	_ =	sdelay $0x2  }
0x6c: {  	v46 =	vbroadcast v0, $0x1;
	_ =	sdelay $0x1  }
0x6d: {  	v1 =	vadd.f32 v44, v43;
	v47 =	vmul.f32 v45, v46;
	_ =	sdelay $0x1  }
0x6e: {  	v1 =	vadd.f32 v47, v1;
	_ =	sdelay $0x1  }
0x6f: {  	v48 =	vld [tilespmem:s21+$0x1A10];
	[tilespmem:s21+$0x5A00] =	vst v1  }
0x70: {  	v49 =	vld [tilespmem:$0x9A50]  }
0x71: {  	v50 =	vld [tilespmem:$0x1990];
	_ =	sdelay $0x4  }
0x72: {  	v1 =	vadd.f32 v49, v48;
	v51 =	vmul.f32 v50, v46;
	_ =	sdelay $0x1  }
0x73: {  	v1 =	vadd.f32 v51, v1;
	_ =	sdelay $0x1  }
0x74: {  	v52 =	vld [tilespmem:s21+$0x1A20];
	[tilespmem:s21+$0x5A10] =	vst v1  }
0x75: {  	v53 =	vld [tilespmem:$0x9A60]  }
0x76: {  	v54 =	vld [tilespmem:$0x19A0];
	_ =	sdelay $0x4  }
0x77: {  	v1 =	vadd.f32 v53, v52;
	v55 =	vmul.f32 v54, v46;
	_ =	sdelay $0x1  }
0x78: {  	v1 =	vadd.f32 v55, v1;
	_ =	sdelay $0x1  }
0x79: {  	v56 =	vld [tilespmem:s21+$0x1A30];
	[tilespmem:s21+$0x5A20] =	vst v1  }
0x7a: {  	v57 =	vld [tilespmem:$0x9A70]  }
0x7b: {  	v58 =	vld [tilespmem:$0x19B0];
	_ =	sdelay $0x4  }
0x7c: {  	v1 =	vadd.f32 v57, v56;
	v59 =	vmul.f32 v58, v46;
	_ =	sdelay $0x1  }
0x7d: {  	v1 =	vadd.f32 v59, v1;
	_ =	sdelay $0x1  }
0x7e: {  	v60 =	vld [tilespmem:s21+$0x1A40];
	[tilespmem:s21+$0x5A30] =	vst v1  }
0x7f: {  	v61 =	vld [tilespmem:$0x9A40]  }
0x80: {  	v62 =	vld [tilespmem:$0x1980];
	_ =	sdelay $0x2  }
0x81: {  	v63 =	vbroadcast v0, $0x2;
	_ =	sdelay $0x1  }
0x82: {  	v1 =	vadd.f32 v61, v60;
	v5 =	vmul.f32 v62, v63;
	_ =	sdelay $0x1  }
0x83: {  	v1 =	vadd.f32 v5, v1;
	_ =	sdelay $0x1  }
0x84: {  	v6 =	vld [tilespmem:s21+$0x1A50];
	[tilespmem:s21+$0x5A40] =	vst v1  }
0x85: {  	v7 =	vld [tilespmem:$0x9A50]  }
0x86: {  	v8 =	vld [tilespmem:$0x1990];
	_ =	sdelay $0x4  }
0x87: {  	v1 =	vadd.f32 v7, v6;
	v9 =	vmul.f32 v8, v63;
	_ =	sdelay $0x1  }
0x88: {  	v1 =	vadd.f32 v9, v1;
	_ =	sdelay $0x1  }
0x89: {  	v10 =	vld [tilespmem:s21+$0x1A60];
	[tilespmem:s21+$0x5A50] =	vst v1  }
0x8a: {  	v11 =	vld [tilespmem:$0x9A60]  }
0x8b: {  	v12 =	vld [tilespmem:$0x19A0];
	_ =	sdelay $0x4  }
0x8c: {  	v1 =	vadd.f32 v11, v10;
	v13 =	vmul.f32 v12, v63;
	_ =	sdelay $0x1  }
0x8d: {  	v1 =	vadd.f32 v13, v1;
	_ =	sdelay $0x1  }
0x8e: {  	v14 =	vld [tilespmem:s21+$0x1A70];
	[tilespmem:s21+$0x5A60] =	vst v1  }
0x8f: {  	v15 =	vld [tilespmem:$0x9A70]  }
0x90: {  	v16 =	vld [tilespmem:$0x19B0];
	_ =	sdelay $0x4  }
0x91: {  	v1 =	vadd.f32 v15, v14;
	v17 =	vmul.f32 v16, v63;
	_ =	sdelay $0x1  }
0x92: {  	v1 =	vadd.f32 v17, v1;
	_ =	sdelay $0x1  }
0x93: {  	v18 =	vld [tilespmem:s21+$0x1A80];
	[tilespmem:s21+$0x5A70] =	vst v1  }
0x94: {  	v19 =	vld [tilespmem:$0x9A40]  }
0x95: {  	v20 =	vld [tilespmem:$0x1980];
	_ =	sdelay $0x2  }
0x96: {  	v21 =	vbroadcast v0, $0x3;
	_ =	sdelay $0x1  }
0x97: {  	v1 =	vadd.f32 v19, v18;
	v22 =	vmul.f32 v20, v21;
	_ =	sdelay $0x1  }
0x98: {  	v1 =	vadd.f32 v22, v1;
	_ =	sdelay $0x1  }
0x99: {  	v23 =	vld [tilespmem:s21+$0x1A90];
	[tilespmem:s21+$0x5A80] =	vst v1  }
0x9a: {  	v24 =	vld [tilespmem:$0x9A50]  }
0x9b: {  	v25 =	vld [tilespmem:$0x1990];
	_ =	sdelay $0x4  }
0x9c: {  	v1 =	vadd.f32 v24, v23;
	v26 =	vmul.f32 v25, v21;
	_ =	sdelay $0x1  }
0x9d: {  	v1 =	vadd.f32 v26, v1;
	_ =	sdelay $0x1  }
0x9e: {  	v27 =	vld [tilespmem:s21+$0x1AA0];
	[tilespmem:s21+$0x5A90] =	vst v1  }
0x9f: {  	v28 =	vld [tilespmem:$0x9A60]  }
0xa0: {  	v29 =	vld [tilespmem:$0x19A0];
	_ =	sdelay $0x4  }
0xa1: {  	v1 =	vadd.f32 v28, v27;
	v30 =	vmul.f32 v29, v21;
	_ =	sdelay $0x1  }
0xa2: {  	v1 =	vadd.f32 v30, v1;
	_ =	sdelay $0x1  }
0xa3: {  	v31 =	vld [tilespmem:s21+$0x1AB0];
	[tilespmem:s21+$0x5AA0] =	vst v1  }
0xa4: {  	v32 =	vld [tilespmem:$0x9A70]  }
0xa5: {  	v33 =	vld [tilespmem:$0x19B0];
	_ =	sdelay $0x4  }
0xa6: {  	v1 =	vadd.f32 v32, v31;
	v34 =	vmul.f32 v33, v21;
	_ =	sdelay $0x1  }
0xa7: {  	v1 =	vadd.f32 v34, v1;
	_ =	sdelay $0x1  }
0xa8: {  	v35 =	vld [tilespmem:s21+$0x1AC0];
	[tilespmem:s21+$0x5AB0] =	vst v1  }
0xa9: {  	v36 =	vld [tilespmem:$0x9A40]  }
0xaa: {  	v37 =	vld [tilespmem:$0x1980];
	_ =	sdelay $0x2  }
0xab: {  	v38 =	vbroadcast v0, $0x4;
	_ =	sdelay $0x1  }
0xac: {  	v1 =	vadd.f32 v36, v35;
	v39 =	vmul.f32 v37, v38;
	_ =	sdelay $0x1  }
0xad: {  	v1 =	vadd.f32 v39, v1;
	_ =	sdelay $0x1  }
0xae: {  	v40 =	vld [tilespmem:s21+$0x1AD0];
	[tilespmem:s21+$0x5AC0] =	vst v1  }
0xaf: {  	v41 =	vld [tilespmem:$0x9A50]  }
0xb0: {  	v42 =	vld [tilespmem:$0x1990];
	_ =	sdelay $0x4  }
0xb1: {  	v1 =	vadd.f32 v41, v40;
	v43 =	vmul.f32 v42, v38;
	_ =	sdelay $0x1  }
0xb2: {  	v1 =	vadd.f32 v43, v1;
	_ =	sdelay $0x1  }
0xb3: {  	v44 =	vld [tilespmem:s21+$0x1AE0];
	[tilespmem:s21+$0x5AD0] =	vst v1  }
0xb4: {  	v45 =	vld [tilespmem:$0x9A60]  }
0xb5: {  	v46 =	vld [tilespmem:$0x19A0];
	_ =	sdelay $0x4  }
0xb6: {  	v1 =	vadd.f32 v45, v44;
	v47 =	vmul.f32 v46, v38;
	_ =	sdelay $0x1  }
0xb7: {  	v1 =	vadd.f32 v47, v1;
	_ =	sdelay $0x1  }
0xb8: {  	v48 =	vld [tilespmem:s21+$0x1AF0];
	[tilespmem:s21+$0x5AE0] =	vst v1  }
0xb9: {  	v49 =	vld [tilespmem:$0x9A70]  }
0xba: {  	v50 =	vld [tilespmem:$0x19B0];
	_ =	sdelay $0x4  }
0xbb: {  	v1 =	vadd.f32 v49, v48;
	v51 =	vmul.f32 v50, v38;
	_ =	sdelay $0x1  }
0xbc: {  	v1 =	vadd.f32 v51, v1;
	_ =	sdelay $0x1  }
0xbd: {  	v52 =	vld [tilespmem:s21+$0x1B00];
	[tilespmem:s21+$0x5AF0] =	vst v1  }
0xbe: {  	v53 =	vld [tilespmem:$0x9A40]  }
0xbf: {  	v54 =	vld [tilespmem:$0x1980];
	_ =	sdelay $0x2  }
0xc0: {  	v55 =	vbroadcast v0, $0x5;
	_ =	sdelay $0x1  }
0xc1: {  	v1 =	vadd.f32 v53, v52;
	v56 =	vmul.f32 v54, v55;
	_ =	sdelay $0x1  }
0xc2: {  	v1 =	vadd.f32 v56, v1;
	_ =	sdelay $0x1  }
0xc3: {  	v57 =	vld [tilespmem:s21+$0x1B10];
	[tilespmem:s21+$0x5B00] =	vst v1  }
0xc4: {  	v58 =	vld [tilespmem:$0x9A50]  }
0xc5: {  	v59 =	vld [tilespmem:$0x1990];
	_ =	sdelay $0x4  }
0xc6: {  	v1 =	vadd.f32 v58, v57;
	v60 =	vmul.f32 v59, v55;
	_ =	sdelay $0x1  }
0xc7: {  	v1 =	vadd.f32 v60, v1;
	_ =	sdelay $0x1  }
0xc8: {  	v61 =	vld [tilespmem:s21+$0x1B20];
	[tilespmem:s21+$0x5B10] =	vst v1  }
0xc9: {  	v62 =	vld [tilespmem:$0x9A60]  }
0xca: {  	v63 =	vld [tilespmem:$0x19A0];
	_ =	sdelay $0x4  }
0xcb: {  	v1 =	vadd.f32 v62, v61;
	v5 =	vmul.f32 v63, v55;
	_ =	sdelay $0x1  }
0xcc: {  	v1 =	vadd.f32 v5, v1;
	_ =	sdelay $0x1  }
0xcd: {  	v6 =	vld [tilespmem:s21+$0x1B30];
	[tilespmem:s21+$0x5B20] =	vst v1  }
0xce: {  	v7 =	vld [tilespmem:$0x9A70]  }
0xcf: {  	v8 =	vld [tilespmem:$0x19B0];
	_ =	sdelay $0x4  }
0xd0: {  	v1 =	vadd.f32 v7, v6;
	v9 =	vmul.f32 v8, v55;
	_ =	sdelay $0x1  }
0xd1: {  	v1 =	vadd.f32 v9, v1;
	_ =	sdelay $0x1  }
0xd2: {  	v10 =	vld [tilespmem:s21+$0x1B40];
	[tilespmem:s21+$0x5B30] =	vst v1  }
0xd3: {  	v11 =	vld [tilespmem:$0x9A40]  }
0xd4: {  	v12 =	vld [tilespmem:$0x1980];
	_ =	sdelay $0x2  }
0xd5: {  	v13 =	vbroadcast v0, $0x6;
	_ =	sdelay $0x1  }
0xd6: {  	v1 =	vadd.f32 v11, v10;
	v14 =	vmul.f32 v12, v13;
	_ =	sdelay $0x1  }
0xd7: {  	v1 =	vadd.f32 v14, v1;
	_ =	sdelay $0x1  }
0xd8: {  	v15 =	vld [tilespmem:s21+$0x1B50];
	[tilespmem:s21+$0x5B40] =	vst v1  }
0xd9: {  	v16 =	vld [tilespmem:$0x9A50]  }
0xda: {  	v17 =	vld [tilespmem:$0x1990];
	_ =	sdelay $0x4  }
0xdb: {  	v1 =	vadd.f32 v16, v15;
	v18 =	vmul.f32 v17, v13;
	_ =	sdelay $0x1  }
0xdc: {  	v1 =	vadd.f32 v18, v1;
	_ =	sdelay $0x1  }
0xdd: {  	v19 =	vld [tilespmem:s21+$0x1B60];
	[tilespmem:s21+$0x5B50] =	vst v1  }
0xde: {  	v20 =	vld [tilespmem:$0x9A60]  }
0xdf: {  	v21 =	vld [tilespmem:$0x19A0];
	_ =	sdelay $0x4  }
0xe0: {  	v1 =	vadd.f32 v20, v19;
	v22 =	vmul.f32 v21, v13;
	_ =	sdelay $0x1  }
0xe1: {  	v1 =	vadd.f32 v22, v1;
	_ =	sdelay $0x1  }
0xe2: {  	v23 =	vld [tilespmem:s21+$0x1B70];
	[tilespmem:s21+$0x5B60] =	vst v1  }
0xe3: {  	v24 =	vld [tilespmem:$0x9A70]  }
0xe4: {  	v25 =	vld [tilespmem:$0x19B0];
	_ =	sdelay $0x4  }
0xe5: {  	v1 =	vadd.f32 v24, v23;
	v26 =	vmul.f32 v25, v13;
	_ =	sdelay $0x1  }
0xe6: {  	v1 =	vadd.f32 v26, v1;
	_ =	sdelay $0x1  }
0xe7: {  	v27 =	vld [tilespmem:s21+$0x1B80];
	[tilespmem:s21+$0x5B70] =	vst v1  }
0xe8: {  	v28 =	vld [tilespmem:$0x9A40]  }
0xe9: {  	v29 =	vld [tilespmem:$0x1980];
	_ =	sdelay $0x2  }
0xea: {  	v30 =	vbroadcast v0, $0x7;
	_ =	sdelay $0x1  }
0xeb: {  	v1 =	vadd.f32 v28, v27;
	v31 =	vmul.f32 v29, v30;
	_ =	sdelay $0x1  }
0xec: {  	v1 =	vadd.f32 v31, v1;
	_ =	sdelay $0x1  }
0xed: {  	v32 =	vld [tilespmem:s21+$0x1B90];
	[tilespmem:s21+$0x5B80] =	vst v1  }
0xee: {  	v33 =	vld [tilespmem:$0x9A50]  }
0xef: {  	v34 =	vld [tilespmem:$0x1990];
	_ =	sdelay $0x4  }
0xf0: {  	v1 =	vadd.f32 v33, v32;
	v35 =	vmul.f32 v34, v30;
	_ =	sdelay $0x1  }
0xf1: {  	v1 =	vadd.f32 v35, v1;
	_ =	sdelay $0x1  }
0xf2: {  	v36 =	vld [tilespmem:s21+$0x1BA0];
	[tilespmem:s21+$0x5B90] =	vst v1  }
0xf3: {  	v37 =	vld [tilespmem:$0x9A60]  }
0xf4: {  	v38 =	vld [tilespmem:$0x19A0];
	_ =	sdelay $0x4  }
0xf5: {  	v1 =	vadd.f32 v37, v36;
	v39 =	vmul.f32 v38, v30;
	_ =	sdelay $0x1  }
0xf6: {  	v1 =	vadd.f32 v39, v1;
	_ =	sdelay $0x1  }
0xf7: {  	v40 =	vld [tilespmem:s21+$0x1BB0];
	[tilespmem:s21+$0x5BA0] =	vst v1  }
0xf8: {  	v41 =	vld [tilespmem:$0x9A70]  }
0xf9: {  	v42 =	vld [tilespmem:$0x19B0];
	_ =	sdelay $0x4  }
0xfa: {  	v1 =	vadd.f32 v41, v40;
	v43 =	vmul.f32 v42, v30;
	_ =	sdelay $0x1  }
0xfb: {  	v1 =	vadd.f32 v43, v1;
	_ =	sdelay $0x1  }
0xfc: {  	v44 =	vld [tilespmem:s21+$0x1BC0];
	[tilespmem:s21+$0x5BB0] =	vst v1  }
0xfd: {  	v45 =	vld [tilespmem:$0x9A40]  }
0xfe: {  	v46 =	vld [tilespmem:$0x1980];
	_ =	sdelay $0x2  }
0xff: {  	v47 =	vbroadcast v0, $0x8;
	_ =	sdelay $0x1  }
0x100: {  	v1 =	vadd.f32 v45, v44;
	v48 =	vmul.f32 v46, v47;
	_ =	sdelay $0x1  }
0x101: {  	v1 =	vadd.f32 v48, v1;
	_ =	sdelay $0x1  }
0x102: {  	v49 =	vld [tilespmem:s21+$0x1BD0];
	[tilespmem:s21+$0x5BC0] =	vst v1  }
0x103: {  	v50 =	vld [tilespmem:$0x9A50]  }
0x104: {  	v51 =	vld [tilespmem:$0x1990];
	_ =	sdelay $0x4  }
0x105: {  	v1 =	vadd.f32 v50, v49;
	v52 =	vmul.f32 v51, v47;
	_ =	sdelay $0x1  }
0x106: {  	v1 =	vadd.f32 v52, v1;
	_ =	sdelay $0x1  }
0x107: {  	v53 =	vld [tilespmem:s21+$0x1BE0];
	[tilespmem:s21+$0x5BD0] =	vst v1  }
0x108: {  	v54 =	vld [tilespmem:$0x9A60]  }
0x109: {  	v55 =	vld [tilespmem:$0x19A0];
	_ =	sdelay $0x4  }
0x10a: {  	v1 =	vadd.f32 v54, v53;
	v56 =	vmul.f32 v55, v47;
	_ =	sdelay $0x1  }
0x10b: {  	v1 =	vadd.f32 v56, v1;
	_ =	sdelay $0x1  }
0x10c: {  	v57 =	vld [tilespmem:s21+$0x1BF0];
	[tilespmem:s21+$0x5BE0] =	vst v1  }
0x10d: {  	v58 =	vld [tilespmem:$0x9A70]  }
0x10e: {  	v59 =	vld [tilespmem:$0x19B0];
	_ =	sdelay $0x4  }
0x10f: {  	v1 =	vadd.f32 v58, v57;
	v60 =	vmul.f32 v59, v47;
	_ =	sdelay $0x1  }
0x110: {  	v1 =	vadd.f32 v60, v1;
	_ =	sdelay $0x1  }
0x111: {  	v61 =	vld [tilespmem:s21+$0x1C00];
	[tilespmem:s21+$0x5BF0] =	vst v1  }
0x112: {  	v62 =	vld [tilespmem:$0x9A40]  }
0x113: {  	v63 =	vld [tilespmem:$0x1980];
	_ =	sdelay $0x2  }
0x114: {  	v8 =	vbroadcast v0, $0x9;
	_ =	sdelay $0x1  }
0x115: {  	v1 =	vadd.f32 v62, v61;
	v9 =	vmul.f32 v63, v8;
	_ =	sdelay $0x1  }
0x116: {  	v1 =	vadd.f32 v9, v1;
	_ =	sdelay $0x1  }
0x117: {  	v10 =	vld [tilespmem:s21+$0x1C10];
	[tilespmem:s21+$0x5C00] =	vst v1  }
0x118: {  	v11 =	vld [tilespmem:$0x9A50]  }
0x119: {  	v12 =	vld [tilespmem:$0x1990];
	_ =	sdelay $0x4  }
0x11a: {  	v1 =	vadd.f32 v11, v10;
	v13 =	vmul.f32 v12, v8;
	_ =	sdelay $0x1  }
0x11b: {  	v1 =	vadd.f32 v13, v1;
	_ =	sdelay $0x1  }
0x11c: {  	v14 =	vld [tilespmem:s21+$0x1C20];
	[tilespmem:s21+$0x5C10] =	vst v1  }
0x11d: {  	v15 =	vld [tilespmem:$0x9A60]  }
0x11e: {  	v16 =	vld [tilespmem:$0x19A0];
	_ =	sdelay $0x4  }
0x11f: {  	v1 =	vadd.f32 v15, v14;
	v17 =	vmul.f32 v16, v8;
	_ =	sdelay $0x1  }
0x120: {  	v1 =	vadd.f32 v17, v1;
	_ =	sdelay $0x1  }
0x121: {  	v18 =	vld [tilespmem:s21+$0x1C30];
	[tilespmem:s21+$0x5C20] =	vst v1  }
0x122: {  	v19 =	vld [tilespmem:$0x9A70]  }
0x123: {  	v20 =	vld [tilespmem:$0x19B0];
	_ =	sdelay $0x4  }
0x124: {  	v1 =	vadd.f32 v19, v18;
	v21 =	vmul.f32 v20, v8;
	_ =	sdelay $0x1  }
0x125: {  	v1 =	vadd.f32 v21, v1;
	_ =	sdelay $0x1  }
0x126: {  	v22 =	vld [tilespmem:s21+$0x1C40];
	[tilespmem:s21+$0x5C30] =	vst v1  }
0x127: {  	v23 =	vld [tilespmem:$0x9A40]  }
0x128: {  	v24 =	vld [tilespmem:$0x1980];
	_ =	sdelay $0x2  }
0x129: {  	v25 =	vbroadcast v0, $0xA;
	_ =	sdelay $0x1  }
0x12a: {  	v1 =	vadd.f32 v23, v22;
	v26 =	vmul.f32 v24, v25;
	_ =	sdelay $0x1  }
0x12b: {  	v1 =	vadd.f32 v26, v1;
	_ =	sdelay $0x1  }
0x12c: {  	v27 =	vld [tilespmem:s21+$0x1C50];
	[tilespmem:s21+$0x5C40] =	vst v1  }
0x12d: {  	v28 =	vld [tilespmem:$0x9A50]  }
0x12e: {  	v29 =	vld [tilespmem:$0x1990];
	_ =	sdelay $0x4  }
0x12f: {  	v1 =	vadd.f32 v28, v27;
	v30 =	vmul.f32 v29, v25;
	_ =	sdelay $0x1  }
0x130: {  	v1 =	vadd.f32 v30, v1;
	_ =	sdelay $0x1  }
0x131: {  	v31 =	vld [tilespmem:s21+$0x1C60];
	[tilespmem:s21+$0x5C50] =	vst v1  }
0x132: {  	v32 =	vld [tilespmem:$0x9A60]  }
0x133: {  	v33 =	vld [tilespmem:$0x19A0];
	_ =	sdelay $0x4  }
0x134: {  	v1 =	vadd.f32 v32, v31;
	v34 =	vmul.f32 v33, v25;
	_ =	sdelay $0x1  }
0x135: {  	v1 =	vadd.f32 v34, v1;
	_ =	sdelay $0x1  }
0x136: {  	v35 =	vld [tilespmem:s21+$0x1C70];
	[tilespmem:s21+$0x5C60] =	vst v1  }
0x137: {  	v36 =	vld [tilespmem:$0x9A70]  }
0x138: {  	v37 =	vld [tilespmem:$0x19B0];
	_ =	sdelay $0x4  }
0x139: {  	v1 =	vadd.f32 v36, v35;
	v38 =	vmul.f32 v37, v25;
	_ =	sdelay $0x1  }
0x13a: {  	v1 =	vadd.f32 v38, v1;
	_ =	sdelay $0x1  }
0x13b: {  	v39 =	vld [tilespmem:s21+$0x1C80];
	[tilespmem:s21+$0x5C70] =	vst v1  }
0x13c: {  	v40 =	vld [tilespmem:$0x9A40]  }
0x13d: {  	v41 =	vld [tilespmem:$0x1980];
	_ =	sdelay $0x2  }
0x13e: {  	v42 =	vbroadcast v0, $0xB;
	_ =	sdelay $0x1  }
0x13f: {  	v1 =	vadd.f32 v40, v39;
	v43 =	vmul.f32 v41, v42;
	_ =	sdelay $0x1  }
0x140: {  	v1 =	vadd.f32 v43, v1;
	_ =	sdelay $0x1  }
0x141: {  	v44 =	vld [tilespmem:s21+$0x1C90];
	[tilespmem:s21+$0x5C80] =	vst v1  }
0x142: {  	v45 =	vld [tilespmem:$0x9A50]  }
0x143: {  	v46 =	vld [tilespmem:$0x1990];
	_ =	sdelay $0x4  }
0x144: {  	v1 =	vadd.f32 v45, v44;
	v47 =	vmul.f32 v46, v42;
	_ =	sdelay $0x1  }
0x145: {  	v1 =	vadd.f32 v47, v1;
	_ =	sdelay $0x1  }
0x146: {  	v48 =	vld [tilespmem:s21+$0x1CA0];
	[tilespmem:s21+$0x5C90] =	vst v1  }
0x147: {  	v49 =	vld [tilespmem:$0x9A60]  }
0x148: {  	v50 =	vld [tilespmem:$0x19A0];
	_ =	sdelay $0x4  }
0x149: {  	v1 =	vadd.f32 v49, v48;
	v51 =	vmul.f32 v50, v42;
	_ =	sdelay $0x1  }
0x14a: {  	v1 =	vadd.f32 v51, v1;
	_ =	sdelay $0x1  }
0x14b: {  	v52 =	vld [tilespmem:s21+$0x1CB0];
	[tilespmem:s21+$0x5CA0] =	vst v1  }
0x14c: {  	v53 =	vld [tilespmem:$0x9A70]  }
0x14d: {  	v54 =	vld [tilespmem:$0x19B0];
	_ =	sdelay $0x4  }
0x14e: {  	v1 =	vadd.f32 v53, v52;
	v55 =	vmul.f32 v54, v42;
	_ =	sdelay $0x1  }
0x14f: {  	v1 =	vadd.f32 v55, v1;
	_ =	sdelay $0x1  }
0x150: {  	v56 =	vld [tilespmem:s21+$0x1CC0];
	[tilespmem:s21+$0x5CB0] =	vst v1  }
0x151: {  	v57 =	vld [tilespmem:$0x9A40]  }
0x152: {  	v58 =	vld [tilespmem:$0x1980];
	_ =	sdelay $0x2  }
0x153: {  	v59 =	vbroadcast v0, $0xC;
	_ =	sdelay $0x1  }
0x154: {  	v1 =	vadd.f32 v57, v56;
	v60 =	vmul.f32 v58, v59;
	_ =	sdelay $0x1  }
0x155: {  	v1 =	vadd.f32 v60, v1;
	_ =	sdelay $0x1  }
0x156: {  	v61 =	vld [tilespmem:s21+$0x1CD0];
	[tilespmem:s21+$0x5CC0] =	vst v1  }
0x157: {  	v62 =	vld [tilespmem:$0x9A50]  }
0x158: {  	v63 =	vld [tilespmem:$0x1990];
	_ =	sdelay $0x4  }
0x159: {  	v1 =	vadd.f32 v62, v61;
	v6 =	vmul.f32 v63, v59;
	_ =	sdelay $0x1  }
0x15a: {  	v1 =	vadd.f32 v6, v1;
	_ =	sdelay $0x1  }
0x15b: {  	v7 =	vld [tilespmem:s21+$0x1CE0];
	[tilespmem:s21+$0x5CD0] =	vst v1  }
0x15c: {  	v8 =	vld [tilespmem:$0x9A60]  }
0x15d: {  	v9 =	vld [tilespmem:$0x19A0];
	_ =	sdelay $0x4  }
0x15e: {  	v1 =	vadd.f32 v8, v7;
	v10 =	vmul.f32 v9, v59;
	_ =	sdelay $0x1  }
0x15f: {  	v1 =	vadd.f32 v10, v1;
	_ =	sdelay $0x1  }
0x160: {  	v11 =	vld [tilespmem:s21+$0x1CF0];
	[tilespmem:s21+$0x5CE0] =	vst v1  }
0x161: {  	v12 =	vld [tilespmem:$0x9A70]  }
0x162: {  	v13 =	vld [tilespmem:$0x19B0];
	_ =	sdelay $0x4  }
0x163: {  	v1 =	vadd.f32 v12, v11;
	v14 =	vmul.f32 v13, v59;
	_ =	sdelay $0x1  }
0x164: {  	v1 =	vadd.f32 v14, v1;
	_ =	sdelay $0x1  }
0x165: {  	v15 =	vld [tilespmem:s21+$0x1D00];
	[tilespmem:s21+$0x5CF0] =	vst v1  }
0x166: {  	v16 =	vld [tilespmem:$0x9A40]  }
0x167: {  	v17 =	vld [tilespmem:$0x1980];
	_ =	sdelay $0x2  }
0x168: {  	v18 =	vbroadcast v0, $0xD;
	_ =	sdelay $0x1  }
0x169: {  	v1 =	vadd.f32 v16, v15;
	v19 =	vmul.f32 v17, v18;
	_ =	sdelay $0x1  }
0x16a: {  	v1 =	vadd.f32 v19, v1;
	_ =	sdelay $0x1  }
0x16b: {  	v20 =	vld [tilespmem:s21+$0x1D10];
	[tilespmem:s21+$0x5D00] =	vst v1  }
0x16c: {  	v21 =	vld [tilespmem:$0x9A50]  }
0x16d: {  	v22 =	vld [tilespmem:$0x1990];
	_ =	sdelay $0x4  }
0x16e: {  	v1 =	vadd.f32 v21, v20;
	v23 =	vmul.f32 v22, v18;
	_ =	sdelay $0x1  }
0x16f: {  	v1 =	vadd.f32 v23, v1;
	_ =	sdelay $0x1  }
0x170: {  	v24 =	vld [tilespmem:s21+$0x1D20];
	[tilespmem:s21+$0x5D10] =	vst v1  }
0x171: {  	v25 =	vld [tilespmem:$0x9A60]  }
0x172: {  	v26 =	vld [tilespmem:$0x19A0];
	_ =	sdelay $0x4  }
0x173: {  	v1 =	vadd.f32 v25, v24;
	v27 =	vmul.f32 v26, v18;
	_ =	sdelay $0x1  }
0x174: {  	v1 =	vadd.f32 v27, v1;
	_ =	sdelay $0x1  }
0x175: {  	v28 =	vld [tilespmem:s21+$0x1D30];
	[tilespmem:s21+$0x5D20] =	vst v1  }
0x176: {  	v29 =	vld [tilespmem:$0x9A70]  }
0x177: {  	v30 =	vld [tilespmem:$0x19B0];
	_ =	sdelay $0x4  }
0x178: {  	v1 =	vadd.f32 v29, v28;
	v31 =	vmul.f32 v30, v18;
	_ =	sdelay $0x1  }
0x179: {  	v1 =	vadd.f32 v31, v1;
	_ =	sdelay $0x1  }
0x17a: {  	v32 =	vld [tilespmem:s21+$0x1D40];
	[tilespmem:s21+$0x5D30] =	vst v1  }
0x17b: {  	v33 =	vld [tilespmem:$0x9A40]  }
0x17c: {  	v34 =	vld [tilespmem:$0x1980];
	_ =	sdelay $0x2  }
0x17d: {  	v35 =	vbroadcast v0, $0xE;
	_ =	sdelay $0x1  }
0x17e: {  	v1 =	vadd.f32 v33, v32;
	v36 =	vmul.f32 v34, v35;
	_ =	sdelay $0x1  }
0x17f: {  	v1 =	vadd.f32 v36, v1;
	_ =	sdelay $0x1  }
0x180: {  	v37 =	vld [tilespmem:s21+$0x1D50];
	[tilespmem:s21+$0x5D40] =	vst v1  }
0x181: {  	v38 =	vld [tilespmem:$0x9A50]  }
0x182: {  	v39 =	vld [tilespmem:$0x1990];
	_ =	sdelay $0x4  }
0x183: {  	v1 =	vadd.f32 v38, v37;
	v40 =	vmul.f32 v39, v35;
	_ =	sdelay $0x1  }
0x184: {  	v1 =	vadd.f32 v40, v1;
	_ =	sdelay $0x1  }
0x185: {  	v41 =	vld [tilespmem:s21+$0x1D60];
	[tilespmem:s21+$0x5D50] =	vst v1  }
0x186: {  	v42 =	vld [tilespmem:$0x9A60]  }
0x187: {  	v43 =	vld [tilespmem:$0x19A0];
	_ =	sdelay $0x4  }
0x188: {  	v1 =	vadd.f32 v42, v41;
	v44 =	vmul.f32 v43, v35;
	_ =	sdelay $0x1  }
0x189: {  	v1 =	vadd.f32 v44, v1;
	_ =	sdelay $0x1  }
0x18a: {  	v45 =	vld [tilespmem:s21+$0x1D70];
	[tilespmem:s21+$0x5D60] =	vst v1  }
0x18b: {  	v46 =	vld [tilespmem:$0x9A70]  }
0x18c: {  	v47 =	vld [tilespmem:$0x19B0];
	_ =	sdelay $0x4  }
0x18d: {  	v1 =	vadd.f32 v46, v45;
	v48 =	vmul.f32 v47, v35;
	_ =	sdelay $0x1  }
0x18e: {  	v1 =	vadd.f32 v48, v1;
	_ =	sdelay $0x1  }
0x18f: {  	v49 =	vld [tilespmem:s21+$0x1D80];
	[tilespmem:s21+$0x5D70] =	vst v1  }
0x190: {  	v50 =	vld [tilespmem:$0x9A40]  }
0x191: {  	v51 =	vld [tilespmem:$0x1980];
	_ =	sdelay $0x2  }
0x192: {  	v0 =	vbroadcast v0, $0xF;
	_ =	sdelay $0x1  }
0x193: {  	v1 =	vadd.f32 v50, v49;
	v52 =	vmul.f32 v51, v0;
	_ =	sdelay $0x1  }
0x194: {  	v1 =	vadd.f32 v52, v1;
	_ =	sdelay $0x1  }
0x195: {  	v53 =	vld [tilespmem:s21+$0x1D90];
	[tilespmem:s21+$0x5D80] =	vst v1  }
0x196: {  	v54 =	vld [tilespmem:$0x9A50]  }
0x197: {  	v55 =	vld [tilespmem:$0x1990];
	_ =	sdelay $0x4  }
0x198: {  	v1 =	vadd.f32 v54, v53;
	v56 =	vmul.f32 v55, v0;
	_ =	sdelay $0x1  }
0x199: {  	v1 =	vadd.f32 v56, v1;
	_ =	sdelay $0x1  }
0x19a: {  	v57 =	vld [tilespmem:s21+$0x1DA0];
	[tilespmem:s21+$0x5D90] =	vst v1  }
0x19b: {  	v58 =	vld [tilespmem:$0x9A60]  }
0x19c: {  	v59 =	vld [tilespmem:$0x19A0];
	_ =	sdelay $0x4  }
0x19d: {  	v1 =	vadd.f32 v58, v57;
	v60 =	vmul.f32 v59, v0;
	_ =	sdelay $0x1  }
0x19e: {  	v1 =	vadd.f32 v60, v1;
	_ =	sdelay $0x1  }
0x19f: {  	v61 =	vld [tilespmem:s21+$0x1DB0];
	[tilespmem:s21+$0x5DA0] =	vst v1  }
0x1a0: {  	v62 =	vld [tilespmem:$0x9A70]  }
0x1a1: {  	v63 =	vld [tilespmem:$0x19B0];
	_ =	sdelay $0x3  }
0x1a2: {  	p1 =	sne.s32 s19, $0x7000  }
.Ltmp2:
0x1a3: {  	v1 =	vadd.f32 v62, v61;
	v0 =	vmul.f32 v63, v0;
	(pc) =	sbr.rel @p1 .LBB2_3-.Ltmp2, $3  }
0x1a4: {  	_ = 	snop  }
0x1a5: {  	v0 =	vadd.f32 v0, v1;
	_ =	sdelay $0x1  }
0x1a6: {  	s20 =	sadd.s32 $0x10, s20;
	s19 =	sadd.s32 $0x1000, s19;
	[tilespmem:s21+$0x5DB0] =	vst v0  }
0x1a7: {  	s19 =	sshll.u32 s0, $0xE  }
0x1a8: {  	s19 =	sadd.s32 s13, s19  }
0x1a9: {  	s19 =	sshrl.u32 s19, $0x3  }
0x1aa: {  	p1 =	seq.s32 s0, $0x18;
	s19 =	sadd.s32 s2, s19  }
0x1ab: {  	[hbm4b:s19+s3] =	stream.linear.scatter [tilespmem:s26], [sflag:$0x3], $0x2000, $0x38;
	[tilespmem:$0x9BC0] =	vst v63  }
0x1ac: {  	s19 =	sadd.s32 @!p1 $0x100, s17  }
0x1ad: {  	s21 =	simm.s32 @!p1 $0x80;
	s7 =	simm.s32 @!p1 $0x19C0;
	s20 =	sadd.s32 @!p1 s4, s19  }
0x1ae: {  	[tilespmem:s7], [sflag:$0x1] =	stream.indirect.gather @!p1 [hbm4b:s6+s21], $0x40, s19, s21, $0xb8;
	[tilespmem:$0x9BC0] =	vst v63  }
0x1af: {  	s7 =	sshrl.u32 @!p1 s20, $0x7  }
0x1b0: {  	s7 =	sand.u32 @!p1 $0xFFFFF8, s7  }
0x1b1: {  	s19 =	simm.s32 @!p1 $0x0;
	s21 =	simm.s32 @!p1 $0x99C0;
	s7 =	sadd.s32 @!p1 s8, s7  }
0x1b2: {  	[tilespmem:s21], [sflag:$0x1] =	stream.linear.gather @!p1 [hbm4b:s7+s19], $0x40, $0x38;
	[tilespmem:$0x9BC0] =	vst v63  }
0x1b3: {  	s7 =	sshrl.u32 @!p1 s20, $0x3  }
0x1b4: {  	s20 =	simm.s32 @!p1 $0x9AC0;
	s7 =	sadd.s32 @!p1 s5, s7  }
0x1b5: {  	[tilespmem:s20], [sflag:$0x1] =	stream.linear.gather @!p1 [hbm4b:s7+s19], $0x80, $0x38;
	[tilespmem:$0x9BC0] =	vst v63  }
0x1b6: {  	_ =	swait.ge [sflag:s28], $0x2000  }
0x1b7: {  	[sflag:s28] =	ssyncset.done $0x0  }
0x1b8: {  	[sflag:s28] =	ssyncadd.s32 $0xFFFFE000  }
0x1b9: {  	_ =	swait.ge [sflag:s28], $0x40  }
0x1ba: {  	[sflag:s28] =	ssyncset.done $0x0  }
0x1bb: {  	[sflag:s28] =	ssyncadd.s32 $0xFFFFFFC0  }
0x1bc: {  	_ =	swait.ge [sflag:s28], $0x80  }
0x1bd: {  	[sflag:s28] =	ssyncset.done $0x0  }
0x1be: {  	s7 =	simm.s32 @!p0 $0x4;
	[sflag:s28] =	ssyncadd.s32 $0xFFFFFF80  }
0x1bf: {  	_ =	swait.ge @!p0 [sflag:s7], $0x2000  }
0x1c0: {  	[sflag:s7] =	ssyncset.done @!p0 $0x0  }
0x1c1: {  	[sflag:s7] =	ssyncadd.s32 @!p0 $0xFFFFE000  }
0x1c2: {  	v0 =	vld [tilespmem:$0x9A00]  }
0x1c3: {  	v1 =	vld [tilespmem:$0x1900]  }
0x1c4: {  	v2 =	vld [tilespmem:$0x9A10]  }
0x1c5: {  	v3 =	vld [tilespmem:$0x1910]  }
0x1c6: {  	v4 =	vld [tilespmem:$0x9A20]  }
0x1c7: {  	v5 =	vld [tilespmem:$0x1920]  }
0x1c8: {  	v6 =	vld [tilespmem:$0x9A30]  }
0x1c9: {  	v7 =	vld [tilespmem:$0x1930];
	_ =	sdelay $0x1  }
0x1ca: {  	v0 =	vadd.f32 v1, v0  }
0x1cb: {  	v61 =	vadd.f32 v3, v2  }
0x1cc: {  	v62 =	vadd.f32 v5, v4;
	[tilespmem:$0x9A80] =	vst v0  }
0x1cd: {  	v63 =	vadd.f32 v7, v6;
	[tilespmem:$0x9A90] =	vst v61  }
0x1ce: {  	[tilespmem:$0x9AA0] =	vst v62  }
0x1cf: {  	s19 =	simm.s32 $0x0;
	s20 =	simm.s32 $0x9B40;
	[tilespmem:$0x9AB0] =	vst v63  }
.LBB2_5:
0x1d0: {  	v0 =	vld [tilespmem:s20+$0x0];
	_ =	sdelay $0x1  }
0x1d1: {  	v2 =	vld [tilespmem:$0x9A80]  }
0x1d2: {  	s21 =	sshra.s32 s19, $0x2;
	v3 =	vld [tilespmem:$0x1980]  }
0x1d3: {  	v1 =	vld [tilespmem:s21+$0x39C0]  }
0x1d4: {  	v0 =	vcvt.s32.f32 v0;
	_ =	sdelay $0x1  }
0x1d5: {  	v4 =	vbroadcast v0, $0x0;
	_ =	sdelay $0x1  }
0x1d6: {  	v1 =	vadd.f32 v2, v1;
	v30 =	vmul.f32 v3, v4;
	_ =	sdelay $0x1  }
0x1d7: {  	v1 =	vadd.f32 v30, v1;
	_ =	sdelay $0x1  }
0x1d8: {  	v31 =	vld [tilespmem:s21+$0x39D0];
	[tilespmem:s21+$0x79C0] =	vst v1  }
0x1d9: {  	v32 =	vld [tilespmem:$0x9A90]  }
0x1da: {  	v33 =	vld [tilespmem:$0x1990];
	_ =	sdelay $0x4  }
0x1db: {  	v1 =	vadd.f32 v32, v31;
	v34 =	vmul.f32 v33, v4;
	_ =	sdelay $0x1  }
0x1dc: {  	v1 =	vadd.f32 v34, v1;
	_ =	sdelay $0x1  }
0x1dd: {  	v35 =	vld [tilespmem:s21+$0x39E0];
	[tilespmem:s21+$0x79D0] =	vst v1  }
0x1de: {  	v36 =	vld [tilespmem:$0x9AA0]  }
0x1df: {  	v37 =	vld [tilespmem:$0x19A0];
	_ =	sdelay $0x4  }
0x1e0: {  	v1 =	vadd.f32 v36, v35;
	v38 =	vmul.f32 v37, v4;
	_ =	sdelay $0x1  }
0x1e1: {  	v1 =	vadd.f32 v38, v1;
	_ =	sdelay $0x1  }
0x1e2: {  	v39 =	vld [tilespmem:s21+$0x39F0];
	[tilespmem:s21+$0x79E0] =	vst v1  }
0x1e3: {  	v40 =	vld [tilespmem:$0x9AB0]  }
0x1e4: {  	v41 =	vld [tilespmem:$0x19B0];
	_ =	sdelay $0x4  }
0x1e5: {  	v1 =	vadd.f32 v40, v39;
	v42 =	vmul.f32 v41, v4;
	_ =	sdelay $0x1  }
0x1e6: {  	v1 =	vadd.f32 v42, v1;
	_ =	sdelay $0x1  }
0x1e7: {  	v43 =	vld [tilespmem:s21+$0x3A00];
	[tilespmem:s21+$0x79F0] =	vst v1  }
0x1e8: {  	v44 =	vld [tilespmem:$0x9A80]  }
0x1e9: {  	v45 =	vld [tilespmem:$0x1980];
	_ =	sdelay $0x2  }
0x1ea: {  	v46 =	vbroadcast v0, $0x1;
	_ =	sdelay $0x1  }
0x1eb: {  	v1 =	vadd.f32 v44, v43;
	v47 =	vmul.f32 v45, v46;
	_ =	sdelay $0x1  }
0x1ec: {  	v1 =	vadd.f32 v47, v1;
	_ =	sdelay $0x1  }
0x1ed: {  	v48 =	vld [tilespmem:s21+$0x3A10];
	[tilespmem:s21+$0x7A00] =	vst v1  }
0x1ee: {  	v49 =	vld [tilespmem:$0x9A90]  }
0x1ef: {  	v50 =	vld [tilespmem:$0x1990];
	_ =	sdelay $0x4  }
0x1f0: {  	v1 =	vadd.f32 v49, v48;
	v51 =	vmul.f32 v50, v46;
	_ =	sdelay $0x1  }
0x1f1: {  	v1 =	vadd.f32 v51, v1;
	_ =	sdelay $0x1  }
0x1f2: {  	v52 =	vld [tilespmem:s21+$0x3A20];
	[tilespmem:s21+$0x7A10] =	vst v1  }
0x1f3: {  	v53 =	vld [tilespmem:$0x9AA0]  }
0x1f4: {  	v54 =	vld [tilespmem:$0x19A0];
	_ =	sdelay $0x4  }
0x1f5: {  	v1 =	vadd.f32 v53, v52;
	v55 =	vmul.f32 v54, v46;
	_ =	sdelay $0x1  }
0x1f6: {  	v1 =	vadd.f32 v55, v1;
	_ =	sdelay $0x1  }
0x1f7: {  	v56 =	vld [tilespmem:s21+$0x3A30];
	[tilespmem:s21+$0x7A20] =	vst v1  }
0x1f8: {  	v57 =	vld [tilespmem:$0x9AB0]  }
0x1f9: {  	v58 =	vld [tilespmem:$0x19B0];
	_ =	sdelay $0x4  }
0x1fa: {  	v1 =	vadd.f32 v57, v56;
	v59 =	vmul.f32 v58, v46;
	_ =	sdelay $0x1  }
0x1fb: {  	v1 =	vadd.f32 v59, v1;
	_ =	sdelay $0x1  }
0x1fc: {  	v60 =	vld [tilespmem:s21+$0x3A40];
	[tilespmem:s21+$0x7A30] =	vst v1  }
0x1fd: {  	v61 =	vld [tilespmem:$0x9A80]  }
0x1fe: {  	v62 =	vld [tilespmem:$0x1980];
	_ =	sdelay $0x2  }
0x1ff: {  	v63 =	vbroadcast v0, $0x2;
	_ =	sdelay $0x1  }
0x200: {  	v1 =	vadd.f32 v61, v60;
	v5 =	vmul.f32 v62, v63;
	_ =	sdelay $0x1  }
0x201: {  	v1 =	vadd.f32 v5, v1;
	_ =	sdelay $0x1  }
0x202: {  	v6 =	vld [tilespmem:s21+$0x3A50];
	[tilespmem:s21+$0x7A40] =	vst v1  }
0x203: {  	v7 =	vld [tilespmem:$0x9A90]  }
0x204: {  	v8 =	vld [tilespmem:$0x1990];
	_ =	sdelay $0x4  }
0x205: {  	v1 =	vadd.f32 v7, v6;
	v9 =	vmul.f32 v8, v63;
	_ =	sdelay $0x1  }
0x206: {  	v1 =	vadd.f32 v9, v1;
	_ =	sdelay $0x1  }
0x207: {  	v10 =	vld [tilespmem:s21+$0x3A60];
	[tilespmem:s21+$0x7A50] =	vst v1  }
0x208: {  	v11 =	vld [tilespmem:$0x9AA0]  }
0x209: {  	v12 =	vld [tilespmem:$0x19A0];
	_ =	sdelay $0x4  }
0x20a: {  	v1 =	vadd.f32 v11, v10;
	v13 =	vmul.f32 v12, v63;
	_ =	sdelay $0x1  }
0x20b: {  	v1 =	vadd.f32 v13, v1;
	_ =	sdelay $0x1  }
0x20c: {  	v14 =	vld [tilespmem:s21+$0x3A70];
	[tilespmem:s21+$0x7A60] =	vst v1  }
0x20d: {  	v15 =	vld [tilespmem:$0x9AB0]  }
0x20e: {  	v16 =	vld [tilespmem:$0x19B0];
	_ =	sdelay $0x4  }
0x20f: {  	v1 =	vadd.f32 v15, v14;
	v17 =	vmul.f32 v16, v63;
	_ =	sdelay $0x1  }
0x210: {  	v1 =	vadd.f32 v17, v1;
	_ =	sdelay $0x1  }
0x211: {  	v18 =	vld [tilespmem:s21+$0x3A80];
	[tilespmem:s21+$0x7A70] =	vst v1  }
0x212: {  	v19 =	vld [tilespmem:$0x9A80]  }
0x213: {  	v20 =	vld [tilespmem:$0x1980];
	_ =	sdelay $0x2  }
0x214: {  	v21 =	vbroadcast v0, $0x3;
	_ =	sdelay $0x1  }
0x215: {  	v1 =	vadd.f32 v19, v18;
	v22 =	vmul.f32 v20, v21;
	_ =	sdelay $0x1  }
0x216: {  	v1 =	vadd.f32 v22, v1;
	_ =	sdelay $0x1  }
0x217: {  	v23 =	vld [tilespmem:s21+$0x3A90];
	[tilespmem:s21+$0x7A80] =	vst v1  }
0x218: {  	v24 =	vld [tilespmem:$0x9A90]  }
0x219: {  	v25 =	vld [tilespmem:$0x1990];
	_ =	sdelay $0x4  }
0x21a: {  	v1 =	vadd.f32 v24, v23;
	v26 =	vmul.f32 v25, v21;
	_ =	sdelay $0x1  }
0x21b: {  	v1 =	vadd.f32 v26, v1;
	_ =	sdelay $0x1  }
0x21c: {  	v27 =	vld [tilespmem:s21+$0x3AA0];
	[tilespmem:s21+$0x7A90] =	vst v1  }
0x21d: {  	v28 =	vld [tilespmem:$0x9AA0]  }
0x21e: {  	v29 =	vld [tilespmem:$0x19A0];
	_ =	sdelay $0x4  }
0x21f: {  	v1 =	vadd.f32 v28, v27;
	v30 =	vmul.f32 v29, v21;
	_ =	sdelay $0x1  }
0x220: {  	v1 =	vadd.f32 v30, v1;
	_ =	sdelay $0x1  }
0x221: {  	v31 =	vld [tilespmem:s21+$0x3AB0];
	[tilespmem:s21+$0x7AA0] =	vst v1  }
0x222: {  	v32 =	vld [tilespmem:$0x9AB0]  }
0x223: {  	v33 =	vld [tilespmem:$0x19B0];
	_ =	sdelay $0x4  }
0x224: {  	v1 =	vadd.f32 v32, v31;
	v34 =	vmul.f32 v33, v21;
	_ =	sdelay $0x1  }
0x225: {  	v1 =	vadd.f32 v34, v1;
	_ =	sdelay $0x1  }
0x226: {  	v35 =	vld [tilespmem:s21+$0x3AC0];
	[tilespmem:s21+$0x7AB0] =	vst v1  }
0x227: {  	v36 =	vld [tilespmem:$0x9A80]  }
0x228: {  	v37 =	vld [tilespmem:$0x1980];
	_ =	sdelay $0x2  }
0x229: {  	v38 =	vbroadcast v0, $0x4;
	_ =	sdelay $0x1  }
0x22a: {  	v1 =	vadd.f32 v36, v35;
	v39 =	vmul.f32 v37, v38;
	_ =	sdelay $0x1  }
0x22b: {  	v1 =	vadd.f32 v39, v1;
	_ =	sdelay $0x1  }
0x22c: {  	v40 =	vld [tilespmem:s21+$0x3AD0];
	[tilespmem:s21+$0x7AC0] =	vst v1  }
0x22d: {  	v41 =	vld [tilespmem:$0x9A90]  }
0x22e: {  	v42 =	vld [tilespmem:$0x1990];
	_ =	sdelay $0x4  }
0x22f: {  	v1 =	vadd.f32 v41, v40;
	v43 =	vmul.f32 v42, v38;
	_ =	sdelay $0x1  }
0x230: {  	v1 =	vadd.f32 v43, v1;
	_ =	sdelay $0x1  }
0x231: {  	v44 =	vld [tilespmem:s21+$0x3AE0];
	[tilespmem:s21+$0x7AD0] =	vst v1  }
0x232: {  	v45 =	vld [tilespmem:$0x9AA0]  }
0x233: {  	v46 =	vld [tilespmem:$0x19A0];
	_ =	sdelay $0x4  }
0x234: {  	v1 =	vadd.f32 v45, v44;
	v47 =	vmul.f32 v46, v38;
	_ =	sdelay $0x1  }
0x235: {  	v1 =	vadd.f32 v47, v1;
	_ =	sdelay $0x1  }
0x236: {  	v48 =	vld [tilespmem:s21+$0x3AF0];
	[tilespmem:s21+$0x7AE0] =	vst v1  }
0x237: {  	v49 =	vld [tilespmem:$0x9AB0]  }
0x238: {  	v50 =	vld [tilespmem:$0x19B0];
	_ =	sdelay $0x4  }
0x239: {  	v1 =	vadd.f32 v49, v48;
	v51 =	vmul.f32 v50, v38;
	_ =	sdelay $0x1  }
0x23a: {  	v1 =	vadd.f32 v51, v1;
	_ =	sdelay $0x1  }
0x23b: {  	v52 =	vld [tilespmem:s21+$0x3B00];
	[tilespmem:s21+$0x7AF0] =	vst v1  }
0x23c: {  	v53 =	vld [tilespmem:$0x9A80]  }
0x23d: {  	v54 =	vld [tilespmem:$0x1980];
	_ =	sdelay $0x2  }
0x23e: {  	v55 =	vbroadcast v0, $0x5;
	_ =	sdelay $0x1  }
0x23f: {  	v1 =	vadd.f32 v53, v52;
	v56 =	vmul.f32 v54, v55;
	_ =	sdelay $0x1  }
0x240: {  	v1 =	vadd.f32 v56, v1;
	_ =	sdelay $0x1  }
0x241: {  	v57 =	vld [tilespmem:s21+$0x3B10];
	[tilespmem:s21+$0x7B00] =	vst v1  }
0x242: {  	v58 =	vld [tilespmem:$0x9A90]  }
0x243: {  	v59 =	vld [tilespmem:$0x1990];
	_ =	sdelay $0x4  }
0x244: {  	v1 =	vadd.f32 v58, v57;
	v60 =	vmul.f32 v59, v55;
	_ =	sdelay $0x1  }
0x245: {  	v1 =	vadd.f32 v60, v1;
	_ =	sdelay $0x1  }
0x246: {  	v61 =	vld [tilespmem:s21+$0x3B20];
	[tilespmem:s21+$0x7B10] =	vst v1  }
0x247: {  	v62 =	vld [tilespmem:$0x9AA0]  }
0x248: {  	v63 =	vld [tilespmem:$0x19A0];
	_ =	sdelay $0x4  }
0x249: {  	v1 =	vadd.f32 v62, v61;
	v5 =	vmul.f32 v63, v55;
	_ =	sdelay $0x1  }
0x24a: {  	v1 =	vadd.f32 v5, v1;
	_ =	sdelay $0x1  }
0x24b: {  	v6 =	vld [tilespmem:s21+$0x3B30];
	[tilespmem:s21+$0x7B20] =	vst v1  }
0x24c: {  	v7 =	vld [tilespmem:$0x9AB0]  }
0x24d: {  	v8 =	vld [tilespmem:$0x19B0];
	_ =	sdelay $0x4  }
0x24e: {  	v1 =	vadd.f32 v7, v6;
	v9 =	vmul.f32 v8, v55;
	_ =	sdelay $0x1  }
0x24f: {  	v1 =	vadd.f32 v9, v1;
	_ =	sdelay $0x1  }
0x250: {  	v10 =	vld [tilespmem:s21+$0x3B40];
	[tilespmem:s21+$0x7B30] =	vst v1  }
0x251: {  	v11 =	vld [tilespmem:$0x9A80]  }
0x252: {  	v12 =	vld [tilespmem:$0x1980];
	_ =	sdelay $0x2  }
0x253: {  	v13 =	vbroadcast v0, $0x6;
	_ =	sdelay $0x1  }
0x254: {  	v1 =	vadd.f32 v11, v10;
	v14 =	vmul.f32 v12, v13;
	_ =	sdelay $0x1  }
0x255: {  	v1 =	vadd.f32 v14, v1;
	_ =	sdelay $0x1  }
0x256: {  	v15 =	vld [tilespmem:s21+$0x3B50];
	[tilespmem:s21+$0x7B40] =	vst v1  }
0x257: {  	v16 =	vld [tilespmem:$0x9A90]  }
0x258: {  	v17 =	vld [tilespmem:$0x1990];
	_ =	sdelay $0x4  }
0x259: {  	v1 =	vadd.f32 v16, v15;
	v18 =	vmul.f32 v17, v13;
	_ =	sdelay $0x1  }
0x25a: {  	v1 =	vadd.f32 v18, v1;
	_ =	sdelay $0x1  }
0x25b: {  	v19 =	vld [tilespmem:s21+$0x3B60];
	[tilespmem:s21+$0x7B50] =	vst v1  }
0x25c: {  	v20 =	vld [tilespmem:$0x9AA0]  }
0x25d: {  	v21 =	vld [tilespmem:$0x19A0];
	_ =	sdelay $0x4  }
0x25e: {  	v1 =	vadd.f32 v20, v19;
	v22 =	vmul.f32 v21, v13;
	_ =	sdelay $0x1  }
0x25f: {  	v1 =	vadd.f32 v22, v1;
	_ =	sdelay $0x1  }
0x260: {  	v23 =	vld [tilespmem:s21+$0x3B70];
	[tilespmem:s21+$0x7B60] =	vst v1  }
0x261: {  	v24 =	vld [tilespmem:$0x9AB0]  }
0x262: {  	v25 =	vld [tilespmem:$0x19B0];
	_ =	sdelay $0x4  }
0x263: {  	v1 =	vadd.f32 v24, v23;
	v26 =	vmul.f32 v25, v13;
	_ =	sdelay $0x1  }
0x264: {  	v1 =	vadd.f32 v26, v1;
	_ =	sdelay $0x1  }
0x265: {  	v27 =	vld [tilespmem:s21+$0x3B80];
	[tilespmem:s21+$0x7B70] =	vst v1  }
0x266: {  	v28 =	vld [tilespmem:$0x9A80]  }
0x267: {  	v29 =	vld [tilespmem:$0x1980];
	_ =	sdelay $0x2  }
0x268: {  	v30 =	vbroadcast v0, $0x7;
	_ =	sdelay $0x1  }
0x269: {  	v1 =	vadd.f32 v28, v27;
	v31 =	vmul.f32 v29, v30;
	_ =	sdelay $0x1  }
0x26a: {  	v1 =	vadd.f32 v31, v1;
	_ =	sdelay $0x1  }
0x26b: {  	v32 =	vld [tilespmem:s21+$0x3B90];
	[tilespmem:s21+$0x7B80] =	vst v1  }
0x26c: {  	v33 =	vld [tilespmem:$0x9A90]  }
0x26d: {  	v34 =	vld [tilespmem:$0x1990];
	_ =	sdelay $0x4  }
0x26e: {  	v1 =	vadd.f32 v33, v32;
	v35 =	vmul.f32 v34, v30;
	_ =	sdelay $0x1  }
0x26f: {  	v1 =	vadd.f32 v35, v1;
	_ =	sdelay $0x1  }
0x270: {  	v36 =	vld [tilespmem:s21+$0x3BA0];
	[tilespmem:s21+$0x7B90] =	vst v1  }
0x271: {  	v37 =	vld [tilespmem:$0x9AA0]  }
0x272: {  	v38 =	vld [tilespmem:$0x19A0];
	_ =	sdelay $0x4  }
0x273: {  	v1 =	vadd.f32 v37, v36;
	v39 =	vmul.f32 v38, v30;
	_ =	sdelay $0x1  }
0x274: {  	v1 =	vadd.f32 v39, v1;
	_ =	sdelay $0x1  }
0x275: {  	v40 =	vld [tilespmem:s21+$0x3BB0];
	[tilespmem:s21+$0x7BA0] =	vst v1  }
0x276: {  	v41 =	vld [tilespmem:$0x9AB0]  }
0x277: {  	v42 =	vld [tilespmem:$0x19B0];
	_ =	sdelay $0x4  }
0x278: {  	v1 =	vadd.f32 v41, v40;
	v43 =	vmul.f32 v42, v30;
	_ =	sdelay $0x1  }
0x279: {  	v1 =	vadd.f32 v43, v1;
	_ =	sdelay $0x1  }
0x27a: {  	v44 =	vld [tilespmem:s21+$0x3BC0];
	[tilespmem:s21+$0x7BB0] =	vst v1  }
0x27b: {  	v45 =	vld [tilespmem:$0x9A80]  }
0x27c: {  	v46 =	vld [tilespmem:$0x1980];
	_ =	sdelay $0x2  }
0x27d: {  	v47 =	vbroadcast v0, $0x8;
	_ =	sdelay $0x1  }
0x27e: {  	v1 =	vadd.f32 v45, v44;
	v48 =	vmul.f32 v46, v47;
	_ =	sdelay $0x1  }
0x27f: {  	v1 =	vadd.f32 v48, v1;
	_ =	sdelay $0x1  }
0x280: {  	v49 =	vld [tilespmem:s21+$0x3BD0];
	[tilespmem:s21+$0x7BC0] =	vst v1  }
0x281: {  	v50 =	vld [tilespmem:$0x9A90]  }
0x282: {  	v51 =	vld [tilespmem:$0x1990];
	_ =	sdelay $0x4  }
0x283: {  	v1 =	vadd.f32 v50, v49;
	v52 =	vmul.f32 v51, v47;
	_ =	sdelay $0x1  }
0x284: {  	v1 =	vadd.f32 v52, v1;
	_ =	sdelay $0x1  }
0x285: {  	v53 =	vld [tilespmem:s21+$0x3BE0];
	[tilespmem:s21+$0x7BD0] =	vst v1  }
0x286: {  	v54 =	vld [tilespmem:$0x9AA0]  }
0x287: {  	v55 =	vld [tilespmem:$0x19A0];
	_ =	sdelay $0x4  }
0x288: {  	v1 =	vadd.f32 v54, v53;
	v56 =	vmul.f32 v55, v47;
	_ =	sdelay $0x1  }
0x289: {  	v1 =	vadd.f32 v56, v1;
	_ =	sdelay $0x1  }
0x28a: {  	v57 =	vld [tilespmem:s21+$0x3BF0];
	[tilespmem:s21+$0x7BE0] =	vst v1  }
0x28b: {  	v58 =	vld [tilespmem:$0x9AB0]  }
0x28c: {  	v59 =	vld [tilespmem:$0x19B0];
	_ =	sdelay $0x4  }
0x28d: {  	v1 =	vadd.f32 v58, v57;
	v60 =	vmul.f32 v59, v47;
	_ =	sdelay $0x1  }
0x28e: {  	v1 =	vadd.f32 v60, v1;
	_ =	sdelay $0x1  }
0x28f: {  	v61 =	vld [tilespmem:s21+$0x3C00];
	[tilespmem:s21+$0x7BF0] =	vst v1  }
0x290: {  	v62 =	vld [tilespmem:$0x9A80]  }
0x291: {  	v63 =	vld [tilespmem:$0x1980];
	_ =	sdelay $0x2  }
0x292: {  	v8 =	vbroadcast v0, $0x9;
	_ =	sdelay $0x1  }
0x293: {  	v1 =	vadd.f32 v62, v61;
	v9 =	vmul.f32 v63, v8;
	_ =	sdelay $0x1  }
0x294: {  	v1 =	vadd.f32 v9, v1;
	_ =	sdelay $0x1  }
0x295: {  	v10 =	vld [tilespmem:s21+$0x3C10];
	[tilespmem:s21+$0x7C00] =	vst v1  }
0x296: {  	v11 =	vld [tilespmem:$0x9A90]  }
0x297: {  	v12 =	vld [tilespmem:$0x1990];
	_ =	sdelay $0x4  }
0x298: {  	v1 =	vadd.f32 v11, v10;
	v13 =	vmul.f32 v12, v8;
	_ =	sdelay $0x1  }
0x299: {  	v1 =	vadd.f32 v13, v1;
	_ =	sdelay $0x1  }
0x29a: {  	v14 =	vld [tilespmem:s21+$0x3C20];
	[tilespmem:s21+$0x7C10] =	vst v1  }
0x29b: {  	v15 =	vld [tilespmem:$0x9AA0]  }
0x29c: {  	v16 =	vld [tilespmem:$0x19A0];
	_ =	sdelay $0x4  }
0x29d: {  	v1 =	vadd.f32 v15, v14;
	v17 =	vmul.f32 v16, v8;
	_ =	sdelay $0x1  }
0x29e: {  	v1 =	vadd.f32 v17, v1;
	_ =	sdelay $0x1  }
0x29f: {  	v18 =	vld [tilespmem:s21+$0x3C30];
	[tilespmem:s21+$0x7C20] =	vst v1  }
0x2a0: {  	v19 =	vld [tilespmem:$0x9AB0]  }
0x2a1: {  	v20 =	vld [tilespmem:$0x19B0];
	_ =	sdelay $0x4  }
0x2a2: {  	v1 =	vadd.f32 v19, v18;
	v21 =	vmul.f32 v20, v8;
	_ =	sdelay $0x1  }
0x2a3: {  	v1 =	vadd.f32 v21, v1;
	_ =	sdelay $0x1  }
0x2a4: {  	v22 =	vld [tilespmem:s21+$0x3C40];
	[tilespmem:s21+$0x7C30] =	vst v1  }
0x2a5: {  	v23 =	vld [tilespmem:$0x9A80]  }
0x2a6: {  	v24 =	vld [tilespmem:$0x1980];
	_ =	sdelay $0x2  }
0x2a7: {  	v25 =	vbroadcast v0, $0xA;
	_ =	sdelay $0x1  }
0x2a8: {  	v1 =	vadd.f32 v23, v22;
	v26 =	vmul.f32 v24, v25;
	_ =	sdelay $0x1  }
0x2a9: {  	v1 =	vadd.f32 v26, v1;
	_ =	sdelay $0x1  }
0x2aa: {  	v27 =	vld [tilespmem:s21+$0x3C50];
	[tilespmem:s21+$0x7C40] =	vst v1  }
0x2ab: {  	v28 =	vld [tilespmem:$0x9A90]  }
0x2ac: {  	v29 =	vld [tilespmem:$0x1990];
	_ =	sdelay $0x4  }
0x2ad: {  	v1 =	vadd.f32 v28, v27;
	v30 =	vmul.f32 v29, v25;
	_ =	sdelay $0x1  }
0x2ae: {  	v1 =	vadd.f32 v30, v1;
	_ =	sdelay $0x1  }
0x2af: {  	v31 =	vld [tilespmem:s21+$0x3C60];
	[tilespmem:s21+$0x7C50] =	vst v1  }
0x2b0: {  	v32 =	vld [tilespmem:$0x9AA0]  }
0x2b1: {  	v33 =	vld [tilespmem:$0x19A0];
	_ =	sdelay $0x4  }
0x2b2: {  	v1 =	vadd.f32 v32, v31;
	v34 =	vmul.f32 v33, v25;
	_ =	sdelay $0x1  }
0x2b3: {  	v1 =	vadd.f32 v34, v1;
	_ =	sdelay $0x1  }
0x2b4: {  	v35 =	vld [tilespmem:s21+$0x3C70];
	[tilespmem:s21+$0x7C60] =	vst v1  }
0x2b5: {  	v36 =	vld [tilespmem:$0x9AB0]  }
0x2b6: {  	v37 =	vld [tilespmem:$0x19B0];
	_ =	sdelay $0x4  }
0x2b7: {  	v1 =	vadd.f32 v36, v35;
	v38 =	vmul.f32 v37, v25;
	_ =	sdelay $0x1  }
0x2b8: {  	v1 =	vadd.f32 v38, v1;
	_ =	sdelay $0x1  }
0x2b9: {  	v39 =	vld [tilespmem:s21+$0x3C80];
	[tilespmem:s21+$0x7C70] =	vst v1  }
0x2ba: {  	v40 =	vld [tilespmem:$0x9A80]  }
0x2bb: {  	v41 =	vld [tilespmem:$0x1980];
	_ =	sdelay $0x2  }
0x2bc: {  	v42 =	vbroadcast v0, $0xB;
	_ =	sdelay $0x1  }
0x2bd: {  	v1 =	vadd.f32 v40, v39;
	v43 =	vmul.f32 v41, v42;
	_ =	sdelay $0x1  }
0x2be: {  	v1 =	vadd.f32 v43, v1;
	_ =	sdelay $0x1  }
0x2bf: {  	v44 =	vld [tilespmem:s21+$0x3C90];
	[tilespmem:s21+$0x7C80] =	vst v1  }
0x2c0: {  	v45 =	vld [tilespmem:$0x9A90]  }
0x2c1: {  	v46 =	vld [tilespmem:$0x1990];
	_ =	sdelay $0x4  }
0x2c2: {  	v1 =	vadd.f32 v45, v44;
	v47 =	vmul.f32 v46, v42;
	_ =	sdelay $0x1  }
0x2c3: {  	v1 =	vadd.f32 v47, v1;
	_ =	sdelay $0x1  }
0x2c4: {  	v48 =	vld [tilespmem:s21+$0x3CA0];
	[tilespmem:s21+$0x7C90] =	vst v1  }
0x2c5: {  	v49 =	vld [tilespmem:$0x9AA0]  }
0x2c6: {  	v50 =	vld [tilespmem:$0x19A0];
	_ =	sdelay $0x4  }
0x2c7: {  	v1 =	vadd.f32 v49, v48;
	v51 =	vmul.f32 v50, v42;
	_ =	sdelay $0x1  }
0x2c8: {  	v1 =	vadd.f32 v51, v1;
	_ =	sdelay $0x1  }
0x2c9: {  	v52 =	vld [tilespmem:s21+$0x3CB0];
	[tilespmem:s21+$0x7CA0] =	vst v1  }
0x2ca: {  	v53 =	vld [tilespmem:$0x9AB0]  }
0x2cb: {  	v54 =	vld [tilespmem:$0x19B0];
	_ =	sdelay $0x4  }
0x2cc: {  	v1 =	vadd.f32 v53, v52;
	v55 =	vmul.f32 v54, v42;
	_ =	sdelay $0x1  }
0x2cd: {  	v1 =	vadd.f32 v55, v1;
	_ =	sdelay $0x1  }
0x2ce: {  	v56 =	vld [tilespmem:s21+$0x3CC0];
	[tilespmem:s21+$0x7CB0] =	vst v1  }
0x2cf: {  	v57 =	vld [tilespmem:$0x9A80]  }
0x2d0: {  	v58 =	vld [tilespmem:$0x1980];
	_ =	sdelay $0x2  }
0x2d1: {  	v59 =	vbroadcast v0, $0xC;
	_ =	sdelay $0x1  }
0x2d2: {  	v1 =	vadd.f32 v57, v56;
	v60 =	vmul.f32 v58, v59;
	_ =	sdelay $0x1  }
0x2d3: {  	v1 =	vadd.f32 v60, v1;
	_ =	sdelay $0x1  }
0x2d4: {  	v61 =	vld [tilespmem:s21+$0x3CD0];
	[tilespmem:s21+$0x7CC0] =	vst v1  }
0x2d5: {  	v62 =	vld [tilespmem:$0x9A90]  }
0x2d6: {  	v63 =	vld [tilespmem:$0x1990];
	_ =	sdelay $0x4  }
0x2d7: {  	v1 =	vadd.f32 v62, v61;
	v6 =	vmul.f32 v63, v59;
	_ =	sdelay $0x1  }
0x2d8: {  	v1 =	vadd.f32 v6, v1;
	_ =	sdelay $0x1  }
0x2d9: {  	v7 =	vld [tilespmem:s21+$0x3CE0];
	[tilespmem:s21+$0x7CD0] =	vst v1  }
0x2da: {  	v8 =	vld [tilespmem:$0x9AA0]  }
0x2db: {  	v9 =	vld [tilespmem:$0x19A0];
	_ =	sdelay $0x4  }
0x2dc: {  	v1 =	vadd.f32 v8, v7;
	v10 =	vmul.f32 v9, v59;
	_ =	sdelay $0x1  }
0x2dd: {  	v1 =	vadd.f32 v10, v1;
	_ =	sdelay $0x1  }
0x2de: {  	v11 =	vld [tilespmem:s21+$0x3CF0];
	[tilespmem:s21+$0x7CE0] =	vst v1  }
0x2df: {  	v12 =	vld [tilespmem:$0x9AB0]  }
0x2e0: {  	v13 =	vld [tilespmem:$0x19B0];
	_ =	sdelay $0x4  }
0x2e1: {  	v1 =	vadd.f32 v12, v11;
	v14 =	vmul.f32 v13, v59;
	_ =	sdelay $0x1  }
0x2e2: {  	v1 =	vadd.f32 v14, v1;
	_ =	sdelay $0x1  }
0x2e3: {  	v15 =	vld [tilespmem:s21+$0x3D00];
	[tilespmem:s21+$0x7CF0] =	vst v1  }
0x2e4: {  	v16 =	vld [tilespmem:$0x9A80]  }
0x2e5: {  	v17 =	vld [tilespmem:$0x1980];
	_ =	sdelay $0x2  }
0x2e6: {  	v18 =	vbroadcast v0, $0xD;
	_ =	sdelay $0x1  }
0x2e7: {  	v1 =	vadd.f32 v16, v15;
	v19 =	vmul.f32 v17, v18;
	_ =	sdelay $0x1  }
0x2e8: {  	v1 =	vadd.f32 v19, v1;
	_ =	sdelay $0x1  }
0x2e9: {  	v20 =	vld [tilespmem:s21+$0x3D10];
	[tilespmem:s21+$0x7D00] =	vst v1  }
0x2ea: {  	v21 =	vld [tilespmem:$0x9A90]  }
0x2eb: {  	v22 =	vld [tilespmem:$0x1990];
	_ =	sdelay $0x4  }
0x2ec: {  	v1 =	vadd.f32 v21, v20;
	v23 =	vmul.f32 v22, v18;
	_ =	sdelay $0x1  }
0x2ed: {  	v1 =	vadd.f32 v23, v1;
	_ =	sdelay $0x1  }
0x2ee: {  	v24 =	vld [tilespmem:s21+$0x3D20];
	[tilespmem:s21+$0x7D10] =	vst v1  }
0x2ef: {  	v25 =	vld [tilespmem:$0x9AA0]  }
0x2f0: {  	v26 =	vld [tilespmem:$0x19A0];
	_ =	sdelay $0x4  }
0x2f1: {  	v1 =	vadd.f32 v25, v24;
	v27 =	vmul.f32 v26, v18;
	_ =	sdelay $0x1  }
0x2f2: {  	v1 =	vadd.f32 v27, v1;
	_ =	sdelay $0x1  }
0x2f3: {  	v28 =	vld [tilespmem:s21+$0x3D30];
	[tilespmem:s21+$0x7D20] =	vst v1  }
0x2f4: {  	v29 =	vld [tilespmem:$0x9AB0]  }
0x2f5: {  	v30 =	vld [tilespmem:$0x19B0];
	_ =	sdelay $0x4  }
0x2f6: {  	v1 =	vadd.f32 v29, v28;
	v31 =	vmul.f32 v30, v18;
	_ =	sdelay $0x1  }
0x2f7: {  	v1 =	vadd.f32 v31, v1;
	_ =	sdelay $0x1  }
0x2f8: {  	v32 =	vld [tilespmem:s21+$0x3D40];
	[tilespmem:s21+$0x7D30] =	vst v1  }
0x2f9: {  	v33 =	vld [tilespmem:$0x9A80]  }
0x2fa: {  	v34 =	vld [tilespmem:$0x1980];
	_ =	sdelay $0x2  }
0x2fb: {  	v35 =	vbroadcast v0, $0xE;
	_ =	sdelay $0x1  }
0x2fc: {  	v1 =	vadd.f32 v33, v32;
	v36 =	vmul.f32 v34, v35;
	_ =	sdelay $0x1  }
0x2fd: {  	v1 =	vadd.f32 v36, v1;
	_ =	sdelay $0x1  }
0x2fe: {  	v37 =	vld [tilespmem:s21+$0x3D50];
	[tilespmem:s21+$0x7D40] =	vst v1  }
0x2ff: {  	v38 =	vld [tilespmem:$0x9A90]  }
0x300: {  	v39 =	vld [tilespmem:$0x1990];
	_ =	sdelay $0x4  }
0x301: {  	v1 =	vadd.f32 v38, v37;
	v40 =	vmul.f32 v39, v35;
	_ =	sdelay $0x1  }
0x302: {  	v1 =	vadd.f32 v40, v1;
	_ =	sdelay $0x1  }
0x303: {  	v41 =	vld [tilespmem:s21+$0x3D60];
	[tilespmem:s21+$0x7D50] =	vst v1  }
0x304: {  	v42 =	vld [tilespmem:$0x9AA0]  }
0x305: {  	v43 =	vld [tilespmem:$0x19A0];
	_ =	sdelay $0x4  }
0x306: {  	v1 =	vadd.f32 v42, v41;
	v44 =	vmul.f32 v43, v35;
	_ =	sdelay $0x1  }
0x307: {  	v1 =	vadd.f32 v44, v1;
	_ =	sdelay $0x1  }
0x308: {  	v45 =	vld [tilespmem:s21+$0x3D70];
	[tilespmem:s21+$0x7D60] =	vst v1  }
0x309: {  	v46 =	vld [tilespmem:$0x9AB0]  }
0x30a: {  	v47 =	vld [tilespmem:$0x19B0];
	_ =	sdelay $0x4  }
0x30b: {  	v1 =	vadd.f32 v46, v45;
	v48 =	vmul.f32 v47, v35;
	_ =	sdelay $0x1  }
0x30c: {  	v1 =	vadd.f32 v48, v1;
	_ =	sdelay $0x1  }
0x30d: {  	v49 =	vld [tilespmem:s21+$0x3D80];
	[tilespmem:s21+$0x7D70] =	vst v1  }
0x30e: {  	v50 =	vld [tilespmem:$0x9A80]  }
0x30f: {  	v51 =	vld [tilespmem:$0x1980];
	_ =	sdelay $0x2  }
0x310: {  	v0 =	vbroadcast v0, $0xF;
	_ =	sdelay $0x1  }
0x311: {  	v1 =	vadd.f32 v50, v49;
	v52 =	vmul.f32 v51, v0;
	_ =	sdelay $0x1  }
0x312: {  	v1 =	vadd.f32 v52, v1;
	_ =	sdelay $0x1  }
0x313: {  	v53 =	vld [tilespmem:s21+$0x3D90];
	[tilespmem:s21+$0x7D80] =	vst v1  }
0x314: {  	v54 =	vld [tilespmem:$0x9A90]  }
0x315: {  	v55 =	vld [tilespmem:$0x1990];
	_ =	sdelay $0x4  }
0x316: {  	v1 =	vadd.f32 v54, v53;
	v56 =	vmul.f32 v55, v0;
	_ =	sdelay $0x1  }
0x317: {  	v1 =	vadd.f32 v56, v1;
	_ =	sdelay $0x1  }
0x318: {  	v57 =	vld [tilespmem:s21+$0x3DA0];
	[tilespmem:s21+$0x7D90] =	vst v1  }
0x319: {  	v58 =	vld [tilespmem:$0x9AA0]  }
0x31a: {  	v59 =	vld [tilespmem:$0x19A0];
	_ =	sdelay $0x4  }
0x31b: {  	v1 =	vadd.f32 v58, v57;
	v60 =	vmul.f32 v59, v0;
	_ =	sdelay $0x1  }
0x31c: {  	v1 =	vadd.f32 v60, v1;
	_ =	sdelay $0x1  }
0x31d: {  	v61 =	vld [tilespmem:s21+$0x3DB0];
	[tilespmem:s21+$0x7DA0] =	vst v1  }
0x31e: {  	v62 =	vld [tilespmem:$0x9AB0]  }
0x31f: {  	v63 =	vld [tilespmem:$0x19B0];
	_ =	sdelay $0x3  }
0x320: {  	p0 =	sne.s32 s19, $0x7000  }
.Ltmp3:
0x321: {  	v1 =	vadd.f32 v62, v61;
	v0 =	vmul.f32 v63, v0;
	(pc) =	sbr.rel @p0 .LBB2_5-.Ltmp3, $3  }
0x322: {  	_ = 	snop  }
0x323: {  	v0 =	vadd.f32 v0, v1;
	_ =	sdelay $0x1  }
0x324: {  	s20 =	sadd.s32 $0x10, s20;
	s19 =	sadd.s32 $0x1000, s19;
	[tilespmem:s21+$0x7DB0] =	vst v0  }
.Ltmp4:
0x325: {  	s7 =	sadd.s32 s17, s14;
	(pc) =	sbr.rel @p1 .LBB2_8-.Ltmp4, $4  }
0x326: {  	s7 =	sshll.u32 s7, $0x3  }
0x327: {  	s7 =	sand.u32 $0x1FFFFC00, s7  }
0x328: {  	s7 =	sadd.s32 s2, s7  }
0x329: {  	[hbm4b:s7+s3] =	stream.linear.scatter [tilespmem:s29], [sflag:$0x4], $0x2000, $0x38;
	[tilespmem:$0x9BC0] =	vst v63  }
0x32a: {  	s7 =	sadd.s32 $0x180, s17  }
0x32b: {  	s17 =	sadd.s32 s4, s7  }
0x32c: {  	[tilespmem:s22], [sflag:$0x2] =	stream.indirect.gather [hbm4b:s6+s18], $0x40, s7, s18, $0xb8;
	[tilespmem:$0x9BC0] =	vst v63  }
0x32d: {  	s20 =	sshrl.u32 s17, $0x7  }
.Ltmp5:
0x32e: {  	s7 =	sand.u32 $0xFFFFF8, s20;
	(pc) =	sbr.rel .LBB2_2-.Ltmp5, $4  }
0x32f: {  	s21 =	sshrl.u32 s17, $0x3;
	s7 =	sadd.s32 s8, s7  }
0x330: {  	[tilespmem:s23], [sflag:$0x2] =	stream.linear.gather [hbm4b:s7+s3], $0x40, $0x38;
	[tilespmem:$0x9BC0] =	vst v63  }
0x331: {  	s0 =	sadd.s32 $0x1, s0;
	s7 =	sadd.s32 s5, s21  }
0x332: {  	[tilespmem:s24], [sflag:$0x2] =	stream.linear.gather [hbm4b:s7+s3], $0x80, $0x38;
	[tilespmem:$0x9BC0] =	vst v63  }
.LBB2_9:
0x333: {  	_ =	sfence.sel $0x180000  }
0x334: {  	[bflag:$0x0] =	sbarrier.arrive $0xFFFF  }
0x335: {  	_ =	strace $0x90000047  }
0x336: {  	s0 =	stileid.u32;
	[bflag:$0x2] =	sbarrier.arrive $0xFFFF  }
0x337: {  	p0 =	sne.s32 s0, $0x0;
	s0 =	rddreg [dreg:$0x2]  }
0x338: {  	s0 =	sadd.s32 @!p0 $0x100000, s0  }
0x339: {  	[sflag:s0] =	ssyncadd.tile.s32 @!p0 $0x1;
	_ =	shalt  }
.Lfunc_end2:
_tile_overlayer_lowered:
.L_overlay_start_2:
0x33a: {  	(tag) =	ssettag $0x2  }
0x33b: {  	s0 =	rddreg [dreg:$0x0];
	s2 =	stileid.u32  }
0x33c: {  	s1 =	rddreg [dreg:$0x1];
	p0 =	sne.s32 s2, $0x0  }
0x33d: {  	s3 =	rddreg [dreg:$0x2];
	[bflag:$0x3] =	sbarrier.arrive $0xFFFF;
	s2 =	simm.s32 @!p0 $0x1C05  }
0x33e: {  	[timem:s3], [sflag:s2] =	dma.local @!p0 [hbm:s0], s1  }
0x33f: {  	s0 =	simm.s32 @!p0 $0x5  }
0x340: {  	_ =	swait.ge @!p0 [sflag:s0], s1  }
0x341: {  	s1 =	ssub.s32 @!p0 $0x0, s1;
	[sflag:s0] =	ssyncset.done @!p0 $0x0  }
0x342: {  	[sflag:s0] =	ssyncadd.s32 @!p0 s1  }
0x343: {  	[bflag:$0x3] =	sbarrier.arrive $0xFFFF  }
0x344: {  	_ =	shalt  }

// kernel: sparse-core-data-format-call.cloned.1.call-start
scs
called_computation_lowered:
.L_overlay_start_0:
0x0: {  	s2 =	sld [smem:$0x3FD9]  }
0x1: {  	s3 =	sld [smem:$0x3FFE];
	_ =	sdelay $0x1  }
0x2: {  	s1 =	srdreg.scid  }
0x3: {  	s0 =	sand.u32 $0x1, s1  }
0x4: {  	s18 =	sshll.u32 s0, $0xA;
	s2 =	sadd.s32 s3, s2  }
0x5: {  	s2 =	sadd.s32 s2, s18  }
0x6: {  	[smem:$0x3FC3] =	sst s2  }
0x7: {  	_ = 	snop  }
0x8: {  	s2 =	sld [smem:$0x3FD0];
	(tm) =	ssettm $0x1  }
0x9: {  	s19 =	sld [smem:$0x3FFB];
	_ =	sdelay $0x3  }
0xa: {  	_ =	strace s19  }
0xb: {  	s3 =	sld [smem:$0x3FFC];
	_ =	sdelay $0x3  }
0xc: {  	_ =	strace s3  }
0xd: {  	s3 =	sld [smem:$0x3FFD];
	_ =	sdelay $0x3  }
0xe: {  	_ =	strace s3  }
0xf: {  	_ =	strace $0x8FFFFFFF  }
0x10: {  	s20 =	sld [smem:$0x3FDB];
	_ =	sdelay $0x1  }
0x11: {  	s4 =	simm.s32 $_scs_section_size  }
0x12: {  	s5 =	simm.s32 $_size__tile_overlayer_lowered;
	s6 =	simm.s32 $_tile_overlayer_lowered  }
0x13: {  	s23 =	simm.s32 $0x1BFF;
	s22 =	sshll.u32 s6, $0x1;
	s3 =	sadd.s32 s4, s20  }
0x14: {  	s7 =	simm.s32 $0x0;
	s21 =	sshll.u32 s5, $0x1;
	s5 =	sadd.s32 s22, s3  }
0x15: {  	[timem:s7], [sflag:s23] =	dma.local [hbm:s5], s21  }
0x16: {  	_ =	swait.ge [sflag:s23], s21  }
0x17: {  	s4 =	ssub.s32 $0x0, s21;
	[sflag:s23] =	ssyncset.done $0x0  }
0x18: {  	[sflag:s23] =	ssyncadd.s32 s4;
	_ =	sdelay $0x1  }
0x19: {  	s24 =	simm.s32 $0x1B8B  }
0x1a: {  	_ =	swait.ge [sflag:s24], $0x1  }
0x1b: {  	[sflag:s24] =	ssyncset.done $0x0  }
0x1c: {  	s26 =	simm.s32 $0x1B8E;
	s25 =	sld [smem:$0x3FFE];
	[sflag:s24] =	ssyncadd.s32 $0xFFFFFFFF  }
0x1d: {  	s27 =	simm.s32 $execute0_lowered;
	[smem:$0x3FD2] =	sst s26  }
0x1e: {  	s5 =	sshll.u32 s27, $0x1;
	_ =	strace $0x80000049;
	[dreg:$0x1] =	wrdreg $0xFFFFFFFF  }
0x1f: {  	s28 =	simm.s32 $_size_execute0_lowered;
	s3 =	sadd.s32 s3, s5;
	[dreg:$0x0] =	wrdreg $0x0  }
0x20: {  	s5 =	sshll.u32 s28, $0x1;
	[dreg:$0x2] =	wrdreg s3  }
0x21: {  	[dreg:$0x3] =	wrdreg s5  }
0x22: {  	[dreg:$0x4] =	wrdreg $0xC0  }
0x23: {  	_ =	task [dreg:s7], $0x5FFFF  }
0x24: {  	[dreg:$0x1] =	wrdreg $0xFFFFFFFF  }
0x25: {  	[dreg:$0x0] =	wrdreg $0x60  }
0x26: {  	[dreg:$0x2] =	wrdreg s25  }
0x27: {  	[dreg:$0x3] =	wrdreg s2  }
0x28: {  	[dreg:$0x4] =	wrdreg $0x9  }
0x29: {  	_ =	task.clear_ibuf [dreg:s7], $0x5FFFF;
	_ =	strace $0x90000049  }
0x2a: {  	s29 =	simm.s32 $0x9;
	_ =	strace $0x8000004B  }
0x2b: {  	_ =	swait.ge [sflag:s29], $0x1  }
0x2c: {  	[sflag:s29] =	ssyncadd.s32 $0xFFFFFFFF  }
0x2d: {  	_ =	strace $0x9000004B  }
0x2e: {  	_ =	sfence  }
0x2f: {  	s30 =	sld [smem:$0x0];
	_ =	sdelay $0x2  }
0x30: {  	s31 =	sshll.u32 s1, $0xD;
	s1 =	sshrl.u32 s1, $0x2  }
0x31: {  	s3 =	sand.u32 $0x4000, s31;
	s1 =	sadd.s32 s1, s30  }
0x32: {  	s0 =	sor.u32 s3, s0;
	s1 =	sshll.u32 s1, $0x11  }
0x33: {  	s0 =	sor.u32 s1, s0  }
0x34: {  	s0 =	sadd.s32 $0x8F2B, s0  }
0x35: {  	[sflag:s0] =	ssyncadd.remote.s32 $0x1  }
0x36: {  	_ =	sfence.sel $0xFFFF  }
0x37: {  	[dreg:$0x0] =	wrdreg $0xFFFFFFFF;
	(pc) =	sbr.abs _section_cstart, $3  }
0x38: {  	[dreg:$0x1] =	wrdreg $0xFFFFFFFF  }
0x39: {  	_ =	task.clear_ibuf [dreg:s7], $0x2FFFF;
	_ =	strace $0x9FFFFFFF  }
0x3a: {  	(tm) =	ssettm $0x7FFFFFFF  }
0x3b: {  	_ =	shalt  }
tec
execute0_lowered:
.L_overlay_start_1:
0x0: {  	(tag) =	ssettag $0x1  }
0x1: {  	s7 =	rddreg [dreg:$0x0]  }
0x2: {  	s2 =	rddreg [dreg:$0x1]  }
0x3: {  	s0 =	stileid.u32;
	s1 =	srdreg.scid;
	s31 =	simm.s32 $0x2  }
0x4: {  	s14 =	simm.s32 $0x0;
	s15 =	simm.s32 $0x0;
	s13 =	simm.s32 $0x0  }
0x5: {  	s3 =	sshll.u32 s0, $0x5;
	s4 =	sshll.u32 s1, $0x9;
	s5 =	sshll.u32 s0, $0x1  }
0x6: {  	s1 =	rddreg [dreg:$0x2];
	s4 =	sor.u32 s3, s4;
	s3 =	sand.u32 $0x6, s5  }
0x7: {  	_ =	strace $0x8000004A;
	s4 =	sand.u32 $0x380, s4;
	s5 =	ssub.s32 $0xC8, s3  }
0x8: {  	s12 =	smov.u32 s3;
	s8 =	sshll.u32 s4, $0x4;
	s6 =	sand.u32 $0x6, s5  }
0x9: {  	s9 =	ssub.s32 $0x400, s4;
	s11 =	sshrl.u32 s5, $0x3;
	s5 =	simm.s32 $0x1  }
0xa: {  	p0 =	sne.s32 s6, $0x0;
	s6 =	simm.s32 $0x1;
	s10 =	sand.u32 $0x380, s9  }
0xb: {  	s6 =	simm.s32 @!p0 $0x0;
	p0 =	sne.s32 s10, $0x0;
	s10 =	simm.s32 $0x1  }
.Ltmp0:
0xc: {  	s9 =	sshrl.u32 s9, $0xA;
	s10 =	simm.s32 @!p0 $0x0;
	(pc) =	sbr.rel .LBB1_1-.Ltmp0, $4  }
0xd: {  	[sflag:s5] =	ssyncpa.u1 $0x0;
	s6 =	sadd.s32 s6, s11;
	s9 =	sadd.s32 s10, s9  }
0xe: {  	s8 =	sadd.s32 s8, s7;
	[sflag:s31] =	ssyncpa.u1 $0x0;
	s6 =	smul.u32 s6, s9  }
0xf: {  	s7 =	sadd.s32 $0x1000, s8;
	s8 =	sadd.s32 $0x5000, s8;
	p0 =	por $0x0, $0x0  }
0x10: {  	s11 =	simm.s32 $0x2000;
	s10 =	simm.s32 $0x400;
	s9 =	sadd.s32 $0x1, s6  }
.LBB1_7:
0x11: {  	s16 =	sadd.s32 $0x8, s12  }
0x12: {  	p2 =	sgt.s32 s16, $0xC7  }
0x13: {  	s16 =	smov.u32 @p2 s3;
	p2 =	sne.s32 s13, s9  }
.Ltmp1:
0x14: {  	p1 =	slt.u32 s13, $0x2;
	(pc) =	sbr.rel @!p2 .LBB1_8-.Ltmp1, $4  }
0x15: {  	s14 =	simm.s32 @!p1 $0x2  }
0x16: {  	s17 =	sadd.s32 $0x1, s13;
	s15 =	smov.u32 s12;
	_ =	swait.ge @!p1 [sflag:s14], $0x4000  }
0x17: {  	p0 =	por !p0, !p0;
	s13 =	smov.u32 s17;
	[sflag:s14] =	ssyncset.done @!p1 $0x0  }
0x18: {  	s12 =	smov.u32 s16;
	[sflag:s14] =	ssyncadd.s32 @!p1 $0xFFFFC000;
	s14 =	smov.u32 s4  }
.LBB1_1:
0x19: {  	p1 =	sge.u32 s13, s6  }
0x1a: {  	s16 =	sxor.u32 @!p1 $0xFFFFFFFF, s13  }
0x1b: {  	s17 =	sshll.u32 @!p1 s12, $0xE;
	s19 =	simm.s32 @!p1 $0x40;
	s16 =	sshll.u32 @!p1 s16, $0xE  }
0x1c: {  	s20 =	simm.s32 @!p1 $0x80;
	s18 =	sadd.s32 @!p1 s17, s7;
	s16 =	sand.u32 @!p1 $0x4000, s16  }
0x1d: {  	[tilespmem:s16], [sflag:$0x1] =	stream.strided.gather @!p1 [hbm4b:s18+s19], $0x2000, s20, s19, $0x38;
	[tilespmem:$0x10100] =	vst v63  }
0x1e: {  	s31 =	sadd.s32 $0xFFFFFFFF, s13;
	s17 =	sadd.s32 @!p1 s17, s8;
	s16 =	sor.u32 @!p1 $0x2000, s16  }
0x1f: {  	[tilespmem:s16], [sflag:$0x1] =	stream.strided.gather @!p1 [hbm4b:s17+s19], $0x2000, s20, s19, $0x38;
	[tilespmem:$0x10100] =	vst v63  }
0x20: {  	p1 =	sge.u32 s31, s6  }
.Ltmp2:
0x21: {  	_ = 	snop;
	(pc) =	sbr.rel @p1 .LBB1_7-.Ltmp2, $1  }
0x22: {  	_ =	sdelay $0x3  }
0x23: {  	s16 =	simm.s32 $0x1;
	s18 =	sand.u32 $0x1, s13  }
0x24: {  	_ =	swait.ge [sflag:s5], $0x4000;
	s16 =	simm.s32 @!p0 $0x0;
	s18 =	smul.u32 $0x10200, s18  }
0x25: {  	p2 =	por $0x1, $0x1;
	[sflag:s5] =	ssyncset.done $0x0;
	s17 =	smul.u32 $0x10200, s16  }
0x26: {  	s19 =	sshll.u32 s16, $0x10;
	[sflag:s5] =	ssyncadd.s32 $0xFFFFC000;
	s30 =	sshrl.u32 s18, $0x2  }
0x27: {  	s31 =	sshrl.u32 s19, $0x2;
	s19 =	simm.s32 $0x0;
	s17 =	sshrl.u32 s17, $0x2  }
0x28: {  	s16 =	sor.u32 $0x8000, s30;
	s18 =	sadd.s32 $0x20, s31;
	s17 =	sor.u32 $0x8000, s17  }
.LBB1_3:
0x29: {  	s20 =	sshll.u32 s19, $0xD  }
0x2a: {  	s20 =	sand.u32 $0x3FFFE000, s20  }
0x2b: {  	s22 =	sadd.s32 s20, s18  }
0x2c: {  	s31 =	smul.u32 $0x8100, s19;
	v3 =	vld [tilespmem:s22+$0x10]  }
0x2d: {  	v1 =	vld [tilespmem:s22+$0xFFFFFFF0]  }
0x2e: {  	s19 =	sshra.s32 s31, $0x2;
	v0 =	vld [tilespmem:s22+$0x0]  }
0x2f: {  	s19 =	sadd.s32 s19, s17;
	v2 =	vld [tilespmem:s22+$0xFFFFFFE0]  }
0x30: {  	s20 =	sadd.s32 $0x0, s19  }
0x31: {  	p1 =	por p2, p2;
	s21 =	simm.s32 $0x4;
	s22 =	sadd.s32 $0x40, s22;
	[tilespmem:s20+$0x1830 ss:$0x81] =	vst.msk $0xffff, v3  }
.LBB1_4:
0x32: {  	v3 =	vld [tilespmem:s22+$0x10];
	p2 =	sne.s32 s21, $0x1FC;
	[tilespmem:s20+$0x810 ss:$0x81] =	vst.msk $0xffff, v1;
	s23 =	smov.u32 s21;
	s21 =	sadd.s32 $0x4, s21  }
.Ltmp3:
0x33: {  	v1 =	vld [tilespmem:s22+$0xFFFFFFF0];
	[tilespmem:s20+$0x1020 ss:$0x81] =	vst.msk $0xffff, v0;
	(pc) =	sbr.rel @p2 .LBB1_4-.Ltmp3, $4  }
0x34: {  	v0 =	vld [tilespmem:s22+$0x0];
	[tilespmem:s20+$0x0 ss:$0x81] =	vst.msk $0xffff, v2  }
0x35: {  	s20 =	sshra.s32 s23, $0x2;
	v2 =	vld [tilespmem:s22+$0xFFFFFFE0]  }
0x36: {  	s20 =	sadd.s32 s20, s19  }
0x37: {  	s22 =	sadd.s32 $0x40, s22;
	[tilespmem:s20+$0x1830 ss:$0x81] =	vst.msk $0xffff, v3  }
.Ltmp4:
0x38: {  	(pc) =	sbr.rel @p1 .LBB1_3-.Ltmp4, $4  }
0x39: {  	_ = 	snop  }
0x3a: {  	[tilespmem:s20+$0x810 ss:$0x81] =	vst.msk $0xffff, v1  }
0x3b: {  	[tilespmem:s20+$0x1020 ss:$0x81] =	vst.msk $0xffff, v0  }
0x3c: {  	s19 =	simm.s32 $0x1;
	p2 =	por $0x0, $0x0;
	[tilespmem:s20+$0x0 ss:$0x81] =	vst.msk $0xffff, v2  }
.Ltmp5:
0x3d: {  	(pc) =	sbr.rel .LBB1_7-.Ltmp5, $4  }
0x3e: {  	_ = 	snop  }
0x3f: {  	s15 =	sshll.u32 s15, $0xD;
	s14 =	sadd.s32 s2, s14  }
0x40: {  	s14 =	sadd.s32 s15, s14  }
0x41: {  	[hbm4b:s14+s10] =	stream.strided.scatter [tilespmem:s16], [sflag:$0x2], $0x4000, s11, s10, $0x20;
	[tilespmem:$0x10100] =	vst v63  }
.LBB1_8:
0x42: {  	_ =	sfence.sel $0x180000  }
0x43: {  	s2 =	simm.s32 $0x1;
	[bflag:$0x0] =	sbarrier.arrive $0xFFFF  }
0x44: {  	s31 =	simm.s32 $0x2;
	[sflag:s2] =	ssyncpa.u1 $0x1  }
0x45: {  	[sflag:s31] =	ssyncpa.u1 $0x1  }
0x46: {  	p0 =	sne.s32 s0, $0x0;
	_ =	strace $0x9000004A  }
0x47: {  	s0 =	sadd.s32 @!p0 $0x100000, s1;
	[bflag:$0x2] =	sbarrier.arrive $0xFFFF  }
0x48: {  	[sflag:s0] =	ssyncadd.tile.s32 @!p0 $0x1;
	_ =	shalt  }
.Lfunc_end1:
_tile_overlayer_lowered:
.L_overlay_start_2:
0x49: {  	(tag) =	ssettag $0x2  }
0x4a: {  	s0 =	rddreg [dreg:$0x0];
	s2 =	stileid.u32  }
0x4b: {  	s1 =	rddreg [dreg:$0x1];
	p0 =	sne.s32 s2, $0x0  }
0x4c: {  	s3 =	rddreg [dreg:$0x2];
	[bflag:$0x3] =	sbarrier.arrive $0xFFFF;
	s2 =	simm.s32 @!p0 $0x1C01  }
0x4d: {  	[timem:s3], [sflag:s2] =	dma.local @!p0 [hbm:s0], s1  }
0x4e: {  	s0 =	simm.s32 @!p0 $0x1  }
0x4f: {  	_ =	swait.ge @!p0 [sflag:s0], s1  }
0x50: {  	s1 =	ssub.s32 @!p0 $0x0, s1;
	[sflag:s0] =	ssyncset.done @!p0 $0x0  }
0x51: {  	[sflag:s0] =	ssyncadd.s32 @!p0 s1  }
0x52: {  	[bflag:$0x3] =	sbarrier.arrive $0xFFFF  }
0x53: {  	_ =	shalt  }

</sc_bundles>
